<compile_context>
chip_gen: v7x
topology: tpu7x:2x2x1
jax: 0.10.2.dev20260603
libtpu: 0.0.44.dev20260713+nightly
codegen_flags: <defaults>
</compile_context>

<pallas_src>
import functools

import jax
import jax.numpy as jnp
from jax import lax
from jax.experimental import pallas as pl
from jax.experimental.pallas import tpu as pltpu
from jax.experimental.pallas import tpu_sc as plsc

_DIM = 128
_TABLE_ROWS = 120
_NUM_WORKERS = 32
_CHUNK = 128
_NBUF = 5
_ROWS_PER_TILE = 8


@functools.lru_cache(maxsize=None)
def _make_gather(n):
    full = n // _CHUNK
    rem = n % _CHUNK
    base_cnt = full // _NUM_WORKERS
    extra = full % _NUM_WORKERS
    max_cnt = base_cnt + (1 if extra else 0)
    ngroups = -(-max_cnt // _NBUF)
    assert base_cnt >= _NBUF and rem % 8 == 0 and rem <= _CHUNK
    mesh = plsc.VectorSubcoreMesh(core_axis_name="c", subcore_axis_name="s")

    @functools.partial(
        pl.kernel,
        mesh=mesh,
        out_type=jax.ShapeDtypeStruct((n, _DIM), jnp.float32),
        scratch_types=[
            pltpu.VMEM((max_cnt, _CHUNK), jnp.int32),
            pltpu.VMEM((_NBUF, _CHUNK, _DIM), jnp.float32),
            pltpu.VMEM((max(rem, 8), ), jnp.int32),
            pltpu.VMEM((max(rem, 8), _DIM), jnp.float32),
            pltpu.VMEM_SHARED((_TABLE_ROWS, _DIM), jnp.float32),
            pltpu.VMEM((_ROWS_PER_TILE, _DIM), jnp.float32),
            pltpu.VMEM((32,), jnp.float32),
        ]
        + [pltpu.SemaphoreType.DMA] * (2 * _NBUF + 2),
    )
    def gather(table_hbm, idx_hbm, out_hbm, idx_v, rows_v, idx_t, rows_t,
               table_sh, tmp_n, sbuf, *sems):
        semg = sems[:_NBUF]
        semw = sems[_NBUF:2 * _NBUF]
        sem_i = sems[2 * _NBUF]
        sem_t = sems[2 * _NBUF + 1]
        wid = lax.axis_index("s") * 2 + lax.axis_index("c")
        cnt = jnp.where(wid < extra, base_cnt + 1, base_cnt)

        for j in range(max_cnt):

            @pl.when(j < cnt)
            def _(j=j):
                pltpu.async_copy(
                    idx_hbm.at[pl.ds((wid + j * _NUM_WORKERS) * _CHUNK, _CHUNK)],
                    idx_v.at[j],
                    sem_i,
                )

        if rem:
            @pl.when(wid == extra)
            def _():
                pltpu.async_copy(idx_hbm.at[pl.ds(n - rem, rem)], idx_t, sem_t)

        sid = lax.axis_index("s")

        @pl.when(sid < _TABLE_ROWS // _ROWS_PER_TILE)
        def _():
            pltpu.sync_copy(
                table_hbm.at[pl.ds(sid * _ROWS_PER_TILE, _ROWS_PER_TILE)], tmp_n
            )
            for r in range(_ROWS_PER_TILE):
                acc = jnp.zeros((16,), jnp.float32)
                vals = []
                for c in range(_DIM // 16):
                    v = tmp_n[r, pl.ds(c * 16, 16)]
                    vals.append(v)
                    acc = acc + v * v
                for d in (8, 4, 2, 1):
                    sbuf[pl.ds(0, 16)] = acc
                    sbuf[pl.ds(16, 16)] = acc
                    acc = acc + sbuf[pl.ds(d, 16)]
                ss = acc
                pre = jnp.full((16,), 1.0, jnp.float32)
                for k in (32, 16, 8, 4, 2, 1, 1, 1):
                    f = float(4.0 ** k)
                    g = float(2.0 ** k)
                    big = ss > (2.0 if k == 1 else f)
                    ss = jnp.where(big, ss * (1.0 / f), ss)
                    pre = jnp.where(big, pre * (1.0 / g), pre)
                    small = ss < (0.5 if k == 1 else 1.0 / f)
                    ss = jnp.where(small, ss * f, ss)
                    pre = jnp.where(small, pre * g, pre)
                y = jnp.full((16,), 1.0, jnp.float32)
                for _ in range(6):
                    y = y * (1.5 - 0.5 * ss * y * y)
                y = y * pre
                for c in range(_DIM // 16):
                    tmp_n[r, pl.ds(c * 16, 16)] = vals[c] * y
            pltpu.sync_copy(
                tmp_n, table_sh.at[pl.ds(sid * _ROWS_PER_TILE, _ROWS_PER_TILE)]
            )

        for j in range(max_cnt):

            @pl.when(j < cnt)
            def _(j=j):
                pltpu.make_async_copy(
                    idx_hbm.at[pl.ds(0, _CHUNK)], idx_v.at[j], sem_i
                ).wait()

        plsc.subcore_barrier()

        if rem:
            @pl.when(wid == extra)
            def _():
                pltpu.make_async_copy(
                    idx_hbm.at[pl.ds(0, rem)], idx_t, sem_t
                ).wait()
                pltpu.async_copy(table_sh.at[idx_t], rows_t, sem_t)

        def start_gather(k, b):
            pltpu.async_copy(table_sh.at[idx_v.at[k]], rows_v.at[b], semg[b])

        def wait_gather(b):
            pltpu.make_async_copy(
                out_hbm.at[pl.ds(0, _CHUNK)], rows_v.at[b], semg[b]
            ).wait()

        def wait_writeback(b):
            pltpu.make_async_copy(
                rows_v.at[b], out_hbm.at[pl.ds(0, _CHUNK)], semw[b]
            ).wait()

        for b in range(_NBUF):
            start_gather(b, b)

        if rem:
            @pl.when(wid == extra)
            def _():
                pltpu.make_async_copy(
                    out_hbm.at[pl.ds(0, rem)], rows_t, sem_t
                ).wait()
                pltpu.async_copy(rows_t, out_hbm.at[pl.ds(n - rem, rem)], sem_t)

        def body(g, carry):
            for b in range(_NBUF):
                k = g * _NBUF + b

                @pl.when(k < cnt)
                def _(k=k, b=b):
                    out_off = (wid + k * _NUM_WORKERS) * _CHUNK
                    wait_gather(b)
                    pltpu.async_copy(
                        rows_v.at[b], out_hbm.at[pl.ds(out_off, _CHUNK)], semw[b]
                    )

                @pl.when(k < cnt - _NBUF)
                def _(k=k, b=b):
                    wait_writeback(b)
                    start_gather(k + _NBUF, b)

            return carry

        lax.fori_loop(0, ngroups, body, 0)
        for b in range(_NBUF):
            wait_writeback(b)

        if rem:
            @pl.when(wid == extra)
            def _():
                pltpu.make_async_copy(
                    rows_t, out_hbm.at[pl.ds(n - rem, rem)], sem_t
                ).wait()

    return gather


def kernel(x, embedding):
    n = x.shape[0]
    return _make_gather(n)(embedding.astype(jnp.float32), x.astype(jnp.int32))

# --- scband reference (transcript-rebuilt; emitter-appended) ---
"""Pipeline reference for scband-atom-embedding-14439680049351 (READ-ONLY COPY).

The authoritative reference and input builder live on the scoring server;
editing this copy changes nothing except your own understanding.
"""

import jax, jax.numpy as jnp
import numpy as np

MAX_NUM_ATOM_FEATURES = 120
OUT_DIM = 128
N = 100000

def setup_inputs(seed: int = 0) -> dict:
    key = jax.random.key(seed)
    k1, k2 = jax.random.split(key)
    x = jax.random.randint(k1, (N,), 0, MAX_NUM_ATOM_FEATURES, dtype=jnp.int64 if jax.config.jax_enable_x64 else jnp.int32)
    embedding = jax.random.normal(k2, (MAX_NUM_ATOM_FEATURES, OUT_DIM), dtype=jnp.float32)
    embedding = embedding / jnp.linalg.norm(embedding, ord=2, axis=-1, keepdims=True)
    return {"x": x, "embedding": embedding}

def reference(x, embedding):
    # out = self.embedding[x]
    out = jnp.take(embedding, x, axis=0)
    # L2-normalize rows (norm_gradient=True path: norm participates in autodiff)
    out_norm = jnp.linalg.norm(out, ord=2, axis=-1, keepdims=True)
    out = out / out_norm
    return out

if __name__ == "__main__":
    import jax
    _d = setup_inputs()
    print(jax.jit(kernel)(*tuple(_d.values())))

</pallas_src>

<mosaic_0001>
#map = affine_map<(d0, d1) -> (0, 0)>
#map1 = affine_map<(d0, d1) -> (0)>
module attributes {stable_mosaic.version = 14 : i64} {
  func.func @gather(%arg0: i32, %arg1: i32, %arg2: memref<120x128xf32, #tpu.memory_space<hbm>>, %arg3: memref<100000xi32, #tpu.memory_space<hbm>>, %arg4: memref<100000x128xf32, #tpu.memory_space<hbm>>, %arg5: memref<25x128xi32, #tpu.memory_space<vmem>>, %arg6: memref<5x128x128xf32, #tpu.memory_space<vmem>>, %arg7: memref<32xi32, #tpu.memory_space<vmem>>, %arg8: memref<32x128xf32, #tpu.memory_space<vmem>>, %arg9: memref<120x128xf32, #tpu.memory_space<vmem_shared>>, %arg10: memref<8x128xf32, #tpu.memory_space<vmem>>, %arg11: memref<32xf32, #tpu.memory_space<vmem>>, %arg12: memref<!tpu.dma_semaphore, #tpu.memory_space<semaphore_mem>>, %arg13: memref<!tpu.dma_semaphore, #tpu.memory_space<semaphore_mem>>, %arg14: memref<!tpu.dma_semaphore, #tpu.memory_space<semaphore_mem>>, %arg15: memref<!tpu.dma_semaphore, #tpu.memory_space<semaphore_mem>>, %arg16: memref<!tpu.dma_semaphore, #tpu.memory_space<semaphore_mem>>, %arg17: memref<!tpu.dma_semaphore, #tpu.memory_space<semaphore_mem>>, %arg18: memref<!tpu.dma_semaphore, #tpu.memory_space<semaphore_mem>>, %arg19: memref<!tpu.dma_semaphore, #tpu.memory_space<semaphore_mem>>, %arg20: memref<!tpu.dma_semaphore, #tpu.memory_space<semaphore_mem>>, %arg21: memref<!tpu.dma_semaphore, #tpu.memory_space<semaphore_mem>>, %arg22: memref<!tpu.dma_semaphore, #tpu.memory_space<semaphore_mem>>, %arg23: memref<!tpu.dma_semaphore, #tpu.memory_space<semaphore_mem>>) attributes {dimension_semantics = [#tpu.dimension_semantics<core_parallel>, #tpu.dimension_semantics<subcore_parallel>], iteration_bounds = array<i64: 2, 16>, scalar_prefetch = 0 : i64, scratch_operands = 19 : i64, tpu.core_type = #tpu.core_type<sc_vector_subcore>, window_params = [{transform_indices = #map}, {transform_indices = #map1}, {transform_indices = #map}]} {
    %mul3A = arith.constant 2 : i32
    %mul3A_0 = arith.muli %arg1, %mul3A : i32
    %add3A = arith.addi %mul3A_0, %arg0 : i32
    %lt3A = arith.constant 13 : i32
    %lt3A_1 = arith.cmpi slt, %add3A, %lt3A : i32
    %jit3A = arith.constant 25 : i32
    %jit3A_2 = arith.constant 24 : i32
    %select_n3A = arith.select %lt3A_1, %jit3A, %jit3A_2 : i32
    %gt3A = arith.constant 0 : i32
    %gt3A_3 = arith.cmpi sgt, %select_n3A, %gt3A : i32
    %convert_element_type3A = arith.extui %gt3A_3 : i1 to i32
    %cond3A = arith.constant 0 : i32
    %cond3A_4 = arith.cmpi ne, %convert_element_type3A, %cond3A : i32
    scf.if %cond3A_4 {
      %add3A_412 = arith.constant 0 : i32
      %add3A_413 = arith.addi %add3A, %add3A_412 : i32
      %mul3A_414 = arith.constant 128 : i32
      %mul3A_415 = arith.muli %add3A_413, %mul3A_414 : i32
      %dma_start3A_416 = arith.constant 0 : i32
      %dma_start3A_417 = arith.constant 0 : i32
      %dma_start3A_418 = tpu.memref_slice %arg5[%dma_start3A_416, %dma_start3A_417] : memref<25x128xi32, #tpu.memory_space<vmem>> -> memref<1x128xi32, #tpu.memory_space<vmem>>
      %dma_start3A_419 = tpu.memref_squeeze %dma_start3A_418 : memref<1x128xi32, #tpu.memory_space<vmem>> -> memref<128xi32, #tpu.memory_space<vmem>>
      %dma_start3A_420 = tpu.memref_slice %arg3[%mul3A_415] : memref<100000xi32, #tpu.memory_space<hbm>> -> memref<128xi32, #tpu.memory_space<hbm>>
      %dma_start3A_421 = arith.constant 0 : i32
      %dma_start3A_422 = tpu.memref_slice %arg5[%dma_start3A_416, %dma_start3A_421] : memref<25x128xi32, #tpu.memory_space<vmem>> -> memref<1x128xi32, #tpu.memory_space<vmem>>
      %dma_start3A_423 = tpu.memref_squeeze %dma_start3A_422 : memref<1x128xi32, #tpu.memory_space<vmem>> -> memref<128xi32, #tpu.memory_space<vmem>>
      %dma_start3A_424 = tpu.memref_slice %arg3[%mul3A_415] : memref<100000xi32, #tpu.memory_space<hbm>> -> memref<128xi32, #tpu.memory_space<hbm>>
      tpu.enqueue_dma source(%dma_start3A_424 : memref<128xi32, #tpu.memory_space<hbm>>) target(%dma_start3A_423 : memref<128xi32, #tpu.memory_space<vmem>>) target_semaphore(%arg22 : memref<!tpu.dma_semaphore, #tpu.memory_space<semaphore_mem>>)
    } else {
    }
    %gt3A_5 = arith.constant 1 : i32
    %gt3A_6 = arith.cmpi sgt, %select_n3A, %gt3A_5 : i32
    %convert_element_type3A_7 = arith.extui %gt3A_6 : i1 to i32
    %cond3A_8 = arith.constant 0 : i32
    %cond3A_9 = arith.cmpi ne, %convert_element_type3A_7, %cond3A_8 : i32
    scf.if %cond3A_9 {
      %add3A_412 = arith.constant 32 : i32
      %add3A_413 = arith.addi %add3A, %add3A_412 : i32
      %mul3A_414 = arith.constant 128 : i32
      %mul3A_415 = arith.muli %add3A_413, %mul3A_414 : i32
      %dma_start3A_416 = arith.constant 1 : i32
      %dma_start3A_417 = arith.constant 0 : i32
      %dma_start3A_418 = tpu.memref_slice %arg5[%dma_start3A_416, %dma_start3A_417] : memref<25x128xi32, #tpu.memory_space<vmem>> -> memref<1x128xi32, #tpu.memory_space<vmem>>
      %dma_start3A_419 = tpu.memref_squeeze %dma_start3A_418 : memref<1x128xi32, #tpu.memory_space<vmem>> -> memref<128xi32, #tpu.memory_space<vmem>>
      %dma_start3A_420 = tpu.memref_slice %arg3[%mul3A_415] : memref<100000xi32, #tpu.memory_space<hbm>> -> memref<128xi32, #tpu.memory_space<hbm>>
      %dma_start3A_421 = arith.constant 0 : i32
      %dma_start3A_422 = tpu.memref_slice %arg5[%dma_start3A_416, %dma_start3A_421] : memref<25x128xi32, #tpu.memory_space<vmem>> -> memref<1x128xi32, #tpu.memory_space<vmem>>
      %dma_start3A_423 = tpu.memref_squeeze %dma_start3A_422 : memref<1x128xi32, #tpu.memory_space<vmem>> -> memref<128xi32, #tpu.memory_space<vmem>>
      %dma_start3A_424 = tpu.memref_slice %arg3[%mul3A_415] : memref<100000xi32, #tpu.memory_space<hbm>> -> memref<128xi32, #tpu.memory_space<hbm>>
      tpu.enqueue_dma source(%dma_start3A_424 : memref<128xi32, #tpu.memory_space<hbm>>) target(%dma_start3A_423 : memref<128xi32, #tpu.memory_space<vmem>>) target_semaphore(%arg22 : memref<!tpu.dma_semaphore, #tpu.memory_space<semaphore_mem>>)
    } else {
    }
    %gt3A_10 = arith.constant 2 : i32
    %gt3A_11 = arith.cmpi sgt, %select_n3A, %gt3A_10 : i32
    %convert_element_type3A_12 = arith.extui %gt3A_11 : i1 to i32
    %cond3A_13 = arith.constant 0 : i32
    %cond3A_14 = arith.cmpi ne, %convert_element_type3A_12, %cond3A_13 : i32
    scf.if %cond3A_14 {
      %add3A_412 = arith.constant 64 : i32
      %add3A_413 = arith.addi %add3A, %add3A_412 : i32
      %mul3A_414 = arith.constant 128 : i32
      %mul3A_415 = arith.muli %add3A_413, %mul3A_414 : i32
      %dma_start3A_416 = arith.constant 2 : i32
      %dma_start3A_417 = arith.constant 0 : i32
      %dma_start3A_418 = tpu.memref_slice %arg5[%dma_start3A_416, %dma_start3A_417] : memref<25x128xi32, #tpu.memory_space<vmem>> -> memref<1x128xi32, #tpu.memory_space<vmem>>
      %dma_start3A_419 = tpu.memref_squeeze %dma_start3A_418 : memref<1x128xi32, #tpu.memory_space<vmem>> -> memref<128xi32, #tpu.memory_space<vmem>>
      %dma_start3A_420 = tpu.memref_slice %arg3[%mul3A_415] : memref<100000xi32, #tpu.memory_space<hbm>> -> memref<128xi32, #tpu.memory_space<hbm>>
      %dma_start3A_421 = arith.constant 0 : i32
      %dma_start3A_422 = tpu.memref_slice %arg5[%dma_start3A_416, %dma_start3A_421] : memref<25x128xi32, #tpu.memory_space<vmem>> -> memref<1x128xi32, #tpu.memory_space<vmem>>
      %dma_start3A_423 = tpu.memref_squeeze %dma_start3A_422 : memref<1x128xi32, #tpu.memory_space<vmem>> -> memref<128xi32, #tpu.memory_space<vmem>>
      %dma_start3A_424 = tpu.memref_slice %arg3[%mul3A_415] : memref<100000xi32, #tpu.memory_space<hbm>> -> memref<128xi32, #tpu.memory_space<hbm>>
      tpu.enqueue_dma source(%dma_start3A_424 : memref<128xi32, #tpu.memory_space<hbm>>) target(%dma_start3A_423 : memref<128xi32, #tpu.memory_space<vmem>>) target_semaphore(%arg22 : memref<!tpu.dma_semaphore, #tpu.memory_space<semaphore_mem>>)
    } else {
    }
    %gt3A_15 = arith.constant 3 : i32
    %gt3A_16 = arith.cmpi sgt, %select_n3A, %gt3A_15 : i32
    %convert_element_type3A_17 = arith.extui %gt3A_16 : i1 to i32
    %cond3A_18 = arith.constant 0 : i32
    %cond3A_19 = arith.cmpi ne, %convert_element_type3A_17, %cond3A_18 : i32
    scf.if %cond3A_19 {
      %add3A_412 = arith.constant 96 : i32
      %add3A_413 = arith.addi %add3A, %add3A_412 : i32
      %mul3A_414 = arith.constant 128 : i32
      %mul3A_415 = arith.muli %add3A_413, %mul3A_414 : i32
      %dma_start3A_416 = arith.constant 3 : i32
      %dma_start3A_417 = arith.constant 0 : i32
      %dma_start3A_418 = tpu.memref_slice %arg5[%dma_start3A_416, %dma_start3A_417] : memref<25x128xi32, #tpu.memory_space<vmem>> -> memref<1x128xi32, #tpu.memory_space<vmem>>
      %dma_start3A_419 = tpu.memref_squeeze %dma_start3A_418 : memref<1x128xi32, #tpu.memory_space<vmem>> -> memref<128xi32, #tpu.memory_space<vmem>>
      %dma_start3A_420 = tpu.memref_slice %arg3[%mul3A_415] : memref<100000xi32, #tpu.memory_space<hbm>> -> memref<128xi32, #tpu.memory_space<hbm>>
      %dma_start3A_421 = arith.constant 0 : i32
      %dma_start3A_422 = tpu.memref_slice %arg5[%dma_start3A_416, %dma_start3A_421] : memref<25x128xi32, #tpu.memory_space<vmem>> -> memref<1x128xi32, #tpu.memory_space<vmem>>
      %dma_start3A_423 = tpu.memref_squeeze %dma_start3A_422 : memref<1x128xi32, #tpu.memory_space<vmem>> -> memref<128xi32, #tpu.memory_space<vmem>>
      %dma_start3A_424 = tpu.memref_slice %arg3[%mul3A_415] : memref<100000xi32, #tpu.memory_space<hbm>> -> memref<128xi32, #tpu.memory_space<hbm>>
      tpu.enqueue_dma source(%dma_start3A_424 : memref<128xi32, #tpu.memory_space<hbm>>) target(%dma_start3A_423 : memref<128xi32, #tpu.memory_space<vmem>>) target_semaphore(%arg22 : memref<!tpu.dma_semaphore, #tpu.memory_space<semaphore_mem>>)
    } else {
    }
    %gt3A_20 = arith.constant 4 : i32
    %gt3A_21 = arith.cmpi sgt, %select_n3A, %gt3A_20 : i32
    %convert_element_type3A_22 = arith.extui %gt3A_21 : i1 to i32
    %cond3A_23 = arith.constant 0 : i32
    %cond3A_24 = arith.cmpi ne, %convert_element_type3A_22, %cond3A_23 : i32
    scf.if %cond3A_24 {
      %add3A_412 = arith.constant 128 : i32
      %add3A_413 = arith.addi %add3A, %add3A_412 : i32
      %mul3A_414 = arith.constant 128 : i32
      %mul3A_415 = arith.muli %add3A_413, %mul3A_414 : i32
      %dma_start3A_416 = arith.constant 4 : i32
      %dma_start3A_417 = arith.constant 0 : i32
      %dma_start3A_418 = tpu.memref_slice %arg5[%dma_start3A_416, %dma_start3A_417] : memref<25x128xi32, #tpu.memory_space<vmem>> -> memref<1x128xi32, #tpu.memory_space<vmem>>
      %dma_start3A_419 = tpu.memref_squeeze %dma_start3A_418 : memref<1x128xi32, #tpu.memory_space<vmem>> -> memref<128xi32, #tpu.memory_space<vmem>>
      %dma_start3A_420 = tpu.memref_slice %arg3[%mul3A_415] : memref<100000xi32, #tpu.memory_space<hbm>> -> memref<128xi32, #tpu.memory_space<hbm>>
      %dma_start3A_421 = arith.constant 0 : i32
      %dma_start3A_422 = tpu.memref_slice %arg5[%dma_start3A_416, %dma_start3A_421] : memref<25x128xi32, #tpu.memory_space<vmem>> -> memref<1x128xi32, #tpu.memory_space<vmem>>
      %dma_start3A_423 = tpu.memref_squeeze %dma_start3A_422 : memref<1x128xi32, #tpu.memory_space<vmem>> -> memref<128xi32, #tpu.memory_space<vmem>>
      %dma_start3A_424 = tpu.memref_slice %arg3[%mul3A_415] : memref<100000xi32, #tpu.memory_space<hbm>> -> memref<128xi32, #tpu.memory_space<hbm>>
      tpu.enqueue_dma source(%dma_start3A_424 : memref<128xi32, #tpu.memory_space<hbm>>) target(%dma_start3A_423 : memref<128xi32, #tpu.memory_space<vmem>>) target_semaphore(%arg22 : memref<!tpu.dma_semaphore, #tpu.memory_space<semaphore_mem>>)
    } else {
    }
    %gt3A_25 = arith.constant 5 : i32
    %gt3A_26 = arith.cmpi sgt, %select_n3A, %gt3A_25 : i32
    %convert_element_type3A_27 = arith.extui %gt3A_26 : i1 to i32
    %cond3A_28 = arith.constant 0 : i32
    %cond3A_29 = arith.cmpi ne, %convert_element_type3A_27, %cond3A_28 : i32
    scf.if %cond3A_29 {
      %add3A_412 = arith.constant 160 : i32
      %add3A_413 = arith.addi %add3A, %add3A_412 : i32
      %mul3A_414 = arith.constant 128 : i32
      %mul3A_415 = arith.muli %add3A_413, %mul3A_414 : i32
      %dma_start3A_416 = arith.constant 5 : i32
      %dma_start3A_417 = arith.constant 0 : i32
      %dma_start3A_418 = tpu.memref_slice %arg5[%dma_start3A_416, %dma_start3A_417] : memref<25x128xi32, #tpu.memory_space<vmem>> -> memref<1x128xi32, #tpu.memory_space<vmem>>
      %dma_start3A_419 = tpu.memref_squeeze %dma_start3A_418 : memref<1x128xi32, #tpu.memory_space<vmem>> -> memref<128xi32, #tpu.memory_space<vmem>>
      %dma_start3A_420 = tpu.memref_slice %arg3[%mul3A_415] : memref<100000xi32, #tpu.memory_space<hbm>> -> memref<128xi32, #tpu.memory_space<hbm>>
      %dma_start3A_421 = arith.constant 0 : i32
      %dma_start3A_422 = tpu.memref_slice %arg5[%dma_start3A_416, %dma_start3A_421] : memref<25x128xi32, #tpu.memory_space<vmem>> -> memref<1x128xi32, #tpu.memory_space<vmem>>
      %dma_start3A_423 = tpu.memref_squeeze %dma_start3A_422 : memref<1x128xi32, #tpu.memory_space<vmem>> -> memref<128xi32, #tpu.memory_space<vmem>>
      %dma_start3A_424 = tpu.memref_slice %arg3[%mul3A_415] : memref<100000xi32, #tpu.memory_space<hbm>> -> memref<128xi32, #tpu.memory_space<hbm>>
      tpu.enqueue_dma source(%dma_start3A_424 : memref<128xi32, #tpu.memory_space<hbm>>) target(%dma_start3A_423 : memref<128xi32, #tpu.memory_space<vmem>>) target_semaphore(%arg22 : memref<!tpu.dma_semaphore, #tpu.memory_space<semaphore_mem>>)
    } else {
    }
    %gt3A_30 = arith.constant 6 : i32
    %gt3A_31 = arith.cmpi sgt, %select_n3A, %gt3A_30 : i32
    %convert_element_type3A_32 = arith.extui %gt3A_31 : i1 to i32
    %cond3A_33 = arith.constant 0 : i32
    %cond3A_34 = arith.cmpi ne, %convert_element_type3A_32, %cond3A_33 : i32
    scf.if %cond3A_34 {
      %add3A_412 = arith.constant 192 : i32
      %add3A_413 = arith.addi %add3A, %add3A_412 : i32
      %mul3A_414 = arith.constant 128 : i32
      %mul3A_415 = arith.muli %add3A_413, %mul3A_414 : i32
      %dma_start3A_416 = arith.constant 6 : i32
      %dma_start3A_417 = arith.constant 0 : i32
      %dma_start3A_418 = tpu.memref_slice %arg5[%dma_start3A_416, %dma_start3A_417] : memref<25x128xi32, #tpu.memory_space<vmem>> -> memref<1x128xi32, #tpu.memory_space<vmem>>
      %dma_start3A_419 = tpu.memref_squeeze %dma_start3A_418 : memref<1x128xi32, #tpu.memory_space<vmem>> -> memref<128xi32, #tpu.memory_space<vmem>>
      %dma_start3A_420 = tpu.memref_slice %arg3[%mul3A_415] : memref<100000xi32, #tpu.memory_space<hbm>> -> memref<128xi32, #tpu.memory_space<hbm>>
      %dma_start3A_421 = arith.constant 0 : i32
      %dma_start3A_422 = tpu.memref_slice %arg5[%dma_start3A_416, %dma_start3A_421] : memref<25x128xi32, #tpu.memory_space<vmem>> -> memref<1x128xi32, #tpu.memory_space<vmem>>
      %dma_start3A_423 = tpu.memref_squeeze %dma_start3A_422 : memref<1x128xi32, #tpu.memory_space<vmem>> -> memref<128xi32, #tpu.memory_space<vmem>>
      %dma_start3A_424 = tpu.memref_slice %arg3[%mul3A_415] : memref<100000xi32, #tpu.memory_space<hbm>> -> memref<128xi32, #tpu.memory_space<hbm>>
      tpu.enqueue_dma source(%dma_start3A_424 : memref<128xi32, #tpu.memory_space<hbm>>) target(%dma_start3A_423 : memref<128xi32, #tpu.memory_space<vmem>>) target_semaphore(%arg22 : memref<!tpu.dma_semaphore, #tpu.memory_space<semaphore_mem>>)
    } else {
    }
    %gt3A_35 = arith.constant 7 : i32
    %gt3A_36 = arith.cmpi sgt, %select_n3A, %gt3A_35 : i32
    %convert_element_type3A_37 = arith.extui %gt3A_36 : i1 to i32
    %cond3A_38 = arith.constant 0 : i32
    %cond3A_39 = arith.cmpi ne, %convert_element_type3A_37, %cond3A_38 : i32
    scf.if %cond3A_39 {
      %add3A_412 = arith.constant 224 : i32
      %add3A_413 = arith.addi %add3A, %add3A_412 : i32
      %mul3A_414 = arith.constant 128 : i32
      %mul3A_415 = arith.muli %add3A_413, %mul3A_414 : i32
      %dma_start3A_416 = arith.constant 7 : i32
      %dma_start3A_417 = arith.constant 0 : i32
      %dma_start3A_418 = tpu.memref_slice %arg5[%dma_start3A_416, %dma_start3A_417] : memref<25x128xi32, #tpu.memory_space<vmem>> -> memref<1x128xi32, #tpu.memory_space<vmem>>
      %dma_start3A_419 = tpu.memref_squeeze %dma_start3A_418 : memref<1x128xi32, #tpu.memory_space<vmem>> -> memref<128xi32, #tpu.memory_space<vmem>>
      %dma_start3A_420 = tpu.memref_slice %arg3[%mul3A_415] : memref<100000xi32, #tpu.memory_space<hbm>> -> memref<128xi32, #tpu.memory_space<hbm>>
      %dma_start3A_421 = arith.constant 0 : i32
      %dma_start3A_422 = tpu.memref_slice %arg5[%dma_start3A_416, %dma_start3A_421] : memref<25x128xi32, #tpu.memory_space<vmem>> -> memref<1x128xi32, #tpu.memory_space<vmem>>
      %dma_start3A_423 = tpu.memref_squeeze %dma_start3A_422 : memref<1x128xi32, #tpu.memory_space<vmem>> -> memref<128xi32, #tpu.memory_space<vmem>>
      %dma_start3A_424 = tpu.memref_slice %arg3[%mul3A_415] : memref<100000xi32, #tpu.memory_space<hbm>> -> memref<128xi32, #tpu.memory_space<hbm>>
      tpu.enqueue_dma source(%dma_start3A_424 : memref<128xi32, #tpu.memory_space<hbm>>) target(%dma_start3A_423 : memref<128xi32, #tpu.memory_space<vmem>>) target_semaphore(%arg22 : memref<!tpu.dma_semaphore, #tpu.memory_space<semaphore_mem>>)
    } else {
    }
    %gt3A_40 = arith.constant 8 : i32
    %gt3A_41 = arith.cmpi sgt, %select_n3A, %gt3A_40 : i32
    %convert_element_type3A_42 = arith.extui %gt3A_41 : i1 to i32
    %cond3A_43 = arith.constant 0 : i32
    %cond3A_44 = arith.cmpi ne, %convert_element_type3A_42, %cond3A_43 : i32
    scf.if %cond3A_44 {
      %add3A_412 = arith.constant 256 : i32
      %add3A_413 = arith.addi %add3A, %add3A_412 : i32
      %mul3A_414 = arith.constant 128 : i32
      %mul3A_415 = arith.muli %add3A_413, %mul3A_414 : i32
      %dma_start3A_416 = arith.constant 8 : i32
      %dma_start3A_417 = arith.constant 0 : i32
      %dma_start3A_418 = tpu.memref_slice %arg5[%dma_start3A_416, %dma_start3A_417] : memref<25x128xi32, #tpu.memory_space<vmem>> -> memref<1x128xi32, #tpu.memory_space<vmem>>
      %dma_start3A_419 = tpu.memref_squeeze %dma_start3A_418 : memref<1x128xi32, #tpu.memory_space<vmem>> -> memref<128xi32, #tpu.memory_space<vmem>>
      %dma_start3A_420 = tpu.memref_slice %arg3[%mul3A_415] : memref<100000xi32, #tpu.memory_space<hbm>> -> memref<128xi32, #tpu.memory_space<hbm>>
      %dma_start3A_421 = arith.constant 0 : i32
      %dma_start3A_422 = tpu.memref_slice %arg5[%dma_start3A_416, %dma_start3A_421] : memref<25x128xi32, #tpu.memory_space<vmem>> -> memref<1x128xi32, #tpu.memory_space<vmem>>
      %dma_start3A_423 = tpu.memref_squeeze %dma_start3A_422 : memref<1x128xi32, #tpu.memory_space<vmem>> -> memref<128xi32, #tpu.memory_space<vmem>>
      %dma_start3A_424 = tpu.memref_slice %arg3[%mul3A_415] : memref<100000xi32, #tpu.memory_space<hbm>> -> memref<128xi32, #tpu.memory_space<hbm>>
      tpu.enqueue_dma source(%dma_start3A_424 : memref<128xi32, #tpu.memory_space<hbm>>) target(%dma_start3A_423 : memref<128xi32, #tpu.memory_space<vmem>>) target_semaphore(%arg22 : memref<!tpu.dma_semaphore, #tpu.memory_space<semaphore_mem>>)
    } else {
    }
    %gt3A_45 = arith.constant 9 : i32
    %gt3A_46 = arith.cmpi sgt, %select_n3A, %gt3A_45 : i32
    %convert_element_type3A_47 = arith.extui %gt3A_46 : i1 to i32
    %cond3A_48 = arith.constant 0 : i32
    %cond3A_49 = arith.cmpi ne, %convert_element_type3A_47, %cond3A_48 : i32
    scf.if %cond3A_49 {
      %add3A_412 = arith.constant 288 : i32
      %add3A_413 = arith.addi %add3A, %add3A_412 : i32
      %mul3A_414 = arith.constant 128 : i32
      %mul3A_415 = arith.muli %add3A_413, %mul3A_414 : i32
      %dma_start3A_416 = arith.constant 9 : i32
      %dma_start3A_417 = arith.constant 0 : i32
      %dma_start3A_418 = tpu.memref_slice %arg5[%dma_start3A_416, %dma_start3A_417] : memref<25x128xi32, #tpu.memory_space<vmem>> -> memref<1x128xi32, #tpu.memory_space<vmem>>
      %dma_start3A_419 = tpu.memref_squeeze %dma_start3A_418 : memref<1x128xi32, #tpu.memory_space<vmem>> -> memref<128xi32, #tpu.memory_space<vmem>>
      %dma_start3A_420 = tpu.memref_slice %arg3[%mul3A_415] : memref<100000xi32, #tpu.memory_space<hbm>> -> memref<128xi32, #tpu.memory_space<hbm>>
      %dma_start3A_421 = arith.constant 0 : i32
      %dma_start3A_422 = tpu.memref_slice %arg5[%dma_start3A_416, %dma_start3A_421] : memref<25x128xi32, #tpu.memory_space<vmem>> -> memref<1x128xi32, #tpu.memory_space<vmem>>
      %dma_start3A_423 = tpu.memref_squeeze %dma_start3A_422 : memref<1x128xi32, #tpu.memory_space<vmem>> -> memref<128xi32, #tpu.memory_space<vmem>>
      %dma_start3A_424 = tpu.memref_slice %arg3[%mul3A_415] : memref<100000xi32, #tpu.memory_space<hbm>> -> memref<128xi32, #tpu.memory_space<hbm>>
      tpu.enqueue_dma source(%dma_start3A_424 : memref<128xi32, #tpu.memory_space<hbm>>) target(%dma_start3A_423 : memref<128xi32, #tpu.memory_space<vmem>>) target_semaphore(%arg22 : memref<!tpu.dma_semaphore, #tpu.memory_space<semaphore_mem>>)
    } else {
    }
    %gt3A_50 = arith.constant 10 : i32
    %gt3A_51 = arith.cmpi sgt, %select_n3A, %gt3A_50 : i32
    %convert_element_type3A_52 = arith.extui %gt3A_51 : i1 to i32
    %cond3A_53 = arith.constant 0 : i32
    %cond3A_54 = arith.cmpi ne, %convert_element_type3A_52, %cond3A_53 : i32
    scf.if %cond3A_54 {
      %add3A_412 = arith.constant 320 : i32
      %add3A_413 = arith.addi %add3A, %add3A_412 : i32
      %mul3A_414 = arith.constant 128 : i32
      %mul3A_415 = arith.muli %add3A_413, %mul3A_414 : i32
      %dma_start3A_416 = arith.constant 10 : i32
      %dma_start3A_417 = arith.constant 0 : i32
      %dma_start3A_418 = tpu.memref_slice %arg5[%dma_start3A_416, %dma_start3A_417] : memref<25x128xi32, #tpu.memory_space<vmem>> -> memref<1x128xi32, #tpu.memory_space<vmem>>
      %dma_start3A_419 = tpu.memref_squeeze %dma_start3A_418 : memref<1x128xi32, #tpu.memory_space<vmem>> -> memref<128xi32, #tpu.memory_space<vmem>>
      %dma_start3A_420 = tpu.memref_slice %arg3[%mul3A_415] : memref<100000xi32, #tpu.memory_space<hbm>> -> memref<128xi32, #tpu.memory_space<hbm>>
      %dma_start3A_421 = arith.constant 0 : i32
      %dma_start3A_422 = tpu.memref_slice %arg5[%dma_start3A_416, %dma_start3A_421] : memref<25x128xi32, #tpu.memory_space<vmem>> -> memref<1x128xi32, #tpu.memory_space<vmem>>
      %dma_start3A_423 = tpu.memref_squeeze %dma_start3A_422 : memref<1x128xi32, #tpu.memory_space<vmem>> -> memref<128xi32, #tpu.memory_space<vmem>>
      %dma_start3A_424 = tpu.memref_slice %arg3[%mul3A_415] : memref<100000xi32, #tpu.memory_space<hbm>> -> memref<128xi32, #tpu.memory_space<hbm>>
      tpu.enqueue_dma source(%dma_start3A_424 : memref<128xi32, #tpu.memory_space<hbm>>) target(%dma_start3A_423 : memref<128xi32, #tpu.memory_space<vmem>>) target_semaphore(%arg22 : memref<!tpu.dma_semaphore, #tpu.memory_space<semaphore_mem>>)
    } else {
    }
    %gt3A_55 = arith.constant 11 : i32
    %gt3A_56 = arith.cmpi sgt, %select_n3A, %gt3A_55 : i32
    %convert_element_type3A_57 = arith.extui %gt3A_56 : i1 to i32
    %cond3A_58 = arith.constant 0 : i32
    %cond3A_59 = arith.cmpi ne, %convert_element_type3A_57, %cond3A_58 : i32
    scf.if %cond3A_59 {
      %add3A_412 = arith.constant 352 : i32
      %add3A_413 = arith.addi %add3A, %add3A_412 : i32
      %mul3A_414 = arith.constant 128 : i32
      %mul3A_415 = arith.muli %add3A_413, %mul3A_414 : i32
      %dma_start3A_416 = arith.constant 11 : i32
      %dma_start3A_417 = arith.constant 0 : i32
      %dma_start3A_418 = tpu.memref_slice %arg5[%dma_start3A_416, %dma_start3A_417] : memref<25x128xi32, #tpu.memory_space<vmem>> -> memref<1x128xi32, #tpu.memory_space<vmem>>
      %dma_start3A_419 = tpu.memref_squeeze %dma_start3A_418 : memref<1x128xi32, #tpu.memory_space<vmem>> -> memref<128xi32, #tpu.memory_space<vmem>>
      %dma_start3A_420 = tpu.memref_slice %arg3[%mul3A_415] : memref<100000xi32, #tpu.memory_space<hbm>> -> memref<128xi32, #tpu.memory_space<hbm>>
      %dma_start3A_421 = arith.constant 0 : i32
      %dma_start3A_422 = tpu.memref_slice %arg5[%dma_start3A_416, %dma_start3A_421] : memref<25x128xi32, #tpu.memory_space<vmem>> -> memref<1x128xi32, #tpu.memory_space<vmem>>
      %dma_start3A_423 = tpu.memref_squeeze %dma_start3A_422 : memref<1x128xi32, #tpu.memory_space<vmem>> -> memref<128xi32, #tpu.memory_space<vmem>>
      %dma_start3A_424 = tpu.memref_slice %arg3[%mul3A_415] : memref<100000xi32, #tpu.memory_space<hbm>> -> memref<128xi32, #tpu.memory_space<hbm>>
      tpu.enqueue_dma source(%dma_start3A_424 : memref<128xi32, #tpu.memory_space<hbm>>) target(%dma_start3A_423 : memref<128xi32, #tpu.memory_space<vmem>>) target_semaphore(%arg22 : memref<!tpu.dma_semaphore, #tpu.memory_space<semaphore_mem>>)
    } else {
    }
    %gt3A_60 = arith.constant 12 : i32
    %gt3A_61 = arith.cmpi sgt, %select_n3A, %gt3A_60 : i32
    %convert_element_type3A_62 = arith.extui %gt3A_61 : i1 to i32
    %cond3A_63 = arith.constant 0 : i32
    %cond3A_64 = arith.cmpi ne, %convert_element_type3A_62, %cond3A_63 : i32
    scf.if %cond3A_64 {
      %add3A_412 = arith.constant 384 : i32
      %add3A_413 = arith.addi %add3A, %add3A_412 : i32
      %mul3A_414 = arith.constant 128 : i32
      %mul3A_415 = arith.muli %add3A_413, %mul3A_414 : i32
      %dma_start3A_416 = arith.constant 12 : i32
      %dma_start3A_417 = arith.constant 0 : i32
      %dma_start3A_418 = tpu.memref_slice %arg5[%dma_start3A_416, %dma_start3A_417] : memref<25x128xi32, #tpu.memory_space<vmem>> -> memref<1x128xi32, #tpu.memory_space<vmem>>
      %dma_start3A_419 = tpu.memref_squeeze %dma_start3A_418 : memref<1x128xi32, #tpu.memory_space<vmem>> -> memref<128xi32, #tpu.memory_space<vmem>>
      %dma_start3A_420 = tpu.memref_slice %arg3[%mul3A_415] : memref<100000xi32, #tpu.memory_space<hbm>> -> memref<128xi32, #tpu.memory_space<hbm>>
      %dma_start3A_421 = arith.constant 0 : i32
      %dma_start3A_422 = tpu.memref_slice %arg5[%dma_start3A_416, %dma_start3A_421] : memref<25x128xi32, #tpu.memory_space<vmem>> -> memref<1x128xi32, #tpu.memory_space<vmem>>
      %dma_start3A_423 = tpu.memref_squeeze %dma_start3A_422 : memref<1x128xi32, #tpu.memory_space<vmem>> -> memref<128xi32, #tpu.memory_space<vmem>>
      %dma_start3A_424 = tpu.memref_slice %arg3[%mul3A_415] : memref<100000xi32, #tpu.memory_space<hbm>> -> memref<128xi32, #tpu.memory_space<hbm>>
      tpu.enqueue_dma source(%dma_start3A_424 : memref<128xi32, #tpu.memory_space<hbm>>) target(%dma_start3A_423 : memref<128xi32, #tpu.memory_space<vmem>>) target_semaphore(%arg22 : memref<!tpu.dma_semaphore, #tpu.memory_space<semaphore_mem>>)
    } else {
    }
    %gt3A_65 = arith.constant 13 : i32
    %gt3A_66 = arith.cmpi sgt, %select_n3A, %gt3A_65 : i32
    %convert_element_type3A_67 = arith.extui %gt3A_66 : i1 to i32
    %cond3A_68 = arith.constant 0 : i32
    %cond3A_69 = arith.cmpi ne, %convert_element_type3A_67, %cond3A_68 : i32
    scf.if %cond3A_69 {
      %add3A_412 = arith.constant 416 : i32
      %add3A_413 = arith.addi %add3A, %add3A_412 : i32
      %mul3A_414 = arith.constant 128 : i32
      %mul3A_415 = arith.muli %add3A_413, %mul3A_414 : i32
      %dma_start3A_416 = arith.constant 13 : i32
      %dma_start3A_417 = arith.constant 0 : i32
      %dma_start3A_418 = tpu.memref_slice %arg5[%dma_start3A_416, %dma_start3A_417] : memref<25x128xi32, #tpu.memory_space<vmem>> -> memref<1x128xi32, #tpu.memory_space<vmem>>
      %dma_start3A_419 = tpu.memref_squeeze %dma_start3A_418 : memref<1x128xi32, #tpu.memory_space<vmem>> -> memref<128xi32, #tpu.memory_space<vmem>>
      %dma_start3A_420 = tpu.memref_slice %arg3[%mul3A_415] : memref<100000xi32, #tpu.memory_space<hbm>> -> memref<128xi32, #tpu.memory_space<hbm>>
      %dma_start3A_421 = arith.constant 0 : i32
      %dma_start3A_422 = tpu.memref_slice %arg5[%dma_start3A_416, %dma_start3A_421] : memref<25x128xi32, #tpu.memory_space<vmem>> -> memref<1x128xi32, #tpu.memory_space<vmem>>
      %dma_start3A_423 = tpu.memref_squeeze %dma_start3A_422 : memref<1x128xi32, #tpu.memory_space<vmem>> -> memref<128xi32, #tpu.memory_space<vmem>>
      %dma_start3A_424 = tpu.memref_slice %arg3[%mul3A_415] : memref<100000xi32, #tpu.memory_space<hbm>> -> memref<128xi32, #tpu.memory_space<hbm>>
      tpu.enqueue_dma source(%dma_start3A_424 : memref<128xi32, #tpu.memory_space<hbm>>) target(%dma_start3A_423 : memref<128xi32, #tpu.memory_space<vmem>>) target_semaphore(%arg22 : memref<!tpu.dma_semaphore, #tpu.memory_space<semaphore_mem>>)
    } else {
    }
    %gt3A_70 = arith.constant 14 : i32
    %gt3A_71 = arith.cmpi sgt, %select_n3A, %gt3A_70 : i32
    %convert_element_type3A_72 = arith.extui %gt3A_71 : i1 to i32
    %cond3A_73 = arith.constant 0 : i32
    %cond3A_74 = arith.cmpi ne, %convert_element_type3A_72, %cond3A_73 : i32
    scf.if %cond3A_74 {
      %add3A_412 = arith.constant 448 : i32
      %add3A_413 = arith.addi %add3A, %add3A_412 : i32
      %mul3A_414 = arith.constant 128 : i32
      %mul3A_415 = arith.muli %add3A_413, %mul3A_414 : i32
      %dma_start3A_416 = arith.constant 14 : i32
      %dma_start3A_417 = arith.constant 0 : i32
      %dma_start3A_418 = tpu.memref_slice %arg5[%dma_start3A_416, %dma_start3A_417] : memref<25x128xi32, #tpu.memory_space<vmem>> -> memref<1x128xi32, #tpu.memory_space<vmem>>
      %dma_start3A_419 = tpu.memref_squeeze %dma_start3A_418 : memref<1x128xi32, #tpu.memory_space<vmem>> -> memref<128xi32, #tpu.memory_space<vmem>>
      %dma_start3A_420 = tpu.memref_slice %arg3[%mul3A_415] : memref<100000xi32, #tpu.memory_space<hbm>> -> memref<128xi32, #tpu.memory_space<hbm>>
      %dma_start3A_421 = arith.constant 0 : i32
      %dma_start3A_422 = tpu.memref_slice %arg5[%dma_start3A_416, %dma_start3A_421] : memref<25x128xi32, #tpu.memory_space<vmem>> -> memref<1x128xi32, #tpu.memory_space<vmem>>
      %dma_start3A_423 = tpu.memref_squeeze %dma_start3A_422 : memref<1x128xi32, #tpu.memory_space<vmem>> -> memref<128xi32, #tpu.memory_space<vmem>>
      %dma_start3A_424 = tpu.memref_slice %arg3[%mul3A_415] : memref<100000xi32, #tpu.memory_space<hbm>> -> memref<128xi32, #tpu.memory_space<hbm>>
      tpu.enqueue_dma source(%dma_start3A_424 : memref<128xi32, #tpu.memory_space<hbm>>) target(%dma_start3A_423 : memref<128xi32, #tpu.memory_space<vmem>>) target_semaphore(%arg22 : memref<!tpu.dma_semaphore, #tpu.memory_space<semaphore_mem>>)
    } else {
    }
    %gt3A_75 = arith.constant 15 : i32
    %gt3A_76 = arith.cmpi sgt, %select_n3A, %gt3A_75 : i32
    %convert_element_type3A_77 = arith.extui %gt3A_76 : i1 to i32
    %cond3A_78 = arith.constant 0 : i32
    %cond3A_79 = arith.cmpi ne, %convert_element_type3A_77, %cond3A_78 : i32
    scf.if %cond3A_79 {
      %add3A_412 = arith.constant 480 : i32
      %add3A_413 = arith.addi %add3A, %add3A_412 : i32
      %mul3A_414 = arith.constant 128 : i32
      %mul3A_415 = arith.muli %add3A_413, %mul3A_414 : i32
      %dma_start3A_416 = arith.constant 15 : i32
      %dma_start3A_417 = arith.constant 0 : i32
      %dma_start3A_418 = tpu.memref_slice %arg5[%dma_start3A_416, %dma_start3A_417] : memref<25x128xi32, #tpu.memory_space<vmem>> -> memref<1x128xi32, #tpu.memory_space<vmem>>
      %dma_start3A_419 = tpu.memref_squeeze %dma_start3A_418 : memref<1x128xi32, #tpu.memory_space<vmem>> -> memref<128xi32, #tpu.memory_space<vmem>>
      %dma_start3A_420 = tpu.memref_slice %arg3[%mul3A_415] : memref<100000xi32, #tpu.memory_space<hbm>> -> memref<128xi32, #tpu.memory_space<hbm>>
      %dma_start3A_421 = arith.constant 0 : i32
      %dma_start3A_422 = tpu.memref_slice %arg5[%dma_start3A_416, %dma_start3A_421] : memref<25x128xi32, #tpu.memory_space<vmem>> -> memref<1x128xi32, #tpu.memory_space<vmem>>
      %dma_start3A_423 = tpu.memref_squeeze %dma_start3A_422 : memref<1x128xi32, #tpu.memory_space<vmem>> -> memref<128xi32, #tpu.memory_space<vmem>>
      %dma_start3A_424 = tpu.memref_slice %arg3[%mul3A_415] : memref<100000xi32, #tpu.memory_space<hbm>> -> memref<128xi32, #tpu.memory_space<hbm>>
      tpu.enqueue_dma source(%dma_start3A_424 : memref<128xi32, #tpu.memory_space<hbm>>) target(%dma_start3A_423 : memref<128xi32, #tpu.memory_space<vmem>>) target_semaphore(%arg22 : memref<!tpu.dma_semaphore, #tpu.memory_space<semaphore_mem>>)
    } else {
    }
    %gt3A_80 = arith.constant 16 : i32
    %gt3A_81 = arith.cmpi sgt, %select_n3A, %gt3A_80 : i32
    %convert_element_type3A_82 = arith.extui %gt3A_81 : i1 to i32
    %cond3A_83 = arith.constant 0 : i32
    %cond3A_84 = arith.cmpi ne, %convert_element_type3A_82, %cond3A_83 : i32
    scf.if %cond3A_84 {
      %add3A_412 = arith.constant 512 : i32
      %add3A_413 = arith.addi %add3A, %add3A_412 : i32
      %mul3A_414 = arith.constant 128 : i32
      %mul3A_415 = arith.muli %add3A_413, %mul3A_414 : i32
      %dma_start3A_416 = arith.constant 16 : i32
      %dma_start3A_417 = arith.constant 0 : i32
      %dma_start3A_418 = tpu.memref_slice %arg5[%dma_start3A_416, %dma_start3A_417] : memref<25x128xi32, #tpu.memory_space<vmem>> -> memref<1x128xi32, #tpu.memory_space<vmem>>
      %dma_start3A_419 = tpu.memref_squeeze %dma_start3A_418 : memref<1x128xi32, #tpu.memory_space<vmem>> -> memref<128xi32, #tpu.memory_space<vmem>>
      %dma_start3A_420 = tpu.memref_slice %arg3[%mul3A_415] : memref<100000xi32, #tpu.memory_space<hbm>> -> memref<128xi32, #tpu.memory_space<hbm>>
      %dma_start3A_421 = arith.constant 0 : i32
      %dma_start3A_422 = tpu.memref_slice %arg5[%dma_start3A_416, %dma_start3A_421] : memref<25x128xi32, #tpu.memory_space<vmem>> -> memref<1x128xi32, #tpu.memory_space<vmem>>
      %dma_start3A_423 = tpu.memref_squeeze %dma_start3A_422 : memref<1x128xi32, #tpu.memory_space<vmem>> -> memref<128xi32, #tpu.memory_space<vmem>>
      %dma_start3A_424 = tpu.memref_slice %arg3[%mul3A_415] : memref<100000xi32, #tpu.memory_space<hbm>> -> memref<128xi32, #tpu.memory_space<hbm>>
      tpu.enqueue_dma source(%dma_start3A_424 : memref<128xi32, #tpu.memory_space<hbm>>) target(%dma_start3A_423 : memref<128xi32, #tpu.memory_space<vmem>>) target_semaphore(%arg22 : memref<!tpu.dma_semaphore, #tpu.memory_space<semaphore_mem>>)
    } else {
    }
    %gt3A_85 = arith.constant 17 : i32
    %gt3A_86 = arith.cmpi sgt, %select_n3A, %gt3A_85 : i32
    %convert_element_type3A_87 = arith.extui %gt3A_86 : i1 to i32
    %cond3A_88 = arith.constant 0 : i32
    %cond3A_89 = arith.cmpi ne, %convert_element_type3A_87, %cond3A_88 : i32
    scf.if %cond3A_89 {
      %add3A_412 = arith.constant 544 : i32
      %add3A_413 = arith.addi %add3A, %add3A_412 : i32
      %mul3A_414 = arith.constant 128 : i32
      %mul3A_415 = arith.muli %add3A_413, %mul3A_414 : i32
      %dma_start3A_416 = arith.constant 17 : i32
      %dma_start3A_417 = arith.constant 0 : i32
      %dma_start3A_418 = tpu.memref_slice %arg5[%dma_start3A_416, %dma_start3A_417] : memref<25x128xi32, #tpu.memory_space<vmem>> -> memref<1x128xi32, #tpu.memory_space<vmem>>
      %dma_start3A_419 = tpu.memref_squeeze %dma_start3A_418 : memref<1x128xi32, #tpu.memory_space<vmem>> -> memref<128xi32, #tpu.memory_space<vmem>>
      %dma_start3A_420 = tpu.memref_slice %arg3[%mul3A_415] : memref<100000xi32, #tpu.memory_space<hbm>> -> memref<128xi32, #tpu.memory_space<hbm>>
      %dma_start3A_421 = arith.constant 0 : i32
      %dma_start3A_422 = tpu.memref_slice %arg5[%dma_start3A_416, %dma_start3A_421] : memref<25x128xi32, #tpu.memory_space<vmem>> -> memref<1x128xi32, #tpu.memory_space<vmem>>
      %dma_start3A_423 = tpu.memref_squeeze %dma_start3A_422 : memref<1x128xi32, #tpu.memory_space<vmem>> -> memref<128xi32, #tpu.memory_space<vmem>>
      %dma_start3A_424 = tpu.memref_slice %arg3[%mul3A_415] : memref<100000xi32, #tpu.memory_space<hbm>> -> memref<128xi32, #tpu.memory_space<hbm>>
      tpu.enqueue_dma source(%dma_start3A_424 : memref<128xi32, #tpu.memory_space<hbm>>) target(%dma_start3A_423 : memref<128xi32, #tpu.memory_space<vmem>>) target_semaphore(%arg22 : memref<!tpu.dma_semaphore, #tpu.memory_space<semaphore_mem>>)
    } else {
    }
    %gt3A_90 = arith.constant 18 : i32
    %gt3A_91 = arith.cmpi sgt, %select_n3A, %gt3A_90 : i32
    %convert_element_type3A_92 = arith.extui %gt3A_91 : i1 to i32
    %cond3A_93 = arith.constant 0 : i32
    %cond3A_94 = arith.cmpi ne, %convert_element_type3A_92, %cond3A_93 : i32
    scf.if %cond3A_94 {
      %add3A_412 = arith.constant 576 : i32
      %add3A_413 = arith.addi %add3A, %add3A_412 : i32
      %mul3A_414 = arith.constant 128 : i32
      %mul3A_415 = arith.muli %add3A_413, %mul3A_414 : i32
      %dma_start3A_416 = arith.constant 18 : i32
      %dma_start3A_417 = arith.constant 0 : i32
      %dma_start3A_418 = tpu.memref_slice %arg5[%dma_start3A_416, %dma_start3A_417] : memref<25x128xi32, #tpu.memory_space<vmem>> -> memref<1x128xi32, #tpu.memory_space<vmem>>
      %dma_start3A_419 = tpu.memref_squeeze %dma_start3A_418 : memref<1x128xi32, #tpu.memory_space<vmem>> -> memref<128xi32, #tpu.memory_space<vmem>>
      %dma_start3A_420 = tpu.memref_slice %arg3[%mul3A_415] : memref<100000xi32, #tpu.memory_space<hbm>> -> memref<128xi32, #tpu.memory_space<hbm>>
      %dma_start3A_421 = arith.constant 0 : i32
      %dma_start3A_422 = tpu.memref_slice %arg5[%dma_start3A_416, %dma_start3A_421] : memref<25x128xi32, #tpu.memory_space<vmem>> -> memref<1x128xi32, #tpu.memory_space<vmem>>
      %dma_start3A_423 = tpu.memref_squeeze %dma_start3A_422 : memref<1x128xi32, #tpu.memory_space<vmem>> -> memref<128xi32, #tpu.memory_space<vmem>>
      %dma_start3A_424 = tpu.memref_slice %arg3[%mul3A_415] : memref<100000xi32, #tpu.memory_space<hbm>> -> memref<128xi32, #tpu.memory_space<hbm>>
      tpu.enqueue_dma source(%dma_start3A_424 : memref<128xi32, #tpu.memory_space<hbm>>) target(%dma_start3A_423 : memref<128xi32, #tpu.memory_space<vmem>>) target_semaphore(%arg22 : memref<!tpu.dma_semaphore, #tpu.memory_space<semaphore_mem>>)
    } else {
    }
    %gt3A_95 = arith.constant 19 : i32
    %gt3A_96 = arith.cmpi sgt, %select_n3A, %gt3A_95 : i32
    %convert_element_type3A_97 = arith.extui %gt3A_96 : i1 to i32
    %cond3A_98 = arith.constant 0 : i32
    %cond3A_99 = arith.cmpi ne, %convert_element_type3A_97, %cond3A_98 : i32
    scf.if %cond3A_99 {
      %add3A_412 = arith.constant 608 : i32
      %add3A_413 = arith.addi %add3A, %add3A_412 : i32
      %mul3A_414 = arith.constant 128 : i32
      %mul3A_415 = arith.muli %add3A_413, %mul3A_414 : i32
      %dma_start3A_416 = arith.constant 19 : i32
      %dma_start3A_417 = arith.constant 0 : i32
      %dma_start3A_418 = tpu.memref_slice %arg5[%dma_start3A_416, %dma_start3A_417] : memref<25x128xi32, #tpu.memory_space<vmem>> -> memref<1x128xi32, #tpu.memory_space<vmem>>
      %dma_start3A_419 = tpu.memref_squeeze %dma_start3A_418 : memref<1x128xi32, #tpu.memory_space<vmem>> -> memref<128xi32, #tpu.memory_space<vmem>>
      %dma_start3A_420 = tpu.memref_slice %arg3[%mul3A_415] : memref<100000xi32, #tpu.memory_space<hbm>> -> memref<128xi32, #tpu.memory_space<hbm>>
      %dma_start3A_421 = arith.constant 0 : i32
      %dma_start3A_422 = tpu.memref_slice %arg5[%dma_start3A_416, %dma_start3A_421] : memref<25x128xi32, #tpu.memory_space<vmem>> -> memref<1x128xi32, #tpu.memory_space<vmem>>
      %dma_start3A_423 = tpu.memref_squeeze %dma_start3A_422 : memref<1x128xi32, #tpu.memory_space<vmem>> -> memref<128xi32, #tpu.memory_space<vmem>>
      %dma_start3A_424 = tpu.memref_slice %arg3[%mul3A_415] : memref<100000xi32, #tpu.memory_space<hbm>> -> memref<128xi32, #tpu.memory_space<hbm>>
      tpu.enqueue_dma source(%dma_start3A_424 : memref<128xi32, #tpu.memory_space<hbm>>) target(%dma_start3A_423 : memref<128xi32, #tpu.memory_space<vmem>>) target_semaphore(%arg22 : memref<!tpu.dma_semaphore, #tpu.memory_space<semaphore_mem>>)
    } else {
    }
    %gt3A_100 = arith.constant 20 : i32
    %gt3A_101 = arith.cmpi sgt, %select_n3A, %gt3A_100 : i32
    %convert_element_type3A_102 = arith.extui %gt3A_101 : i1 to i32
    %cond3A_103 = arith.constant 0 : i32
    %cond3A_104 = arith.cmpi ne, %convert_element_type3A_102, %cond3A_103 : i32
    scf.if %cond3A_104 {
      %add3A_412 = arith.constant 640 : i32
      %add3A_413 = arith.addi %add3A, %add3A_412 : i32
      %mul3A_414 = arith.constant 128 : i32
      %mul3A_415 = arith.muli %add3A_413, %mul3A_414 : i32
      %dma_start3A_416 = arith.constant 20 : i32
      %dma_start3A_417 = arith.constant 0 : i32
      %dma_start3A_418 = tpu.memref_slice %arg5[%dma_start3A_416, %dma_start3A_417] : memref<25x128xi32, #tpu.memory_space<vmem>> -> memref<1x128xi32, #tpu.memory_space<vmem>>
      %dma_start3A_419 = tpu.memref_squeeze %dma_start3A_418 : memref<1x128xi32, #tpu.memory_space<vmem>> -> memref<128xi32, #tpu.memory_space<vmem>>
      %dma_start3A_420 = tpu.memref_slice %arg3[%mul3A_415] : memref<100000xi32, #tpu.memory_space<hbm>> -> memref<128xi32, #tpu.memory_space<hbm>>
      %dma_start3A_421 = arith.constant 0 : i32
      %dma_start3A_422 = tpu.memref_slice %arg5[%dma_start3A_416, %dma_start3A_421] : memref<25x128xi32, #tpu.memory_space<vmem>> -> memref<1x128xi32, #tpu.memory_space<vmem>>
      %dma_start3A_423 = tpu.memref_squeeze %dma_start3A_422 : memref<1x128xi32, #tpu.memory_space<vmem>> -> memref<128xi32, #tpu.memory_space<vmem>>
      %dma_start3A_424 = tpu.memref_slice %arg3[%mul3A_415] : memref<100000xi32, #tpu.memory_space<hbm>> -> memref<128xi32, #tpu.memory_space<hbm>>
      tpu.enqueue_dma source(%dma_start3A_424 : memref<128xi32, #tpu.memory_space<hbm>>) target(%dma_start3A_423 : memref<128xi32, #tpu.memory_space<vmem>>) target_semaphore(%arg22 : memref<!tpu.dma_semaphore, #tpu.memory_space<semaphore_mem>>)
    } else {
    }
    %gt3A_105 = arith.constant 21 : i32
    %gt3A_106 = arith.cmpi sgt, %select_n3A, %gt3A_105 : i32
    %convert_element_type3A_107 = arith.extui %gt3A_106 : i1 to i32
    %cond3A_108 = arith.constant 0 : i32
    %cond3A_109 = arith.cmpi ne, %convert_element_type3A_107, %cond3A_108 : i32
    scf.if %cond3A_109 {
      %add3A_412 = arith.constant 672 : i32
      %add3A_413 = arith.addi %add3A, %add3A_412 : i32
      %mul3A_414 = arith.constant 128 : i32
      %mul3A_415 = arith.muli %add3A_413, %mul3A_414 : i32
      %dma_start3A_416 = arith.constant 21 : i32
      %dma_start3A_417 = arith.constant 0 : i32
      %dma_start3A_418 = tpu.memref_slice %arg5[%dma_start3A_416, %dma_start3A_417] : memref<25x128xi32, #tpu.memory_space<vmem>> -> memref<1x128xi32, #tpu.memory_space<vmem>>
      %dma_start3A_419 = tpu.memref_squeeze %dma_start3A_418 : memref<1x128xi32, #tpu.memory_space<vmem>> -> memref<128xi32, #tpu.memory_space<vmem>>
      %dma_start3A_420 = tpu.memref_slice %arg3[%mul3A_415] : memref<100000xi32, #tpu.memory_space<hbm>> -> memref<128xi32, #tpu.memory_space<hbm>>
      %dma_start3A_421 = arith.constant 0 : i32
      %dma_start3A_422 = tpu.memref_slice %arg5[%dma_start3A_416, %dma_start3A_421] : memref<25x128xi32, #tpu.memory_space<vmem>> -> memref<1x128xi32, #tpu.memory_space<vmem>>
      %dma_start3A_423 = tpu.memref_squeeze %dma_start3A_422 : memref<1x128xi32, #tpu.memory_space<vmem>> -> memref<128xi32, #tpu.memory_space<vmem>>
      %dma_start3A_424 = tpu.memref_slice %arg3[%mul3A_415] : memref<100000xi32, #tpu.memory_space<hbm>> -> memref<128xi32, #tpu.memory_space<hbm>>
      tpu.enqueue_dma source(%dma_start3A_424 : memref<128xi32, #tpu.memory_space<hbm>>) target(%dma_start3A_423 : memref<128xi32, #tpu.memory_space<vmem>>) target_semaphore(%arg22 : memref<!tpu.dma_semaphore, #tpu.memory_space<semaphore_mem>>)
    } else {
    }
    %gt3A_110 = arith.constant 22 : i32
    %gt3A_111 = arith.cmpi sgt, %select_n3A, %gt3A_110 : i32
    %convert_element_type3A_112 = arith.extui %gt3A_111 : i1 to i32
    %cond3A_113 = arith.constant 0 : i32
    %cond3A_114 = arith.cmpi ne, %convert_element_type3A_112, %cond3A_113 : i32
    scf.if %cond3A_114 {
      %add3A_412 = arith.constant 704 : i32
      %add3A_413 = arith.addi %add3A, %add3A_412 : i32
      %mul3A_414 = arith.constant 128 : i32
      %mul3A_415 = arith.muli %add3A_413, %mul3A_414 : i32
      %dma_start3A_416 = arith.constant 22 : i32
      %dma_start3A_417 = arith.constant 0 : i32
      %dma_start3A_418 = tpu.memref_slice %arg5[%dma_start3A_416, %dma_start3A_417] : memref<25x128xi32, #tpu.memory_space<vmem>> -> memref<1x128xi32, #tpu.memory_space<vmem>>
      %dma_start3A_419 = tpu.memref_squeeze %dma_start3A_418 : memref<1x128xi32, #tpu.memory_space<vmem>> -> memref<128xi32, #tpu.memory_space<vmem>>
      %dma_start3A_420 = tpu.memref_slice %arg3[%mul3A_415] : memref<100000xi32, #tpu.memory_space<hbm>> -> memref<128xi32, #tpu.memory_space<hbm>>
      %dma_start3A_421 = arith.constant 0 : i32
      %dma_start3A_422 = tpu.memref_slice %arg5[%dma_start3A_416, %dma_start3A_421] : memref<25x128xi32, #tpu.memory_space<vmem>> -> memref<1x128xi32, #tpu.memory_space<vmem>>
      %dma_start3A_423 = tpu.memref_squeeze %dma_start3A_422 : memref<1x128xi32, #tpu.memory_space<vmem>> -> memref<128xi32, #tpu.memory_space<vmem>>
      %dma_start3A_424 = tpu.memref_slice %arg3[%mul3A_415] : memref<100000xi32, #tpu.memory_space<hbm>> -> memref<128xi32, #tpu.memory_space<hbm>>
      tpu.enqueue_dma source(%dma_start3A_424 : memref<128xi32, #tpu.memory_space<hbm>>) target(%dma_start3A_423 : memref<128xi32, #tpu.memory_space<vmem>>) target_semaphore(%arg22 : memref<!tpu.dma_semaphore, #tpu.memory_space<semaphore_mem>>)
    } else {
    }
    %gt3A_115 = arith.constant 23 : i32
    %gt3A_116 = arith.cmpi sgt, %select_n3A, %gt3A_115 : i32
    %convert_element_type3A_117 = arith.extui %gt3A_116 : i1 to i32
    %cond3A_118 = arith.constant 0 : i32
    %cond3A_119 = arith.cmpi ne, %convert_element_type3A_117, %cond3A_118 : i32
    scf.if %cond3A_119 {
      %add3A_412 = arith.constant 736 : i32
      %add3A_413 = arith.addi %add3A, %add3A_412 : i32
      %mul3A_414 = arith.constant 128 : i32
      %mul3A_415 = arith.muli %add3A_413, %mul3A_414 : i32
      %dma_start3A_416 = arith.constant 23 : i32
      %dma_start3A_417 = arith.constant 0 : i32
      %dma_start3A_418 = tpu.memref_slice %arg5[%dma_start3A_416, %dma_start3A_417] : memref<25x128xi32, #tpu.memory_space<vmem>> -> memref<1x128xi32, #tpu.memory_space<vmem>>
      %dma_start3A_419 = tpu.memref_squeeze %dma_start3A_418 : memref<1x128xi32, #tpu.memory_space<vmem>> -> memref<128xi32, #tpu.memory_space<vmem>>
      %dma_start3A_420 = tpu.memref_slice %arg3[%mul3A_415] : memref<100000xi32, #tpu.memory_space<hbm>> -> memref<128xi32, #tpu.memory_space<hbm>>
      %dma_start3A_421 = arith.constant 0 : i32
      %dma_start3A_422 = tpu.memref_slice %arg5[%dma_start3A_416, %dma_start3A_421] : memref<25x128xi32, #tpu.memory_space<vmem>> -> memref<1x128xi32, #tpu.memory_space<vmem>>
      %dma_start3A_423 = tpu.memref_squeeze %dma_start3A_422 : memref<1x128xi32, #tpu.memory_space<vmem>> -> memref<128xi32, #tpu.memory_space<vmem>>
      %dma_start3A_424 = tpu.memref_slice %arg3[%mul3A_415] : memref<100000xi32, #tpu.memory_space<hbm>> -> memref<128xi32, #tpu.memory_space<hbm>>
      tpu.enqueue_dma source(%dma_start3A_424 : memref<128xi32, #tpu.memory_space<hbm>>) target(%dma_start3A_423 : memref<128xi32, #tpu.memory_space<vmem>>) target_semaphore(%arg22 : memref<!tpu.dma_semaphore, #tpu.memory_space<semaphore_mem>>)
    } else {
    }
    %gt3A_120 = arith.constant 24 : i32
    %gt3A_121 = arith.cmpi sgt, %select_n3A, %gt3A_120 : i32
    %convert_element_type3A_122 = arith.extui %gt3A_121 : i1 to i32
    %cond3A_123 = arith.constant 0 : i32
    %cond3A_124 = arith.cmpi ne, %convert_element_type3A_122, %cond3A_123 : i32
    scf.if %cond3A_124 {
      %add3A_412 = arith.constant 768 : i32
      %add3A_413 = arith.addi %add3A, %add3A_412 : i32
      %mul3A_414 = arith.constant 128 : i32
      %mul3A_415 = arith.muli %add3A_413, %mul3A_414 : i32
      %dma_start3A_416 = arith.constant 24 : i32
      %dma_start3A_417 = arith.constant 0 : i32
      %dma_start3A_418 = tpu.memref_slice %arg5[%dma_start3A_416, %dma_start3A_417] : memref<25x128xi32, #tpu.memory_space<vmem>> -> memref<1x128xi32, #tpu.memory_space<vmem>>
      %dma_start3A_419 = tpu.memref_squeeze %dma_start3A_418 : memref<1x128xi32, #tpu.memory_space<vmem>> -> memref<128xi32, #tpu.memory_space<vmem>>
      %dma_start3A_420 = tpu.memref_slice %arg3[%mul3A_415] : memref<100000xi32, #tpu.memory_space<hbm>> -> memref<128xi32, #tpu.memory_space<hbm>>
      %dma_start3A_421 = arith.constant 0 : i32
      %dma_start3A_422 = tpu.memref_slice %arg5[%dma_start3A_416, %dma_start3A_421] : memref<25x128xi32, #tpu.memory_space<vmem>> -> memref<1x128xi32, #tpu.memory_space<vmem>>
      %dma_start3A_423 = tpu.memref_squeeze %dma_start3A_422 : memref<1x128xi32, #tpu.memory_space<vmem>> -> memref<128xi32, #tpu.memory_space<vmem>>
      %dma_start3A_424 = tpu.memref_slice %arg3[%mul3A_415] : memref<100000xi32, #tpu.memory_space<hbm>> -> memref<128xi32, #tpu.memory_space<hbm>>
      tpu.enqueue_dma source(%dma_start3A_424 : memref<128xi32, #tpu.memory_space<hbm>>) target(%dma_start3A_423 : memref<128xi32, #tpu.memory_space<vmem>>) target_semaphore(%arg22 : memref<!tpu.dma_semaphore, #tpu.memory_space<semaphore_mem>>)
    } else {
    }
    %eq3A = arith.constant 13 : i32
    %eq3A_125 = arith.cmpi eq, %add3A, %eq3A : i32
    %convert_element_type3A_126 = arith.extui %eq3A_125 : i1 to i32
    %cond3A_127 = arith.constant 0 : i32
    %cond3A_128 = arith.cmpi ne, %convert_element_type3A_126, %cond3A_127 : i32
    scf.if %cond3A_128 {
      %dma_start3A_412 = arith.constant 99968 : i32
      %dma_start3A_413 = tpu.memref_slice %arg3[%dma_start3A_412] : memref<100000xi32, #tpu.memory_space<hbm>> -> memref<32xi32, #tpu.memory_space<hbm>>
      %dma_start3A_414 = arith.constant 99968 : i32
      %dma_start3A_415 = tpu.memref_slice %arg3[%dma_start3A_414] : memref<100000xi32, #tpu.memory_space<hbm>> -> memref<32xi32, #tpu.memory_space<hbm>>
      tpu.enqueue_dma source(%dma_start3A_415 : memref<32xi32, #tpu.memory_space<hbm>>) target(%arg7 : memref<32xi32, #tpu.memory_space<vmem>>) target_semaphore(%arg23 : memref<!tpu.dma_semaphore, #tpu.memory_space<semaphore_mem>>)
    } else {
    }
    %lt3A_129 = arith.constant 15 : i32
    %lt3A_130 = arith.cmpi slt, %arg1, %lt3A_129 : i32
    %convert_element_type3A_131 = arith.extui %lt3A_130 : i1 to i32
    %cond3A_132 = arith.constant 0 : i32
    %cond3A_133 = arith.cmpi ne, %convert_element_type3A_131, %cond3A_132 : i32
    scf.if %cond3A_133 {
      %mul3A_412 = arith.constant 8 : i32
      %mul3A_413 = arith.muli %arg1, %mul3A_412 : i32
      "tpu.region"() ({
        %run_scoped3A = tpu.sem_alloc : memref<!tpu.dma_semaphore, #tpu.memory_space<semaphore_mem>>
        %dma_start3A_3588 = arith.constant 0 : i32
        %dma_start3A_3589 = tpu.memref_slice %arg2[%mul3A_413, %dma_start3A_3588] : memref<120x128xf32, #tpu.memory_space<hbm>> -> memref<8x128xf32, #tpu.memory_space<hbm>>
        %dma_start3A_3590 = arith.constant 0 : i32
        %dma_start3A_3591 = tpu.memref_slice %arg2[%mul3A_413, %dma_start3A_3590] : memref<120x128xf32, #tpu.memory_space<hbm>> -> memref<8x128xf32, #tpu.memory_space<hbm>>
        tpu.enqueue_dma source(%dma_start3A_3591 : memref<8x128xf32, #tpu.memory_space<hbm>>) target(%arg10 : memref<8x128xf32, #tpu.memory_space<vmem>>) target_semaphore(%run_scoped3A : memref<!tpu.dma_semaphore, #tpu.memory_space<semaphore_mem>>)
        %dma_wait3A_3592 = arith.constant 0 : i32
        %dma_wait3A_3593 = tpu.memref_slice %arg2[%mul3A_413, %dma_wait3A_3592] : memref<120x128xf32, #tpu.memory_space<hbm>> -> memref<8x128xf32, #tpu.memory_space<hbm>>
        %dma_wait3A_3594 = arith.constant 0 : i32
        %dma_wait3A_3595 = tpu.memref_slice %arg2[%mul3A_413, %dma_wait3A_3594] : memref<120x128xf32, #tpu.memory_space<hbm>> -> memref<8x128xf32, #tpu.memory_space<hbm>>
        tpu.wait_dma2 semaphore(%run_scoped3A : memref<!tpu.dma_semaphore, #tpu.memory_space<semaphore_mem>>) src(%dma_wait3A_3595 : memref<8x128xf32, #tpu.memory_space<hbm>>) dst(%arg10 : memref<8x128xf32, #tpu.memory_space<vmem>>)
        tpu.yield
      }) : () -> ()
      %broadcast_in_dim3A = arith.constant 0.000000e+00 : f32
      %broadcast_in_dim3A_414 = vector.broadcast %broadcast_in_dim3A : f32 to vector<16xf32>
      %get3A = arith.constant 0 : i32
      %get3A_415 = arith.index_cast %get3A : i32 to index
      %get3A_416 = arith.constant 0 : index
      %get3A_417 = tpu.vector_load %arg10[%get3A_415, %get3A_416] {strides = array<i32>} : memref<8x128xf32, #tpu.memory_space<vmem>>, vector<1x16xf32>,
      %get3A_418 = vector.shape_cast %get3A_417 : vector<1x16xf32> to vector<16xf32>
      %mul3A_419 = arith.mulf %get3A_418, %get3A_418 : vector<16xf32>
      %add3A_420 = arith.addf %broadcast_in_dim3A_414, %mul3A_419 : vector<16xf32>
      %get3A_421 = arith.constant 0 : i32
      %get3A_422 = arith.index_cast %get3A_421 : i32 to index
      %get3A_423 = arith.constant 16 : index
      %get3A_424 = tpu.vector_load %arg10[%get3A_422, %get3A_423] {strides = array<i32>} : memref<8x128xf32, #tpu.memory_space<vmem>>, vector<1x16xf32>,
      %get3A_425 = vector.shape_cast %get3A_424 : vector<1x16xf32> to vector<16xf32>
      %mul3A_426 = arith.mulf %get3A_425, %get3A_425 : vector<16xf32>
      %add3A_427 = arith.addf %add3A_420, %mul3A_426 : vector<16xf32>
      %get3A_428 = arith.constant 0 : i32
      %get3A_429 = arith.index_cast %get3A_428 : i32 to index
      %get3A_430 = arith.constant 32 : index
      %get3A_431 = tpu.vector_load %arg10[%get3A_429, %get3A_430] {strides = array<i32>} : memref<8x128xf32, #tpu.memory_space<vmem>>, vector<1x16xf32>,
      %get3A_432 = vector.shape_cast %get3A_431 : vector<1x16xf32> to vector<16xf32>
      %mul3A_433 = arith.mulf %get3A_432, %get3A_432 : vector<16xf32>
      %add3A_434 = arith.addf %add3A_427, %mul3A_433 : vector<16xf32>
      %get3A_435 = arith.constant 0 : i32
      %get3A_436 = arith.index_cast %get3A_435 : i32 to index
      %get3A_437 = arith.constant 48 : index
      %get3A_438 = tpu.vector_load %arg10[%get3A_436, %get3A_437] {strides = array<i32>} : memref<8x128xf32, #tpu.memory_space<vmem>>, vector<1x16xf32>,
      %get3A_439 = vector.shape_cast %get3A_438 : vector<1x16xf32> to vector<16xf32>
      %mul3A_440 = arith.mulf %get3A_439, %get3A_439 : vector<16xf32>
      %add3A_441 = arith.addf %add3A_434, %mul3A_440 : vector<16xf32>
      %get3A_442 = arith.constant 0 : i32
      %get3A_443 = arith.index_cast %get3A_442 : i32 to index
      %get3A_444 = arith.constant 64 : index
      %get3A_445 = tpu.vector_load %arg10[%get3A_443, %get3A_444] {strides = array<i32>} : memref<8x128xf32, #tpu.memory_space<vmem>>, vector<1x16xf32>,
      %get3A_446 = vector.shape_cast %get3A_445 : vector<1x16xf32> to vector<16xf32>
      %mul3A_447 = arith.mulf %get3A_446, %get3A_446 : vector<16xf32>
      %add3A_448 = arith.addf %add3A_441, %mul3A_447 : vector<16xf32>
      %get3A_449 = arith.constant 0 : i32
      %get3A_450 = arith.index_cast %get3A_449 : i32 to index
      %get3A_451 = arith.constant 80 : index
      %get3A_452 = tpu.vector_load %arg10[%get3A_450, %get3A_451] {strides = array<i32>} : memref<8x128xf32, #tpu.memory_space<vmem>>, vector<1x16xf32>,
      %get3A_453 = vector.shape_cast %get3A_452 : vector<1x16xf32> to vector<16xf32>
      %mul3A_454 = arith.mulf %get3A_453, %get3A_453 : vector<16xf32>
      %add3A_455 = arith.addf %add3A_448, %mul3A_454 : vector<16xf32>
      %get3A_456 = arith.constant 0 : i32
      %get3A_457 = arith.index_cast %get3A_456 : i32 to index
      %get3A_458 = arith.constant 96 : index
      %get3A_459 = tpu.vector_load %arg10[%get3A_457, %get3A_458] {strides = array<i32>} : memref<8x128xf32, #tpu.memory_space<vmem>>, vector<1x16xf32>,
      %get3A_460 = vector.shape_cast %get3A_459 : vector<1x16xf32> to vector<16xf32>
      %mul3A_461 = arith.mulf %get3A_460, %get3A_460 : vector<16xf32>
      %add3A_462 = arith.addf %add3A_455, %mul3A_461 : vector<16xf32>
      %get3A_463 = arith.constant 0 : i32
      %get3A_464 = arith.index_cast %get3A_463 : i32 to index
      %get3A_465 = arith.constant 112 : index
      %get3A_466 = tpu.vector_load %arg10[%get3A_464, %get3A_465] {strides = array<i32>} : memref<8x128xf32, #tpu.memory_space<vmem>>, vector<1x16xf32>,
      %get3A_467 = vector.shape_cast %get3A_466 : vector<1x16xf32> to vector<16xf32>
      %mul3A_468 = arith.mulf %get3A_467, %get3A_467 : vector<16xf32>
      %add3A_469 = arith.addf %add3A_462, %mul3A_468 : vector<16xf32>
      %swap3A = arith.constant 0 : index
      %swap3A_470 = tpu.vector_load %arg11[%swap3A] {strides = array<i32>} : memref<32xf32, #tpu.memory_space<vmem>>, vector<16xf32>,
      %swap3A_471 = vector.shape_cast %swap3A_470 : vector<16xf32> to vector<16xf32>
      %swap3A_472 = vector.shape_cast %add3A_469 : vector<16xf32> to vector<16xf32>
      tpu.vector_store %arg11[%swap3A], %swap3A_472 {strides = array<i32>} : memref<32xf32, #tpu.memory_space<vmem>>, vector<16xf32>,
      %swap3A_473 = arith.constant 16 : index
      %swap3A_474 = tpu.vector_load %arg11[%swap3A_473] {strides = array<i32>} : memref<32xf32, #tpu.memory_space<vmem>>, vector<16xf32>,
      %swap3A_475 = vector.shape_cast %swap3A_474 : vector<16xf32> to vector<16xf32>
      %swap3A_476 = vector.shape_cast %add3A_469 : vector<16xf32> to vector<16xf32>
      tpu.vector_store %arg11[%swap3A_473], %swap3A_476 {strides = array<i32>} : memref<32xf32, #tpu.memory_space<vmem>>, vector<16xf32>,
      %get3A_477 = arith.constant 8 : index
      %get3A_478 = tpu.vector_load %arg11[%get3A_477] {strides = array<i32>} : memref<32xf32, #tpu.memory_space<vmem>>, vector<16xf32>,
      %get3A_479 = vector.shape_cast %get3A_478 : vector<16xf32> to vector<16xf32>
      %add3A_480 = arith.addf %add3A_469, %get3A_479 : vector<16xf32>
      %swap3A_481 = arith.constant 0 : index
      %swap3A_482 = tpu.vector_load %arg11[%swap3A_481] {strides = array<i32>} : memref<32xf32, #tpu.memory_space<vmem>>, vector<16xf32>,
      %swap3A_483 = vector.shape_cast %swap3A_482 : vector<16xf32> to vector<16xf32>
      %swap3A_484 = vector.shape_cast %add3A_480 : vector<16xf32> to vector<16xf32>
      tpu.vector_store %arg11[%swap3A_481], %swap3A_484 {strides = array<i32>} : memref<32xf32, #tpu.memory_space<vmem>>, vector<16xf32>,
      %swap3A_485 = arith.constant 16 : index
      %swap3A_486 = tpu.vector_load %arg11[%swap3A_485] {strides = array<i32>} : memref<32xf32, #tpu.memory_space<vmem>>, vector<16xf32>,
      %swap3A_487 = vector.shape_cast %swap3A_486 : vector<16xf32> to vector<16xf32>
      %swap3A_488 = vector.shape_cast %add3A_480 : vector<16xf32> to vector<16xf32>
      tpu.vector_store %arg11[%swap3A_485], %swap3A_488 {strides = array<i32>} : memref<32xf32, #tpu.memory_space<vmem>>, vector<16xf32>,
      %get3A_489 = arith.constant 4 : index
      %get3A_490 = tpu.vector_load %arg11[%get3A_489] {strides = array<i32>} : memref<32xf32, #tpu.memory_space<vmem>>, vector<16xf32>,
      %get3A_491 = vector.shape_cast %get3A_490 : vector<16xf32> to vector<16xf32>
      %add3A_492 = arith.addf %add3A_480, %get3A_491 : vector<16xf32>
      %swap3A_493 = arith.constant 0 : index
      %swap3A_494 = tpu.vector_load %arg11[%swap3A_493] {strides = array<i32>} : memref<32xf32, #tpu.memory_space<vmem>>, vector<16xf32>,
      %swap3A_495 = vector.shape_cast %swap3A_494 : vector<16xf32> to vector<16xf32>
      %swap3A_496 = vector.shape_cast %add3A_492 : vector<16xf32> to vector<16xf32>
      tpu.vector_store %arg11[%swap3A_493], %swap3A_496 {strides = array<i32>} : memref<32xf32, #tpu.memory_space<vmem>>, vector<16xf32>,
      %swap3A_497 = arith.constant 16 : index
      %swap3A_498 = tpu.vector_load %arg11[%swap3A_497] {strides = array<i32>} : memref<32xf32, #tpu.memory_space<vmem>>, vector<16xf32>,
      %swap3A_499 = vector.shape_cast %swap3A_498 : vector<16xf32> to vector<16xf32>
      %swap3A_500 = vector.shape_cast %add3A_492 : vector<16xf32> to vector<16xf32>
      tpu.vector_store %arg11[%swap3A_497], %swap3A_500 {strides = array<i32>} : memref<32xf32, #tpu.memory_space<vmem>>, vector<16xf32>,
      %get3A_501 = arith.constant 2 : index
      %get3A_502 = tpu.vector_load %arg11[%get3A_501] {strides = array<i32>} : memref<32xf32, #tpu.memory_space<vmem>>, vector<16xf32>,
      %get3A_503 = vector.shape_cast %get3A_502 : vector<16xf32> to vector<16xf32>
      %add3A_504 = arith.addf %add3A_492, %get3A_503 : vector<16xf32>
      %swap3A_505 = arith.constant 0 : index
      %swap3A_506 = tpu.vector_load %arg11[%swap3A_505] {strides = array<i32>} : memref<32xf32, #tpu.memory_space<vmem>>, vector<16xf32>,
      %swap3A_507 = vector.shape_cast %swap3A_506 : vector<16xf32> to vector<16xf32>
      %swap3A_508 = vector.shape_cast %add3A_504 : vector<16xf32> to vector<16xf32>
      tpu.vector_store %arg11[%swap3A_505], %swap3A_508 {strides = array<i32>} : memref<32xf32, #tpu.memory_space<vmem>>, vector<16xf32>,
      %swap3A_509 = arith.constant 16 : index
      %swap3A_510 = tpu.vector_load %arg11[%swap3A_509] {strides = array<i32>} : memref<32xf32, #tpu.memory_space<vmem>>, vector<16xf32>,
      %swap3A_511 = vector.shape_cast %swap3A_510 : vector<16xf32> to vector<16xf32>
      %swap3A_512 = vector.shape_cast %add3A_504 : vector<16xf32> to vector<16xf32>
      tpu.vector_store %arg11[%swap3A_509], %swap3A_512 {strides = array<i32>} : memref<32xf32, #tpu.memory_space<vmem>>, vector<16xf32>,
      %get3A_513 = arith.constant 1 : index
      %get3A_514 = tpu.vector_load %arg11[%get3A_513] {strides = array<i32>} : memref<32xf32, #tpu.memory_space<vmem>>, vector<16xf32>,
      %get3A_515 = vector.shape_cast %get3A_514 : vector<16xf32> to vector<16xf32>
      %add3A_516 = arith.addf %add3A_504, %get3A_515 : vector<16xf32>
      %broadcast_in_dim3A_517 = arith.constant 1.000000e+00 : f32
      %broadcast_in_dim3A_518 = vector.broadcast %broadcast_in_dim3A_517 : f32 to vector<16xf32>
      %gt3A_519 = arith.constant 1.84467441E+19 : f32
      %gt3A_520 = vector.broadcast %gt3A_519 : f32 to vector<16xf32>
      %gt3A_521 = arith.cmpf ogt, %add3A_516, %gt3A_520 : vector<16xf32>
      %mul3A_522 = arith.constant 5.42101086E-20 : f32
      %mul3A_523 = vector.broadcast %mul3A_522 : f32 to vector<16xf32>
      %mul3A_524 = arith.mulf %add3A_516, %mul3A_523 : vector<16xf32>
      %select_n3A_525 = arith.select %gt3A_521, %mul3A_524, %add3A_516 : vector<16xi1>, vector<16xf32>
      %mul3A_526 = arith.constant 2.32830644E-10 : f32
      %mul3A_527 = vector.broadcast %mul3A_526 : f32 to vector<16xf32>
      %mul3A_528 = arith.mulf %broadcast_in_dim3A_518, %mul3A_527 : vector<16xf32>
      %select_n3A_529 = arith.select %gt3A_521, %mul3A_528, %broadcast_in_dim3A_518 : vector<16xi1>, vector<16xf32>
      %lt3A_530 = arith.constant 5.42101086E-20 : f32
      %lt3A_531 = vector.broadcast %lt3A_530 : f32 to vector<16xf32>
      %lt3A_532 = arith.cmpf olt, %select_n3A_525, %lt3A_531 : vector<16xf32>
      %mul3A_533 = arith.constant 1.84467441E+19 : f32
      %mul3A_534 = vector.broadcast %mul3A_533 : f32 to vector<16xf32>
      %mul3A_535 = arith.mulf %select_n3A_525, %mul3A_534 : vector<16xf32>
      %select_n3A_536 = arith.select %lt3A_532, %mul3A_535, %select_n3A_525 : vector<16xi1>, vector<16xf32>
      %mul3A_537 = arith.constant 4.2949673E+9 : f32
      %mul3A_538 = vector.broadcast %mul3A_537 : f32 to vector<16xf32>
      %mul3A_539 = arith.mulf %select_n3A_529, %mul3A_538 : vector<16xf32>
      %select_n3A_540 = arith.select %lt3A_532, %mul3A_539, %select_n3A_529 : vector<16xi1>, vector<16xf32>
      %gt3A_541 = arith.constant 4.2949673E+9 : f32
      %gt3A_542 = vector.broadcast %gt3A_541 : f32 to vector<16xf32>
      %gt3A_543 = arith.cmpf ogt, %select_n3A_536, %gt3A_542 : vector<16xf32>
      %mul3A_544 = arith.constant 2.32830644E-10 : f32
      %mul3A_545 = vector.broadcast %mul3A_544 : f32 to vector<16xf32>
      %mul3A_546 = arith.mulf %select_n3A_536, %mul3A_545 : vector<16xf32>
      %select_n3A_547 = arith.select %gt3A_543, %mul3A_546, %select_n3A_536 : vector<16xi1>, vector<16xf32>
      %mul3A_548 = arith.constant 1.52587891E-5 : f32
      %mul3A_549 = vector.broadcast %mul3A_548 : f32 to vector<16xf32>
      %mul3A_550 = arith.mulf %select_n3A_540, %mul3A_549 : vector<16xf32>
      %select_n3A_551 = arith.select %gt3A_543, %mul3A_550, %select_n3A_540 : vector<16xi1>, vector<16xf32>
      %lt3A_552 = arith.constant 2.32830644E-10 : f32
      %lt3A_553 = vector.broadcast %lt3A_552 : f32 to vector<16xf32>
      %lt3A_554 = arith.cmpf olt, %select_n3A_547, %lt3A_553 : vector<16xf32>
      %mul3A_555 = arith.constant 4.2949673E+9 : f32
      %mul3A_556 = vector.broadcast %mul3A_555 : f32 to vector<16xf32>
      %mul3A_557 = arith.mulf %select_n3A_547, %mul3A_556 : vector<16xf32>
      %select_n3A_558 = arith.select %lt3A_554, %mul3A_557, %select_n3A_547 : vector<16xi1>, vector<16xf32>
      %mul3A_559 = arith.constant 6.553600e+04 : f32
      %mul3A_560 = vector.broadcast %mul3A_559 : f32 to vector<16xf32>
      %mul3A_561 = arith.mulf %select_n3A_551, %mul3A_560 : vector<16xf32>
      %select_n3A_562 = arith.select %lt3A_554, %mul3A_561, %select_n3A_551 : vector<16xi1>, vector<16xf32>
      %gt3A_563 = arith.constant 6.553600e+04 : f32
      %gt3A_564 = vector.broadcast %gt3A_563 : f32 to vector<16xf32>
      %gt3A_565 = arith.cmpf ogt, %select_n3A_558, %gt3A_564 : vector<16xf32>
      %mul3A_566 = arith.constant 1.52587891E-5 : f32
      %mul3A_567 = vector.broadcast %mul3A_566 : f32 to vector<16xf32>
      %mul3A_568 = arith.mulf %select_n3A_558, %mul3A_567 : vector<16xf32>
      %select_n3A_569 = arith.select %gt3A_565, %mul3A_568, %select_n3A_558 : vector<16xi1>, vector<16xf32>
      %mul3A_570 = arith.constant 3.906250e-03 : f32
      %mul3A_571 = vector.broadcast %mul3A_570 : f32 to vector<16xf32>
      %mul3A_572 = arith.mulf %select_n3A_562, %mul3A_571 : vector<16xf32>
      %select_n3A_573 = arith.select %gt3A_565, %mul3A_572, %select_n3A_562 : vector<16xi1>, vector<16xf32>
      %lt3A_574 = arith.constant 1.52587891E-5 : f32
      %lt3A_575 = vector.broadcast %lt3A_574 : f32 to vector<16xf32>
      %lt3A_576 = arith.cmpf olt, %select_n3A_569, %lt3A_575 : vector<16xf32>
      %mul3A_577 = arith.constant 6.553600e+04 : f32
      %mul3A_578 = vector.broadcast %mul3A_577 : f32 to vector<16xf32>
      %mul3A_579 = arith.mulf %select_n3A_569, %mul3A_578 : vector<16xf32>
      %select_n3A_580 = arith.select %lt3A_576, %mul3A_579, %select_n3A_569 : vector<16xi1>, vector<16xf32>
      %mul3A_581 = arith.constant 2.560000e+02 : f32
      %mul3A_582 = vector.broadcast %mul3A_581 : f32 to vector<16xf32>
      %mul3A_583 = arith.mulf %select_n3A_573, %mul3A_582 : vector<16xf32>
      %select_n3A_584 = arith.select %lt3A_576, %mul3A_583, %select_n3A_573 : vector<16xi1>, vector<16xf32>
      %gt3A_585 = arith.constant 2.560000e+02 : f32
      %gt3A_586 = vector.broadcast %gt3A_585 : f32 to vector<16xf32>
      %gt3A_587 = arith.cmpf ogt, %select_n3A_580, %gt3A_586 : vector<16xf32>
      %mul3A_588 = arith.constant 3.906250e-03 : f32
      %mul3A_589 = vector.broadcast %mul3A_588 : f32 to vector<16xf32>
      %mul3A_590 = arith.mulf %select_n3A_580, %mul3A_589 : vector<16xf32>
      %select_n3A_591 = arith.select %gt3A_587, %mul3A_590, %select_n3A_580 : vector<16xi1>, vector<16xf32>
      %mul3A_592 = arith.constant 6.250000e-02 : f32
      %mul3A_593 = vector.broadcast %mul3A_592 : f32 to vector<16xf32>
      %mul3A_594 = arith.mulf %select_n3A_584, %mul3A_593 : vector<16xf32>
      %select_n3A_595 = arith.select %gt3A_587, %mul3A_594, %select_n3A_584 : vector<16xi1>, vector<16xf32>
      %lt3A_596 = arith.constant 3.906250e-03 : f32
      %lt3A_597 = vector.broadcast %lt3A_596 : f32 to vector<16xf32>
      %lt3A_598 = arith.cmpf olt, %select_n3A_591, %lt3A_597 : vector<16xf32>
      %mul3A_599 = arith.constant 2.560000e+02 : f32
      %mul3A_600 = vector.broadcast %mul3A_599 : f32 to vector<16xf32>
      %mul3A_601 = arith.mulf %select_n3A_591, %mul3A_600 : vector<16xf32>
      %select_n3A_602 = arith.select %lt3A_598, %mul3A_601, %select_n3A_591 : vector<16xi1>, vector<16xf32>
      %mul3A_603 = arith.constant 1.600000e+01 : f32
      %mul3A_604 = vector.broadcast %mul3A_603 : f32 to vector<16xf32>
      %mul3A_605 = arith.mulf %select_n3A_595, %mul3A_604 : vector<16xf32>
      %select_n3A_606 = arith.select %lt3A_598, %mul3A_605, %select_n3A_595 : vector<16xi1>, vector<16xf32>
      %gt3A_607 = arith.constant 1.600000e+01 : f32
      %gt3A_608 = vector.broadcast %gt3A_607 : f32 to vector<16xf32>
      %gt3A_609 = arith.cmpf ogt, %select_n3A_602, %gt3A_608 : vector<16xf32>
      %mul3A_610 = arith.constant 6.250000e-02 : f32
      %mul3A_611 = vector.broadcast %mul3A_610 : f32 to vector<16xf32>
      %mul3A_612 = arith.mulf %select_n3A_602, %mul3A_611 : vector<16xf32>
      %select_n3A_613 = arith.select %gt3A_609, %mul3A_612, %select_n3A_602 : vector<16xi1>, vector<16xf32>
      %mul3A_614 = arith.constant 2.500000e-01 : f32
      %mul3A_615 = vector.broadcast %mul3A_614 : f32 to vector<16xf32>
      %mul3A_616 = arith.mulf %select_n3A_606, %mul3A_615 : vector<16xf32>
      %select_n3A_617 = arith.select %gt3A_609, %mul3A_616, %select_n3A_606 : vector<16xi1>, vector<16xf32>
      %lt3A_618 = arith.constant 6.250000e-02 : f32
      %lt3A_619 = vector.broadcast %lt3A_618 : f32 to vector<16xf32>
      %lt3A_620 = arith.cmpf olt, %select_n3A_613, %lt3A_619 : vector<16xf32>
      %mul3A_621 = arith.constant 1.600000e+01 : f32
      %mul3A_622 = vector.broadcast %mul3A_621 : f32 to vector<16xf32>
      %mul3A_623 = arith.mulf %select_n3A_613, %mul3A_622 : vector<16xf32>
      %select_n3A_624 = arith.select %lt3A_620, %mul3A_623, %select_n3A_613 : vector<16xi1>, vector<16xf32>
      %mul3A_625 = arith.constant 4.000000e+00 : f32
      %mul3A_626 = vector.broadcast %mul3A_625 : f32 to vector<16xf32>
      %mul3A_627 = arith.mulf %select_n3A_617, %mul3A_626 : vector<16xf32>
      %select_n3A_628 = arith.select %lt3A_620, %mul3A_627, %select_n3A_617 : vector<16xi1>, vector<16xf32>
      %gt3A_629 = arith.constant 2.000000e+00 : f32
      %gt3A_630 = vector.broadcast %gt3A_629 : f32 to vector<16xf32>
      %gt3A_631 = arith.cmpf ogt, %select_n3A_624, %gt3A_630 : vector<16xf32>
      %mul3A_632 = arith.constant 2.500000e-01 : f32
      %mul3A_633 = vector.broadcast %mul3A_632 : f32 to vector<16xf32>
      %mul3A_634 = arith.mulf %select_n3A_624, %mul3A_633 : vector<16xf32>
      %select_n3A_635 = arith.select %gt3A_631, %mul3A_634, %select_n3A_624 : vector<16xi1>, vector<16xf32>
      %mul3A_636 = arith.constant 5.000000e-01 : f32
      %mul3A_637 = vector.broadcast %mul3A_636 : f32 to vector<16xf32>
      %mul3A_638 = arith.mulf %select_n3A_628, %mul3A_637 : vector<16xf32>
      %select_n3A_639 = arith.select %gt3A_631, %mul3A_638, %select_n3A_628 : vector<16xi1>, vector<16xf32>
      %lt3A_640 = arith.constant 5.000000e-01 : f32
      %lt3A_641 = vector.broadcast %lt3A_640 : f32 to vector<16xf32>
      %lt3A_642 = arith.cmpf olt, %select_n3A_635, %lt3A_641 : vector<16xf32>
      %mul3A_643 = arith.constant 4.000000e+00 : f32
      %mul3A_644 = vector.broadcast %mul3A_643 : f32 to vector<16xf32>
      %mul3A_645 = arith.mulf %select_n3A_635, %mul3A_644 : vector<16xf32>
      %select_n3A_646 = arith.select %lt3A_642, %mul3A_645, %select_n3A_635 : vector<16xi1>, vector<16xf32>
      %mul3A_647 = arith.constant 2.000000e+00 : f32
      %mul3A_648 = vector.broadcast %mul3A_647 : f32 to vector<16xf32>
      %mul3A_649 = arith.mulf %select_n3A_639, %mul3A_648 : vector<16xf32>
      %select_n3A_650 = arith.select %lt3A_642, %mul3A_649, %select_n3A_639 : vector<16xi1>, vector<16xf32>
      %gt3A_651 = arith.constant 2.000000e+00 : f32
      %gt3A_652 = vector.broadcast %gt3A_651 : f32 to vector<16xf32>
      %gt3A_653 = arith.cmpf ogt, %select_n3A_646, %gt3A_652 : vector<16xf32>
      %mul3A_654 = arith.constant 2.500000e-01 : f32
      %mul3A_655 = vector.broadcast %mul3A_654 : f32 to vector<16xf32>
      %mul3A_656 = arith.mulf %select_n3A_646, %mul3A_655 : vector<16xf32>
      %select_n3A_657 = arith.select %gt3A_653, %mul3A_656, %select_n3A_646 : vector<16xi1>, vector<16xf32>
      %mul3A_658 = arith.constant 5.000000e-01 : f32
      %mul3A_659 = vector.broadcast %mul3A_658 : f32 to vector<16xf32>
      %mul3A_660 = arith.mulf %select_n3A_650, %mul3A_659 : vector<16xf32>
      %select_n3A_661 = arith.select %gt3A_653, %mul3A_660, %select_n3A_650 : vector<16xi1>, vector<16xf32>
      %lt3A_662 = arith.constant 5.000000e-01 : f32
      %lt3A_663 = vector.broadcast %lt3A_662 : f32 to vector<16xf32>
      %lt3A_664 = arith.cmpf olt, %select_n3A_657, %lt3A_663 : vector<16xf32>
      %mul3A_665 = arith.constant 4.000000e+00 : f32
      %mul3A_666 = vector.broadcast %mul3A_665 : f32 to vector<16xf32>
      %mul3A_667 = arith.mulf %select_n3A_657, %mul3A_666 : vector<16xf32>
      %select_n3A_668 = arith.select %lt3A_664, %mul3A_667, %select_n3A_657 : vector<16xi1>, vector<16xf32>
      %mul3A_669 = arith.constant 2.000000e+00 : f32
      %mul3A_670 = vector.broadcast %mul3A_669 : f32 to vector<16xf32>
      %mul3A_671 = arith.mulf %select_n3A_661, %mul3A_670 : vector<16xf32>
      %select_n3A_672 = arith.select %lt3A_664, %mul3A_671, %select_n3A_661 : vector<16xi1>, vector<16xf32>
      %gt3A_673 = arith.constant 2.000000e+00 : f32
      %gt3A_674 = vector.broadcast %gt3A_673 : f32 to vector<16xf32>
      %gt3A_675 = arith.cmpf ogt, %select_n3A_668, %gt3A_674 : vector<16xf32>
      %mul3A_676 = arith.constant 2.500000e-01 : f32
      %mul3A_677 = vector.broadcast %mul3A_676 : f32 to vector<16xf32>
      %mul3A_678 = arith.mulf %select_n3A_668, %mul3A_677 : vector<16xf32>
      %select_n3A_679 = arith.select %gt3A_675, %mul3A_678, %select_n3A_668 : vector<16xi1>, vector<16xf32>
      %mul3A_680 = arith.constant 5.000000e-01 : f32
      %mul3A_681 = vector.broadcast %mul3A_680 : f32 to vector<16xf32>
      %mul3A_682 = arith.mulf %select_n3A_672, %mul3A_681 : vector<16xf32>
      %select_n3A_683 = arith.select %gt3A_675, %mul3A_682, %select_n3A_672 : vector<16xi1>, vector<16xf32>
      %lt3A_684 = arith.constant 5.000000e-01 : f32
      %lt3A_685 = vector.broadcast %lt3A_684 : f32 to vector<16xf32>
      %lt3A_686 = arith.cmpf olt, %select_n3A_679, %lt3A_685 : vector<16xf32>
      %mul3A_687 = arith.constant 4.000000e+00 : f32
      %mul3A_688 = vector.broadcast %mul3A_687 : f32 to vector<16xf32>
      %mul3A_689 = arith.mulf %select_n3A_679, %mul3A_688 : vector<16xf32>
      %select_n3A_690 = arith.select %lt3A_686, %mul3A_689, %select_n3A_679 : vector<16xi1>, vector<16xf32>
      %mul3A_691 = arith.constant 2.000000e+00 : f32
      %mul3A_692 = vector.broadcast %mul3A_691 : f32 to vector<16xf32>
      %mul3A_693 = arith.mulf %select_n3A_683, %mul3A_692 : vector<16xf32>
      %select_n3A_694 = arith.select %lt3A_686, %mul3A_693, %select_n3A_683 : vector<16xi1>, vector<16xf32>
      %broadcast_in_dim3A_695 = arith.constant 1.000000e+00 : f32
      %broadcast_in_dim3A_696 = vector.broadcast %broadcast_in_dim3A_695 : f32 to vector<16xf32>
      %mul3A_697 = arith.constant 5.000000e-01 : f32
      %mul3A_698 = vector.broadcast %mul3A_697 : f32 to vector<16xf32>
      %mul3A_699 = arith.mulf %mul3A_698, %select_n3A_690 : vector<16xf32>
      %mul3A_700 = arith.mulf %mul3A_699, %broadcast_in_dim3A_696 : vector<16xf32>
      %mul3A_701 = arith.mulf %mul3A_700, %broadcast_in_dim3A_696 : vector<16xf32>
      %sub3A = arith.constant 1.500000e+00 : f32
      %sub3A_702 = vector.broadcast %sub3A : f32 to vector<16xf32>
      %sub3A_703 = arith.subf %sub3A_702, %mul3A_701 : vector<16xf32>
      %mul3A_704 = arith.mulf %broadcast_in_dim3A_696, %sub3A_703 : vector<16xf32>
      %mul3A_705 = arith.constant 5.000000e-01 : f32
      %mul3A_706 = vector.broadcast %mul3A_705 : f32 to vector<16xf32>
      %mul3A_707 = arith.mulf %mul3A_706, %select_n3A_690 : vector<16xf32>
      %mul3A_708 = arith.mulf %mul3A_707, %mul3A_704 : vector<16xf32>
      %mul3A_709 = arith.mulf %mul3A_708, %mul3A_704 : vector<16xf32>
      %sub3A_710 = arith.constant 1.500000e+00 : f32
      %sub3A_711 = vector.broadcast %sub3A_710 : f32 to vector<16xf32>
      %sub3A_712 = arith.subf %sub3A_711, %mul3A_709 : vector<16xf32>
      %mul3A_713 = arith.mulf %mul3A_704, %sub3A_712 : vector<16xf32>
      %mul3A_714 = arith.constant 5.000000e-01 : f32
      %mul3A_715 = vector.broadcast %mul3A_714 : f32 to vector<16xf32>
      %mul3A_716 = arith.mulf %mul3A_715, %select_n3A_690 : vector<16xf32>
      %mul3A_717 = arith.mulf %mul3A_716, %mul3A_713 : vector<16xf32>
      %mul3A_718 = arith.mulf %mul3A_717, %mul3A_713 : vector<16xf32>
      %sub3A_719 = arith.constant 1.500000e+00 : f32
      %sub3A_720 = vector.broadcast %sub3A_719 : f32 to vector<16xf32>
      %sub3A_721 = arith.subf %sub3A_720, %mul3A_718 : vector<16xf32>
      %mul3A_722 = arith.mulf %mul3A_713, %sub3A_721 : vector<16xf32>
      %mul3A_723 = arith.constant 5.000000e-01 : f32
      %mul3A_724 = vector.broadcast %mul3A_723 : f32 to vector<16xf32>
      %mul3A_725 = arith.mulf %mul3A_724, %select_n3A_690 : vector<16xf32>
      %mul3A_726 = arith.mulf %mul3A_725, %mul3A_722 : vector<16xf32>
      %mul3A_727 = arith.mulf %mul3A_726, %mul3A_722 : vector<16xf32>
      %sub3A_728 = arith.constant 1.500000e+00 : f32
      %sub3A_729 = vector.broadcast %sub3A_728 : f32 to vector<16xf32>
      %sub3A_730 = arith.subf %sub3A_729, %mul3A_727 : vector<16xf32>
      %mul3A_731 = arith.mulf %mul3A_722, %sub3A_730 : vector<16xf32>
      %mul3A_732 = arith.constant 5.000000e-01 : f32
      %mul3A_733 = vector.broadcast %mul3A_732 : f32 to vector<16xf32>
      %mul3A_734 = arith.mulf %mul3A_733, %select_n3A_690 : vector<16xf32>
      %mul3A_735 = arith.mulf %mul3A_734, %mul3A_731 : vector<16xf32>
      %mul3A_736 = arith.mulf %mul3A_735, %mul3A_731 : vector<16xf32>
      %sub3A_737 = arith.constant 1.500000e+00 : f32
      %sub3A_738 = vector.broadcast %sub3A_737 : f32 to vector<16xf32>
      %sub3A_739 = arith.subf %sub3A_738, %mul3A_736 : vector<16xf32>
      %mul3A_740 = arith.mulf %mul3A_731, %sub3A_739 : vector<16xf32>
      %mul3A_741 = arith.constant 5.000000e-01 : f32
      %mul3A_742 = vector.broadcast %mul3A_741 : f32 to vector<16xf32>
      %mul3A_743 = arith.mulf %mul3A_742, %select_n3A_690 : vector<16xf32>
      %mul3A_744 = arith.mulf %mul3A_743, %mul3A_740 : vector<16xf32>
      %mul3A_745 = arith.mulf %mul3A_744, %mul3A_740 : vector<16xf32>
      %sub3A_746 = arith.constant 1.500000e+00 : f32
      %sub3A_747 = vector.broadcast %sub3A_746 : f32 to vector<16xf32>
      %sub3A_748 = arith.subf %sub3A_747, %mul3A_745 : vector<16xf32>
      %mul3A_749 = arith.mulf %mul3A_740, %sub3A_748 : vector<16xf32>
      %mul3A_750 = arith.mulf %mul3A_749, %select_n3A_694 : vector<16xf32>
      %mul3A_751 = arith.mulf %get3A_418, %mul3A_750 : vector<16xf32>
      %swap3A_752 = arith.constant 0 : i32
      %swap3A_753 = arith.index_cast %swap3A_752 : i32 to index
      %swap3A_754 = arith.constant 0 : index
      %swap3A_755 = tpu.vector_load %arg10[%swap3A_753, %swap3A_754] {strides = array<i32>} : memref<8x128xf32, #tpu.memory_space<vmem>>, vector<1x16xf32>,
      %swap3A_756 = vector.shape_cast %swap3A_755 : vector<1x16xf32> to vector<16xf32>
      %swap3A_757 = vector.shape_cast %mul3A_751 : vector<16xf32> to vector<1x16xf32>
      tpu.vector_store %arg10[%swap3A_753, %swap3A_754], %swap3A_757 {strides = array<i32>} : memref<8x128xf32, #tpu.memory_space<vmem>>, vector<1x16xf32>,
      %mul3A_758 = arith.mulf %get3A_425, %mul3A_750 : vector<16xf32>
      %swap3A_759 = arith.constant 0 : i32
      %swap3A_760 = arith.index_cast %swap3A_759 : i32 to index
      %swap3A_761 = arith.constant 16 : index
      %swap3A_762 = tpu.vector_load %arg10[%swap3A_760, %swap3A_761] {strides = array<i32>} : memref<8x128xf32, #tpu.memory_space<vmem>>, vector<1x16xf32>,
      %swap3A_763 = vector.shape_cast %swap3A_762 : vector<1x16xf32> to vector<16xf32>
      %swap3A_764 = vector.shape_cast %mul3A_758 : vector<16xf32> to vector<1x16xf32>
      tpu.vector_store %arg10[%swap3A_760, %swap3A_761], %swap3A_764 {strides = array<i32>} : memref<8x128xf32, #tpu.memory_space<vmem>>, vector<1x16xf32>,
      %mul3A_765 = arith.mulf %get3A_432, %mul3A_750 : vector<16xf32>
      %swap3A_766 = arith.constant 0 : i32
      %swap3A_767 = arith.index_cast %swap3A_766 : i32 to index
      %swap3A_768 = arith.constant 32 : index
      %swap3A_769 = tpu.vector_load %arg10[%swap3A_767, %swap3A_768] {strides = array<i32>} : memref<8x128xf32, #tpu.memory_space<vmem>>, vector<1x16xf32>,
      %swap3A_770 = vector.shape_cast %swap3A_769 : vector<1x16xf32> to vector<16xf32>
      %swap3A_771 = vector.shape_cast %mul3A_765 : vector<16xf32> to vector<1x16xf32>
      tpu.vector_store %arg10[%swap3A_767, %swap3A_768], %swap3A_771 {strides = array<i32>} : memref<8x128xf32, #tpu.memory_space<vmem>>, vector<1x16xf32>,
      %mul3A_772 = arith.mulf %get3A_439, %mul3A_750 : vector<16xf32>
      %swap3A_773 = arith.constant 0 : i32
      %swap3A_774 = arith.index_cast %swap3A_773 : i32 to index
      %swap3A_775 = arith.constant 48 : index
      %swap3A_776 = tpu.vector_load %arg10[%swap3A_774, %swap3A_775] {strides = array<i32>} : memref<8x128xf32, #tpu.memory_space<vmem>>, vector<1x16xf32>,
      %swap3A_777 = vector.shape_cast %swap3A_776 : vector<1x16xf32> to vector<16xf32>
      %swap3A_778 = vector.shape_cast %mul3A_772 : vector<16xf32> to vector<1x16xf32>
      tpu.vector_store %arg10[%swap3A_774, %swap3A_775], %swap3A_778 {strides = array<i32>} : memref<8x128xf32, #tpu.memory_space<vmem>>, vector<1x16xf32>,
      %mul3A_779 = arith.mulf %get3A_446, %mul3A_750 : vector<16xf32>
      %swap3A_780 = arith.constant 0 : i32
      %swap3A_781 = arith.index_cast %swap3A_780 : i32 to index
      %swap3A_782 = arith.constant 64 : index
      %swap3A_783 = tpu.vector_load %arg10[%swap3A_781, %swap3A_782] {strides = array<i32>} : memref<8x128xf32, #tpu.memory_space<vmem>>, vector<1x16xf32>,
      %swap3A_784 = vector.shape_cast %swap3A_783 : vector<1x16xf32> to vector<16xf32>
      %swap3A_785 = vector.shape_cast %mul3A_779 : vector<16xf32> to vector<1x16xf32>
      tpu.vector_store %arg10[%swap3A_781, %swap3A_782], %swap3A_785 {strides = array<i32>} : memref<8x128xf32, #tpu.memory_space<vmem>>, vector<1x16xf32>,
      %mul3A_786 = arith.mulf %get3A_453, %mul3A_750 : vector<16xf32>
      %swap3A_787 = arith.constant 0 : i32
      %swap3A_788 = arith.index_cast %swap3A_787 : i32 to index
      %swap3A_789 = arith.constant 80 : index
      %swap3A_790 = tpu.vector_load %arg10[%swap3A_788, %swap3A_789] {strides = array<i32>} : memref<8x128xf32, #tpu.memory_space<vmem>>, vector<1x16xf32>,
      %swap3A_791 = vector.shape_cast %swap3A_790 : vector<1x16xf32> to vector<16xf32>
      %swap3A_792 = vector.shape_cast %mul3A_786 : vector<16xf32> to vector<1x16xf32>
      tpu.vector_store %arg10[%swap3A_788, %swap3A_789], %swap3A_792 {strides = array<i32>} : memref<8x128xf32, #tpu.memory_space<vmem>>, vector<1x16xf32>,
      %mul3A_793 = arith.mulf %get3A_460, %mul3A_750 : vector<16xf32>
      %swap3A_794 = arith.constant 0 : i32
      %swap3A_795 = arith.index_cast %swap3A_794 : i32 to index
      %swap3A_796 = arith.constant 96 : index
      %swap3A_797 = tpu.vector_load %arg10[%swap3A_795, %swap3A_796] {strides = array<i32>} : memref<8x128xf32, #tpu.memory_space<vmem>>, vector<1x16xf32>,
      %swap3A_798 = vector.shape_cast %swap3A_797 : vector<1x16xf32> to vector<16xf32>
      %swap3A_799 = vector.shape_cast %mul3A_793 : vector<16xf32> to vector<1x16xf32>
      tpu.vector_store %arg10[%swap3A_795, %swap3A_796], %swap3A_799 {strides = array<i32>} : memref<8x128xf32, #tpu.memory_space<vmem>>, vector<1x16xf32>,
      %mul3A_800 = arith.mulf %get3A_467, %mul3A_750 : vector<16xf32>
      %swap3A_801 = arith.constant 0 : i32
      %swap3A_802 = arith.index_cast %swap3A_801 : i32 to index
      %swap3A_803 = arith.constant 112 : index
      %swap3A_804 = tpu.vector_load %arg10[%swap3A_802, %swap3A_803] {strides = array<i32>} : memref<8x128xf32, #tpu.memory_space<vmem>>, vector<1x16xf32>,
      %swap3A_805 = vector.shape_cast %swap3A_804 : vector<1x16xf32> to vector<16xf32>
      %swap3A_806 = vector.shape_cast %mul3A_800 : vector<16xf32> to vector<1x16xf32>
      tpu.vector_store %arg10[%swap3A_802, %swap3A_803], %swap3A_806 {strides = array<i32>} : memref<8x128xf32, #tpu.memory_space<vmem>>, vector<1x16xf32>,
      %broadcast_in_dim3A_807 = arith.constant 0.000000e+00 : f32
      %broadcast_in_dim3A_808 = vector.broadcast %broadcast_in_dim3A_807 : f32 to vector<16xf32>
      %get3A_809 = arith.constant 1 : i32
      %get3A_810 = arith.index_cast %get3A_809 : i32 to index
      %get3A_811 = arith.constant 0 : index
      %get3A_812 = tpu.vector_load %arg10[%get3A_810, %get3A_811] {strides = array<i32>} : memref<8x128xf32, #tpu.memory_space<vmem>>, vector<1x16xf32>,
      %get3A_813 = vector.shape_cast %get3A_812 : vector<1x16xf32> to vector<16xf32>
      %mul3A_814 = arith.mulf %get3A_813, %get3A_813 : vector<16xf32>
      %add3A_815 = arith.addf %broadcast_in_dim3A_808, %mul3A_814 : vector<16xf32>
      %get3A_816 = arith.constant 1 : i32
      %get3A_817 = arith.index_cast %get3A_816 : i32 to index
      %get3A_818 = arith.constant 16 : index
      %get3A_819 = tpu.vector_load %arg10[%get3A_817, %get3A_818] {strides = array<i32>} : memref<8x128xf32, #tpu.memory_space<vmem>>, vector<1x16xf32>,
      %get3A_820 = vector.shape_cast %get3A_819 : vector<1x16xf32> to vector<16xf32>
      %mul3A_821 = arith.mulf %get3A_820, %get3A_820 : vector<16xf32>
      %add3A_822 = arith.addf %add3A_815, %mul3A_821 : vector<16xf32>
      %get3A_823 = arith.constant 1 : i32
      %get3A_824 = arith.index_cast %get3A_823 : i32 to index
      %get3A_825 = arith.constant 32 : index
      %get3A_826 = tpu.vector_load %arg10[%get3A_824, %get3A_825] {strides = array<i32>} : memref<8x128xf32, #tpu.memory_space<vmem>>, vector<1x16xf32>,
      %get3A_827 = vector.shape_cast %get3A_826 : vector<1x16xf32> to vector<16xf32>
      %mul3A_828 = arith.mulf %get3A_827, %get3A_827 : vector<16xf32>
      %add3A_829 = arith.addf %add3A_822, %mul3A_828 : vector<16xf32>
      %get3A_830 = arith.constant 1 : i32
      %get3A_831 = arith.index_cast %get3A_830 : i32 to index
      %get3A_832 = arith.constant 48 : index
      %get3A_833 = tpu.vector_load %arg10[%get3A_831, %get3A_832] {strides = array<i32>} : memref<8x128xf32, #tpu.memory_space<vmem>>, vector<1x16xf32>,
      %get3A_834 = vector.shape_cast %get3A_833 : vector<1x16xf32> to vector<16xf32>
      %mul3A_835 = arith.mulf %get3A_834, %get3A_834 : vector<16xf32>
      %add3A_836 = arith.addf %add3A_829, %mul3A_835 : vector<16xf32>
      %get3A_837 = arith.constant 1 : i32
      %get3A_838 = arith.index_cast %get3A_837 : i32 to index
      %get3A_839 = arith.constant 64 : index
      %get3A_840 = tpu.vector_load %arg10[%get3A_838, %get3A_839] {strides = array<i32>} : memref<8x128xf32, #tpu.memory_space<vmem>>, vector<1x16xf32>,
      %get3A_841 = vector.shape_cast %get3A_840 : vector<1x16xf32> to vector<16xf32>
      %mul3A_842 = arith.mulf %get3A_841, %get3A_841 : vector<16xf32>
      %add3A_843 = arith.addf %add3A_836, %mul3A_842 : vector<16xf32>
      %get3A_844 = arith.constant 1 : i32
      %get3A_845 = arith.index_cast %get3A_844 : i32 to index
      %get3A_846 = arith.constant 80 : index
      %get3A_847 = tpu.vector_load %arg10[%get3A_845, %get3A_846] {strides = array<i32>} : memref<8x128xf32, #tpu.memory_space<vmem>>, vector<1x16xf32>,
      %get3A_848 = vector.shape_cast %get3A_847 : vector<1x16xf32> to vector<16xf32>
      %mul3A_849 = arith.mulf %get3A_848, %get3A_848 : vector<16xf32>
      %add3A_850 = arith.addf %add3A_843, %mul3A_849 : vector<16xf32>
      %get3A_851 = arith.constant 1 : i32
      %get3A_852 = arith.index_cast %get3A_851 : i32 to index
      %get3A_853 = arith.constant 96 : index
      %get3A_854 = tpu.vector_load %arg10[%get3A_852, %get3A_853] {strides = array<i32>} : memref<8x128xf32, #tpu.memory_space<vmem>>, vector<1x16xf32>,
      %get3A_855 = vector.shape_cast %get3A_854 : vector<1x16xf32> to vector<16xf32>
      %mul3A_856 = arith.mulf %get3A_855, %get3A_855 : vector<16xf32>
      %add3A_857 = arith.addf %add3A_850, %mul3A_856 : vector<16xf32>
      %get3A_858 = arith.constant 1 : i32
      %get3A_859 = arith.index_cast %get3A_858 : i32 to index
      %get3A_860 = arith.constant 112 : index
      %get3A_861 = tpu.vector_load %arg10[%get3A_859, %get3A_860] {strides = array<i32>} : memref<8x128xf32, #tpu.memory_space<vmem>>, vector<1x16xf32>,
      %get3A_862 = vector.shape_cast %get3A_861 : vector<1x16xf32> to vector<16xf32>
      %mul3A_863 = arith.mulf %get3A_862, %get3A_862 : vector<16xf32>
      %add3A_864 = arith.addf %add3A_857, %mul3A_863 : vector<16xf32>
      %swap3A_865 = arith.constant 0 : index
      %swap3A_866 = tpu.vector_load %arg11[%swap3A_865] {strides = array<i32>} : memref<32xf32, #tpu.memory_space<vmem>>, vector<16xf32>,
      %swap3A_867 = vector.shape_cast %swap3A_866 : vector<16xf32> to vector<16xf32>
      %swap3A_868 = vector.shape_cast %add3A_864 : vector<16xf32> to vector<16xf32>
      tpu.vector_store %arg11[%swap3A_865], %swap3A_868 {strides = array<i32>} : memref<32xf32, #tpu.memory_space<vmem>>, vector<16xf32>,
      %swap3A_869 = arith.constant 16 : index
      %swap3A_870 = tpu.vector_load %arg11[%swap3A_869] {strides = array<i32>} : memref<32xf32, #tpu.memory_space<vmem>>, vector<16xf32>,
      %swap3A_871 = vector.shape_cast %swap3A_870 : vector<16xf32> to vector<16xf32>
      %swap3A_872 = vector.shape_cast %add3A_864 : vector<16xf32> to vector<16xf32>
      tpu.vector_store %arg11[%swap3A_869], %swap3A_872 {strides = array<i32>} : memref<32xf32, #tpu.memory_space<vmem>>, vector<16xf32>,
      %get3A_873 = arith.constant 8 : index
      %get3A_874 = tpu.vector_load %arg11[%get3A_873] {strides = array<i32>} : memref<32xf32, #tpu.memory_space<vmem>>, vector<16xf32>,
      %get3A_875 = vector.shape_cast %get3A_874 : vector<16xf32> to vector<16xf32>
      %add3A_876 = arith.addf %add3A_864, %get3A_875 : vector<16xf32>
      %swap3A_877 = arith.constant 0 : index
      %swap3A_878 = tpu.vector_load %arg11[%swap3A_877] {strides = array<i32>} : memref<32xf32, #tpu.memory_space<vmem>>, vector<16xf32>,
      %swap3A_879 = vector.shape_cast %swap3A_878 : vector<16xf32> to vector<16xf32>
      %swap3A_880 = vector.shape_cast %add3A_876 : vector<16xf32> to vector<16xf32>
      tpu.vector_store %arg11[%swap3A_877], %swap3A_880 {strides = array<i32>} : memref<32xf32, #tpu.memory_space<vmem>>, vector<16xf32>,
      %swap3A_881 = arith.constant 16 : index
      %swap3A_882 = tpu.vector_load %arg11[%swap3A_881] {strides = array<i32>} : memref<32xf32, #tpu.memory_space<vmem>>, vector<16xf32>,
      %swap3A_883 = vector.shape_cast %swap3A_882 : vector<16xf32> to vector<16xf32>
      %swap3A_884 = vector.shape_cast %add3A_876 : vector<16xf32> to vector<16xf32>
      tpu.vector_store %arg11[%swap3A_881], %swap3A_884 {strides = array<i32>} : memref<32xf32, #tpu.memory_space<vmem>>, vector<16xf32>,
      %get3A_885 = arith.constant 4 : index
      %get3A_886 = tpu.vector_load %arg11[%get3A_885] {strides = array<i32>} : memref<32xf32, #tpu.memory_space<vmem>>, vector<16xf32>,
      %get3A_887 = vector.shape_cast %get3A_886 : vector<16xf32> to vector<16xf32>
      %add3A_888 = arith.addf %add3A_876, %get3A_887 : vector<16xf32>
      %swap3A_889 = arith.constant 0 : index
      %swap3A_890 = tpu.vector_load %arg11[%swap3A_889] {strides = array<i32>} : memref<32xf32, #tpu.memory_space<vmem>>, vector<16xf32>,
      %swap3A_891 = vector.shape_cast %swap3A_890 : vector<16xf32> to vector<16xf32>
      %swap3A_892 = vector.shape_cast %add3A_888 : vector<16xf32> to vector<16xf32>
      tpu.vector_store %arg11[%swap3A_889], %swap3A_892 {strides = array<i32>} : memref<32xf32, #tpu.memory_space<vmem>>, vector<16xf32>,
      %swap3A_893 = arith.constant 16 : index
      %swap3A_894 = tpu.vector_load %arg11[%swap3A_893] {strides = array<i32>} : memref<32xf32, #tpu.memory_space<vmem>>, vector<16xf32>,
      %swap3A_895 = vector.shape_cast %swap3A_894 : vector<16xf32> to vector<16xf32>
      %swap3A_896 = vector.shape_cast %add3A_888 : vector<16xf32> to vector<16xf32>
      tpu.vector_store %arg11[%swap3A_893], %swap3A_896 {strides = array<i32>} : memref<32xf32, #tpu.memory_space<vmem>>, vector<16xf32>,
      %get3A_897 = arith.constant 2 : index
      %get3A_898 = tpu.vector_load %arg11[%get3A_897] {strides = array<i32>} : memref<32xf32, #tpu.memory_space<vmem>>, vector<16xf32>,
      %get3A_899 = vector.shape_cast %get3A_898 : vector<16xf32> to vector<16xf32>
      %add3A_900 = arith.addf %add3A_888, %get3A_899 : vector<16xf32>
      %swap3A_901 = arith.constant 0 : index
      %swap3A_902 = tpu.vector_load %arg11[%swap3A_901] {strides = array<i32>} : memref<32xf32, #tpu.memory_space<vmem>>, vector<16xf32>,
      %swap3A_903 = vector.shape_cast %swap3A_902 : vector<16xf32> to vector<16xf32>
      %swap3A_904 = vector.shape_cast %add3A_900 : vector<16xf32> to vector<16xf32>
      tpu.vector_store %arg11[%swap3A_901], %swap3A_904 {strides = array<i32>} : memref<32xf32, #tpu.memory_space<vmem>>, vector<16xf32>,
      %swap3A_905 = arith.constant 16 : index
      %swap3A_906 = tpu.vector_load %arg11[%swap3A_905] {strides = array<i32>} : memref<32xf32, #tpu.memory_space<vmem>>, vector<16xf32>,
      %swap3A_907 = vector.shape_cast %swap3A_906 : vector<16xf32> to vector<16xf32>
      %swap3A_908 = vector.shape_cast %add3A_900 : vector<16xf32> to vector<16xf32>
      tpu.vector_store %arg11[%swap3A_905], %swap3A_908 {strides = array<i32>} : memref<32xf32, #tpu.memory_space<vmem>>, vector<16xf32>,
      %get3A_909 = arith.constant 1 : index
      %get3A_910 = tpu.vector_load %arg11[%get3A_909] {strides = array<i32>} : memref<32xf32, #tpu.memory_space<vmem>>, vector<16xf32>,
      %get3A_911 = vector.shape_cast %get3A_910 : vector<16xf32> to vector<16xf32>
      %add3A_912 = arith.addf %add3A_900, %get3A_911 : vector<16xf32>
      %broadcast_in_dim3A_913 = arith.constant 1.000000e+00 : f32
      %broadcast_in_dim3A_914 = vector.broadcast %broadcast_in_dim3A_913 : f32 to vector<16xf32>
      %gt3A_915 = arith.constant 1.84467441E+19 : f32
      %gt3A_916 = vector.broadcast %gt3A_915 : f32 to vector<16xf32>
      %gt3A_917 = arith.cmpf ogt, %add3A_912, %gt3A_916 : vector<16xf32>
      %mul3A_918 = arith.constant 5.42101086E-20 : f32
      %mul3A_919 = vector.broadcast %mul3A_918 : f32 to vector<16xf32>
      %mul3A_920 = arith.mulf %add3A_912, %mul3A_919 : vector<16xf32>
      %select_n3A_921 = arith.select %gt3A_917, %mul3A_920, %add3A_912 : vector<16xi1>, vector<16xf32>
      %mul3A_922 = arith.constant 2.32830644E-10 : f32
      %mul3A_923 = vector.broadcast %mul3A_922 : f32 to vector<16xf32>
      %mul3A_924 = arith.mulf %broadcast_in_dim3A_914, %mul3A_923 : vector<16xf32>
      %select_n3A_925 = arith.select %gt3A_917, %mul3A_924, %broadcast_in_dim3A_914 : vector<16xi1>, vector<16xf32>
      %lt3A_926 = arith.constant 5.42101086E-20 : f32
      %lt3A_927 = vector.broadcast %lt3A_926 : f32 to vector<16xf32>
      %lt3A_928 = arith.cmpf olt, %select_n3A_921, %lt3A_927 : vector<16xf32>
      %mul3A_929 = arith.constant 1.84467441E+19 : f32
      %mul3A_930 = vector.broadcast %mul3A_929 : f32 to vector<16xf32>
      %mul3A_931 = arith.mulf %select_n3A_921, %mul3A_930 : vector<16xf32>
      %select_n3A_932 = arith.select %lt3A_928, %mul3A_931, %select_n3A_921 : vector<16xi1>, vector<16xf32>
      %mul3A_933 = arith.constant 4.2949673E+9 : f32
      %mul3A_934 = vector.broadcast %mul3A_933 : f32 to vector<16xf32>
      %mul3A_935 = arith.mulf %select_n3A_925, %mul3A_934 : vector<16xf32>
      %select_n3A_936 = arith.select %lt3A_928, %mul3A_935, %select_n3A_925 : vector<16xi1>, vector<16xf32>
      %gt3A_937 = arith.constant 4.2949673E+9 : f32
      %gt3A_938 = vector.broadcast %gt3A_937 : f32 to vector<16xf32>
      %gt3A_939 = arith.cmpf ogt, %select_n3A_932, %gt3A_938 : vector<16xf32>
      %mul3A_940 = arith.constant 2.32830644E-10 : f32
      %mul3A_941 = vector.broadcast %mul3A_940 : f32 to vector<16xf32>
      %mul3A_942 = arith.mulf %select_n3A_932, %mul3A_941 : vector<16xf32>
      %select_n3A_943 = arith.select %gt3A_939, %mul3A_942, %select_n3A_932 : vector<16xi1>, vector<16xf32>
      %mul3A_944 = arith.constant 1.52587891E-5 : f32
      %mul3A_945 = vector.broadcast %mul3A_944 : f32 to vector<16xf32>
      %mul3A_946 = arith.mulf %select_n3A_936, %mul3A_945 : vector<16xf32>
      %select_n3A_947 = arith.select %gt3A_939, %mul3A_946, %select_n3A_936 : vector<16xi1>, vector<16xf32>
      %lt3A_948 = arith.constant 2.32830644E-10 : f32
      %lt3A_949 = vector.broadcast %lt3A_948 : f32 to vector<16xf32>
      %lt3A_950 = arith.cmpf olt, %select_n3A_943, %lt3A_949 : vector<16xf32>
      %mul3A_951 = arith.constant 4.2949673E+9 : f32
      %mul3A_952 = vector.broadcast %mul3A_951 : f32 to vector<16xf32>
      %mul3A_953 = arith.mulf %select_n3A_943, %mul3A_952 : vector<16xf32>
      %select_n3A_954 = arith.select %lt3A_950, %mul3A_953, %select_n3A_943 : vector<16xi1>, vector<16xf32>
      %mul3A_955 = arith.constant 6.553600e+04 : f32
      %mul3A_956 = vector.broadcast %mul3A_955 : f32 to vector<16xf32>
      %mul3A_957 = arith.mulf %select_n3A_947, %mul3A_956 : vector<16xf32>
      %select_n3A_958 = arith.select %lt3A_950, %mul3A_957, %select_n3A_947 : vector<16xi1>, vector<16xf32>
      %gt3A_959 = arith.constant 6.553600e+04 : f32
      %gt3A_960 = vector.broadcast %gt3A_959 : f32 to vector<16xf32>
      %gt3A_961 = arith.cmpf ogt, %select_n3A_954, %gt3A_960 : vector<16xf32>
      %mul3A_962 = arith.constant 1.52587891E-5 : f32
      %mul3A_963 = vector.broadcast %mul3A_962 : f32 to vector<16xf32>
      %mul3A_964 = arith.mulf %select_n3A_954, %mul3A_963 : vector<16xf32>
      %select_n3A_965 = arith.select %gt3A_961, %mul3A_964, %select_n3A_954 : vector<16xi1>, vector<16xf32>
      %mul3A_966 = arith.constant 3.906250e-03 : f32
      %mul3A_967 = vector.broadcast %mul3A_966 : f32 to vector<16xf32>
      %mul3A_968 = arith.mulf %select_n3A_958, %mul3A_967 : vector<16xf32>
      %select_n3A_969 = arith.select %gt3A_961, %mul3A_968, %select_n3A_958 : vector<16xi1>, vector<16xf32>
      %lt3A_970 = arith.constant 1.52587891E-5 : f32
      %lt3A_971 = vector.broadcast %lt3A_970 : f32 to vector<16xf32>
      %lt3A_972 = arith.cmpf olt, %select_n3A_965, %lt3A_971 : vector<16xf32>
      %mul3A_973 = arith.constant 6.553600e+04 : f32
      %mul3A_974 = vector.broadcast %mul3A_973 : f32 to vector<16xf32>
      %mul3A_975 = arith.mulf %select_n3A_965, %mul3A_974 : vector<16xf32>
      %select_n3A_976 = arith.select %lt3A_972, %mul3A_975, %select_n3A_965 : vector<16xi1>, vector<16xf32>
      %mul3A_977 = arith.constant 2.560000e+02 : f32
      %mul3A_978 = vector.broadcast %mul3A_977 : f32 to vector<16xf32>
      %mul3A_979 = arith.mulf %select_n3A_969, %mul3A_978 : vector<16xf32>
      %select_n3A_980 = arith.select %lt3A_972, %mul3A_979, %select_n3A_969 : vector<16xi1>, vector<16xf32>
      %gt3A_981 = arith.constant 2.560000e+02 : f32
      %gt3A_982 = vector.broadcast %gt3A_981 : f32 to vector<16xf32>
      %gt3A_983 = arith.cmpf ogt, %select_n3A_976, %gt3A_982 : vector<16xf32>
      %mul3A_984 = arith.constant 3.906250e-03 : f32
      %mul3A_985 = vector.broadcast %mul3A_984 : f32 to vector<16xf32>
      %mul3A_986 = arith.mulf %select_n3A_976, %mul3A_985 : vector<16xf32>
      %select_n3A_987 = arith.select %gt3A_983, %mul3A_986, %select_n3A_976 : vector<16xi1>, vector<16xf32>
      %mul3A_988 = arith.constant 6.250000e-02 : f32
      %mul3A_989 = vector.broadcast %mul3A_988 : f32 to vector<16xf32>
      %mul3A_990 = arith.mulf %select_n3A_980, %mul3A_989 : vector<16xf32>
      %select_n3A_991 = arith.select %gt3A_983, %mul3A_990, %select_n3A_980 : vector<16xi1>, vector<16xf32>
      %lt3A_992 = arith.constant 3.906250e-03 : f32
      %lt3A_993 = vector.broadcast %lt3A_992 : f32 to vector<16xf32>
      %lt3A_994 = arith.cmpf olt, %select_n3A_987, %lt3A_993 : vector<16xf32>
      %mul3A_995 = arith.constant 2.560000e+02 : f32
      %mul3A_996 = vector.broadcast %mul3A_995 : f32 to vector<16xf32>
      %mul3A_997 = arith.mulf %select_n3A_987, %mul3A_996 : vector<16xf32>
      %select_n3A_998 = arith.select %lt3A_994, %mul3A_997, %select_n3A_987 : vector<16xi1>, vector<16xf32>
      %mul3A_999 = arith.constant 1.600000e+01 : f32
      %mul3A_1000 = vector.broadcast %mul3A_999 : f32 to vector<16xf32>
      %mul3A_1001 = arith.mulf %select_n3A_991, %mul3A_1000 : vector<16xf32>
      %select_n3A_1002 = arith.select %lt3A_994, %mul3A_1001, %select_n3A_991 : vector<16xi1>, vector<16xf32>
      %gt3A_1003 = arith.constant 1.600000e+01 : f32
      %gt3A_1004 = vector.broadcast %gt3A_1003 : f32 to vector<16xf32>
      %gt3A_1005 = arith.cmpf ogt, %select_n3A_998, %gt3A_1004 : vector<16xf32>
      %mul3A_1006 = arith.constant 6.250000e-02 : f32
      %mul3A_1007 = vector.broadcast %mul3A_1006 : f32 to vector<16xf32>
      %mul3A_1008 = arith.mulf %select_n3A_998, %mul3A_1007 : vector<16xf32>
      %select_n3A_1009 = arith.select %gt3A_1005, %mul3A_1008, %select_n3A_998 : vector<16xi1>, vector<16xf32>
      %mul3A_1010 = arith.constant 2.500000e-01 : f32
      %mul3A_1011 = vector.broadcast %mul3A_1010 : f32 to vector<16xf32>
      %mul3A_1012 = arith.mulf %select_n3A_1002, %mul3A_1011 : vector<16xf32>
      %select_n3A_1013 = arith.select %gt3A_1005, %mul3A_1012, %select_n3A_1002 : vector<16xi1>, vector<16xf32>
      %lt3A_1014 = arith.constant 6.250000e-02 : f32
      %lt3A_1015 = vector.broadcast %lt3A_1014 : f32 to vector<16xf32>
      %lt3A_1016 = arith.cmpf olt, %select_n3A_1009, %lt3A_1015 : vector<16xf32>
      %mul3A_1017 = arith.constant 1.600000e+01 : f32
      %mul3A_1018 = vector.broadcast %mul3A_1017 : f32 to vector<16xf32>
      %mul3A_1019 = arith.mulf %select_n3A_1009, %mul3A_1018 : vector<16xf32>
      %select_n3A_1020 = arith.select %lt3A_1016, %mul3A_1019, %select_n3A_1009 : vector<16xi1>, vector<16xf32>
      %mul3A_1021 = arith.constant 4.000000e+00 : f32
      %mul3A_1022 = vector.broadcast %mul3A_1021 : f32 to vector<16xf32>
      %mul3A_1023 = arith.mulf %select_n3A_1013, %mul3A_1022 : vector<16xf32>
      %select_n3A_1024 = arith.select %lt3A_1016, %mul3A_1023, %select_n3A_1013 : vector<16xi1>, vector<16xf32>
      %gt3A_1025 = arith.constant 2.000000e+00 : f32
      %gt3A_1026 = vector.broadcast %gt3A_1025 : f32 to vector<16xf32>
      %gt3A_1027 = arith.cmpf ogt, %select_n3A_1020, %gt3A_1026 : vector<16xf32>
      %mul3A_1028 = arith.constant 2.500000e-01 : f32
      %mul3A_1029 = vector.broadcast %mul3A_1028 : f32 to vector<16xf32>
      %mul3A_1030 = arith.mulf %select_n3A_1020, %mul3A_1029 : vector<16xf32>
      %select_n3A_1031 = arith.select %gt3A_1027, %mul3A_1030, %select_n3A_1020 : vector<16xi1>, vector<16xf32>
      %mul3A_1032 = arith.constant 5.000000e-01 : f32
      %mul3A_1033 = vector.broadcast %mul3A_1032 : f32 to vector<16xf32>
      %mul3A_1034 = arith.mulf %select_n3A_1024, %mul3A_1033 : vector<16xf32>
      %select_n3A_1035 = arith.select %gt3A_1027, %mul3A_1034, %select_n3A_1024 : vector<16xi1>, vector<16xf32>
      %lt3A_1036 = arith.constant 5.000000e-01 : f32
      %lt3A_1037 = vector.broadcast %lt3A_1036 : f32 to vector<16xf32>
      %lt3A_1038 = arith.cmpf olt, %select_n3A_1031, %lt3A_1037 : vector<16xf32>
      %mul3A_1039 = arith.constant 4.000000e+00 : f32
      %mul3A_1040 = vector.broadcast %mul3A_1039 : f32 to vector<16xf32>
      %mul3A_1041 = arith.mulf %select_n3A_1031, %mul3A_1040 : vector<16xf32>
      %select_n3A_1042 = arith.select %lt3A_1038, %mul3A_1041, %select_n3A_1031 : vector<16xi1>, vector<16xf32>
      %mul3A_1043 = arith.constant 2.000000e+00 : f32
      %mul3A_1044 = vector.broadcast %mul3A_1043 : f32 to vector<16xf32>
      %mul3A_1045 = arith.mulf %select_n3A_1035, %mul3A_1044 : vector<16xf32>
      %select_n3A_1046 = arith.select %lt3A_1038, %mul3A_1045, %select_n3A_1035 : vector<16xi1>, vector<16xf32>
      %gt3A_1047 = arith.constant 2.000000e+00 : f32
      %gt3A_1048 = vector.broadcast %gt3A_1047 : f32 to vector<16xf32>
      %gt3A_1049 = arith.cmpf ogt, %select_n3A_1042, %gt3A_1048 : vector<16xf32>
      %mul3A_1050 = arith.constant 2.500000e-01 : f32
      %mul3A_1051 = vector.broadcast %mul3A_1050 : f32 to vector<16xf32>
      %mul3A_1052 = arith.mulf %select_n3A_1042, %mul3A_1051 : vector<16xf32>
      %select_n3A_1053 = arith.select %gt3A_1049, %mul3A_1052, %select_n3A_1042 : vector<16xi1>, vector<16xf32>
      %mul3A_1054 = arith.constant 5.000000e-01 : f32
      %mul3A_1055 = vector.broadcast %mul3A_1054 : f32 to vector<16xf32>
      %mul3A_1056 = arith.mulf %select_n3A_1046, %mul3A_1055 : vector<16xf32>
      %select_n3A_1057 = arith.select %gt3A_1049, %mul3A_1056, %select_n3A_1046 : vector<16xi1>, vector<16xf32>
      %lt3A_1058 = arith.constant 5.000000e-01 : f32
      %lt3A_1059 = vector.broadcast %lt3A_1058 : f32 to vector<16xf32>
      %lt3A_1060 = arith.cmpf olt, %select_n3A_1053, %lt3A_1059 : vector<16xf32>
      %mul3A_1061 = arith.constant 4.000000e+00 : f32
      %mul3A_1062 = vector.broadcast %mul3A_1061 : f32 to vector<16xf32>
      %mul3A_1063 = arith.mulf %select_n3A_1053, %mul3A_1062 : vector<16xf32>
      %select_n3A_1064 = arith.select %lt3A_1060, %mul3A_1063, %select_n3A_1053 : vector<16xi1>, vector<16xf32>
      %mul3A_1065 = arith.constant 2.000000e+00 : f32
      %mul3A_1066 = vector.broadcast %mul3A_1065 : f32 to vector<16xf32>
      %mul3A_1067 = arith.mulf %select_n3A_1057, %mul3A_1066 : vector<16xf32>
      %select_n3A_1068 = arith.select %lt3A_1060, %mul3A_1067, %select_n3A_1057 : vector<16xi1>, vector<16xf32>
      %gt3A_1069 = arith.constant 2.000000e+00 : f32
      %gt3A_1070 = vector.broadcast %gt3A_1069 : f32 to vector<16xf32>
      %gt3A_1071 = arith.cmpf ogt, %select_n3A_1064, %gt3A_1070 : vector<16xf32>
      %mul3A_1072 = arith.constant 2.500000e-01 : f32
      %mul3A_1073 = vector.broadcast %mul3A_1072 : f32 to vector<16xf32>
      %mul3A_1074 = arith.mulf %select_n3A_1064, %mul3A_1073 : vector<16xf32>
      %select_n3A_1075 = arith.select %gt3A_1071, %mul3A_1074, %select_n3A_1064 : vector<16xi1>, vector<16xf32>
      %mul3A_1076 = arith.constant 5.000000e-01 : f32
      %mul3A_1077 = vector.broadcast %mul3A_1076 : f32 to vector<16xf32>
      %mul3A_1078 = arith.mulf %select_n3A_1068, %mul3A_1077 : vector<16xf32>
      %select_n3A_1079 = arith.select %gt3A_1071, %mul3A_1078, %select_n3A_1068 : vector<16xi1>, vector<16xf32>
      %lt3A_1080 = arith.constant 5.000000e-01 : f32
      %lt3A_1081 = vector.broadcast %lt3A_1080 : f32 to vector<16xf32>
      %lt3A_1082 = arith.cmpf olt, %select_n3A_1075, %lt3A_1081 : vector<16xf32>
      %mul3A_1083 = arith.constant 4.000000e+00 : f32
      %mul3A_1084 = vector.broadcast %mul3A_1083 : f32 to vector<16xf32>
      %mul3A_1085 = arith.mulf %select_n3A_1075, %mul3A_1084 : vector<16xf32>
      %select_n3A_1086 = arith.select %lt3A_1082, %mul3A_1085, %select_n3A_1075 : vector<16xi1>, vector<16xf32>
      %mul3A_1087 = arith.constant 2.000000e+00 : f32
      %mul3A_1088 = vector.broadcast %mul3A_1087 : f32 to vector<16xf32>
      %mul3A_1089 = arith.mulf %select_n3A_1079, %mul3A_1088 : vector<16xf32>
      %select_n3A_1090 = arith.select %lt3A_1082, %mul3A_1089, %select_n3A_1079 : vector<16xi1>, vector<16xf32>
      %broadcast_in_dim3A_1091 = arith.constant 1.000000e+00 : f32
      %broadcast_in_dim3A_1092 = vector.broadcast %broadcast_in_dim3A_1091 : f32 to vector<16xf32>
      %mul3A_1093 = arith.constant 5.000000e-01 : f32
      %mul3A_1094 = vector.broadcast %mul3A_1093 : f32 to vector<16xf32>
      %mul3A_1095 = arith.mulf %mul3A_1094, %select_n3A_1086 : vector<16xf32>
      %mul3A_1096 = arith.mulf %mul3A_1095, %broadcast_in_dim3A_1092 : vector<16xf32>
      %mul3A_1097 = arith.mulf %mul3A_1096, %broadcast_in_dim3A_1092 : vector<16xf32>
      %sub3A_1098 = arith.constant 1.500000e+00 : f32
      %sub3A_1099 = vector.broadcast %sub3A_1098 : f32 to vector<16xf32>
      %sub3A_1100 = arith.subf %sub3A_1099, %mul3A_1097 : vector<16xf32>
      %mul3A_1101 = arith.mulf %broadcast_in_dim3A_1092, %sub3A_1100 : vector<16xf32>
      %mul3A_1102 = arith.constant 5.000000e-01 : f32
      %mul3A_1103 = vector.broadcast %mul3A_1102 : f32 to vector<16xf32>
      %mul3A_1104 = arith.mulf %mul3A_1103, %select_n3A_1086 : vector<16xf32>
      %mul3A_1105 = arith.mulf %mul3A_1104, %mul3A_1101 : vector<16xf32>
      %mul3A_1106 = arith.mulf %mul3A_1105, %mul3A_1101 : vector<16xf32>
      %sub3A_1107 = arith.constant 1.500000e+00 : f32
      %sub3A_1108 = vector.broadcast %sub3A_1107 : f32 to vector<16xf32>
      %sub3A_1109 = arith.subf %sub3A_1108, %mul3A_1106 : vector<16xf32>
      %mul3A_1110 = arith.mulf %mul3A_1101, %sub3A_1109 : vector<16xf32>
      %mul3A_1111 = arith.constant 5.000000e-01 : f32
      %mul3A_1112 = vector.broadcast %mul3A_1111 : f32 to vector<16xf32>
      %mul3A_1113 = arith.mulf %mul3A_1112, %select_n3A_1086 : vector<16xf32>
      %mul3A_1114 = arith.mulf %mul3A_1113, %mul3A_1110 : vector<16xf32>
      %mul3A_1115 = arith.mulf %mul3A_1114, %mul3A_1110 : vector<16xf32>
      %sub3A_1116 = arith.constant 1.500000e+00 : f32
      %sub3A_1117 = vector.broadcast %sub3A_1116 : f32 to vector<16xf32>
      %sub3A_1118 = arith.subf %sub3A_1117, %mul3A_1115 : vector<16xf32>
      %mul3A_1119 = arith.mulf %mul3A_1110, %sub3A_1118 : vector<16xf32>
      %mul3A_1120 = arith.constant 5.000000e-01 : f32
      %mul3A_1121 = vector.broadcast %mul3A_1120 : f32 to vector<16xf32>
      %mul3A_1122 = arith.mulf %mul3A_1121, %select_n3A_1086 : vector<16xf32>
      %mul3A_1123 = arith.mulf %mul3A_1122, %mul3A_1119 : vector<16xf32>
      %mul3A_1124 = arith.mulf %mul3A_1123, %mul3A_1119 : vector<16xf32>
      %sub3A_1125 = arith.constant 1.500000e+00 : f32
      %sub3A_1126 = vector.broadcast %sub3A_1125 : f32 to vector<16xf32>
      %sub3A_1127 = arith.subf %sub3A_1126, %mul3A_1124 : vector<16xf32>
      %mul3A_1128 = arith.mulf %mul3A_1119, %sub3A_1127 : vector<16xf32>
      %mul3A_1129 = arith.constant 5.000000e-01 : f32
      %mul3A_1130 = vector.broadcast %mul3A_1129 : f32 to vector<16xf32>
      %mul3A_1131 = arith.mulf %mul3A_1130, %select_n3A_1086 : vector<16xf32>
      %mul3A_1132 = arith.mulf %mul3A_1131, %mul3A_1128 : vector<16xf32>
      %mul3A_1133 = arith.mulf %mul3A_1132, %mul3A_1128 : vector<16xf32>
      %sub3A_1134 = arith.constant 1.500000e+00 : f32
      %sub3A_1135 = vector.broadcast %sub3A_1134 : f32 to vector<16xf32>
      %sub3A_1136 = arith.subf %sub3A_1135, %mul3A_1133 : vector<16xf32>
      %mul3A_1137 = arith.mulf %mul3A_1128, %sub3A_1136 : vector<16xf32>
      %mul3A_1138 = arith.constant 5.000000e-01 : f32
      %mul3A_1139 = vector.broadcast %mul3A_1138 : f32 to vector<16xf32>
      %mul3A_1140 = arith.mulf %mul3A_1139, %select_n3A_1086 : vector<16xf32>
      %mul3A_1141 = arith.mulf %mul3A_1140, %mul3A_1137 : vector<16xf32>
      %mul3A_1142 = arith.mulf %mul3A_1141, %mul3A_1137 : vector<16xf32>
      %sub3A_1143 = arith.constant 1.500000e+00 : f32
      %sub3A_1144 = vector.broadcast %sub3A_1143 : f32 to vector<16xf32>
      %sub3A_1145 = arith.subf %sub3A_1144, %mul3A_1142 : vector<16xf32>
      %mul3A_1146 = arith.mulf %mul3A_1137, %sub3A_1145 : vector<16xf32>
      %mul3A_1147 = arith.mulf %mul3A_1146, %select_n3A_1090 : vector<16xf32>
      %mul3A_1148 = arith.mulf %get3A_813, %mul3A_1147 : vector<16xf32>
      %swap3A_1149 = arith.constant 1 : i32
      %swap3A_1150 = arith.index_cast %swap3A_1149 : i32 to index
      %swap3A_1151 = arith.constant 0 : index
      %swap3A_1152 = tpu.vector_load %arg10[%swap3A_1150, %swap3A_1151] {strides = array<i32>} : memref<8x128xf32, #tpu.memory_space<vmem>>, vector<1x16xf32>,
      %swap3A_1153 = vector.shape_cast %swap3A_1152 : vector<1x16xf32> to vector<16xf32>
      %swap3A_1154 = vector.shape_cast %mul3A_1148 : vector<16xf32> to vector<1x16xf32>
      tpu.vector_store %arg10[%swap3A_1150, %swap3A_1151], %swap3A_1154 {strides = array<i32>} : memref<8x128xf32, #tpu.memory_space<vmem>>, vector<1x16xf32>,
      %mul3A_1155 = arith.mulf %get3A_820, %mul3A_1147 : vector<16xf32>
      %swap3A_1156 = arith.constant 1 : i32
      %swap3A_1157 = arith.index_cast %swap3A_1156 : i32 to index
      %swap3A_1158 = arith.constant 16 : index
      %swap3A_1159 = tpu.vector_load %arg10[%swap3A_1157, %swap3A_1158] {strides = array<i32>} : memref<8x128xf32, #tpu.memory_space<vmem>>, vector<1x16xf32>,
      %swap3A_1160 = vector.shape_cast %swap3A_1159 : vector<1x16xf32> to vector<16xf32>
      %swap3A_1161 = vector.shape_cast %mul3A_1155 : vector<16xf32> to vector<1x16xf32>
      tpu.vector_store %arg10[%swap3A_1157, %swap3A_1158], %swap3A_1161 {strides = array<i32>} : memref<8x128xf32, #tpu.memory_space<vmem>>, vector<1x16xf32>,
      %mul3A_1162 = arith.mulf %get3A_827, %mul3A_1147 : vector<16xf32>
      %swap3A_1163 = arith.constant 1 : i32
      %swap3A_1164 = arith.index_cast %swap3A_1163 : i32 to index
      %swap3A_1165 = arith.constant 32 : index
      %swap3A_1166 = tpu.vector_load %arg10[%swap3A_1164, %swap3A_1165] {strides = array<i32>} : memref<8x128xf32, #tpu.memory_space<vmem>>, vector<1x16xf32>,
      %swap3A_1167 = vector.shape_cast %swap3A_1166 : vector<1x16xf32> to vector<16xf32>
      %swap3A_1168 = vector.shape_cast %mul3A_1162 : vector<16xf32> to vector<1x16xf32>
      tpu.vector_store %arg10[%swap3A_1164, %swap3A_1165], %swap3A_1168 {strides = array<i32>} : memref<8x128xf32, #tpu.memory_space<vmem>>, vector<1x16xf32>,
      %mul3A_1169 = arith.mulf %get3A_834, %mul3A_1147 : vector<16xf32>
      %swap3A_1170 = arith.constant 1 : i32
      %swap3A_1171 = arith.index_cast %swap3A_1170 : i32 to index
      %swap3A_1172 = arith.constant 48 : index
      %swap3A_1173 = tpu.vector_load %arg10[%swap3A_1171, %swap3A_1172] {strides = array<i32>} : memref<8x128xf32, #tpu.memory_space<vmem>>, vector<1x16xf32>,
      %swap3A_1174 = vector.shape_cast %swap3A_1173 : vector<1x16xf32> to vector<16xf32>
      %swap3A_1175 = vector.shape_cast %mul3A_1169 : vector<16xf32> to vector<1x16xf32>
      tpu.vector_store %arg10[%swap3A_1171, %swap3A_1172], %swap3A_1175 {strides = array<i32>} : memref<8x128xf32, #tpu.memory_space<vmem>>, vector<1x16xf32>,
      %mul3A_1176 = arith.mulf %get3A_841, %mul3A_1147 : vector<16xf32>
      %swap3A_1177 = arith.constant 1 : i32
      %swap3A_1178 = arith.index_cast %swap3A_1177 : i32 to index
      %swap3A_1179 = arith.constant 64 : index
      %swap3A_1180 = tpu.vector_load %arg10[%swap3A_1178, %swap3A_1179] {strides = array<i32>} : memref<8x128xf32, #tpu.memory_space<vmem>>, vector<1x16xf32>,
      %swap3A_1181 = vector.shape_cast %swap3A_1180 : vector<1x16xf32> to vector<16xf32>
      %swap3A_1182 = vector.shape_cast %mul3A_1176 : vector<16xf32> to vector<1x16xf32>
      tpu.vector_store %arg10[%swap3A_1178, %swap3A_1179], %swap3A_1182 {strides = array<i32>} : memref<8x128xf32, #tpu.memory_space<vmem>>, vector<1x16xf32>,
      %mul3A_1183 = arith.mulf %get3A_848, %mul3A_1147 : vector<16xf32>
      %swap3A_1184 = arith.constant 1 : i32
      %swap3A_1185 = arith.index_cast %swap3A_1184 : i32 to index
      %swap3A_1186 = arith.constant 80 : index
      %swap3A_1187 = tpu.vector_load %arg10[%swap3A_1185, %swap3A_1186] {strides = array<i32>} : memref<8x128xf32, #tpu.memory_space<vmem>>, vector<1x16xf32>,
      %swap3A_1188 = vector.shape_cast %swap3A_1187 : vector<1x16xf32> to vector<16xf32>
      %swap3A_1189 = vector.shape_cast %mul3A_1183 : vector<16xf32> to vector<1x16xf32>
      tpu.vector_store %arg10[%swap3A_1185, %swap3A_1186], %swap3A_1189 {strides = array<i32>} : memref<8x128xf32, #tpu.memory_space<vmem>>, vector<1x16xf32>,
      %mul3A_1190 = arith.mulf %get3A_855, %mul3A_1147 : vector<16xf32>
      %swap3A_1191 = arith.constant 1 : i32
      %swap3A_1192 = arith.index_cast %swap3A_1191 : i32 to index
      %swap3A_1193 = arith.constant 96 : index
      %swap3A_1194 = tpu.vector_load %arg10[%swap3A_1192, %swap3A_1193] {strides = array<i32>} : memref<8x128xf32, #tpu.memory_space<vmem>>, vector<1x16xf32>,
      %swap3A_1195 = vector.shape_cast %swap3A_1194 : vector<1x16xf32> to vector<16xf32>
      %swap3A_1196 = vector.shape_cast %mul3A_1190 : vector<16xf32> to vector<1x16xf32>
      tpu.vector_store %arg10[%swap3A_1192, %swap3A_1193], %swap3A_1196 {strides = array<i32>} : memref<8x128xf32, #tpu.memory_space<vmem>>, vector<1x16xf32>,
      %mul3A_1197 = arith.mulf %get3A_862, %mul3A_1147 : vector<16xf32>
      %swap3A_1198 = arith.constant 1 : i32
      %swap3A_1199 = arith.index_cast %swap3A_1198 : i32 to index
      %swap3A_1200 = arith.constant 112 : index
      %swap3A_1201 = tpu.vector_load %arg10[%swap3A_1199, %swap3A_1200] {strides = array<i32>} : memref<8x128xf32, #tpu.memory_space<vmem>>, vector<1x16xf32>,
      %swap3A_1202 = vector.shape_cast %swap3A_1201 : vector<1x16xf32> to vector<16xf32>
      %swap3A_1203 = vector.shape_cast %mul3A_1197 : vector<16xf32> to vector<1x16xf32>
      tpu.vector_store %arg10[%swap3A_1199, %swap3A_1200], %swap3A_1203 {strides = array<i32>} : memref<8x128xf32, #tpu.memory_space<vmem>>, vector<1x16xf32>,
      %broadcast_in_dim3A_1204 = arith.constant 0.000000e+00 : f32
      %broadcast_in_dim3A_1205 = vector.broadcast %broadcast_in_dim3A_1204 : f32 to vector<16xf32>
      %get3A_1206 = arith.constant 2 : i32
      %get3A_1207 = arith.index_cast %get3A_1206 : i32 to index
      %get3A_1208 = arith.constant 0 : index
      %get3A_1209 = tpu.vector_load %arg10[%get3A_1207, %get3A_1208] {strides = array<i32>} : memref<8x128xf32, #tpu.memory_space<vmem>>, vector<1x16xf32>,
      %get3A_1210 = vector.shape_cast %get3A_1209 : vector<1x16xf32> to vector<16xf32>
      %mul3A_1211 = arith.mulf %get3A_1210, %get3A_1210 : vector<16xf32>
      %add3A_1212 = arith.addf %broadcast_in_dim3A_1205, %mul3A_1211 : vector<16xf32>
      %get3A_1213 = arith.constant 2 : i32
      %get3A_1214 = arith.index_cast %get3A_1213 : i32 to index
      %get3A_1215 = arith.constant 16 : index
      %get3A_1216 = tpu.vector_load %arg10[%get3A_1214, %get3A_1215] {strides = array<i32>} : memref<8x128xf32, #tpu.memory_space<vmem>>, vector<1x16xf32>,
      %get3A_1217 = vector.shape_cast %get3A_1216 : vector<1x16xf32> to vector<16xf32>
      %mul3A_1218 = arith.mulf %get3A_1217, %get3A_1217 : vector<16xf32>
      %add3A_1219 = arith.addf %add3A_1212, %mul3A_1218 : vector<16xf32>
      %get3A_1220 = arith.constant 2 : i32
      %get3A_1221 = arith.index_cast %get3A_1220 : i32 to index
      %get3A_1222 = arith.constant 32 : index
      %get3A_1223 = tpu.vector_load %arg10[%get3A_1221, %get3A_1222] {strides = array<i32>} : memref<8x128xf32, #tpu.memory_space<vmem>>, vector<1x16xf32>,
      %get3A_1224 = vector.shape_cast %get3A_1223 : vector<1x16xf32> to vector<16xf32>
      %mul3A_1225 = arith.mulf %get3A_1224, %get3A_1224 : vector<16xf32>
      %add3A_1226 = arith.addf %add3A_1219, %mul3A_1225 : vector<16xf32>
      %get3A_1227 = arith.constant 2 : i32
      %get3A_1228 = arith.index_cast %get3A_1227 : i32 to index
      %get3A_1229 = arith.constant 48 : index
      %get3A_1230 = tpu.vector_load %arg10[%get3A_1228, %get3A_1229] {strides = array<i32>} : memref<8x128xf32, #tpu.memory_space<vmem>>, vector<1x16xf32>,
      %get3A_1231 = vector.shape_cast %get3A_1230 : vector<1x16xf32> to vector<16xf32>
      %mul3A_1232 = arith.mulf %get3A_1231, %get3A_1231 : vector<16xf32>
      %add3A_1233 = arith.addf %add3A_1226, %mul3A_1232 : vector<16xf32>
      %get3A_1234 = arith.constant 2 : i32
      %get3A_1235 = arith.index_cast %get3A_1234 : i32 to index
      %get3A_1236 = arith.constant 64 : index
      %get3A_1237 = tpu.vector_load %arg10[%get3A_1235, %get3A_1236] {strides = array<i32>} : memref<8x128xf32, #tpu.memory_space<vmem>>, vector<1x16xf32>,
      %get3A_1238 = vector.shape_cast %get3A_1237 : vector<1x16xf32> to vector<16xf32>
      %mul3A_1239 = arith.mulf %get3A_1238, %get3A_1238 : vector<16xf32>
      %add3A_1240 = arith.addf %add3A_1233, %mul3A_1239 : vector<16xf32>
      %get3A_1241 = arith.constant 2 : i32
      %get3A_1242 = arith.index_cast %get3A_1241 : i32 to index
      %get3A_1243 = arith.constant 80 : index
      %get3A_1244 = tpu.vector_load %arg10[%get3A_1242, %get3A_1243] {strides = array<i32>} : memref<8x128xf32, #tpu.memory_space<vmem>>, vector<1x16xf32>,
      %get3A_1245 = vector.shape_cast %get3A_1244 : vector<1x16xf32> to vector<16xf32>
      %mul3A_1246 = arith.mulf %get3A_1245, %get3A_1245 : vector<16xf32>
      %add3A_1247 = arith.addf %add3A_1240, %mul3A_1246 : vector<16xf32>
      %get3A_1248 = arith.constant 2 : i32
      %get3A_1249 = arith.index_cast %get3A_1248 : i32 to index
      %get3A_1250 = arith.constant 96 : index
      %get3A_1251 = tpu.vector_load %arg10[%get3A_1249, %get3A_1250] {strides = array<i32>} : memref<8x128xf32, #tpu.memory_space<vmem>>, vector<1x16xf32>,
      %get3A_1252 = vector.shape_cast %get3A_1251 : vector<1x16xf32> to vector<16xf32>
      %mul3A_1253 = arith.mulf %get3A_1252, %get3A_1252 : vector<16xf32>
      %add3A_1254 = arith.addf %add3A_1247, %mul3A_1253 : vector<16xf32>
      %get3A_1255 = arith.constant 2 : i32
      %get3A_1256 = arith.index_cast %get3A_1255 : i32 to index
      %get3A_1257 = arith.constant 112 : index
      %get3A_1258 = tpu.vector_load %arg10[%get3A_1256, %get3A_1257] {strides = array<i32>} : memref<8x128xf32, #tpu.memory_space<vmem>>, vector<1x16xf32>,
      %get3A_1259 = vector.shape_cast %get3A_1258 : vector<1x16xf32> to vector<16xf32>
      %mul3A_1260 = arith.mulf %get3A_1259, %get3A_1259 : vector<16xf32>
      %add3A_1261 = arith.addf %add3A_1254, %mul3A_1260 : vector<16xf32>
      %swap3A_1262 = arith.constant 0 : index
      %swap3A_1263 = tpu.vector_load %arg11[%swap3A_1262] {strides = array<i32>} : memref<32xf32, #tpu.memory_space<vmem>>, vector<16xf32>,
      %swap3A_1264 = vector.shape_cast %swap3A_1263 : vector<16xf32> to vector<16xf32>
      %swap3A_1265 = vector.shape_cast %add3A_1261 : vector<16xf32> to vector<16xf32>
      tpu.vector_store %arg11[%swap3A_1262], %swap3A_1265 {strides = array<i32>} : memref<32xf32, #tpu.memory_space<vmem>>, vector<16xf32>,
      %swap3A_1266 = arith.constant 16 : index
      %swap3A_1267 = tpu.vector_load %arg11[%swap3A_1266] {strides = array<i32>} : memref<32xf32, #tpu.memory_space<vmem>>, vector<16xf32>,
      %swap3A_1268 = vector.shape_cast %swap3A_1267 : vector<16xf32> to vector<16xf32>
      %swap3A_1269 = vector.shape_cast %add3A_1261 : vector<16xf32> to vector<16xf32>
      tpu.vector_store %arg11[%swap3A_1266], %swap3A_1269 {strides = array<i32>} : memref<32xf32, #tpu.memory_space<vmem>>, vector<16xf32>,
      %get3A_1270 = arith.constant 8 : index
      %get3A_1271 = tpu.vector_load %arg11[%get3A_1270] {strides = array<i32>} : memref<32xf32, #tpu.memory_space<vmem>>, vector<16xf32>,
      %get3A_1272 = vector.shape_cast %get3A_1271 : vector<16xf32> to vector<16xf32>
      %add3A_1273 = arith.addf %add3A_1261, %get3A_1272 : vector<16xf32>
      %swap3A_1274 = arith.constant 0 : index
      %swap3A_1275 = tpu.vector_load %arg11[%swap3A_1274] {strides = array<i32>} : memref<32xf32, #tpu.memory_space<vmem>>, vector<16xf32>,
      %swap3A_1276 = vector.shape_cast %swap3A_1275 : vector<16xf32> to vector<16xf32>
      %swap3A_1277 = vector.shape_cast %add3A_1273 : vector<16xf32> to vector<16xf32>
      tpu.vector_store %arg11[%swap3A_1274], %swap3A_1277 {strides = array<i32>} : memref<32xf32, #tpu.memory_space<vmem>>, vector<16xf32>,
      %swap3A_1278 = arith.constant 16 : index
      %swap3A_1279 = tpu.vector_load %arg11[%swap3A_1278] {strides = array<i32>} : memref<32xf32, #tpu.memory_space<vmem>>, vector<16xf32>,
      %swap3A_1280 = vector.shape_cast %swap3A_1279 : vector<16xf32> to vector<16xf32>
      %swap3A_1281 = vector.shape_cast %add3A_1273 : vector<16xf32> to vector<16xf32>
      tpu.vector_store %arg11[%swap3A_1278], %swap3A_1281 {strides = array<i32>} : memref<32xf32, #tpu.memory_space<vmem>>, vector<16xf32>,
      %get3A_1282 = arith.constant 4 : index
      %get3A_1283 = tpu.vector_load %arg11[%get3A_1282] {strides = array<i32>} : memref<32xf32, #tpu.memory_space<vmem>>, vector<16xf32>,
      %get3A_1284 = vector.shape_cast %get3A_1283 : vector<16xf32> to vector<16xf32>
      %add3A_1285 = arith.addf %add3A_1273, %get3A_1284 : vector<16xf32>
      %swap3A_1286 = arith.constant 0 : index
      %swap3A_1287 = tpu.vector_load %arg11[%swap3A_1286] {strides = array<i32>} : memref<32xf32, #tpu.memory_space<vmem>>, vector<16xf32>,
      %swap3A_1288 = vector.shape_cast %swap3A_1287 : vector<16xf32> to vector<16xf32>
      %swap3A_1289 = vector.shape_cast %add3A_1285 : vector<16xf32> to vector<16xf32>
      tpu.vector_store %arg11[%swap3A_1286], %swap3A_1289 {strides = array<i32>} : memref<32xf32, #tpu.memory_space<vmem>>, vector<16xf32>,
      %swap3A_1290 = arith.constant 16 : index
      %swap3A_1291 = tpu.vector_load %arg11[%swap3A_1290] {strides = array<i32>} : memref<32xf32, #tpu.memory_space<vmem>>, vector<16xf32>,
      %swap3A_1292 = vector.shape_cast %swap3A_1291 : vector<16xf32> to vector<16xf32>
      %swap3A_1293 = vector.shape_cast %add3A_1285 : vector<16xf32> to vector<16xf32>
      tpu.vector_store %arg11[%swap3A_1290], %swap3A_1293 {strides = array<i32>} : memref<32xf32, #tpu.memory_space<vmem>>, vector<16xf32>,
      %get3A_1294 = arith.constant 2 : index
      %get3A_1295 = tpu.vector_load %arg11[%get3A_1294] {strides = array<i32>} : memref<32xf32, #tpu.memory_space<vmem>>, vector<16xf32>,
      %get3A_1296 = vector.shape_cast %get3A_1295 : vector<16xf32> to vector<16xf32>
      %add3A_1297 = arith.addf %add3A_1285, %get3A_1296 : vector<16xf32>
      %swap3A_1298 = arith.constant 0 : index
      %swap3A_1299 = tpu.vector_load %arg11[%swap3A_1298] {strides = array<i32>} : memref<32xf32, #tpu.memory_space<vmem>>, vector<16xf32>,
      %swap3A_1300 = vector.shape_cast %swap3A_1299 : vector<16xf32> to vector<16xf32>
      %swap3A_1301 = vector.shape_cast %add3A_1297 : vector<16xf32> to vector<16xf32>
      tpu.vector_store %arg11[%swap3A_1298], %swap3A_1301 {strides = array<i32>} : memref<32xf32, #tpu.memory_space<vmem>>, vector<16xf32>,
      %swap3A_1302 = arith.constant 16 : index
      %swap3A_1303 = tpu.vector_load %arg11[%swap3A_1302] {strides = array<i32>} : memref<32xf32, #tpu.memory_space<vmem>>, vector<16xf32>,
      %swap3A_1304 = vector.shape_cast %swap3A_1303 : vector<16xf32> to vector<16xf32>
      %swap3A_1305 = vector.shape_cast %add3A_1297 : vector<16xf32> to vector<16xf32>
      tpu.vector_store %arg11[%swap3A_1302], %swap3A_1305 {strides = array<i32>} : memref<32xf32, #tpu.memory_space<vmem>>, vector<16xf32>,
      %get3A_1306 = arith.constant 1 : index
      %get3A_1307 = tpu.vector_load %arg11[%get3A_1306] {strides = array<i32>} : memref<32xf32, #tpu.memory_space<vmem>>, vector<16xf32>,
      %get3A_1308 = vector.shape_cast %get3A_1307 : vector<16xf32> to vector<16xf32>
      %add3A_1309 = arith.addf %add3A_1297, %get3A_1308 : vector<16xf32>
      %broadcast_in_dim3A_1310 = arith.constant 1.000000e+00 : f32
      %broadcast_in_dim3A_1311 = vector.broadcast %broadcast_in_dim3A_1310 : f32 to vector<16xf32>
      %gt3A_1312 = arith.constant 1.84467441E+19 : f32
      %gt3A_1313 = vector.broadcast %gt3A_1312 : f32 to vector<16xf32>
      %gt3A_1314 = arith.cmpf ogt, %add3A_1309, %gt3A_1313 : vector<16xf32>
      %mul3A_1315 = arith.constant 5.42101086E-20 : f32
      %mul3A_1316 = vector.broadcast %mul3A_1315 : f32 to vector<16xf32>
      %mul3A_1317 = arith.mulf %add3A_1309, %mul3A_1316 : vector<16xf32>
      %select_n3A_1318 = arith.select %gt3A_1314, %mul3A_1317, %add3A_1309 : vector<16xi1>, vector<16xf32>
      %mul3A_1319 = arith.constant 2.32830644E-10 : f32
      %mul3A_1320 = vector.broadcast %mul3A_1319 : f32 to vector<16xf32>
      %mul3A_1321 = arith.mulf %broadcast_in_dim3A_1311, %mul3A_1320 : vector<16xf32>
      %select_n3A_1322 = arith.select %gt3A_1314, %mul3A_1321, %broadcast_in_dim3A_1311 : vector<16xi1>, vector<16xf32>
      %lt3A_1323 = arith.constant 5.42101086E-20 : f32
      %lt3A_1324 = vector.broadcast %lt3A_1323 : f32 to vector<16xf32>
      %lt3A_1325 = arith.cmpf olt, %select_n3A_1318, %lt3A_1324 : vector<16xf32>
      %mul3A_1326 = arith.constant 1.84467441E+19 : f32
      %mul3A_1327 = vector.broadcast %mul3A_1326 : f32 to vector<16xf32>
      %mul3A_1328 = arith.mulf %select_n3A_1318, %mul3A_1327 : vector<16xf32>
      %select_n3A_1329 = arith.select %lt3A_1325, %mul3A_1328, %select_n3A_1318 : vector<16xi1>, vector<16xf32>
      %mul3A_1330 = arith.constant 4.2949673E+9 : f32
      %mul3A_1331 = vector.broadcast %mul3A_1330 : f32 to vector<16xf32>
      %mul3A_1332 = arith.mulf %select_n3A_1322, %mul3A_1331 : vector<16xf32>
      %select_n3A_1333 = arith.select %lt3A_1325, %mul3A_1332, %select_n3A_1322 : vector<16xi1>, vector<16xf32>
      %gt3A_1334 = arith.constant 4.2949673E+9 : f32
      %gt3A_1335 = vector.broadcast %gt3A_1334 : f32 to vector<16xf32>
      %gt3A_1336 = arith.cmpf ogt, %select_n3A_1329, %gt3A_1335 : vector<16xf32>
      %mul3A_1337 = arith.constant 2.32830644E-10 : f32
      %mul3A_1338 = vector.broadcast %mul3A_1337 : f32 to vector<16xf32>
      %mul3A_1339 = arith.mulf %select_n3A_1329, %mul3A_1338 : vector<16xf32>
      %select_n3A_1340 = arith.select %gt3A_1336, %mul3A_1339, %select_n3A_1329 : vector<16xi1>, vector<16xf32>
      %mul3A_1341 = arith.constant 1.52587891E-5 : f32
      %mul3A_1342 = vector.broadcast %mul3A_1341 : f32 to vector<16xf32>
      %mul3A_1343 = arith.mulf %select_n3A_1333, %mul3A_1342 : vector<16xf32>
      %select_n3A_1344 = arith.select %gt3A_1336, %mul3A_1343, %select_n3A_1333 : vector<16xi1>, vector<16xf32>
      %lt3A_1345 = arith.constant 2.32830644E-10 : f32
      %lt3A_1346 = vector.broadcast %lt3A_1345 : f32 to vector<16xf32>
      %lt3A_1347 = arith.cmpf olt, %select_n3A_1340, %lt3A_1346 : vector<16xf32>
      %mul3A_1348 = arith.constant 4.2949673E+9 : f32
      %mul3A_1349 = vector.broadcast %mul3A_1348 : f32 to vector<16xf32>
      %mul3A_1350 = arith.mulf %select_n3A_1340, %mul3A_1349 : vector<16xf32>
      %select_n3A_1351 = arith.select %lt3A_1347, %mul3A_1350, %select_n3A_1340 : vector<16xi1>, vector<16xf32>
      %mul3A_1352 = arith.constant 6.553600e+04 : f32
      %mul3A_1353 = vector.broadcast %mul3A_1352 : f32 to vector<16xf32>
      %mul3A_1354 = arith.mulf %select_n3A_1344, %mul3A_1353 : vector<16xf32>
      %select_n3A_1355 = arith.select %lt3A_1347, %mul3A_1354, %select_n3A_1344 : vector<16xi1>, vector<16xf32>
      %gt3A_1356 = arith.constant 6.553600e+04 : f32
      %gt3A_1357 = vector.broadcast %gt3A_1356 : f32 to vector<16xf32>
      %gt3A_1358 = arith.cmpf ogt, %select_n3A_1351, %gt3A_1357 : vector<16xf32>
      %mul3A_1359 = arith.constant 1.52587891E-5 : f32
      %mul3A_1360 = vector.broadcast %mul3A_1359 : f32 to vector<16xf32>
      %mul3A_1361 = arith.mulf %select_n3A_1351, %mul3A_1360 : vector<16xf32>
      %select_n3A_1362 = arith.select %gt3A_1358, %mul3A_1361, %select_n3A_1351 : vector<16xi1>, vector<16xf32>
      %mul3A_1363 = arith.constant 3.906250e-03 : f32
      %mul3A_1364 = vector.broadcast %mul3A_1363 : f32 to vector<16xf32>
      %mul3A_1365 = arith.mulf %select_n3A_1355, %mul3A_1364 : vector<16xf32>
      %select_n3A_1366 = arith.select %gt3A_1358, %mul3A_1365, %select_n3A_1355 : vector<16xi1>, vector<16xf32>
      %lt3A_1367 = arith.constant 1.52587891E-5 : f32
      %lt3A_1368 = vector.broadcast %lt3A_1367 : f32 to vector<16xf32>
      %lt3A_1369 = arith.cmpf olt, %select_n3A_1362, %lt3A_1368 : vector<16xf32>
      %mul3A_1370 = arith.constant 6.553600e+04 : f32
      %mul3A_1371 = vector.broadcast %mul3A_1370 : f32 to vector<16xf32>
      %mul3A_1372 = arith.mulf %select_n3A_1362, %mul3A_1371 : vector<16xf32>
      %select_n3A_1373 = arith.select %lt3A_1369, %mul3A_1372, %select_n3A_1362 : vector<16xi1>, vector<16xf32>
      %mul3A_1374 = arith.constant 2.560000e+02 : f32
      %mul3A_1375 = vector.broadcast %mul3A_1374 : f32 to vector<16xf32>
      %mul3A_1376 = arith.mulf %select_n3A_1366, %mul3A_1375 : vector<16xf32>
      %select_n3A_1377 = arith.select %lt3A_1369, %mul3A_1376, %select_n3A_1366 : vector<16xi1>, vector<16xf32>
      %gt3A_1378 = arith.constant 2.560000e+02 : f32
      %gt3A_1379 = vector.broadcast %gt3A_1378 : f32 to vector<16xf32>
      %gt3A_1380 = arith.cmpf ogt, %select_n3A_1373, %gt3A_1379 : vector<16xf32>
      %mul3A_1381 = arith.constant 3.906250e-03 : f32
      %mul3A_1382 = vector.broadcast %mul3A_1381 : f32 to vector<16xf32>
      %mul3A_1383 = arith.mulf %select_n3A_1373, %mul3A_1382 : vector<16xf32>
      %select_n3A_1384 = arith.select %gt3A_1380, %mul3A_1383, %select_n3A_1373 : vector<16xi1>, vector<16xf32>
      %mul3A_1385 = arith.constant 6.250000e-02 : f32
      %mul3A_1386 = vector.broadcast %mul3A_1385 : f32 to vector<16xf32>
      %mul3A_1387 = arith.mulf %select_n3A_1377, %mul3A_1386 : vector<16xf32>
      %select_n3A_1388 = arith.select %gt3A_1380, %mul3A_1387, %select_n3A_1377 : vector<16xi1>, vector<16xf32>
      %lt3A_1389 = arith.constant 3.906250e-03 : f32
      %lt3A_1390 = vector.broadcast %lt3A_1389 : f32 to vector<16xf32>
      %lt3A_1391 = arith.cmpf olt, %select_n3A_1384, %lt3A_1390 : vector<16xf32>
      %mul3A_1392 = arith.constant 2.560000e+02 : f32
      %mul3A_1393 = vector.broadcast %mul3A_1392 : f32 to vector<16xf32>
      %mul3A_1394 = arith.mulf %select_n3A_1384, %mul3A_1393 : vector<16xf32>
      %select_n3A_1395 = arith.select %lt3A_1391, %mul3A_1394, %select_n3A_1384 : vector<16xi1>, vector<16xf32>
      %mul3A_1396 = arith.constant 1.600000e+01 : f32
      %mul3A_1397 = vector.broadcast %mul3A_1396 : f32 to vector<16xf32>
      %mul3A_1398 = arith.mulf %select_n3A_1388, %mul3A_1397 : vector<16xf32>
      %select_n3A_1399 = arith.select %lt3A_1391, %mul3A_1398, %select_n3A_1388 : vector<16xi1>, vector<16xf32>
      %gt3A_1400 = arith.constant 1.600000e+01 : f32
      %gt3A_1401 = vector.broadcast %gt3A_1400 : f32 to vector<16xf32>
      %gt3A_1402 = arith.cmpf ogt, %select_n3A_1395, %gt3A_1401 : vector<16xf32>
      %mul3A_1403 = arith.constant 6.250000e-02 : f32
      %mul3A_1404 = vector.broadcast %mul3A_1403 : f32 to vector<16xf32>
      %mul3A_1405 = arith.mulf %select_n3A_1395, %mul3A_1404 : vector<16xf32>
      %select_n3A_1406 = arith.select %gt3A_1402, %mul3A_1405, %select_n3A_1395 : vector<16xi1>, vector<16xf32>
      %mul3A_1407 = arith.constant 2.500000e-01 : f32
      %mul3A_1408 = vector.broadcast %mul3A_1407 : f32 to vector<16xf32>
      %mul3A_1409 = arith.mulf %select_n3A_1399, %mul3A_1408 : vector<16xf32>
      %select_n3A_1410 = arith.select %gt3A_1402, %mul3A_1409, %select_n3A_1399 : vector<16xi1>, vector<16xf32>
      %lt3A_1411 = arith.constant 6.250000e-02 : f32
      %lt3A_1412 = vector.broadcast %lt3A_1411 : f32 to vector<16xf32>
      %lt3A_1413 = arith.cmpf olt, %select_n3A_1406, %lt3A_1412 : vector<16xf32>
      %mul3A_1414 = arith.constant 1.600000e+01 : f32
      %mul3A_1415 = vector.broadcast %mul3A_1414 : f32 to vector<16xf32>
      %mul3A_1416 = arith.mulf %select_n3A_1406, %mul3A_1415 : vector<16xf32>
      %select_n3A_1417 = arith.select %lt3A_1413, %mul3A_1416, %select_n3A_1406 : vector<16xi1>, vector<16xf32>
      %mul3A_1418 = arith.constant 4.000000e+00 : f32
      %mul3A_1419 = vector.broadcast %mul3A_1418 : f32 to vector<16xf32>
      %mul3A_1420 = arith.mulf %select_n3A_1410, %mul3A_1419 : vector<16xf32>
      %select_n3A_1421 = arith.select %lt3A_1413, %mul3A_1420, %select_n3A_1410 : vector<16xi1>, vector<16xf32>
      %gt3A_1422 = arith.constant 2.000000e+00 : f32
      %gt3A_1423 = vector.broadcast %gt3A_1422 : f32 to vector<16xf32>
      %gt3A_1424 = arith.cmpf ogt, %select_n3A_1417, %gt3A_1423 : vector<16xf32>
      %mul3A_1425 = arith.constant 2.500000e-01 : f32
      %mul3A_1426 = vector.broadcast %mul3A_1425 : f32 to vector<16xf32>
      %mul3A_1427 = arith.mulf %select_n3A_1417, %mul3A_1426 : vector<16xf32>
      %select_n3A_1428 = arith.select %gt3A_1424, %mul3A_1427, %select_n3A_1417 : vector<16xi1>, vector<16xf32>
      %mul3A_1429 = arith.constant 5.000000e-01 : f32
      %mul3A_1430 = vector.broadcast %mul3A_1429 : f32 to vector<16xf32>
      %mul3A_1431 = arith.mulf %select_n3A_1421, %mul3A_1430 : vector<16xf32>
      %select_n3A_1432 = arith.select %gt3A_1424, %mul3A_1431, %select_n3A_1421 : vector<16xi1>, vector<16xf32>
      %lt3A_1433 = arith.constant 5.000000e-01 : f32
      %lt3A_1434 = vector.broadcast %lt3A_1433 : f32 to vector<16xf32>
      %lt3A_1435 = arith.cmpf olt, %select_n3A_1428, %lt3A_1434 : vector<16xf32>
      %mul3A_1436 = arith.constant 4.000000e+00 : f32
      %mul3A_1437 = vector.broadcast %mul3A_1436 : f32 to vector<16xf32>
      %mul3A_1438 = arith.mulf %select_n3A_1428, %mul3A_1437 : vector<16xf32>
      %select_n3A_1439 = arith.select %lt3A_1435, %mul3A_1438, %select_n3A_1428 : vector<16xi1>, vector<16xf32>
      %mul3A_1440 = arith.constant 2.000000e+00 : f32
      %mul3A_1441 = vector.broadcast %mul3A_1440 : f32 to vector<16xf32>
      %mul3A_1442 = arith.mulf %select_n3A_1432, %mul3A_1441 : vector<16xf32>
      %select_n3A_1443 = arith.select %lt3A_1435, %mul3A_1442, %select_n3A_1432 : vector<16xi1>, vector<16xf32>
      %gt3A_1444 = arith.constant 2.000000e+00 : f32
      %gt3A_1445 = vector.broadcast %gt3A_1444 : f32 to vector<16xf32>
      %gt3A_1446 = arith.cmpf ogt, %select_n3A_1439, %gt3A_1445 : vector<16xf32>
      %mul3A_1447 = arith.constant 2.500000e-01 : f32
      %mul3A_1448 = vector.broadcast %mul3A_1447 : f32 to vector<16xf32>
      %mul3A_1449 = arith.mulf %select_n3A_1439, %mul3A_1448 : vector<16xf32>
      %select_n3A_1450 = arith.select %gt3A_1446, %mul3A_1449, %select_n3A_1439 : vector<16xi1>, vector<16xf32>
      %mul3A_1451 = arith.constant 5.000000e-01 : f32
      %mul3A_1452 = vector.broadcast %mul3A_1451 : f32 to vector<16xf32>
      %mul3A_1453 = arith.mulf %select_n3A_1443, %mul3A_1452 : vector<16xf32>
      %select_n3A_1454 = arith.select %gt3A_1446, %mul3A_1453, %select_n3A_1443 : vector<16xi1>, vector<16xf32>
      %lt3A_1455 = arith.constant 5.000000e-01 : f32
      %lt3A_1456 = vector.broadcast %lt3A_1455 : f32 to vector<16xf32>
      %lt3A_1457 = arith.cmpf olt, %select_n3A_1450, %lt3A_1456 : vector<16xf32>
      %mul3A_1458 = arith.constant 4.000000e+00 : f32
      %mul3A_1459 = vector.broadcast %mul3A_1458 : f32 to vector<16xf32>
      %mul3A_1460 = arith.mulf %select_n3A_1450, %mul3A_1459 : vector<16xf32>
      %select_n3A_1461 = arith.select %lt3A_1457, %mul3A_1460, %select_n3A_1450 : vector<16xi1>, vector<16xf32>
      %mul3A_1462 = arith.constant 2.000000e+00 : f32
      %mul3A_1463 = vector.broadcast %mul3A_1462 : f32 to vector<16xf32>
      %mul3A_1464 = arith.mulf %select_n3A_1454, %mul3A_1463 : vector<16xf32>
      %select_n3A_1465 = arith.select %lt3A_1457, %mul3A_1464, %select_n3A_1454 : vector<16xi1>, vector<16xf32>
      %gt3A_1466 = arith.constant 2.000000e+00 : f32
      %gt3A_1467 = vector.broadcast %gt3A_1466 : f32 to vector<16xf32>
      %gt3A_1468 = arith.cmpf ogt, %select_n3A_1461, %gt3A_1467 : vector<16xf32>
      %mul3A_1469 = arith.constant 2.500000e-01 : f32
      %mul3A_1470 = vector.broadcast %mul3A_1469 : f32 to vector<16xf32>
      %mul3A_1471 = arith.mulf %select_n3A_1461, %mul3A_1470 : vector<16xf32>
      %select_n3A_1472 = arith.select %gt3A_1468, %mul3A_1471, %select_n3A_1461 : vector<16xi1>, vector<16xf32>
      %mul3A_1473 = arith.constant 5.000000e-01 : f32
      %mul3A_1474 = vector.broadcast %mul3A_1473 : f32 to vector<16xf32>
      %mul3A_1475 = arith.mulf %select_n3A_1465, %mul3A_1474 : vector<16xf32>
      %select_n3A_1476 = arith.select %gt3A_1468, %mul3A_1475, %select_n3A_1465 : vector<16xi1>, vector<16xf32>
      %lt3A_1477 = arith.constant 5.000000e-01 : f32
      %lt3A_1478 = vector.broadcast %lt3A_1477 : f32 to vector<16xf32>
      %lt3A_1479 = arith.cmpf olt, %select_n3A_1472, %lt3A_1478 : vector<16xf32>
      %mul3A_1480 = arith.constant 4.000000e+00 : f32
      %mul3A_1481 = vector.broadcast %mul3A_1480 : f32 to vector<16xf32>
      %mul3A_1482 = arith.mulf %select_n3A_1472, %mul3A_1481 : vector<16xf32>
      %select_n3A_1483 = arith.select %lt3A_1479, %mul3A_1482, %select_n3A_1472 : vector<16xi1>, vector<16xf32>
      %mul3A_1484 = arith.constant 2.000000e+00 : f32
      %mul3A_1485 = vector.broadcast %mul3A_1484 : f32 to vector<16xf32>
      %mul3A_1486 = arith.mulf %select_n3A_1476, %mul3A_1485 : vector<16xf32>
      %select_n3A_1487 = arith.select %lt3A_1479, %mul3A_1486, %select_n3A_1476 : vector<16xi1>, vector<16xf32>
      %broadcast_in_dim3A_1488 = arith.constant 1.000000e+00 : f32
      %broadcast_in_dim3A_1489 = vector.broadcast %broadcast_in_dim3A_1488 : f32 to vector<16xf32>
      %mul3A_1490 = arith.constant 5.000000e-01 : f32
      %mul3A_1491 = vector.broadcast %mul3A_1490 : f32 to vector<16xf32>
      %mul3A_1492 = arith.mulf %mul3A_1491, %select_n3A_1483 : vector<16xf32>
      %mul3A_1493 = arith.mulf %mul3A_1492, %broadcast_in_dim3A_1489 : vector<16xf32>
      %mul3A_1494 = arith.mulf %mul3A_1493, %broadcast_in_dim3A_1489 : vector<16xf32>
      %sub3A_1495 = arith.constant 1.500000e+00 : f32
      %sub3A_1496 = vector.broadcast %sub3A_1495 : f32 to vector<16xf32>
      %sub3A_1497 = arith.subf %sub3A_1496, %mul3A_1494 : vector<16xf32>
      %mul3A_1498 = arith.mulf %broadcast_in_dim3A_1489, %sub3A_1497 : vector<16xf32>
      %mul3A_1499 = arith.constant 5.000000e-01 : f32
      %mul3A_1500 = vector.broadcast %mul3A_1499 : f32 to vector<16xf32>
      %mul3A_1501 = arith.mulf %mul3A_1500, %select_n3A_1483 : vector<16xf32>
      %mul3A_1502 = arith.mulf %mul3A_1501, %mul3A_1498 : vector<16xf32>
      %mul3A_1503 = arith.mulf %mul3A_1502, %mul3A_1498 : vector<16xf32>
      %sub3A_1504 = arith.constant 1.500000e+00 : f32
      %sub3A_1505 = vector.broadcast %sub3A_1504 : f32 to vector<16xf32>
      %sub3A_1506 = arith.subf %sub3A_1505, %mul3A_1503 : vector<16xf32>
      %mul3A_1507 = arith.mulf %mul3A_1498, %sub3A_1506 : vector<16xf32>
      %mul3A_1508 = arith.constant 5.000000e-01 : f32
      %mul3A_1509 = vector.broadcast %mul3A_1508 : f32 to vector<16xf32>
      %mul3A_1510 = arith.mulf %mul3A_1509, %select_n3A_1483 : vector<16xf32>
      %mul3A_1511 = arith.mulf %mul3A_1510, %mul3A_1507 : vector<16xf32>
      %mul3A_1512 = arith.mulf %mul3A_1511, %mul3A_1507 : vector<16xf32>
      %sub3A_1513 = arith.constant 1.500000e+00 : f32
      %sub3A_1514 = vector.broadcast %sub3A_1513 : f32 to vector<16xf32>
      %sub3A_1515 = arith.subf %sub3A_1514, %mul3A_1512 : vector<16xf32>
      %mul3A_1516 = arith.mulf %mul3A_1507, %sub3A_1515 : vector<16xf32>
      %mul3A_1517 = arith.constant 5.000000e-01 : f32
      %mul3A_1518 = vector.broadcast %mul3A_1517 : f32 to vector<16xf32>
      %mul3A_1519 = arith.mulf %mul3A_1518, %select_n3A_1483 : vector<16xf32>
      %mul3A_1520 = arith.mulf %mul3A_1519, %mul3A_1516 : vector<16xf32>
      %mul3A_1521 = arith.mulf %mul3A_1520, %mul3A_1516 : vector<16xf32>
      %sub3A_1522 = arith.constant 1.500000e+00 : f32
      %sub3A_1523 = vector.broadcast %sub3A_1522 : f32 to vector<16xf32>
      %sub3A_1524 = arith.subf %sub3A_1523, %mul3A_1521 : vector<16xf32>
      %mul3A_1525 = arith.mulf %mul3A_1516, %sub3A_1524 : vector<16xf32>
      %mul3A_1526 = arith.constant 5.000000e-01 : f32
      %mul3A_1527 = vector.broadcast %mul3A_1526 : f32 to vector<16xf32>
      %mul3A_1528 = arith.mulf %mul3A_1527, %select_n3A_1483 : vector<16xf32>
      %mul3A_1529 = arith.mulf %mul3A_1528, %mul3A_1525 : vector<16xf32>
      %mul3A_1530 = arith.mulf %mul3A_1529, %mul3A_1525 : vector<16xf32>
      %sub3A_1531 = arith.constant 1.500000e+00 : f32
      %sub3A_1532 = vector.broadcast %sub3A_1531 : f32 to vector<16xf32>
      %sub3A_1533 = arith.subf %sub3A_1532, %mul3A_1530 : vector<16xf32>
      %mul3A_1534 = arith.mulf %mul3A_1525, %sub3A_1533 : vector<16xf32>
      %mul3A_1535 = arith.constant 5.000000e-01 : f32
      %mul3A_1536 = vector.broadcast %mul3A_1535 : f32 to vector<16xf32>
      %mul3A_1537 = arith.mulf %mul3A_1536, %select_n3A_1483 : vector<16xf32>
      %mul3A_1538 = arith.mulf %mul3A_1537, %mul3A_1534 : vector<16xf32>
      %mul3A_1539 = arith.mulf %mul3A_1538, %mul3A_1534 : vector<16xf32>
      %sub3A_1540 = arith.constant 1.500000e+00 : f32
      %sub3A_1541 = vector.broadcast %sub3A_1540 : f32 to vector<16xf32>
      %sub3A_1542 = arith.subf %sub3A_1541, %mul3A_1539 : vector<16xf32>
      %mul3A_1543 = arith.mulf %mul3A_1534, %sub3A_1542 : vector<16xf32>
      %mul3A_1544 = arith.mulf %mul3A_1543, %select_n3A_1487 : vector<16xf32>
      %mul3A_1545 = arith.mulf %get3A_1210, %mul3A_1544 : vector<16xf32>
      %swap3A_1546 = arith.constant 2 : i32
      %swap3A_1547 = arith.index_cast %swap3A_1546 : i32 to index
      %swap3A_1548 = arith.constant 0 : index
      %swap3A_1549 = tpu.vector_load %arg10[%swap3A_1547, %swap3A_1548] {strides = array<i32>} : memref<8x128xf32, #tpu.memory_space<vmem>>, vector<1x16xf32>,
      %swap3A_1550 = vector.shape_cast %swap3A_1549 : vector<1x16xf32> to vector<16xf32>
      %swap3A_1551 = vector.shape_cast %mul3A_1545 : vector<16xf32> to vector<1x16xf32>
      tpu.vector_store %arg10[%swap3A_1547, %swap3A_1548], %swap3A_1551 {strides = array<i32>} : memref<8x128xf32, #tpu.memory_space<vmem>>, vector<1x16xf32>,
      %mul3A_1552 = arith.mulf %get3A_1217, %mul3A_1544 : vector<16xf32>
      %swap3A_1553 = arith.constant 2 : i32
      %swap3A_1554 = arith.index_cast %swap3A_1553 : i32 to index
      %swap3A_1555 = arith.constant 16 : index
      %swap3A_1556 = tpu.vector_load %arg10[%swap3A_1554, %swap3A_1555] {strides = array<i32>} : memref<8x128xf32, #tpu.memory_space<vmem>>, vector<1x16xf32>,
      %swap3A_1557 = vector.shape_cast %swap3A_1556 : vector<1x16xf32> to vector<16xf32>
      %swap3A_1558 = vector.shape_cast %mul3A_1552 : vector<16xf32> to vector<1x16xf32>
      tpu.vector_store %arg10[%swap3A_1554, %swap3A_1555], %swap3A_1558 {strides = array<i32>} : memref<8x128xf32, #tpu.memory_space<vmem>>, vector<1x16xf32>,
      %mul3A_1559 = arith.mulf %get3A_1224, %mul3A_1544 : vector<16xf32>
      %swap3A_1560 = arith.constant 2 : i32
      %swap3A_1561 = arith.index_cast %swap3A_1560 : i32 to index
      %swap3A_1562 = arith.constant 32 : index
      %swap3A_1563 = tpu.vector_load %arg10[%swap3A_1561, %swap3A_1562] {strides = array<i32>} : memref<8x128xf32, #tpu.memory_space<vmem>>, vector<1x16xf32>,
      %swap3A_1564 = vector.shape_cast %swap3A_1563 : vector<1x16xf32> to vector<16xf32>
      %swap3A_1565 = vector.shape_cast %mul3A_1559 : vector<16xf32> to vector<1x16xf32>
      tpu.vector_store %arg10[%swap3A_1561, %swap3A_1562], %swap3A_1565 {strides = array<i32>} : memref<8x128xf32, #tpu.memory_space<vmem>>, vector<1x16xf32>,
      %mul3A_1566 = arith.mulf %get3A_1231, %mul3A_1544 : vector<16xf32>
      %swap3A_1567 = arith.constant 2 : i32
      %swap3A_1568 = arith.index_cast %swap3A_1567 : i32 to index
      %swap3A_1569 = arith.constant 48 : index
      %swap3A_1570 = tpu.vector_load %arg10[%swap3A_1568, %swap3A_1569] {strides = array<i32>} : memref<8x128xf32, #tpu.memory_space<vmem>>, vector<1x16xf32>,
      %swap3A_1571 = vector.shape_cast %swap3A_1570 : vector<1x16xf32> to vector<16xf32>
      %swap3A_1572 = vector.shape_cast %mul3A_1566 : vector<16xf32> to vector<1x16xf32>
      tpu.vector_store %arg10[%swap3A_1568, %swap3A_1569], %swap3A_1572 {strides = array<i32>} : memref<8x128xf32, #tpu.memory_space<vmem>>, vector<1x16xf32>,
      %mul3A_1573 = arith.mulf %get3A_1238, %mul3A_1544 : vector<16xf32>
      %swap3A_1574 = arith.constant 2 : i32
      %swap3A_1575 = arith.index_cast %swap3A_1574 : i32 to index
      %swap3A_1576 = arith.constant 64 : index
      %swap3A_1577 = tpu.vector_load %arg10[%swap3A_1575, %swap3A_1576] {strides = array<i32>} : memref<8x128xf32, #tpu.memory_space<vmem>>, vector<1x16xf32>,
      %swap3A_1578 = vector.shape_cast %swap3A_1577 : vector<1x16xf32> to vector<16xf32>
      %swap3A_1579 = vector.shape_cast %mul3A_1573 : vector<16xf32> to vector<1x16xf32>
      tpu.vector_store %arg10[%swap3A_1575, %swap3A_1576], %swap3A_1579 {strides = array<i32>} : memref<8x128xf32, #tpu.memory_space<vmem>>, vector<1x16xf32>,
      %mul3A_1580 = arith.mulf %get3A_1245, %mul3A_1544 : vector<16xf32>
      %swap3A_1581 = arith.constant 2 : i32
      %swap3A_1582 = arith.index_cast %swap3A_1581 : i32 to index
      %swap3A_1583 = arith.constant 80 : index
      %swap3A_1584 = tpu.vector_load %arg10[%swap3A_1582, %swap3A_1583] {strides = array<i32>} : memref<8x128xf32, #tpu.memory_space<vmem>>, vector<1x16xf32>,
      %swap3A_1585 = vector.shape_cast %swap3A_1584 : vector<1x16xf32> to vector<16xf32>
      %swap3A_1586 = vector.shape_cast %mul3A_1580 : vector<16xf32> to vector<1x16xf32>
      tpu.vector_store %arg10[%swap3A_1582, %swap3A_1583], %swap3A_1586 {strides = array<i32>} : memref<8x128xf32, #tpu.memory_space<vmem>>, vector<1x16xf32>,
      %mul3A_1587 = arith.mulf %get3A_1252, %mul3A_1544 : vector<16xf32>
      %swap3A_1588 = arith.constant 2 : i32
      %swap3A_1589 = arith.index_cast %swap3A_1588 : i32 to index
      %swap3A_1590 = arith.constant 96 : index
      %swap3A_1591 = tpu.vector_load %arg10[%swap3A_1589, %swap3A_1590] {strides = array<i32>} : memref<8x128xf32, #tpu.memory_space<vmem>>, vector<1x16xf32>,
      %swap3A_1592 = vector.shape_cast %swap3A_1591 : vector<1x16xf32> to vector<16xf32>
      %swap3A_1593 = vector.shape_cast %mul3A_1587 : vector<16xf32> to vector<1x16xf32>
      tpu.vector_store %arg10[%swap3A_1589, %swap3A_1590], %swap3A_1593 {strides = array<i32>} : memref<8x128xf32, #tpu.memory_space<vmem>>, vector<1x16xf32>,
      %mul3A_1594 = arith.mulf %get3A_1259, %mul3A_1544 : vector<16xf32>
      %swap3A_1595 = arith.constant 2 : i32
      %swap3A_1596 = arith.index_cast %swap3A_1595 : i32 to index
      %swap3A_1597 = arith.constant 112 : index
      %swap3A_1598 = tpu.vector_load %arg10[%swap3A_1596, %swap3A_1597] {strides = array<i32>} : memref<8x128xf32, #tpu.memory_space<vmem>>, vector<1x16xf32>,
      %swap3A_1599 = vector.shape_cast %swap3A_1598 : vector<1x16xf32> to vector<16xf32>
      %swap3A_1600 = vector.shape_cast %mul3A_1594 : vector<16xf32> to vector<1x16xf32>
      tpu.vector_store %arg10[%swap3A_1596, %swap3A_1597], %swap3A_1600 {strides = array<i32>} : memref<8x128xf32, #tpu.memory_space<vmem>>, vector<1x16xf32>,
      %broadcast_in_dim3A_1601 = arith.constant 0.000000e+00 : f32
      %broadcast_in_dim3A_1602 = vector.broadcast %broadcast_in_dim3A_1601 : f32 to vector<16xf32>
      %get3A_1603 = arith.constant 3 : i32
      %get3A_1604 = arith.index_cast %get3A_1603 : i32 to index
      %get3A_1605 = arith.constant 0 : index
      %get3A_1606 = tpu.vector_load %arg10[%get3A_1604, %get3A_1605] {strides = array<i32>} : memref<8x128xf32, #tpu.memory_space<vmem>>, vector<1x16xf32>,
      %get3A_1607 = vector.shape_cast %get3A_1606 : vector<1x16xf32> to vector<16xf32>
      %mul3A_1608 = arith.mulf %get3A_1607, %get3A_1607 : vector<16xf32>
      %add3A_1609 = arith.addf %broadcast_in_dim3A_1602, %mul3A_1608 : vector<16xf32>
      %get3A_1610 = arith.constant 3 : i32
      %get3A_1611 = arith.index_cast %get3A_1610 : i32 to index
      %get3A_1612 = arith.constant 16 : index
      %get3A_1613 = tpu.vector_load %arg10[%get3A_1611, %get3A_1612] {strides = array<i32>} : memref<8x128xf32, #tpu.memory_space<vmem>>, vector<1x16xf32>,
      %get3A_1614 = vector.shape_cast %get3A_1613 : vector<1x16xf32> to vector<16xf32>
      %mul3A_1615 = arith.mulf %get3A_1614, %get3A_1614 : vector<16xf32>
      %add3A_1616 = arith.addf %add3A_1609, %mul3A_1615 : vector<16xf32>
      %get3A_1617 = arith.constant 3 : i32
      %get3A_1618 = arith.index_cast %get3A_1617 : i32 to index
      %get3A_1619 = arith.constant 32 : index
      %get3A_1620 = tpu.vector_load %arg10[%get3A_1618, %get3A_1619] {strides = array<i32>} : memref<8x128xf32, #tpu.memory_space<vmem>>, vector<1x16xf32>,
      %get3A_1621 = vector.shape_cast %get3A_1620 : vector<1x16xf32> to vector<16xf32>
      %mul3A_1622 = arith.mulf %get3A_1621, %get3A_1621 : vector<16xf32>
      %add3A_1623 = arith.addf %add3A_1616, %mul3A_1622 : vector<16xf32>
      %get3A_1624 = arith.constant 3 : i32
      %get3A_1625 = arith.index_cast %get3A_1624 : i32 to index
      %get3A_1626 = arith.constant 48 : index
      %get3A_1627 = tpu.vector_load %arg10[%get3A_1625, %get3A_1626] {strides = array<i32>} : memref<8x128xf32, #tpu.memory_space<vmem>>, vector<1x16xf32>,
      %get3A_1628 = vector.shape_cast %get3A_1627 : vector<1x16xf32> to vector<16xf32>
      %mul3A_1629 = arith.mulf %get3A_1628, %get3A_1628 : vector<16xf32>
      %add3A_1630 = arith.addf %add3A_1623, %mul3A_1629 : vector<16xf32>
      %get3A_1631 = arith.constant 3 : i32
      %get3A_1632 = arith.index_cast %get3A_1631 : i32 to index
      %get3A_1633 = arith.constant 64 : index
      %get3A_1634 = tpu.vector_load %arg10[%get3A_1632, %get3A_1633] {strides = array<i32>} : memref<8x128xf32, #tpu.memory_space<vmem>>, vector<1x16xf32>,
      %get3A_1635 = vector.shape_cast %get3A_1634 : vector<1x16xf32> to vector<16xf32>
      %mul3A_1636 = arith.mulf %get3A_1635, %get3A_1635 : vector<16xf32>
      %add3A_1637 = arith.addf %add3A_1630, %mul3A_1636 : vector<16xf32>
      %get3A_1638 = arith.constant 3 : i32
      %get3A_1639 = arith.index_cast %get3A_1638 : i32 to index
      %get3A_1640 = arith.constant 80 : index
      %get3A_1641 = tpu.vector_load %arg10[%get3A_1639, %get3A_1640] {strides = array<i32>} : memref<8x128xf32, #tpu.memory_space<vmem>>, vector<1x16xf32>,
      %get3A_1642 = vector.shape_cast %get3A_1641 : vector<1x16xf32> to vector<16xf32>
      %mul3A_1643 = arith.mulf %get3A_1642, %get3A_1642 : vector<16xf32>
      %add3A_1644 = arith.addf %add3A_1637, %mul3A_1643 : vector<16xf32>
      %get3A_1645 = arith.constant 3 : i32
      %get3A_1646 = arith.index_cast %get3A_1645 : i32 to index
      %get3A_1647 = arith.constant 96 : index
      %get3A_1648 = tpu.vector_load %arg10[%get3A_1646, %get3A_1647] {strides = array<i32>} : memref<8x128xf32, #tpu.memory_space<vmem>>, vector<1x16xf32>,
      %get3A_1649 = vector.shape_cast %get3A_1648 : vector<1x16xf32> to vector<16xf32>
      %mul3A_1650 = arith.mulf %get3A_1649, %get3A_1649 : vector<16xf32>
      %add3A_1651 = arith.addf %add3A_1644, %mul3A_1650 : vector<16xf32>
      %get3A_1652 = arith.constant 3 : i32
      %get3A_1653 = arith.index_cast %get3A_1652 : i32 to index
      %get3A_1654 = arith.constant 112 : index
      %get3A_1655 = tpu.vector_load %arg10[%get3A_1653, %get3A_1654] {strides = array<i32>} : memref<8x128xf32, #tpu.memory_space<vmem>>, vector<1x16xf32>,
      %get3A_1656 = vector.shape_cast %get3A_1655 : vector<1x16xf32> to vector<16xf32>
      %mul3A_1657 = arith.mulf %get3A_1656, %get3A_1656 : vector<16xf32>
      %add3A_1658 = arith.addf %add3A_1651, %mul3A_1657 : vector<16xf32>
      %swap3A_1659 = arith.constant 0 : index
      %swap3A_1660 = tpu.vector_load %arg11[%swap3A_1659] {strides = array<i32>} : memref<32xf32, #tpu.memory_space<vmem>>, vector<16xf32>,
      %swap3A_1661 = vector.shape_cast %swap3A_1660 : vector<16xf32> to vector<16xf32>
      %swap3A_1662 = vector.shape_cast %add3A_1658 : vector<16xf32> to vector<16xf32>
      tpu.vector_store %arg11[%swap3A_1659], %swap3A_1662 {strides = array<i32>} : memref<32xf32, #tpu.memory_space<vmem>>, vector<16xf32>,
      %swap3A_1663 = arith.constant 16 : index
      %swap3A_1664 = tpu.vector_load %arg11[%swap3A_1663] {strides = array<i32>} : memref<32xf32, #tpu.memory_space<vmem>>, vector<16xf32>,
      %swap3A_1665 = vector.shape_cast %swap3A_1664 : vector<16xf32> to vector<16xf32>
      %swap3A_1666 = vector.shape_cast %add3A_1658 : vector<16xf32> to vector<16xf32>
      tpu.vector_store %arg11[%swap3A_1663], %swap3A_1666 {strides = array<i32>} : memref<32xf32, #tpu.memory_space<vmem>>, vector<16xf32>,
      %get3A_1667 = arith.constant 8 : index
      %get3A_1668 = tpu.vector_load %arg11[%get3A_1667] {strides = array<i32>} : memref<32xf32, #tpu.memory_space<vmem>>, vector<16xf32>,
      %get3A_1669 = vector.shape_cast %get3A_1668 : vector<16xf32> to vector<16xf32>
      %add3A_1670 = arith.addf %add3A_1658, %get3A_1669 : vector<16xf32>
      %swap3A_1671 = arith.constant 0 : index
      %swap3A_1672 = tpu.vector_load %arg11[%swap3A_1671] {strides = array<i32>} : memref<32xf32, #tpu.memory_space<vmem>>, vector<16xf32>,
      %swap3A_1673 = vector.shape_cast %swap3A_1672 : vector<16xf32> to vector<16xf32>
      %swap3A_1674 = vector.shape_cast %add3A_1670 : vector<16xf32> to vector<16xf32>
      tpu.vector_store %arg11[%swap3A_1671], %swap3A_1674 {strides = array<i32>} : memref<32xf32, #tpu.memory_space<vmem>>, vector<16xf32>,
      %swap3A_1675 = arith.constant 16 : index
      %swap3A_1676 = tpu.vector_load %arg11[%swap3A_1675] {strides = array<i32>} : memref<32xf32, #tpu.memory_space<vmem>>, vector<16xf32>,
      %swap3A_1677 = vector.shape_cast %swap3A_1676 : vector<16xf32> to vector<16xf32>
      %swap3A_1678 = vector.shape_cast %add3A_1670 : vector<16xf32> to vector<16xf32>
      tpu.vector_store %arg11[%swap3A_1675], %swap3A_1678 {strides = array<i32>} : memref<32xf32, #tpu.memory_space<vmem>>, vector<16xf32>,
      %get3A_1679 = arith.constant 4 : index
      %get3A_1680 = tpu.vector_load %arg11[%get3A_1679] {strides = array<i32>} : memref<32xf32, #tpu.memory_space<vmem>>, vector<16xf32>,
      %get3A_1681 = vector.shape_cast %get3A_1680 : vector<16xf32> to vector<16xf32>
      %add3A_1682 = arith.addf %add3A_1670, %get3A_1681 : vector<16xf32>
      %swap3A_1683 = arith.constant 0 : index
      %swap3A_1684 = tpu.vector_load %arg11[%swap3A_1683] {strides = array<i32>} : memref<32xf32, #tpu.memory_space<vmem>>, vector<16xf32>,
      %swap3A_1685 = vector.shape_cast %swap3A_1684 : vector<16xf32> to vector<16xf32>
      %swap3A_1686 = vector.shape_cast %add3A_1682 : vector<16xf32> to vector<16xf32>
      tpu.vector_store %arg11[%swap3A_1683], %swap3A_1686 {strides = array<i32>} : memref<32xf32, #tpu.memory_space<vmem>>, vector<16xf32>,
      %swap3A_1687 = arith.constant 16 : index
      %swap3A_1688 = tpu.vector_load %arg11[%swap3A_1687] {strides = array<i32>} : memref<32xf32, #tpu.memory_space<vmem>>, vector<16xf32>,
      %swap3A_1689 = vector.shape_cast %swap3A_1688 : vector<16xf32> to vector<16xf32>
      %swap3A_1690 = vector.shape_cast %add3A_1682 : vector<16xf32> to vector<16xf32>
      tpu.vector_store %arg11[%swap3A_1687], %swap3A_1690 {strides = array<i32>} : memref<32xf32, #tpu.memory_space<vmem>>, vector<16xf32>,
      %get3A_1691 = arith.constant 2 : index
      %get3A_1692 = tpu.vector_load %arg11[%get3A_1691] {strides = array<i32>} : memref<32xf32, #tpu.memory_space<vmem>>, vector<16xf32>,
      %get3A_1693 = vector.shape_cast %get3A_1692 : vector<16xf32> to vector<16xf32>
      %add3A_1694 = arith.addf %add3A_1682, %get3A_1693 : vector<16xf32>
      %swap3A_1695 = arith.constant 0 : index
      %swap3A_1696 = tpu.vector_load %arg11[%swap3A_1695] {strides = array<i32>} : memref<32xf32, #tpu.memory_space<vmem>>, vector<16xf32>,
      %swap3A_1697 = vector.shape_cast %swap3A_1696 : vector<16xf32> to vector<16xf32>
      %swap3A_1698 = vector.shape_cast %add3A_1694 : vector<16xf32> to vector<16xf32>
      tpu.vector_store %arg11[%swap3A_1695], %swap3A_1698 {strides = array<i32>} : memref<32xf32, #tpu.memory_space<vmem>>, vector<16xf32>,
      %swap3A_1699 = arith.constant 16 : index
      %swap3A_1700 = tpu.vector_load %arg11[%swap3A_1699] {strides = array<i32>} : memref<32xf32, #tpu.memory_space<vmem>>, vector<16xf32>,
      %swap3A_1701 = vector.shape_cast %swap3A_1700 : vector<16xf32> to vector<16xf32>
      %swap3A_1702 = vector.shape_cast %add3A_1694 : vector<16xf32> to vector<16xf32>
      tpu.vector_store %arg11[%swap3A_1699], %swap3A_1702 {strides = array<i32>} : memref<32xf32, #tpu.memory_space<vmem>>, vector<16xf32>,
      %get3A_1703 = arith.constant 1 : index
      %get3A_1704 = tpu.vector_load %arg11[%get3A_1703] {strides = array<i32>} : memref<32xf32, #tpu.memory_space<vmem>>, vector<16xf32>,
      %get3A_1705 = vector.shape_cast %get3A_1704 : vector<16xf32> to vector<16xf32>
      %add3A_1706 = arith.addf %add3A_1694, %get3A_1705 : vector<16xf32>
      %broadcast_in_dim3A_1707 = arith.constant 1.000000e+00 : f32
      %broadcast_in_dim3A_1708 = vector.broadcast %broadcast_in_dim3A_1707 : f32 to vector<16xf32>
      %gt3A_1709 = arith.constant 1.84467441E+19 : f32
      %gt3A_1710 = vector.broadcast %gt3A_1709 : f32 to vector<16xf32>
      %gt3A_1711 = arith.cmpf ogt, %add3A_1706, %gt3A_1710 : vector<16xf32>
      %mul3A_1712 = arith.constant 5.42101086E-20 : f32
      %mul3A_1713 = vector.broadcast %mul3A_1712 : f32 to vector<16xf32>
      %mul3A_1714 = arith.mulf %add3A_1706, %mul3A_1713 : vector<16xf32>
      %select_n3A_1715 = arith.select %gt3A_1711, %mul3A_1714, %add3A_1706 : vector<16xi1>, vector<16xf32>
      %mul3A_1716 = arith.constant 2.32830644E-10 : f32
      %mul3A_1717 = vector.broadcast %mul3A_1716 : f32 to vector<16xf32>
      %mul3A_1718 = arith.mulf %broadcast_in_dim3A_1708, %mul3A_1717 : vector<16xf32>
      %select_n3A_1719 = arith.select %gt3A_1711, %mul3A_1718, %broadcast_in_dim3A_1708 : vector<16xi1>, vector<16xf32>
      %lt3A_1720 = arith.constant 5.42101086E-20 : f32
      %lt3A_1721 = vector.broadcast %lt3A_1720 : f32 to vector<16xf32>
      %lt3A_1722 = arith.cmpf olt, %select_n3A_1715, %lt3A_1721 : vector<16xf32>
      %mul3A_1723 = arith.constant 1.84467441E+19 : f32
      %mul3A_1724 = vector.broadcast %mul3A_1723 : f32 to vector<16xf32>
      %mul3A_1725 = arith.mulf %select_n3A_1715, %mul3A_1724 : vector<16xf32>
      %select_n3A_1726 = arith.select %lt3A_1722, %mul3A_1725, %select_n3A_1715 : vector<16xi1>, vector<16xf32>
      %mul3A_1727 = arith.constant 4.2949673E+9 : f32
      %mul3A_1728 = vector.broadcast %mul3A_1727 : f32 to vector<16xf32>
      %mul3A_1729 = arith.mulf %select_n3A_1719, %mul3A_1728 : vector<16xf32>
      %select_n3A_1730 = arith.select %lt3A_1722, %mul3A_1729, %select_n3A_1719 : vector<16xi1>, vector<16xf32>
      %gt3A_1731 = arith.constant 4.2949673E+9 : f32
      %gt3A_1732 = vector.broadcast %gt3A_1731 : f32 to vector<16xf32>
      %gt3A_1733 = arith.cmpf ogt, %select_n3A_1726, %gt3A_1732 : vector<16xf32>
      %mul3A_1734 = arith.constant 2.32830644E-10 : f32
      %mul3A_1735 = vector.broadcast %mul3A_1734 : f32 to vector<16xf32>
      %mul3A_1736 = arith.mulf %select_n3A_1726, %mul3A_1735 : vector<16xf32>
      %select_n3A_1737 = arith.select %gt3A_1733, %mul3A_1736, %select_n3A_1726 : vector<16xi1>, vector<16xf32>
      %mul3A_1738 = arith.constant 1.52587891E-5 : f32
      %mul3A_1739 = vector.broadcast %mul3A_1738 : f32 to vector<16xf32>
      %mul3A_1740 = arith.mulf %select_n3A_1730, %mul3A_1739 : vector<16xf32>
      %select_n3A_1741 = arith.select %gt3A_1733, %mul3A_1740, %select_n3A_1730 : vector<16xi1>, vector<16xf32>
      %lt3A_1742 = arith.constant 2.32830644E-10 : f32
      %lt3A_1743 = vector.broadcast %lt3A_1742 : f32 to vector<16xf32>
      %lt3A_1744 = arith.cmpf olt, %select_n3A_1737, %lt3A_1743 : vector<16xf32>
      %mul3A_1745 = arith.constant 4.2949673E+9 : f32
      %mul3A_1746 = vector.broadcast %mul3A_1745 : f32 to vector<16xf32>
      %mul3A_1747 = arith.mulf %select_n3A_1737, %mul3A_1746 : vector<16xf32>
      %select_n3A_1748 = arith.select %lt3A_1744, %mul3A_1747, %select_n3A_1737 : vector<16xi1>, vector<16xf32>
      %mul3A_1749 = arith.constant 6.553600e+04 : f32
      %mul3A_1750 = vector.broadcast %mul3A_1749 : f32 to vector<16xf32>
      %mul3A_1751 = arith.mulf %select_n3A_1741, %mul3A_1750 : vector<16xf32>
      %select_n3A_1752 = arith.select %lt3A_1744, %mul3A_1751, %select_n3A_1741 : vector<16xi1>, vector<16xf32>
      %gt3A_1753 = arith.constant 6.553600e+04 : f32
      %gt3A_1754 = vector.broadcast %gt3A_1753 : f32 to vector<16xf32>
      %gt3A_1755 = arith.cmpf ogt, %select_n3A_1748, %gt3A_1754 : vector<16xf32>
      %mul3A_1756 = arith.constant 1.52587891E-5 : f32
      %mul3A_1757 = vector.broadcast %mul3A_1756 : f32 to vector<16xf32>
      %mul3A_1758 = arith.mulf %select_n3A_1748, %mul3A_1757 : vector<16xf32>
      %select_n3A_1759 = arith.select %gt3A_1755, %mul3A_1758, %select_n3A_1748 : vector<16xi1>, vector<16xf32>
      %mul3A_1760 = arith.constant 3.906250e-03 : f32
      %mul3A_1761 = vector.broadcast %mul3A_1760 : f32 to vector<16xf32>
      %mul3A_1762 = arith.mulf %select_n3A_1752, %mul3A_1761 : vector<16xf32>
      %select_n3A_1763 = arith.select %gt3A_1755, %mul3A_1762, %select_n3A_1752 : vector<16xi1>, vector<16xf32>
      %lt3A_1764 = arith.constant 1.52587891E-5 : f32
      %lt3A_1765 = vector.broadcast %lt3A_1764 : f32 to vector<16xf32>
      %lt3A_1766 = arith.cmpf olt, %select_n3A_1759, %lt3A_1765 : vector<16xf32>
      %mul3A_1767 = arith.constant 6.553600e+04 : f32
      %mul3A_1768 = vector.broadcast %mul3A_1767 : f32 to vector<16xf32>
      %mul3A_1769 = arith.mulf %select_n3A_1759, %mul3A_1768 : vector<16xf32>
      %select_n3A_1770 = arith.select %lt3A_1766, %mul3A_1769, %select_n3A_1759 : vector<16xi1>, vector<16xf32>
      %mul3A_1771 = arith.constant 2.560000e+02 : f32
      %mul3A_1772 = vector.broadcast %mul3A_1771 : f32 to vector<16xf32>
      %mul3A_1773 = arith.mulf %select_n3A_1763, %mul3A_1772 : vector<16xf32>
      %select_n3A_1774 = arith.select %lt3A_1766, %mul3A_1773, %select_n3A_1763 : vector<16xi1>, vector<16xf32>
      %gt3A_1775 = arith.constant 2.560000e+02 : f32
      %gt3A_1776 = vector.broadcast %gt3A_1775 : f32 to vector<16xf32>
      %gt3A_1777 = arith.cmpf ogt, %select_n3A_1770, %gt3A_1776 : vector<16xf32>
      %mul3A_1778 = arith.constant 3.906250e-03 : f32
      %mul3A_1779 = vector.broadcast %mul3A_1778 : f32 to vector<16xf32>
      %mul3A_1780 = arith.mulf %select_n3A_1770, %mul3A_1779 : vector<16xf32>
      %select_n3A_1781 = arith.select %gt3A_1777, %mul3A_1780, %select_n3A_1770 : vector<16xi1>, vector<16xf32>
      %mul3A_1782 = arith.constant 6.250000e-02 : f32
      %mul3A_1783 = vector.broadcast %mul3A_1782 : f32 to vector<16xf32>
      %mul3A_1784 = arith.mulf %select_n3A_1774, %mul3A_1783 : vector<16xf32>
      %select_n3A_1785 = arith.select %gt3A_1777, %mul3A_1784, %select_n3A_1774 : vector<16xi1>, vector<16xf32>
      %lt3A_1786 = arith.constant 3.906250e-03 : f32
      %lt3A_1787 = vector.broadcast %lt3A_1786 : f32 to vector<16xf32>
      %lt3A_1788 = arith.cmpf olt, %select_n3A_1781, %lt3A_1787 : vector<16xf32>
      %mul3A_1789 = arith.constant 2.560000e+02 : f32
      %mul3A_1790 = vector.broadcast %mul3A_1789 : f32 to vector<16xf32>
      %mul3A_1791 = arith.mulf %select_n3A_1781, %mul3A_1790 : vector<16xf32>
      %select_n3A_1792 = arith.select %lt3A_1788, %mul3A_1791, %select_n3A_1781 : vector<16xi1>, vector<16xf32>
      %mul3A_1793 = arith.constant 1.600000e+01 : f32
      %mul3A_1794 = vector.broadcast %mul3A_1793 : f32 to vector<16xf32>
      %mul3A_1795 = arith.mulf %select_n3A_1785, %mul3A_1794 : vector<16xf32>
      %select_n3A_1796 = arith.select %lt3A_1788, %mul3A_1795, %select_n3A_1785 : vector<16xi1>, vector<16xf32>
      %gt3A_1797 = arith.constant 1.600000e+01 : f32
      %gt3A_1798 = vector.broadcast %gt3A_1797 : f32 to vector<16xf32>
      %gt3A_1799 = arith.cmpf ogt, %select_n3A_1792, %gt3A_1798 : vector<16xf32>
      %mul3A_1800 = arith.constant 6.250000e-02 : f32
      %mul3A_1801 = vector.broadcast %mul3A_1800 : f32 to vector<16xf32>
      %mul3A_1802 = arith.mulf %select_n3A_1792, %mul3A_1801 : vector<16xf32>
      %select_n3A_1803 = arith.select %gt3A_1799, %mul3A_1802, %select_n3A_1792 : vector<16xi1>, vector<16xf32>
      %mul3A_1804 = arith.constant 2.500000e-01 : f32
      %mul3A_1805 = vector.broadcast %mul3A_1804 : f32 to vector<16xf32>
      %mul3A_1806 = arith.mulf %select_n3A_1796, %mul3A_1805 : vector<16xf32>
      %select_n3A_1807 = arith.select %gt3A_1799, %mul3A_1806, %select_n3A_1796 : vector<16xi1>, vector<16xf32>
      %lt3A_1808 = arith.constant 6.250000e-02 : f32
      %lt3A_1809 = vector.broadcast %lt3A_1808 : f32 to vector<16xf32>
      %lt3A_1810 = arith.cmpf olt, %select_n3A_1803, %lt3A_1809 : vector<16xf32>
      %mul3A_1811 = arith.constant 1.600000e+01 : f32
      %mul3A_1812 = vector.broadcast %mul3A_1811 : f32 to vector<16xf32>
      %mul3A_1813 = arith.mulf %select_n3A_1803, %mul3A_1812 : vector<16xf32>
      %select_n3A_1814 = arith.select %lt3A_1810, %mul3A_1813, %select_n3A_1803 : vector<16xi1>, vector<16xf32>
      %mul3A_1815 = arith.constant 4.000000e+00 : f32
      %mul3A_1816 = vector.broadcast %mul3A_1815 : f32 to vector<16xf32>
      %mul3A_1817 = arith.mulf %select_n3A_1807, %mul3A_1816 : vector<16xf32>
      %select_n3A_1818 = arith.select %lt3A_1810, %mul3A_1817, %select_n3A_1807 : vector<16xi1>, vector<16xf32>
      %gt3A_1819 = arith.constant 2.000000e+00 : f32
      %gt3A_1820 = vector.broadcast %gt3A_1819 : f32 to vector<16xf32>
      %gt3A_1821 = arith.cmpf ogt, %select_n3A_1814, %gt3A_1820 : vector<16xf32>
      %mul3A_1822 = arith.constant 2.500000e-01 : f32
      %mul3A_1823 = vector.broadcast %mul3A_1822 : f32 to vector<16xf32>
      %mul3A_1824 = arith.mulf %select_n3A_1814, %mul3A_1823 : vector<16xf32>
      %select_n3A_1825 = arith.select %gt3A_1821, %mul3A_1824, %select_n3A_1814 : vector<16xi1>, vector<16xf32>
      %mul3A_1826 = arith.constant 5.000000e-01 : f32
      %mul3A_1827 = vector.broadcast %mul3A_1826 : f32 to vector<16xf32>
      %mul3A_1828 = arith.mulf %select_n3A_1818, %mul3A_1827 : vector<16xf32>
      %select_n3A_1829 = arith.select %gt3A_1821, %mul3A_1828, %select_n3A_1818 : vector<16xi1>, vector<16xf32>
      %lt3A_1830 = arith.constant 5.000000e-01 : f32
      %lt3A_1831 = vector.broadcast %lt3A_1830 : f32 to vector<16xf32>
      %lt3A_1832 = arith.cmpf olt, %select_n3A_1825, %lt3A_1831 : vector<16xf32>
      %mul3A_1833 = arith.constant 4.000000e+00 : f32
      %mul3A_1834 = vector.broadcast %mul3A_1833 : f32 to vector<16xf32>
      %mul3A_1835 = arith.mulf %select_n3A_1825, %mul3A_1834 : vector<16xf32>
      %select_n3A_1836 = arith.select %lt3A_1832, %mul3A_1835, %select_n3A_1825 : vector<16xi1>, vector<16xf32>
      %mul3A_1837 = arith.constant 2.000000e+00 : f32
      %mul3A_1838 = vector.broadcast %mul3A_1837 : f32 to vector<16xf32>
      %mul3A_1839 = arith.mulf %select_n3A_1829, %mul3A_1838 : vector<16xf32>
      %select_n3A_1840 = arith.select %lt3A_1832, %mul3A_1839, %select_n3A_1829 : vector<16xi1>, vector<16xf32>
      %gt3A_1841 = arith.constant 2.000000e+00 : f32
      %gt3A_1842 = vector.broadcast %gt3A_1841 : f32 to vector<16xf32>
      %gt3A_1843 = arith.cmpf ogt, %select_n3A_1836, %gt3A_1842 : vector<16xf32>
      %mul3A_1844 = arith.constant 2.500000e-01 : f32
      %mul3A_1845 = vector.broadcast %mul3A_1844 : f32 to vector<16xf32>
      %mul3A_1846 = arith.mulf %select_n3A_1836, %mul3A_1845 : vector<16xf32>
      %select_n3A_1847 = arith.select %gt3A_1843, %mul3A_1846, %select_n3A_1836 : vector<16xi1>, vector<16xf32>
      %mul3A_1848 = arith.constant 5.000000e-01 : f32
      %mul3A_1849 = vector.broadcast %mul3A_1848 : f32 to vector<16xf32>
      %mul3A_1850 = arith.mulf %select_n3A_1840, %mul3A_1849 : vector<16xf32>
      %select_n3A_1851 = arith.select %gt3A_1843, %mul3A_1850, %select_n3A_1840 : vector<16xi1>, vector<16xf32>
      %lt3A_1852 = arith.constant 5.000000e-01 : f32
      %lt3A_1853 = vector.broadcast %lt3A_1852 : f32 to vector<16xf32>
      %lt3A_1854 = arith.cmpf olt, %select_n3A_1847, %lt3A_1853 : vector<16xf32>
      %mul3A_1855 = arith.constant 4.000000e+00 : f32
      %mul3A_1856 = vector.broadcast %mul3A_1855 : f32 to vector<16xf32>
      %mul3A_1857 = arith.mulf %select_n3A_1847, %mul3A_1856 : vector<16xf32>
      %select_n3A_1858 = arith.select %lt3A_1854, %mul3A_1857, %select_n3A_1847 : vector<16xi1>, vector<16xf32>
      %mul3A_1859 = arith.constant 2.000000e+00 : f32
      %mul3A_1860 = vector.broadcast %mul3A_1859 : f32 to vector<16xf32>
      %mul3A_1861 = arith.mulf %select_n3A_1851, %mul3A_1860 : vector<16xf32>
      %select_n3A_1862 = arith.select %lt3A_1854, %mul3A_1861, %select_n3A_1851 : vector<16xi1>, vector<16xf32>
      %gt3A_1863 = arith.constant 2.000000e+00 : f32
      %gt3A_1864 = vector.broadcast %gt3A_1863 : f32 to vector<16xf32>
      %gt3A_1865 = arith.cmpf ogt, %select_n3A_1858, %gt3A_1864 : vector<16xf32>
      %mul3A_1866 = arith.constant 2.500000e-01 : f32
      %mul3A_1867 = vector.broadcast %mul3A_1866 : f32 to vector<16xf32>
      %mul3A_1868 = arith.mulf %select_n3A_1858, %mul3A_1867 : vector<16xf32>
      %select_n3A_1869 = arith.select %gt3A_1865, %mul3A_1868, %select_n3A_1858 : vector<16xi1>, vector<16xf32>
      %mul3A_1870 = arith.constant 5.000000e-01 : f32
      %mul3A_1871 = vector.broadcast %mul3A_1870 : f32 to vector<16xf32>
      %mul3A_1872 = arith.mulf %select_n3A_1862, %mul3A_1871 : vector<16xf32>
      %select_n3A_1873 = arith.select %gt3A_1865, %mul3A_1872, %select_n3A_1862 : vector<16xi1>, vector<16xf32>
      %lt3A_1874 = arith.constant 5.000000e-01 : f32
      %lt3A_1875 = vector.broadcast %lt3A_1874 : f32 to vector<16xf32>
      %lt3A_1876 = arith.cmpf olt, %select_n3A_1869, %lt3A_1875 : vector<16xf32>
      %mul3A_1877 = arith.constant 4.000000e+00 : f32
      %mul3A_1878 = vector.broadcast %mul3A_1877 : f32 to vector<16xf32>
      %mul3A_1879 = arith.mulf %select_n3A_1869, %mul3A_1878 : vector<16xf32>
      %select_n3A_1880 = arith.select %lt3A_1876, %mul3A_1879, %select_n3A_1869 : vector<16xi1>, vector<16xf32>
      %mul3A_1881 = arith.constant 2.000000e+00 : f32
      %mul3A_1882 = vector.broadcast %mul3A_1881 : f32 to vector<16xf32>
      %mul3A_1883 = arith.mulf %select_n3A_1873, %mul3A_1882 : vector<16xf32>
      %select_n3A_1884 = arith.select %lt3A_1876, %mul3A_1883, %select_n3A_1873 : vector<16xi1>, vector<16xf32>
      %broadcast_in_dim3A_1885 = arith.constant 1.000000e+00 : f32
      %broadcast_in_dim3A_1886 = vector.broadcast %broadcast_in_dim3A_1885 : f32 to vector<16xf32>
      %mul3A_1887 = arith.constant 5.000000e-01 : f32
      %mul3A_1888 = vector.broadcast %mul3A_1887 : f32 to vector<16xf32>
      %mul3A_1889 = arith.mulf %mul3A_1888, %select_n3A_1880 : vector<16xf32>
      %mul3A_1890 = arith.mulf %mul3A_1889, %broadcast_in_dim3A_1886 : vector<16xf32>
      %mul3A_1891 = arith.mulf %mul3A_1890, %broadcast_in_dim3A_1886 : vector<16xf32>
      %sub3A_1892 = arith.constant 1.500000e+00 : f32
      %sub3A_1893 = vector.broadcast %sub3A_1892 : f32 to vector<16xf32>
      %sub3A_1894 = arith.subf %sub3A_1893, %mul3A_1891 : vector<16xf32>
      %mul3A_1895 = arith.mulf %broadcast_in_dim3A_1886, %sub3A_1894 : vector<16xf32>
      %mul3A_1896 = arith.constant 5.000000e-01 : f32
      %mul3A_1897 = vector.broadcast %mul3A_1896 : f32 to vector<16xf32>
      %mul3A_1898 = arith.mulf %mul3A_1897, %select_n3A_1880 : vector<16xf32>
      %mul3A_1899 = arith.mulf %mul3A_1898, %mul3A_1895 : vector<16xf32>
      %mul3A_1900 = arith.mulf %mul3A_1899, %mul3A_1895 : vector<16xf32>
      %sub3A_1901 = arith.constant 1.500000e+00 : f32
      %sub3A_1902 = vector.broadcast %sub3A_1901 : f32 to vector<16xf32>
      %sub3A_1903 = arith.subf %sub3A_1902, %mul3A_1900 : vector<16xf32>
      %mul3A_1904 = arith.mulf %mul3A_1895, %sub3A_1903 : vector<16xf32>
      %mul3A_1905 = arith.constant 5.000000e-01 : f32
      %mul3A_1906 = vector.broadcast %mul3A_1905 : f32 to vector<16xf32>
      %mul3A_1907 = arith.mulf %mul3A_1906, %select_n3A_1880 : vector<16xf32>
      %mul3A_1908 = arith.mulf %mul3A_1907, %mul3A_1904 : vector<16xf32>
      %mul3A_1909 = arith.mulf %mul3A_1908, %mul3A_1904 : vector<16xf32>
      %sub3A_1910 = arith.constant 1.500000e+00 : f32
      %sub3A_1911 = vector.broadcast %sub3A_1910 : f32 to vector<16xf32>
      %sub3A_1912 = arith.subf %sub3A_1911, %mul3A_1909 : vector<16xf32>
      %mul3A_1913 = arith.mulf %mul3A_1904, %sub3A_1912 : vector<16xf32>
      %mul3A_1914 = arith.constant 5.000000e-01 : f32
      %mul3A_1915 = vector.broadcast %mul3A_1914 : f32 to vector<16xf32>
      %mul3A_1916 = arith.mulf %mul3A_1915, %select_n3A_1880 : vector<16xf32>
      %mul3A_1917 = arith.mulf %mul3A_1916, %mul3A_1913 : vector<16xf32>
      %mul3A_1918 = arith.mulf %mul3A_1917, %mul3A_1913 : vector<16xf32>
      %sub3A_1919 = arith.constant 1.500000e+00 : f32
      %sub3A_1920 = vector.broadcast %sub3A_1919 : f32 to vector<16xf32>
      %sub3A_1921 = arith.subf %sub3A_1920, %mul3A_1918 : vector<16xf32>
      %mul3A_1922 = arith.mulf %mul3A_1913, %sub3A_1921 : vector<16xf32>
      %mul3A_1923 = arith.constant 5.000000e-01 : f32
      %mul3A_1924 = vector.broadcast %mul3A_1923 : f32 to vector<16xf32>
      %mul3A_1925 = arith.mulf %mul3A_1924, %select_n3A_1880 : vector<16xf32>
      %mul3A_1926 = arith.mulf %mul3A_1925, %mul3A_1922 : vector<16xf32>
      %mul3A_1927 = arith.mulf %mul3A_1926, %mul3A_1922 : vector<16xf32>
      %sub3A_1928 = arith.constant 1.500000e+00 : f32
      %sub3A_1929 = vector.broadcast %sub3A_1928 : f32 to vector<16xf32>
      %sub3A_1930 = arith.subf %sub3A_1929, %mul3A_1927 : vector<16xf32>
      %mul3A_1931 = arith.mulf %mul3A_1922, %sub3A_1930 : vector<16xf32>
      %mul3A_1932 = arith.constant 5.000000e-01 : f32
      %mul3A_1933 = vector.broadcast %mul3A_1932 : f32 to vector<16xf32>
      %mul3A_1934 = arith.mulf %mul3A_1933, %select_n3A_1880 : vector<16xf32>
      %mul3A_1935 = arith.mulf %mul3A_1934, %mul3A_1931 : vector<16xf32>
      %mul3A_1936 = arith.mulf %mul3A_1935, %mul3A_1931 : vector<16xf32>
      %sub3A_1937 = arith.constant 1.500000e+00 : f32
      %sub3A_1938 = vector.broadcast %sub3A_1937 : f32 to vector<16xf32>
      %sub3A_1939 = arith.subf %sub3A_1938, %mul3A_1936 : vector<16xf32>
      %mul3A_1940 = arith.mulf %mul3A_1931, %sub3A_1939 : vector<16xf32>
      %mul3A_1941 = arith.mulf %mul3A_1940, %select_n3A_1884 : vector<16xf32>
      %mul3A_1942 = arith.mulf %get3A_1607, %mul3A_1941 : vector<16xf32>
      %swap3A_1943 = arith.constant 3 : i32
      %swap3A_1944 = arith.index_cast %swap3A_1943 : i32 to index
      %swap3A_1945 = arith.constant 0 : index
      %swap3A_1946 = tpu.vector_load %arg10[%swap3A_1944, %swap3A_1945] {strides = array<i32>} : memref<8x128xf32, #tpu.memory_space<vmem>>, vector<1x16xf32>,
      %swap3A_1947 = vector.shape_cast %swap3A_1946 : vector<1x16xf32> to vector<16xf32>
      %swap3A_1948 = vector.shape_cast %mul3A_1942 : vector<16xf32> to vector<1x16xf32>
      tpu.vector_store %arg10[%swap3A_1944, %swap3A_1945], %swap3A_1948 {strides = array<i32>} : memref<8x128xf32, #tpu.memory_space<vmem>>, vector<1x16xf32>,
      %mul3A_1949 = arith.mulf %get3A_1614, %mul3A_1941 : vector<16xf32>
      %swap3A_1950 = arith.constant 3 : i32
      %swap3A_1951 = arith.index_cast %swap3A_1950 : i32 to index
      %swap3A_1952 = arith.constant 16 : index
      %swap3A_1953 = tpu.vector_load %arg10[%swap3A_1951, %swap3A_1952] {strides = array<i32>} : memref<8x128xf32, #tpu.memory_space<vmem>>, vector<1x16xf32>,
      %swap3A_1954 = vector.shape_cast %swap3A_1953 : vector<1x16xf32> to vector<16xf32>
      %swap3A_1955 = vector.shape_cast %mul3A_1949 : vector<16xf32> to vector<1x16xf32>
      tpu.vector_store %arg10[%swap3A_1951, %swap3A_1952], %swap3A_1955 {strides = array<i32>} : memref<8x128xf32, #tpu.memory_space<vmem>>, vector<1x16xf32>,
      %mul3A_1956 = arith.mulf %get3A_1621, %mul3A_1941 : vector<16xf32>
      %swap3A_1957 = arith.constant 3 : i32
      %swap3A_1958 = arith.index_cast %swap3A_1957 : i32 to index
      %swap3A_1959 = arith.constant 32 : index
      %swap3A_1960 = tpu.vector_load %arg10[%swap3A_1958, %swap3A_1959] {strides = array<i32>} : memref<8x128xf32, #tpu.memory_space<vmem>>, vector<1x16xf32>,
      %swap3A_1961 = vector.shape_cast %swap3A_1960 : vector<1x16xf32> to vector<16xf32>
      %swap3A_1962 = vector.shape_cast %mul3A_1956 : vector<16xf32> to vector<1x16xf32>
      tpu.vector_store %arg10[%swap3A_1958, %swap3A_1959], %swap3A_1962 {strides = array<i32>} : memref<8x128xf32, #tpu.memory_space<vmem>>, vector<1x16xf32>,
      %mul3A_1963 = arith.mulf %get3A_1628, %mul3A_1941 : vector<16xf32>
      %swap3A_1964 = arith.constant 3 : i32
      %swap3A_1965 = arith.index_cast %swap3A_1964 : i32 to index
      %swap3A_1966 = arith.constant 48 : index
      %swap3A_1967 = tpu.vector_load %arg10[%swap3A_1965, %swap3A_1966] {strides = array<i32>} : memref<8x128xf32, #tpu.memory_space<vmem>>, vector<1x16xf32>,
      %swap3A_1968 = vector.shape_cast %swap3A_1967 : vector<1x16xf32> to vector<16xf32>
      %swap3A_1969 = vector.shape_cast %mul3A_1963 : vector<16xf32> to vector<1x16xf32>
      tpu.vector_store %arg10[%swap3A_1965, %swap3A_1966], %swap3A_1969 {strides = array<i32>} : memref<8x128xf32, #tpu.memory_space<vmem>>, vector<1x16xf32>,
      %mul3A_1970 = arith.mulf %get3A_1635, %mul3A_1941 : vector<16xf32>
      %swap3A_1971 = arith.constant 3 : i32
      %swap3A_1972 = arith.index_cast %swap3A_1971 : i32 to index
      %swap3A_1973 = arith.constant 64 : index
      %swap3A_1974 = tpu.vector_load %arg10[%swap3A_1972, %swap3A_1973] {strides = array<i32>} : memref<8x128xf32, #tpu.memory_space<vmem>>, vector<1x16xf32>,
      %swap3A_1975 = vector.shape_cast %swap3A_1974 : vector<1x16xf32> to vector<16xf32>
      %swap3A_1976 = vector.shape_cast %mul3A_1970 : vector<16xf32> to vector<1x16xf32>
      tpu.vector_store %arg10[%swap3A_1972, %swap3A_1973], %swap3A_1976 {strides = array<i32>} : memref<8x128xf32, #tpu.memory_space<vmem>>, vector<1x16xf32>,
      %mul3A_1977 = arith.mulf %get3A_1642, %mul3A_1941 : vector<16xf32>
      %swap3A_1978 = arith.constant 3 : i32
      %swap3A_1979 = arith.index_cast %swap3A_1978 : i32 to index
      %swap3A_1980 = arith.constant 80 : index
      %swap3A_1981 = tpu.vector_load %arg10[%swap3A_1979, %swap3A_1980] {strides = array<i32>} : memref<8x128xf32, #tpu.memory_space<vmem>>, vector<1x16xf32>,
      %swap3A_1982 = vector.shape_cast %swap3A_1981 : vector<1x16xf32> to vector<16xf32>
      %swap3A_1983 = vector.shape_cast %mul3A_1977 : vector<16xf32> to vector<1x16xf32>
      tpu.vector_store %arg10[%swap3A_1979, %swap3A_1980], %swap3A_1983 {strides = array<i32>} : memref<8x128xf32, #tpu.memory_space<vmem>>, vector<1x16xf32>,
      %mul3A_1984 = arith.mulf %get3A_1649, %mul3A_1941 : vector<16xf32>
      %swap3A_1985 = arith.constant 3 : i32
      %swap3A_1986 = arith.index_cast %swap3A_1985 : i32 to index
      %swap3A_1987 = arith.constant 96 : index
      %swap3A_1988 = tpu.vector_load %arg10[%swap3A_1986, %swap3A_1987] {strides = array<i32>} : memref<8x128xf32, #tpu.memory_space<vmem>>, vector<1x16xf32>,
      %swap3A_1989 = vector.shape_cast %swap3A_1988 : vector<1x16xf32> to vector<16xf32>
      %swap3A_1990 = vector.shape_cast %mul3A_1984 : vector<16xf32> to vector<1x16xf32>
      tpu.vector_store %arg10[%swap3A_1986, %swap3A_1987], %swap3A_1990 {strides = array<i32>} : memref<8x128xf32, #tpu.memory_space<vmem>>, vector<1x16xf32>,
      %mul3A_1991 = arith.mulf %get3A_1656, %mul3A_1941 : vector<16xf32>
      %swap3A_1992 = arith.constant 3 : i32
      %swap3A_1993 = arith.index_cast %swap3A_1992 : i32 to index
      %swap3A_1994 = arith.constant 112 : index
      %swap3A_1995 = tpu.vector_load %arg10[%swap3A_1993, %swap3A_1994] {strides = array<i32>} : memref<8x128xf32, #tpu.memory_space<vmem>>, vector<1x16xf32>,
      %swap3A_1996 = vector.shape_cast %swap3A_1995 : vector<1x16xf32> to vector<16xf32>
      %swap3A_1997 = vector.shape_cast %mul3A_1991 : vector<16xf32> to vector<1x16xf32>
      tpu.vector_store %arg10[%swap3A_1993, %swap3A_1994], %swap3A_1997 {strides = array<i32>} : memref<8x128xf32, #tpu.memory_space<vmem>>, vector<1x16xf32>,
      %broadcast_in_dim3A_1998 = arith.constant 0.000000e+00 : f32
      %broadcast_in_dim3A_1999 = vector.broadcast %broadcast_in_dim3A_1998 : f32 to vector<16xf32>
      %get3A_2000 = arith.constant 4 : i32
      %get3A_2001 = arith.index_cast %get3A_2000 : i32 to index
      %get3A_2002 = arith.constant 0 : index
      %get3A_2003 = tpu.vector_load %arg10[%get3A_2001, %get3A_2002] {strides = array<i32>} : memref<8x128xf32, #tpu.memory_space<vmem>>, vector<1x16xf32>,
      %get3A_2004 = vector.shape_cast %get3A_2003 : vector<1x16xf32> to vector<16xf32>
      %mul3A_2005 = arith.mulf %get3A_2004, %get3A_2004 : vector<16xf32>
      %add3A_2006 = arith.addf %broadcast_in_dim3A_1999, %mul3A_2005 : vector<16xf32>
      %get3A_2007 = arith.constant 4 : i32
      %get3A_2008 = arith.index_cast %get3A_2007 : i32 to index
      %get3A_2009 = arith.constant 16 : index
      %get3A_2010 = tpu.vector_load %arg10[%get3A_2008, %get3A_2009] {strides = array<i32>} : memref<8x128xf32, #tpu.memory_space<vmem>>, vector<1x16xf32>,
      %get3A_2011 = vector.shape_cast %get3A_2010 : vector<1x16xf32> to vector<16xf32>
      %mul3A_2012 = arith.mulf %get3A_2011, %get3A_2011 : vector<16xf32>
      %add3A_2013 = arith.addf %add3A_2006, %mul3A_2012 : vector<16xf32>
      %get3A_2014 = arith.constant 4 : i32
      %get3A_2015 = arith.index_cast %get3A_2014 : i32 to index
      %get3A_2016 = arith.constant 32 : index
      %get3A_2017 = tpu.vector_load %arg10[%get3A_2015, %get3A_2016] {strides = array<i32>} : memref<8x128xf32, #tpu.memory_space<vmem>>, vector<1x16xf32>,
      %get3A_2018 = vector.shape_cast %get3A_2017 : vector<1x16xf32> to vector<16xf32>
      %mul3A_2019 = arith.mulf %get3A_2018, %get3A_2018 : vector<16xf32>
      %add3A_2020 = arith.addf %add3A_2013, %mul3A_2019 : vector<16xf32>
      %get3A_2021 = arith.constant 4 : i32
      %get3A_2022 = arith.index_cast %get3A_2021 : i32 to index
      %get3A_2023 = arith.constant 48 : index
      %get3A_2024 = tpu.vector_load %arg10[%get3A_2022, %get3A_2023] {strides = array<i32>} : memref<8x128xf32, #tpu.memory_space<vmem>>, vector<1x16xf32>,
      %get3A_2025 = vector.shape_cast %get3A_2024 : vector<1x16xf32> to vector<16xf32>
      %mul3A_2026 = arith.mulf %get3A_2025, %get3A_2025 : vector<16xf32>
      %add3A_2027 = arith.addf %add3A_2020, %mul3A_2026 : vector<16xf32>
      %get3A_2028 = arith.constant 4 : i32
      %get3A_2029 = arith.index_cast %get3A_2028 : i32 to index
      %get3A_2030 = arith.constant 64 : index
      %get3A_2031 = tpu.vector_load %arg10[%get3A_2029, %get3A_2030] {strides = array<i32>} : memref<8x128xf32, #tpu.memory_space<vmem>>, vector<1x16xf32>,
      %get3A_2032 = vector.shape_cast %get3A_2031 : vector<1x16xf32> to vector<16xf32>
      %mul3A_2033 = arith.mulf %get3A_2032, %get3A_2032 : vector<16xf32>
      %add3A_2034 = arith.addf %add3A_2027, %mul3A_2033 : vector<16xf32>
      %get3A_2035 = arith.constant 4 : i32
      %get3A_2036 = arith.index_cast %get3A_2035 : i32 to index
      %get3A_2037 = arith.constant 80 : index
      %get3A_2038 = tpu.vector_load %arg10[%get3A_2036, %get3A_2037] {strides = array<i32>} : memref<8x128xf32, #tpu.memory_space<vmem>>, vector<1x16xf32>,
      %get3A_2039 = vector.shape_cast %get3A_2038 : vector<1x16xf32> to vector<16xf32>
      %mul3A_2040 = arith.mulf %get3A_2039, %get3A_2039 : vector<16xf32>
      %add3A_2041 = arith.addf %add3A_2034, %mul3A_2040 : vector<16xf32>
      %get3A_2042 = arith.constant 4 : i32
      %get3A_2043 = arith.index_cast %get3A_2042 : i32 to index
      %get3A_2044 = arith.constant 96 : index
      %get3A_2045 = tpu.vector_load %arg10[%get3A_2043, %get3A_2044] {strides = array<i32>} : memref<8x128xf32, #tpu.memory_space<vmem>>, vector<1x16xf32>,
      %get3A_2046 = vector.shape_cast %get3A_2045 : vector<1x16xf32> to vector<16xf32>
      %mul3A_2047 = arith.mulf %get3A_2046, %get3A_2046 : vector<16xf32>
      %add3A_2048 = arith.addf %add3A_2041, %mul3A_2047 : vector<16xf32>
      %get3A_2049 = arith.constant 4 : i32
      %get3A_2050 = arith.index_cast %get3A_2049 : i32 to index
      %get3A_2051 = arith.constant 112 : index
      %get3A_2052 = tpu.vector_load %arg10[%get3A_2050, %get3A_2051] {strides = array<i32>} : memref<8x128xf32, #tpu.memory_space<vmem>>, vector<1x16xf32>,
      %get3A_2053 = vector.shape_cast %get3A_2052 : vector<1x16xf32> to vector<16xf32>
      %mul3A_2054 = arith.mulf %get3A_2053, %get3A_2053 : vector<16xf32>
      %add3A_2055 = arith.addf %add3A_2048, %mul3A_2054 : vector<16xf32>
      %swap3A_2056 = arith.constant 0 : index
      %swap3A_2057 = tpu.vector_load %arg11[%swap3A_2056] {strides = array<i32>} : memref<32xf32, #tpu.memory_space<vmem>>, vector<16xf32>,
      %swap3A_2058 = vector.shape_cast %swap3A_2057 : vector<16xf32> to vector<16xf32>
      %swap3A_2059 = vector.shape_cast %add3A_2055 : vector<16xf32> to vector<16xf32>
      tpu.vector_store %arg11[%swap3A_2056], %swap3A_2059 {strides = array<i32>} : memref<32xf32, #tpu.memory_space<vmem>>, vector<16xf32>,
      %swap3A_2060 = arith.constant 16 : index
      %swap3A_2061 = tpu.vector_load %arg11[%swap3A_2060] {strides = array<i32>} : memref<32xf32, #tpu.memory_space<vmem>>, vector<16xf32>,
      %swap3A_2062 = vector.shape_cast %swap3A_2061 : vector<16xf32> to vector<16xf32>
      %swap3A_2063 = vector.shape_cast %add3A_2055 : vector<16xf32> to vector<16xf32>
      tpu.vector_store %arg11[%swap3A_2060], %swap3A_2063 {strides = array<i32>} : memref<32xf32, #tpu.memory_space<vmem>>, vector<16xf32>,
      %get3A_2064 = arith.constant 8 : index
      %get3A_2065 = tpu.vector_load %arg11[%get3A_2064] {strides = array<i32>} : memref<32xf32, #tpu.memory_space<vmem>>, vector<16xf32>,
      %get3A_2066 = vector.shape_cast %get3A_2065 : vector<16xf32> to vector<16xf32>
      %add3A_2067 = arith.addf %add3A_2055, %get3A_2066 : vector<16xf32>
      %swap3A_2068 = arith.constant 0 : index
      %swap3A_2069 = tpu.vector_load %arg11[%swap3A_2068] {strides = array<i32>} : memref<32xf32, #tpu.memory_space<vmem>>, vector<16xf32>,
      %swap3A_2070 = vector.shape_cast %swap3A_2069 : vector<16xf32> to vector<16xf32>
      %swap3A_2071 = vector.shape_cast %add3A_2067 : vector<16xf32> to vector<16xf32>
      tpu.vector_store %arg11[%swap3A_2068], %swap3A_2071 {strides = array<i32>} : memref<32xf32, #tpu.memory_space<vmem>>, vector<16xf32>,
      %swap3A_2072 = arith.constant 16 : index
      %swap3A_2073 = tpu.vector_load %arg11[%swap3A_2072] {strides = array<i32>} : memref<32xf32, #tpu.memory_space<vmem>>, vector<16xf32>,
      %swap3A_2074 = vector.shape_cast %swap3A_2073 : vector<16xf32> to vector<16xf32>
      %swap3A_2075 = vector.shape_cast %add3A_2067 : vector<16xf32> to vector<16xf32>
      tpu.vector_store %arg11[%swap3A_2072], %swap3A_2075 {strides = array<i32>} : memref<32xf32, #tpu.memory_space<vmem>>, vector<16xf32>,
      %get3A_2076 = arith.constant 4 : index
      %get3A_2077 = tpu.vector_load %arg11[%get3A_2076] {strides = array<i32>} : memref<32xf32, #tpu.memory_space<vmem>>, vector<16xf32>,
      %get3A_2078 = vector.shape_cast %get3A_2077 : vector<16xf32> to vector<16xf32>
      %add3A_2079 = arith.addf %add3A_2067, %get3A_2078 : vector<16xf32>
      %swap3A_2080 = arith.constant 0 : index
      %swap3A_2081 = tpu.vector_load %arg11[%swap3A_2080] {strides = array<i32>} : memref<32xf32, #tpu.memory_space<vmem>>, vector<16xf32>,
      %swap3A_2082 = vector.shape_cast %swap3A_2081 : vector<16xf32> to vector<16xf32>
      %swap3A_2083 = vector.shape_cast %add3A_2079 : vector<16xf32> to vector<16xf32>
      tpu.vector_store %arg11[%swap3A_2080], %swap3A_2083 {strides = array<i32>} : memref<32xf32, #tpu.memory_space<vmem>>, vector<16xf32>,
      %swap3A_2084 = arith.constant 16 : index
      %swap3A_2085 = tpu.vector_load %arg11[%swap3A_2084] {strides = array<i32>} : memref<32xf32, #tpu.memory_space<vmem>>, vector<16xf32>,
      %swap3A_2086 = vector.shape_cast %swap3A_2085 : vector<16xf32> to vector<16xf32>
      %swap3A_2087 = vector.shape_cast %add3A_2079 : vector<16xf32> to vector<16xf32>
      tpu.vector_store %arg11[%swap3A_2084], %swap3A_2087 {strides = array<i32>} : memref<32xf32, #tpu.memory_space<vmem>>, vector<16xf32>,
      %get3A_2088 = arith.constant 2 : index
      %get3A_2089 = tpu.vector_load %arg11[%get3A_2088] {strides = array<i32>} : memref<32xf32, #tpu.memory_space<vmem>>, vector<16xf32>,
      %get3A_2090 = vector.shape_cast %get3A_2089 : vector<16xf32> to vector<16xf32>
      %add3A_2091 = arith.addf %add3A_2079, %get3A_2090 : vector<16xf32>
      %swap3A_2092 = arith.constant 0 : index
      %swap3A_2093 = tpu.vector_load %arg11[%swap3A_2092] {strides = array<i32>} : memref<32xf32, #tpu.memory_space<vmem>>, vector<16xf32>,
      %swap3A_2094 = vector.shape_cast %swap3A_2093 : vector<16xf32> to vector<16xf32>
      %swap3A_2095 = vector.shape_cast %add3A_2091 : vector<16xf32> to vector<16xf32>
      tpu.vector_store %arg11[%swap3A_2092], %swap3A_2095 {strides = array<i32>} : memref<32xf32, #tpu.memory_space<vmem>>, vector<16xf32>,
      %swap3A_2096 = arith.constant 16 : index
      %swap3A_2097 = tpu.vector_load %arg11[%swap3A_2096] {strides = array<i32>} : memref<32xf32, #tpu.memory_space<vmem>>, vector<16xf32>,
      %swap3A_2098 = vector.shape_cast %swap3A_2097 : vector<16xf32> to vector<16xf32>
      %swap3A_2099 = vector.shape_cast %add3A_2091 : vector<16xf32> to vector<16xf32>
      tpu.vector_store %arg11[%swap3A_2096], %swap3A_2099 {strides = array<i32>} : memref<32xf32, #tpu.memory_space<vmem>>, vector<16xf32>,
      %get3A_2100 = arith.constant 1 : index
      %get3A_2101 = tpu.vector_load %arg11[%get3A_2100] {strides = array<i32>} : memref<32xf32, #tpu.memory_space<vmem>>, vector<16xf32>,
      %get3A_2102 = vector.shape_cast %get3A_2101 : vector<16xf32> to vector<16xf32>
      %add3A_2103 = arith.addf %add3A_2091, %get3A_2102 : vector<16xf32>
      %broadcast_in_dim3A_2104 = arith.constant 1.000000e+00 : f32
      %broadcast_in_dim3A_2105 = vector.broadcast %broadcast_in_dim3A_2104 : f32 to vector<16xf32>
      %gt3A_2106 = arith.constant 1.84467441E+19 : f32
      %gt3A_2107 = vector.broadcast %gt3A_2106 : f32 to vector<16xf32>
      %gt3A_2108 = arith.cmpf ogt, %add3A_2103, %gt3A_2107 : vector<16xf32>
      %mul3A_2109 = arith.constant 5.42101086E-20 : f32
      %mul3A_2110 = vector.broadcast %mul3A_2109 : f32 to vector<16xf32>
      %mul3A_2111 = arith.mulf %add3A_2103, %mul3A_2110 : vector<16xf32>
      %select_n3A_2112 = arith.select %gt3A_2108, %mul3A_2111, %add3A_2103 : vector<16xi1>, vector<16xf32>
      %mul3A_2113 = arith.constant 2.32830644E-10 : f32
      %mul3A_2114 = vector.broadcast %mul3A_2113 : f32 to vector<16xf32>
      %mul3A_2115 = arith.mulf %broadcast_in_dim3A_2105, %mul3A_2114 : vector<16xf32>
      %select_n3A_2116 = arith.select %gt3A_2108, %mul3A_2115, %broadcast_in_dim3A_2105 : vector<16xi1>, vector<16xf32>
      %lt3A_2117 = arith.constant 5.42101086E-20 : f32
      %lt3A_2118 = vector.broadcast %lt3A_2117 : f32 to vector<16xf32>
      %lt3A_2119 = arith.cmpf olt, %select_n3A_2112, %lt3A_2118 : vector<16xf32>
      %mul3A_2120 = arith.constant 1.84467441E+19 : f32
      %mul3A_2121 = vector.broadcast %mul3A_2120 : f32 to vector<16xf32>
      %mul3A_2122 = arith.mulf %select_n3A_2112, %mul3A_2121 : vector<16xf32>
      %select_n3A_2123 = arith.select %lt3A_2119, %mul3A_2122, %select_n3A_2112 : vector<16xi1>, vector<16xf32>
      %mul3A_2124 = arith.constant 4.2949673E+9 : f32
      %mul3A_2125 = vector.broadcast %mul3A_2124 : f32 to vector<16xf32>
      %mul3A_2126 = arith.mulf %select_n3A_2116, %mul3A_2125 : vector<16xf32>
      %select_n3A_2127 = arith.select %lt3A_2119, %mul3A_2126, %select_n3A_2116 : vector<16xi1>, vector<16xf32>
      %gt3A_2128 = arith.constant 4.2949673E+9 : f32
      %gt3A_2129 = vector.broadcast %gt3A_2128 : f32 to vector<16xf32>
      %gt3A_2130 = arith.cmpf ogt, %select_n3A_2123, %gt3A_2129 : vector<16xf32>
      %mul3A_2131 = arith.constant 2.32830644E-10 : f32
      %mul3A_2132 = vector.broadcast %mul3A_2131 : f32 to vector<16xf32>
      %mul3A_2133 = arith.mulf %select_n3A_2123, %mul3A_2132 : vector<16xf32>
      %select_n3A_2134 = arith.select %gt3A_2130, %mul3A_2133, %select_n3A_2123 : vector<16xi1>, vector<16xf32>
      %mul3A_2135 = arith.constant 1.52587891E-5 : f32
      %mul3A_2136 = vector.broadcast %mul3A_2135 : f32 to vector<16xf32>
      %mul3A_2137 = arith.mulf %select_n3A_2127, %mul3A_2136 : vector<16xf32>
      %select_n3A_2138 = arith.select %gt3A_2130, %mul3A_2137, %select_n3A_2127 : vector<16xi1>, vector<16xf32>
      %lt3A_2139 = arith.constant 2.32830644E-10 : f32
      %lt3A_2140 = vector.broadcast %lt3A_2139 : f32 to vector<16xf32>
      %lt3A_2141 = arith.cmpf olt, %select_n3A_2134, %lt3A_2140 : vector<16xf32>
      %mul3A_2142 = arith.constant 4.2949673E+9 : f32
      %mul3A_2143 = vector.broadcast %mul3A_2142 : f32 to vector<16xf32>
      %mul3A_2144 = arith.mulf %select_n3A_2134, %mul3A_2143 : vector<16xf32>
      %select_n3A_2145 = arith.select %lt3A_2141, %mul3A_2144, %select_n3A_2134 : vector<16xi1>, vector<16xf32>
      %mul3A_2146 = arith.constant 6.553600e+04 : f32
      %mul3A_2147 = vector.broadcast %mul3A_2146 : f32 to vector<16xf32>
      %mul3A_2148 = arith.mulf %select_n3A_2138, %mul3A_2147 : vector<16xf32>
      %select_n3A_2149 = arith.select %lt3A_2141, %mul3A_2148, %select_n3A_2138 : vector<16xi1>, vector<16xf32>
      %gt3A_2150 = arith.constant 6.553600e+04 : f32
      %gt3A_2151 = vector.broadcast %gt3A_2150 : f32 to vector<16xf32>
      %gt3A_2152 = arith.cmpf ogt, %select_n3A_2145, %gt3A_2151 : vector<16xf32>
      %mul3A_2153 = arith.constant 1.52587891E-5 : f32
      %mul3A_2154 = vector.broadcast %mul3A_2153 : f32 to vector<16xf32>
      %mul3A_2155 = arith.mulf %select_n3A_2145, %mul3A_2154 : vector<16xf32>
      %select_n3A_2156 = arith.select %gt3A_2152, %mul3A_2155, %select_n3A_2145 : vector<16xi1>, vector<16xf32>
      %mul3A_2157 = arith.constant 3.906250e-03 : f32
      %mul3A_2158 = vector.broadcast %mul3A_2157 : f32 to vector<16xf32>
      %mul3A_2159 = arith.mulf %select_n3A_2149, %mul3A_2158 : vector<16xf32>
      %select_n3A_2160 = arith.select %gt3A_2152, %mul3A_2159, %select_n3A_2149 : vector<16xi1>, vector<16xf32>
      %lt3A_2161 = arith.constant 1.52587891E-5 : f32
      %lt3A_2162 = vector.broadcast %lt3A_2161 : f32 to vector<16xf32>
      %lt3A_2163 = arith.cmpf olt, %select_n3A_2156, %lt3A_2162 : vector<16xf32>
      %mul3A_2164 = arith.constant 6.553600e+04 : f32
      %mul3A_2165 = vector.broadcast %mul3A_2164 : f32 to vector<16xf32>
      %mul3A_2166 = arith.mulf %select_n3A_2156, %mul3A_2165 : vector<16xf32>
      %select_n3A_2167 = arith.select %lt3A_2163, %mul3A_2166, %select_n3A_2156 : vector<16xi1>, vector<16xf32>
      %mul3A_2168 = arith.constant 2.560000e+02 : f32
      %mul3A_2169 = vector.broadcast %mul3A_2168 : f32 to vector<16xf32>
      %mul3A_2170 = arith.mulf %select_n3A_2160, %mul3A_2169 : vector<16xf32>
      %select_n3A_2171 = arith.select %lt3A_2163, %mul3A_2170, %select_n3A_2160 : vector<16xi1>, vector<16xf32>
      %gt3A_2172 = arith.constant 2.560000e+02 : f32
      %gt3A_2173 = vector.broadcast %gt3A_2172 : f32 to vector<16xf32>
      %gt3A_2174 = arith.cmpf ogt, %select_n3A_2167, %gt3A_2173 : vector<16xf32>
      %mul3A_2175 = arith.constant 3.906250e-03 : f32
      %mul3A_2176 = vector.broadcast %mul3A_2175 : f32 to vector<16xf32>
      %mul3A_2177 = arith.mulf %select_n3A_2167, %mul3A_2176 : vector<16xf32>
      %select_n3A_2178 = arith.select %gt3A_2174, %mul3A_2177, %select_n3A_2167 : vector<16xi1>, vector<16xf32>
      %mul3A_2179 = arith.constant 6.250000e-02 : f32
      %mul3A_2180 = vector.broadcast %mul3A_2179 : f32 to vector<16xf32>
      %mul3A_2181 = arith.mulf %select_n3A_2171, %mul3A_2180 : vector<16xf32>
      %select_n3A_2182 = arith.select %gt3A_2174, %mul3A_2181, %select_n3A_2171 : vector<16xi1>, vector<16xf32>
      %lt3A_2183 = arith.constant 3.906250e-03 : f32
      %lt3A_2184 = vector.broadcast %lt3A_2183 : f32 to vector<16xf32>
      %lt3A_2185 = arith.cmpf olt, %select_n3A_2178, %lt3A_2184 : vector<16xf32>
      %mul3A_2186 = arith.constant 2.560000e+02 : f32
      %mul3A_2187 = vector.broadcast %mul3A_2186 : f32 to vector<16xf32>
      %mul3A_2188 = arith.mulf %select_n3A_2178, %mul3A_2187 : vector<16xf32>
      %select_n3A_2189 = arith.select %lt3A_2185, %mul3A_2188, %select_n3A_2178 : vector<16xi1>, vector<16xf32>
      %mul3A_2190 = arith.constant 1.600000e+01 : f32
      %mul3A_2191 = vector.broadcast %mul3A_2190 : f32 to vector<16xf32>
      %mul3A_2192 = arith.mulf %select_n3A_2182, %mul3A_2191 : vector<16xf32>
      %select_n3A_2193 = arith.select %lt3A_2185, %mul3A_2192, %select_n3A_2182 : vector<16xi1>, vector<16xf32>
      %gt3A_2194 = arith.constant 1.600000e+01 : f32
      %gt3A_2195 = vector.broadcast %gt3A_2194 : f32 to vector<16xf32>
      %gt3A_2196 = arith.cmpf ogt, %select_n3A_2189, %gt3A_2195 : vector<16xf32>
      %mul3A_2197 = arith.constant 6.250000e-02 : f32
      %mul3A_2198 = vector.broadcast %mul3A_2197 : f32 to vector<16xf32>
      %mul3A_2199 = arith.mulf %select_n3A_2189, %mul3A_2198 : vector<16xf32>
      %select_n3A_2200 = arith.select %gt3A_2196, %mul3A_2199, %select_n3A_2189 : vector<16xi1>, vector<16xf32>
      %mul3A_2201 = arith.constant 2.500000e-01 : f32
      %mul3A_2202 = vector.broadcast %mul3A_2201 : f32 to vector<16xf32>
      %mul3A_2203 = arith.mulf %select_n3A_2193, %mul3A_2202 : vector<16xf32>
      %select_n3A_2204 = arith.select %gt3A_2196, %mul3A_2203, %select_n3A_2193 : vector<16xi1>, vector<16xf32>
      %lt3A_2205 = arith.constant 6.250000e-02 : f32
      %lt3A_2206 = vector.broadcast %lt3A_2205 : f32 to vector<16xf32>
      %lt3A_2207 = arith.cmpf olt, %select_n3A_2200, %lt3A_2206 : vector<16xf32>
      %mul3A_2208 = arith.constant 1.600000e+01 : f32
      %mul3A_2209 = vector.broadcast %mul3A_2208 : f32 to vector<16xf32>
      %mul3A_2210 = arith.mulf %select_n3A_2200, %mul3A_2209 : vector<16xf32>
      %select_n3A_2211 = arith.select %lt3A_2207, %mul3A_2210, %select_n3A_2200 : vector<16xi1>, vector<16xf32>
      %mul3A_2212 = arith.constant 4.000000e+00 : f32
      %mul3A_2213 = vector.broadcast %mul3A_2212 : f32 to vector<16xf32>
      %mul3A_2214 = arith.mulf %select_n3A_2204, %mul3A_2213 : vector<16xf32>
      %select_n3A_2215 = arith.select %lt3A_2207, %mul3A_2214, %select_n3A_2204 : vector<16xi1>, vector<16xf32>
      %gt3A_2216 = arith.constant 2.000000e+00 : f32
      %gt3A_2217 = vector.broadcast %gt3A_2216 : f32 to vector<16xf32>
      %gt3A_2218 = arith.cmpf ogt, %select_n3A_2211, %gt3A_2217 : vector<16xf32>
      %mul3A_2219 = arith.constant 2.500000e-01 : f32
      %mul3A_2220 = vector.broadcast %mul3A_2219 : f32 to vector<16xf32>
      %mul3A_2221 = arith.mulf %select_n3A_2211, %mul3A_2220 : vector<16xf32>
      %select_n3A_2222 = arith.select %gt3A_2218, %mul3A_2221, %select_n3A_2211 : vector<16xi1>, vector<16xf32>
      %mul3A_2223 = arith.constant 5.000000e-01 : f32
      %mul3A_2224 = vector.broadcast %mul3A_2223 : f32 to vector<16xf32>
      %mul3A_2225 = arith.mulf %select_n3A_2215, %mul3A_2224 : vector<16xf32>
      %select_n3A_2226 = arith.select %gt3A_2218, %mul3A_2225, %select_n3A_2215 : vector<16xi1>, vector<16xf32>
      %lt3A_2227 = arith.constant 5.000000e-01 : f32
      %lt3A_2228 = vector.broadcast %lt3A_2227 : f32 to vector<16xf32>
      %lt3A_2229 = arith.cmpf olt, %select_n3A_2222, %lt3A_2228 : vector<16xf32>
      %mul3A_2230 = arith.constant 4.000000e+00 : f32
      %mul3A_2231 = vector.broadcast %mul3A_2230 : f32 to vector<16xf32>
      %mul3A_2232 = arith.mulf %select_n3A_2222, %mul3A_2231 : vector<16xf32>
      %select_n3A_2233 = arith.select %lt3A_2229, %mul3A_2232, %select_n3A_2222 : vector<16xi1>, vector<16xf32>
      %mul3A_2234 = arith.constant 2.000000e+00 : f32
      %mul3A_2235 = vector.broadcast %mul3A_2234 : f32 to vector<16xf32>
      %mul3A_2236 = arith.mulf %select_n3A_2226, %mul3A_2235 : vector<16xf32>
      %select_n3A_2237 = arith.select %lt3A_2229, %mul3A_2236, %select_n3A_2226 : vector<16xi1>, vector<16xf32>
      %gt3A_2238 = arith.constant 2.000000e+00 : f32
      %gt3A_2239 = vector.broadcast %gt3A_2238 : f32 to vector<16xf32>
      %gt3A_2240 = arith.cmpf ogt, %select_n3A_2233, %gt3A_2239 : vector<16xf32>
      %mul3A_2241 = arith.constant 2.500000e-01 : f32
      %mul3A_2242 = vector.broadcast %mul3A_2241 : f32 to vector<16xf32>
      %mul3A_2243 = arith.mulf %select_n3A_2233, %mul3A_2242 : vector<16xf32>
      %select_n3A_2244 = arith.select %gt3A_2240, %mul3A_2243, %select_n3A_2233 : vector<16xi1>, vector<16xf32>
      %mul3A_2245 = arith.constant 5.000000e-01 : f32
      %mul3A_2246 = vector.broadcast %mul3A_2245 : f32 to vector<16xf32>
      %mul3A_2247 = arith.mulf %select_n3A_2237, %mul3A_2246 : vector<16xf32>
      %select_n3A_2248 = arith.select %gt3A_2240, %mul3A_2247, %select_n3A_2237 : vector<16xi1>, vector<16xf32>
      %lt3A_2249 = arith.constant 5.000000e-01 : f32
      %lt3A_2250 = vector.broadcast %lt3A_2249 : f32 to vector<16xf32>
      %lt3A_2251 = arith.cmpf olt, %select_n3A_2244, %lt3A_2250 : vector<16xf32>
      %mul3A_2252 = arith.constant 4.000000e+00 : f32
      %mul3A_2253 = vector.broadcast %mul3A_2252 : f32 to vector<16xf32>
      %mul3A_2254 = arith.mulf %select_n3A_2244, %mul3A_2253 : vector<16xf32>
      %select_n3A_2255 = arith.select %lt3A_2251, %mul3A_2254, %select_n3A_2244 : vector<16xi1>, vector<16xf32>
      %mul3A_2256 = arith.constant 2.000000e+00 : f32
      %mul3A_2257 = vector.broadcast %mul3A_2256 : f32 to vector<16xf32>
      %mul3A_2258 = arith.mulf %select_n3A_2248, %mul3A_2257 : vector<16xf32>
      %select_n3A_2259 = arith.select %lt3A_2251, %mul3A_2258, %select_n3A_2248 : vector<16xi1>, vector<16xf32>
      %gt3A_2260 = arith.constant 2.000000e+00 : f32
      %gt3A_2261 = vector.broadcast %gt3A_2260 : f32 to vector<16xf32>
      %gt3A_2262 = arith.cmpf ogt, %select_n3A_2255, %gt3A_2261 : vector<16xf32>
      %mul3A_2263 = arith.constant 2.500000e-01 : f32
      %mul3A_2264 = vector.broadcast %mul3A_2263 : f32 to vector<16xf32>
      %mul3A_2265 = arith.mulf %select_n3A_2255, %mul3A_2264 : vector<16xf32>
      %select_n3A_2266 = arith.select %gt3A_2262, %mul3A_2265, %select_n3A_2255 : vector<16xi1>, vector<16xf32>
      %mul3A_2267 = arith.constant 5.000000e-01 : f32
      %mul3A_2268 = vector.broadcast %mul3A_2267 : f32 to vector<16xf32>
      %mul3A_2269 = arith.mulf %select_n3A_2259, %mul3A_2268 : vector<16xf32>
      %select_n3A_2270 = arith.select %gt3A_2262, %mul3A_2269, %select_n3A_2259 : vector<16xi1>, vector<16xf32>
      %lt3A_2271 = arith.constant 5.000000e-01 : f32
      %lt3A_2272 = vector.broadcast %lt3A_2271 : f32 to vector<16xf32>
      %lt3A_2273 = arith.cmpf olt, %select_n3A_2266, %lt3A_2272 : vector<16xf32>
      %mul3A_2274 = arith.constant 4.000000e+00 : f32
      %mul3A_2275 = vector.broadcast %mul3A_2274 : f32 to vector<16xf32>
      %mul3A_2276 = arith.mulf %select_n3A_2266, %mul3A_2275 : vector<16xf32>
      %select_n3A_2277 = arith.select %lt3A_2273, %mul3A_2276, %select_n3A_2266 : vector<16xi1>, vector<16xf32>
      %mul3A_2278 = arith.constant 2.000000e+00 : f32
      %mul3A_2279 = vector.broadcast %mul3A_2278 : f32 to vector<16xf32>
      %mul3A_2280 = arith.mulf %select_n3A_2270, %mul3A_2279 : vector<16xf32>
      %select_n3A_2281 = arith.select %lt3A_2273, %mul3A_2280, %select_n3A_2270 : vector<16xi1>, vector<16xf32>
      %broadcast_in_dim3A_2282 = arith.constant 1.000000e+00 : f32
      %broadcast_in_dim3A_2283 = vector.broadcast %broadcast_in_dim3A_2282 : f32 to vector<16xf32>
      %mul3A_2284 = arith.constant 5.000000e-01 : f32
      %mul3A_2285 = vector.broadcast %mul3A_2284 : f32 to vector<16xf32>
      %mul3A_2286 = arith.mulf %mul3A_2285, %select_n3A_2277 : vector<16xf32>
      %mul3A_2287 = arith.mulf %mul3A_2286, %broadcast_in_dim3A_2283 : vector<16xf32>
      %mul3A_2288 = arith.mulf %mul3A_2287, %broadcast_in_dim3A_2283 : vector<16xf32>
      %sub3A_2289 = arith.constant 1.500000e+00 : f32
      %sub3A_2290 = vector.broadcast %sub3A_2289 : f32 to vector<16xf32>
      %sub3A_2291 = arith.subf %sub3A_2290, %mul3A_2288 : vector<16xf32>
      %mul3A_2292 = arith.mulf %broadcast_in_dim3A_2283, %sub3A_2291 : vector<16xf32>
      %mul3A_2293 = arith.constant 5.000000e-01 : f32
      %mul3A_2294 = vector.broadcast %mul3A_2293 : f32 to vector<16xf32>
      %mul3A_2295 = arith.mulf %mul3A_2294, %select_n3A_2277 : vector<16xf32>
      %mul3A_2296 = arith.mulf %mul3A_2295, %mul3A_2292 : vector<16xf32>
      %mul3A_2297 = arith.mulf %mul3A_2296, %mul3A_2292 : vector<16xf32>
      %sub3A_2298 = arith.constant 1.500000e+00 : f32
      %sub3A_2299 = vector.broadcast %sub3A_2298 : f32 to vector<16xf32>
      %sub3A_2300 = arith.subf %sub3A_2299, %mul3A_2297 : vector<16xf32>
      %mul3A_2301 = arith.mulf %mul3A_2292, %sub3A_2300 : vector<16xf32>
      %mul3A_2302 = arith.constant 5.000000e-01 : f32
      %mul3A_2303 = vector.broadcast %mul3A_2302 : f32 to vector<16xf32>
      %mul3A_2304 = arith.mulf %mul3A_2303, %select_n3A_2277 : vector<16xf32>
      %mul3A_2305 = arith.mulf %mul3A_2304, %mul3A_2301 : vector<16xf32>
      %mul3A_2306 = arith.mulf %mul3A_2305, %mul3A_2301 : vector<16xf32>
      %sub3A_2307 = arith.constant 1.500000e+00 : f32
      %sub3A_2308 = vector.broadcast %sub3A_2307 : f32 to vector<16xf32>
      %sub3A_2309 = arith.subf %sub3A_2308, %mul3A_2306 : vector<16xf32>
      %mul3A_2310 = arith.mulf %mul3A_2301, %sub3A_2309 : vector<16xf32>
      %mul3A_2311 = arith.constant 5.000000e-01 : f32
      %mul3A_2312 = vector.broadcast %mul3A_2311 : f32 to vector<16xf32>
      %mul3A_2313 = arith.mulf %mul3A_2312, %select_n3A_2277 : vector<16xf32>
      %mul3A_2314 = arith.mulf %mul3A_2313, %mul3A_2310 : vector<16xf32>
      %mul3A_2315 = arith.mulf %mul3A_2314, %mul3A_2310 : vector<16xf32>
      %sub3A_2316 = arith.constant 1.500000e+00 : f32
      %sub3A_2317 = vector.broadcast %sub3A_2316 : f32 to vector<16xf32>
      %sub3A_2318 = arith.subf %sub3A_2317, %mul3A_2315 : vector<16xf32>
      %mul3A_2319 = arith.mulf %mul3A_2310, %sub3A_2318 : vector<16xf32>
      %mul3A_2320 = arith.constant 5.000000e-01 : f32
      %mul3A_2321 = vector.broadcast %mul3A_2320 : f32 to vector<16xf32>
      %mul3A_2322 = arith.mulf %mul3A_2321, %select_n3A_2277 : vector<16xf32>
      %mul3A_2323 = arith.mulf %mul3A_2322, %mul3A_2319 : vector<16xf32>
      %mul3A_2324 = arith.mulf %mul3A_2323, %mul3A_2319 : vector<16xf32>
      %sub3A_2325 = arith.constant 1.500000e+00 : f32
      %sub3A_2326 = vector.broadcast %sub3A_2325 : f32 to vector<16xf32>
      %sub3A_2327 = arith.subf %sub3A_2326, %mul3A_2324 : vector<16xf32>
      %mul3A_2328 = arith.mulf %mul3A_2319, %sub3A_2327 : vector<16xf32>
      %mul3A_2329 = arith.constant 5.000000e-01 : f32
      %mul3A_2330 = vector.broadcast %mul3A_2329 : f32 to vector<16xf32>
      %mul3A_2331 = arith.mulf %mul3A_2330, %select_n3A_2277 : vector<16xf32>
      %mul3A_2332 = arith.mulf %mul3A_2331, %mul3A_2328 : vector<16xf32>
      %mul3A_2333 = arith.mulf %mul3A_2332, %mul3A_2328 : vector<16xf32>
      %sub3A_2334 = arith.constant 1.500000e+00 : f32
      %sub3A_2335 = vector.broadcast %sub3A_2334 : f32 to vector<16xf32>
      %sub3A_2336 = arith.subf %sub3A_2335, %mul3A_2333 : vector<16xf32>
      %mul3A_2337 = arith.mulf %mul3A_2328, %sub3A_2336 : vector<16xf32>
      %mul3A_2338 = arith.mulf %mul3A_2337, %select_n3A_2281 : vector<16xf32>
      %mul3A_2339 = arith.mulf %get3A_2004, %mul3A_2338 : vector<16xf32>
      %swap3A_2340 = arith.constant 4 : i32
      %swap3A_2341 = arith.index_cast %swap3A_2340 : i32 to index
      %swap3A_2342 = arith.constant 0 : index
      %swap3A_2343 = tpu.vector_load %arg10[%swap3A_2341, %swap3A_2342] {strides = array<i32>} : memref<8x128xf32, #tpu.memory_space<vmem>>, vector<1x16xf32>,
      %swap3A_2344 = vector.shape_cast %swap3A_2343 : vector<1x16xf32> to vector<16xf32>
      %swap3A_2345 = vector.shape_cast %mul3A_2339 : vector<16xf32> to vector<1x16xf32>
      tpu.vector_store %arg10[%swap3A_2341, %swap3A_2342], %swap3A_2345 {strides = array<i32>} : memref<8x128xf32, #tpu.memory_space<vmem>>, vector<1x16xf32>,
      %mul3A_2346 = arith.mulf %get3A_2011, %mul3A_2338 : vector<16xf32>
      %swap3A_2347 = arith.constant 4 : i32
      %swap3A_2348 = arith.index_cast %swap3A_2347 : i32 to index
      %swap3A_2349 = arith.constant 16 : index
      %swap3A_2350 = tpu.vector_load %arg10[%swap3A_2348, %swap3A_2349] {strides = array<i32>} : memref<8x128xf32, #tpu.memory_space<vmem>>, vector<1x16xf32>,
      %swap3A_2351 = vector.shape_cast %swap3A_2350 : vector<1x16xf32> to vector<16xf32>
      %swap3A_2352 = vector.shape_cast %mul3A_2346 : vector<16xf32> to vector<1x16xf32>
      tpu.vector_store %arg10[%swap3A_2348, %swap3A_2349], %swap3A_2352 {strides = array<i32>} : memref<8x128xf32, #tpu.memory_space<vmem>>, vector<1x16xf32>,
      %mul3A_2353 = arith.mulf %get3A_2018, %mul3A_2338 : vector<16xf32>
      %swap3A_2354 = arith.constant 4 : i32
      %swap3A_2355 = arith.index_cast %swap3A_2354 : i32 to index
      %swap3A_2356 = arith.constant 32 : index
      %swap3A_2357 = tpu.vector_load %arg10[%swap3A_2355, %swap3A_2356] {strides = array<i32>} : memref<8x128xf32, #tpu.memory_space<vmem>>, vector<1x16xf32>,
      %swap3A_2358 = vector.shape_cast %swap3A_2357 : vector<1x16xf32> to vector<16xf32>
      %swap3A_2359 = vector.shape_cast %mul3A_2353 : vector<16xf32> to vector<1x16xf32>
      tpu.vector_store %arg10[%swap3A_2355, %swap3A_2356], %swap3A_2359 {strides = array<i32>} : memref<8x128xf32, #tpu.memory_space<vmem>>, vector<1x16xf32>,
      %mul3A_2360 = arith.mulf %get3A_2025, %mul3A_2338 : vector<16xf32>
      %swap3A_2361 = arith.constant 4 : i32
      %swap3A_2362 = arith.index_cast %swap3A_2361 : i32 to index
      %swap3A_2363 = arith.constant 48 : index
      %swap3A_2364 = tpu.vector_load %arg10[%swap3A_2362, %swap3A_2363] {strides = array<i32>} : memref<8x128xf32, #tpu.memory_space<vmem>>, vector<1x16xf32>,
      %swap3A_2365 = vector.shape_cast %swap3A_2364 : vector<1x16xf32> to vector<16xf32>
      %swap3A_2366 = vector.shape_cast %mul3A_2360 : vector<16xf32> to vector<1x16xf32>
      tpu.vector_store %arg10[%swap3A_2362, %swap3A_2363], %swap3A_2366 {strides = array<i32>} : memref<8x128xf32, #tpu.memory_space<vmem>>, vector<1x16xf32>,
      %mul3A_2367 = arith.mulf %get3A_2032, %mul3A_2338 : vector<16xf32>
      %swap3A_2368 = arith.constant 4 : i32
      %swap3A_2369 = arith.index_cast %swap3A_2368 : i32 to index
      %swap3A_2370 = arith.constant 64 : index
      %swap3A_2371 = tpu.vector_load %arg10[%swap3A_2369, %swap3A_2370] {strides = array<i32>} : memref<8x128xf32, #tpu.memory_space<vmem>>, vector<1x16xf32>,
      %swap3A_2372 = vector.shape_cast %swap3A_2371 : vector<1x16xf32> to vector<16xf32>
      %swap3A_2373 = vector.shape_cast %mul3A_2367 : vector<16xf32> to vector<1x16xf32>
      tpu.vector_store %arg10[%swap3A_2369, %swap3A_2370], %swap3A_2373 {strides = array<i32>} : memref<8x128xf32, #tpu.memory_space<vmem>>, vector<1x16xf32>,
      %mul3A_2374 = arith.mulf %get3A_2039, %mul3A_2338 : vector<16xf32>
      %swap3A_2375 = arith.constant 4 : i32
      %swap3A_2376 = arith.index_cast %swap3A_2375 : i32 to index
      %swap3A_2377 = arith.constant 80 : index
      %swap3A_2378 = tpu.vector_load %arg10[%swap3A_2376, %swap3A_2377] {strides = array<i32>} : memref<8x128xf32, #tpu.memory_space<vmem>>, vector<1x16xf32>,
      %swap3A_2379 = vector.shape_cast %swap3A_2378 : vector<1x16xf32> to vector<16xf32>
      %swap3A_2380 = vector.shape_cast %mul3A_2374 : vector<16xf32> to vector<1x16xf32>
      tpu.vector_store %arg10[%swap3A_2376, %swap3A_2377], %swap3A_2380 {strides = array<i32>} : memref<8x128xf32, #tpu.memory_space<vmem>>, vector<1x16xf32>,
      %mul3A_2381 = arith.mulf %get3A_2046, %mul3A_2338 : vector<16xf32>
      %swap3A_2382 = arith.constant 4 : i32
      %swap3A_2383 = arith.index_cast %swap3A_2382 : i32 to index
      %swap3A_2384 = arith.constant 96 : index
      %swap3A_2385 = tpu.vector_load %arg10[%swap3A_2383, %swap3A_2384] {strides = array<i32>} : memref<8x128xf32, #tpu.memory_space<vmem>>, vector<1x16xf32>,
      %swap3A_2386 = vector.shape_cast %swap3A_2385 : vector<1x16xf32> to vector<16xf32>
      %swap3A_2387 = vector.shape_cast %mul3A_2381 : vector<16xf32> to vector<1x16xf32>
      tpu.vector_store %arg10[%swap3A_2383, %swap3A_2384], %swap3A_2387 {strides = array<i32>} : memref<8x128xf32, #tpu.memory_space<vmem>>, vector<1x16xf32>,
      %mul3A_2388 = arith.mulf %get3A_2053, %mul3A_2338 : vector<16xf32>
      %swap3A_2389 = arith.constant 4 : i32
      %swap3A_2390 = arith.index_cast %swap3A_2389 : i32 to index
      %swap3A_2391 = arith.constant 112 : index
      %swap3A_2392 = tpu.vector_load %arg10[%swap3A_2390, %swap3A_2391] {strides = array<i32>} : memref<8x128xf32, #tpu.memory_space<vmem>>, vector<1x16xf32>,
      %swap3A_2393 = vector.shape_cast %swap3A_2392 : vector<1x16xf32> to vector<16xf32>
      %swap3A_2394 = vector.shape_cast %mul3A_2388 : vector<16xf32> to vector<1x16xf32>
      tpu.vector_store %arg10[%swap3A_2390, %swap3A_2391], %swap3A_2394 {strides = array<i32>} : memref<8x128xf32, #tpu.memory_space<vmem>>, vector<1x16xf32>,
      %broadcast_in_dim3A_2395 = arith.constant 0.000000e+00 : f32
      %broadcast_in_dim3A_2396 = vector.broadcast %broadcast_in_dim3A_2395 : f32 to vector<16xf32>
      %get3A_2397 = arith.constant 5 : i32
      %get3A_2398 = arith.index_cast %get3A_2397 : i32 to index
      %get3A_2399 = arith.constant 0 : index
      %get3A_2400 = tpu.vector_load %arg10[%get3A_2398, %get3A_2399] {strides = array<i32>} : memref<8x128xf32, #tpu.memory_space<vmem>>, vector<1x16xf32>,
      %get3A_2401 = vector.shape_cast %get3A_2400 : vector<1x16xf32> to vector<16xf32>
      %mul3A_2402 = arith.mulf %get3A_2401, %get3A_2401 : vector<16xf32>
      %add3A_2403 = arith.addf %broadcast_in_dim3A_2396, %mul3A_2402 : vector<16xf32>
      %get3A_2404 = arith.constant 5 : i32
      %get3A_2405 = arith.index_cast %get3A_2404 : i32 to index
      %get3A_2406 = arith.constant 16 : index
      %get3A_2407 = tpu.vector_load %arg10[%get3A_2405, %get3A_2406] {strides = array<i32>} : memref<8x128xf32, #tpu.memory_space<vmem>>, vector<1x16xf32>,
      %get3A_2408 = vector.shape_cast %get3A_2407 : vector<1x16xf32> to vector<16xf32>
      %mul3A_2409 = arith.mulf %get3A_2408, %get3A_2408 : vector<16xf32>
      %add3A_2410 = arith.addf %add3A_2403, %mul3A_2409 : vector<16xf32>
      %get3A_2411 = arith.constant 5 : i32
      %get3A_2412 = arith.index_cast %get3A_2411 : i32 to index
      %get3A_2413 = arith.constant 32 : index
      %get3A_2414 = tpu.vector_load %arg10[%get3A_2412, %get3A_2413] {strides = array<i32>} : memref<8x128xf32, #tpu.memory_space<vmem>>, vector<1x16xf32>,
      %get3A_2415 = vector.shape_cast %get3A_2414 : vector<1x16xf32> to vector<16xf32>
      %mul3A_2416 = arith.mulf %get3A_2415, %get3A_2415 : vector<16xf32>
      %add3A_2417 = arith.addf %add3A_2410, %mul3A_2416 : vector<16xf32>
      %get3A_2418 = arith.constant 5 : i32
      %get3A_2419 = arith.index_cast %get3A_2418 : i32 to index
      %get3A_2420 = arith.constant 48 : index
      %get3A_2421 = tpu.vector_load %arg10[%get3A_2419, %get3A_2420] {strides = array<i32>} : memref<8x128xf32, #tpu.memory_space<vmem>>, vector<1x16xf32>,
      %get3A_2422 = vector.shape_cast %get3A_2421 : vector<1x16xf32> to vector<16xf32>
      %mul3A_2423 = arith.mulf %get3A_2422, %get3A_2422 : vector<16xf32>
      %add3A_2424 = arith.addf %add3A_2417, %mul3A_2423 : vector<16xf32>
      %get3A_2425 = arith.constant 5 : i32
      %get3A_2426 = arith.index_cast %get3A_2425 : i32 to index
      %get3A_2427 = arith.constant 64 : index
      %get3A_2428 = tpu.vector_load %arg10[%get3A_2426, %get3A_2427] {strides = array<i32>} : memref<8x128xf32, #tpu.memory_space<vmem>>, vector<1x16xf32>,
      %get3A_2429 = vector.shape_cast %get3A_2428 : vector<1x16xf32> to vector<16xf32>
      %mul3A_2430 = arith.mulf %get3A_2429, %get3A_2429 : vector<16xf32>
      %add3A_2431 = arith.addf %add3A_2424, %mul3A_2430 : vector<16xf32>
      %get3A_2432 = arith.constant 5 : i32
      %get3A_2433 = arith.index_cast %get3A_2432 : i32 to index
      %get3A_2434 = arith.constant 80 : index
      %get3A_2435 = tpu.vector_load %arg10[%get3A_2433, %get3A_2434] {strides = array<i32>} : memref<8x128xf32, #tpu.memory_space<vmem>>, vector<1x16xf32>,
      %get3A_2436 = vector.shape_cast %get3A_2435 : vector<1x16xf32> to vector<16xf32>
      %mul3A_2437 = arith.mulf %get3A_2436, %get3A_2436 : vector<16xf32>
      %add3A_2438 = arith.addf %add3A_2431, %mul3A_2437 : vector<16xf32>
      %get3A_2439 = arith.constant 5 : i32
      %get3A_2440 = arith.index_cast %get3A_2439 : i32 to index
      %get3A_2441 = arith.constant 96 : index
      %get3A_2442 = tpu.vector_load %arg10[%get3A_2440, %get3A_2441] {strides = array<i32>} : memref<8x128xf32, #tpu.memory_space<vmem>>, vector<1x16xf32>,
      %get3A_2443 = vector.shape_cast %get3A_2442 : vector<1x16xf32> to vector<16xf32>
      %mul3A_2444 = arith.mulf %get3A_2443, %get3A_2443 : vector<16xf32>
      %add3A_2445 = arith.addf %add3A_2438, %mul3A_2444 : vector<16xf32>
      %get3A_2446 = arith.constant 5 : i32
      %get3A_2447 = arith.index_cast %get3A_2446 : i32 to index
      %get3A_2448 = arith.constant 112 : index
      %get3A_2449 = tpu.vector_load %arg10[%get3A_2447, %get3A_2448] {strides = array<i32>} : memref<8x128xf32, #tpu.memory_space<vmem>>, vector<1x16xf32>,
      %get3A_2450 = vector.shape_cast %get3A_2449 : vector<1x16xf32> to vector<16xf32>
      %mul3A_2451 = arith.mulf %get3A_2450, %get3A_2450 : vector<16xf32>
      %add3A_2452 = arith.addf %add3A_2445, %mul3A_2451 : vector<16xf32>
      %swap3A_2453 = arith.constant 0 : index
      %swap3A_2454 = tpu.vector_load %arg11[%swap3A_2453] {strides = array<i32>} : memref<32xf32, #tpu.memory_space<vmem>>, vector<16xf32>,
      %swap3A_2455 = vector.shape_cast %swap3A_2454 : vector<16xf32> to vector<16xf32>
      %swap3A_2456 = vector.shape_cast %add3A_2452 : vector<16xf32> to vector<16xf32>
      tpu.vector_store %arg11[%swap3A_2453], %swap3A_2456 {strides = array<i32>} : memref<32xf32, #tpu.memory_space<vmem>>, vector<16xf32>,
      %swap3A_2457 = arith.constant 16 : index
      %swap3A_2458 = tpu.vector_load %arg11[%swap3A_2457] {strides = array<i32>} : memref<32xf32, #tpu.memory_space<vmem>>, vector<16xf32>,
      %swap3A_2459 = vector.shape_cast %swap3A_2458 : vector<16xf32> to vector<16xf32>
      %swap3A_2460 = vector.shape_cast %add3A_2452 : vector<16xf32> to vector<16xf32>
      tpu.vector_store %arg11[%swap3A_2457], %swap3A_2460 {strides = array<i32>} : memref<32xf32, #tpu.memory_space<vmem>>, vector<16xf32>,
      %get3A_2461 = arith.constant 8 : index
      %get3A_2462 = tpu.vector_load %arg11[%get3A_2461] {strides = array<i32>} : memref<32xf32, #tpu.memory_space<vmem>>, vector<16xf32>,
      %get3A_2463 = vector.shape_cast %get3A_2462 : vector<16xf32> to vector<16xf32>
      %add3A_2464 = arith.addf %add3A_2452, %get3A_2463 : vector<16xf32>
      %swap3A_2465 = arith.constant 0 : index
      %swap3A_2466 = tpu.vector_load %arg11[%swap3A_2465] {strides = array<i32>} : memref<32xf32, #tpu.memory_space<vmem>>, vector<16xf32>,
      %swap3A_2467 = vector.shape_cast %swap3A_2466 : vector<16xf32> to vector<16xf32>
      %swap3A_2468 = vector.shape_cast %add3A_2464 : vector<16xf32> to vector<16xf32>
      tpu.vector_store %arg11[%swap3A_2465], %swap3A_2468 {strides = array<i32>} : memref<32xf32, #tpu.memory_space<vmem>>, vector<16xf32>,
      %swap3A_2469 = arith.constant 16 : index
      %swap3A_2470 = tpu.vector_load %arg11[%swap3A_2469] {strides = array<i32>} : memref<32xf32, #tpu.memory_space<vmem>>, vector<16xf32>,
      %swap3A_2471 = vector.shape_cast %swap3A_2470 : vector<16xf32> to vector<16xf32>
      %swap3A_2472 = vector.shape_cast %add3A_2464 : vector<16xf32> to vector<16xf32>
      tpu.vector_store %arg11[%swap3A_2469], %swap3A_2472 {strides = array<i32>} : memref<32xf32, #tpu.memory_space<vmem>>, vector<16xf32>,
      %get3A_2473 = arith.constant 4 : index
      %get3A_2474 = tpu.vector_load %arg11[%get3A_2473] {strides = array<i32>} : memref<32xf32, #tpu.memory_space<vmem>>, vector<16xf32>,
      %get3A_2475 = vector.shape_cast %get3A_2474 : vector<16xf32> to vector<16xf32>
      %add3A_2476 = arith.addf %add3A_2464, %get3A_2475 : vector<16xf32>
      %swap3A_2477 = arith.constant 0 : index
      %swap3A_2478 = tpu.vector_load %arg11[%swap3A_2477] {strides = array<i32>} : memref<32xf32, #tpu.memory_space<vmem>>, vector<16xf32>,
      %swap3A_2479 = vector.shape_cast %swap3A_2478 : vector<16xf32> to vector<16xf32>
      %swap3A_2480 = vector.shape_cast %add3A_2476 : vector<16xf32> to vector<16xf32>
      tpu.vector_store %arg11[%swap3A_2477], %swap3A_2480 {strides = array<i32>} : memref<32xf32, #tpu.memory_space<vmem>>, vector<16xf32>,
      %swap3A_2481 = arith.constant 16 : index
      %swap3A_2482 = tpu.vector_load %arg11[%swap3A_2481] {strides = array<i32>} : memref<32xf32, #tpu.memory_space<vmem>>, vector<16xf32>,
      %swap3A_2483 = vector.shape_cast %swap3A_2482 : vector<16xf32> to vector<16xf32>
      %swap3A_2484 = vector.shape_cast %add3A_2476 : vector<16xf32> to vector<16xf32>
      tpu.vector_store %arg11[%swap3A_2481], %swap3A_2484 {strides = array<i32>} : memref<32xf32, #tpu.memory_space<vmem>>, vector<16xf32>,
      %get3A_2485 = arith.constant 2 : index
      %get3A_2486 = tpu.vector_load %arg11[%get3A_2485] {strides = array<i32>} : memref<32xf32, #tpu.memory_space<vmem>>, vector<16xf32>,
      %get3A_2487 = vector.shape_cast %get3A_2486 : vector<16xf32> to vector<16xf32>
      %add3A_2488 = arith.addf %add3A_2476, %get3A_2487 : vector<16xf32>
      %swap3A_2489 = arith.constant 0 : index
      %swap3A_2490 = tpu.vector_load %arg11[%swap3A_2489] {strides = array<i32>} : memref<32xf32, #tpu.memory_space<vmem>>, vector<16xf32>,
      %swap3A_2491 = vector.shape_cast %swap3A_2490 : vector<16xf32> to vector<16xf32>
      %swap3A_2492 = vector.shape_cast %add3A_2488 : vector<16xf32> to vector<16xf32>
      tpu.vector_store %arg11[%swap3A_2489], %swap3A_2492 {strides = array<i32>} : memref<32xf32, #tpu.memory_space<vmem>>, vector<16xf32>,
      %swap3A_2493 = arith.constant 16 : index
      %swap3A_2494 = tpu.vector_load %arg11[%swap3A_2493] {strides = array<i32>} : memref<32xf32, #tpu.memory_space<vmem>>, vector<16xf32>,
      %swap3A_2495 = vector.shape_cast %swap3A_2494 : vector<16xf32> to vector<16xf32>
      %swap3A_2496 = vector.shape_cast %add3A_2488 : vector<16xf32> to vector<16xf32>
      tpu.vector_store %arg11[%swap3A_2493], %swap3A_2496 {strides = array<i32>} : memref<32xf32, #tpu.memory_space<vmem>>, vector<16xf32>,
      %get3A_2497 = arith.constant 1 : index
      %get3A_2498 = tpu.vector_load %arg11[%get3A_2497] {strides = array<i32>} : memref<32xf32, #tpu.memory_space<vmem>>, vector<16xf32>,
      %get3A_2499 = vector.shape_cast %get3A_2498 : vector<16xf32> to vector<16xf32>
      %add3A_2500 = arith.addf %add3A_2488, %get3A_2499 : vector<16xf32>
      %broadcast_in_dim3A_2501 = arith.constant 1.000000e+00 : f32
      %broadcast_in_dim3A_2502 = vector.broadcast %broadcast_in_dim3A_2501 : f32 to vector<16xf32>
      %gt3A_2503 = arith.constant 1.84467441E+19 : f32
      %gt3A_2504 = vector.broadcast %gt3A_2503 : f32 to vector<16xf32>
      %gt3A_2505 = arith.cmpf ogt, %add3A_2500, %gt3A_2504 : vector<16xf32>
      %mul3A_2506 = arith.constant 5.42101086E-20 : f32
      %mul3A_2507 = vector.broadcast %mul3A_2506 : f32 to vector<16xf32>
      %mul3A_2508 = arith.mulf %add3A_2500, %mul3A_2507 : vector<16xf32>
      %select_n3A_2509 = arith.select %gt3A_2505, %mul3A_2508, %add3A_2500 : vector<16xi1>, vector<16xf32>
      %mul3A_2510 = arith.constant 2.32830644E-10 : f32
      %mul3A_2511 = vector.broadcast %mul3A_2510 : f32 to vector<16xf32>
      %mul3A_2512 = arith.mulf %broadcast_in_dim3A_2502, %mul3A_2511 : vector<16xf32>
      %select_n3A_2513 = arith.select %gt3A_2505, %mul3A_2512, %broadcast_in_dim3A_2502 : vector<16xi1>, vector<16xf32>
      %lt3A_2514 = arith.constant 5.42101086E-20 : f32
      %lt3A_2515 = vector.broadcast %lt3A_2514 : f32 to vector<16xf32>
      %lt3A_2516 = arith.cmpf olt, %select_n3A_2509, %lt3A_2515 : vector<16xf32>
      %mul3A_2517 = arith.constant 1.84467441E+19 : f32
      %mul3A_2518 = vector.broadcast %mul3A_2517 : f32 to vector<16xf32>
      %mul3A_2519 = arith.mulf %select_n3A_2509, %mul3A_2518 : vector<16xf32>
      %select_n3A_2520 = arith.select %lt3A_2516, %mul3A_2519, %select_n3A_2509 : vector<16xi1>, vector<16xf32>
      %mul3A_2521 = arith.constant 4.2949673E+9 : f32
      %mul3A_2522 = vector.broadcast %mul3A_2521 : f32 to vector<16xf32>
      %mul3A_2523 = arith.mulf %select_n3A_2513, %mul3A_2522 : vector<16xf32>
      %select_n3A_2524 = arith.select %lt3A_2516, %mul3A_2523, %select_n3A_2513 : vector<16xi1>, vector<16xf32>
      %gt3A_2525 = arith.constant 4.2949673E+9 : f32
      %gt3A_2526 = vector.broadcast %gt3A_2525 : f32 to vector<16xf32>
      %gt3A_2527 = arith.cmpf ogt, %select_n3A_2520, %gt3A_2526 : vector<16xf32>
      %mul3A_2528 = arith.constant 2.32830644E-10 : f32
      %mul3A_2529 = vector.broadcast %mul3A_2528 : f32 to vector<16xf32>
      %mul3A_2530 = arith.mulf %select_n3A_2520, %mul3A_2529 : vector<16xf32>
      %select_n3A_2531 = arith.select %gt3A_2527, %mul3A_2530, %select_n3A_2520 : vector<16xi1>, vector<16xf32>
      %mul3A_2532 = arith.constant 1.52587891E-5 : f32
      %mul3A_2533 = vector.broadcast %mul3A_2532 : f32 to vector<16xf32>
      %mul3A_2534 = arith.mulf %select_n3A_2524, %mul3A_2533 : vector<16xf32>
      %select_n3A_2535 = arith.select %gt3A_2527, %mul3A_2534, %select_n3A_2524 : vector<16xi1>, vector<16xf32>
      %lt3A_2536 = arith.constant 2.32830644E-10 : f32
      %lt3A_2537 = vector.broadcast %lt3A_2536 : f32 to vector<16xf32>
      %lt3A_2538 = arith.cmpf olt, %select_n3A_2531, %lt3A_2537 : vector<16xf32>
      %mul3A_2539 = arith.constant 4.2949673E+9 : f32
      %mul3A_2540 = vector.broadcast %mul3A_2539 : f32 to vector<16xf32>
      %mul3A_2541 = arith.mulf %select_n3A_2531, %mul3A_2540 : vector<16xf32>
      %select_n3A_2542 = arith.select %lt3A_2538, %mul3A_2541, %select_n3A_2531 : vector<16xi1>, vector<16xf32>
      %mul3A_2543 = arith.constant 6.553600e+04 : f32
      %mul3A_2544 = vector.broadcast %mul3A_2543 : f32 to vector<16xf32>
      %mul3A_2545 = arith.mulf %select_n3A_2535, %mul3A_2544 : vector<16xf32>
      %select_n3A_2546 = arith.select %lt3A_2538, %mul3A_2545, %select_n3A_2535 : vector<16xi1>, vector<16xf32>
      %gt3A_2547 = arith.constant 6.553600e+04 : f32
      %gt3A_2548 = vector.broadcast %gt3A_2547 : f32 to vector<16xf32>
      %gt3A_2549 = arith.cmpf ogt, %select_n3A_2542, %gt3A_2548 : vector<16xf32>
      %mul3A_2550 = arith.constant 1.52587891E-5 : f32
      %mul3A_2551 = vector.broadcast %mul3A_2550 : f32 to vector<16xf32>
      %mul3A_2552 = arith.mulf %select_n3A_2542, %mul3A_2551 : vector<16xf32>
      %select_n3A_2553 = arith.select %gt3A_2549, %mul3A_2552, %select_n3A_2542 : vector<16xi1>, vector<16xf32>
      %mul3A_2554 = arith.constant 3.906250e-03 : f32
      %mul3A_2555 = vector.broadcast %mul3A_2554 : f32 to vector<16xf32>
      %mul3A_2556 = arith.mulf %select_n3A_2546, %mul3A_2555 : vector<16xf32>
      %select_n3A_2557 = arith.select %gt3A_2549, %mul3A_2556, %select_n3A_2546 : vector<16xi1>, vector<16xf32>
      %lt3A_2558 = arith.constant 1.52587891E-5 : f32
      %lt3A_2559 = vector.broadcast %lt3A_2558 : f32 to vector<16xf32>
      %lt3A_2560 = arith.cmpf olt, %select_n3A_2553, %lt3A_2559 : vector<16xf32>
      %mul3A_2561 = arith.constant 6.553600e+04 : f32
      %mul3A_2562 = vector.broadcast %mul3A_2561 : f32 to vector<16xf32>
      %mul3A_2563 = arith.mulf %select_n3A_2553, %mul3A_2562 : vector<16xf32>
      %select_n3A_2564 = arith.select %lt3A_2560, %mul3A_2563, %select_n3A_2553 : vector<16xi1>, vector<16xf32>
      %mul3A_2565 = arith.constant 2.560000e+02 : f32
      %mul3A_2566 = vector.broadcast %mul3A_2565 : f32 to vector<16xf32>
      %mul3A_2567 = arith.mulf %select_n3A_2557, %mul3A_2566 : vector<16xf32>
      %select_n3A_2568 = arith.select %lt3A_2560, %mul3A_2567, %select_n3A_2557 : vector<16xi1>, vector<16xf32>
      %gt3A_2569 = arith.constant 2.560000e+02 : f32
      %gt3A_2570 = vector.broadcast %gt3A_2569 : f32 to vector<16xf32>
      %gt3A_2571 = arith.cmpf ogt, %select_n3A_2564, %gt3A_2570 : vector<16xf32>
      %mul3A_2572 = arith.constant 3.906250e-03 : f32
      %mul3A_2573 = vector.broadcast %mul3A_2572 : f32 to vector<16xf32>
      %mul3A_2574 = arith.mulf %select_n3A_2564, %mul3A_2573 : vector<16xf32>
      %select_n3A_2575 = arith.select %gt3A_2571, %mul3A_2574, %select_n3A_2564 : vector<16xi1>, vector<16xf32>
      %mul3A_2576 = arith.constant 6.250000e-02 : f32
      %mul3A_2577 = vector.broadcast %mul3A_2576 : f32 to vector<16xf32>
      %mul3A_2578 = arith.mulf %select_n3A_2568, %mul3A_2577 : vector<16xf32>
      %select_n3A_2579 = arith.select %gt3A_2571, %mul3A_2578, %select_n3A_2568 : vector<16xi1>, vector<16xf32>
      %lt3A_2580 = arith.constant 3.906250e-03 : f32
      %lt3A_2581 = vector.broadcast %lt3A_2580 : f32 to vector<16xf32>
      %lt3A_2582 = arith.cmpf olt, %select_n3A_2575, %lt3A_2581 : vector<16xf32>
      %mul3A_2583 = arith.constant 2.560000e+02 : f32
      %mul3A_2584 = vector.broadcast %mul3A_2583 : f32 to vector<16xf32>
      %mul3A_2585 = arith.mulf %select_n3A_2575, %mul3A_2584 : vector<16xf32>
      %select_n3A_2586 = arith.select %lt3A_2582, %mul3A_2585, %select_n3A_2575 : vector<16xi1>, vector<16xf32>
      %mul3A_2587 = arith.constant 1.600000e+01 : f32
      %mul3A_2588 = vector.broadcast %mul3A_2587 : f32 to vector<16xf32>
      %mul3A_2589 = arith.mulf %select_n3A_2579, %mul3A_2588 : vector<16xf32>
      %select_n3A_2590 = arith.select %lt3A_2582, %mul3A_2589, %select_n3A_2579 : vector<16xi1>, vector<16xf32>
      %gt3A_2591 = arith.constant 1.600000e+01 : f32
      %gt3A_2592 = vector.broadcast %gt3A_2591 : f32 to vector<16xf32>
      %gt3A_2593 = arith.cmpf ogt, %select_n3A_2586, %gt3A_2592 : vector<16xf32>
      %mul3A_2594 = arith.constant 6.250000e-02 : f32
      %mul3A_2595 = vector.broadcast %mul3A_2594 : f32 to vector<16xf32>
      %mul3A_2596 = arith.mulf %select_n3A_2586, %mul3A_2595 : vector<16xf32>
      %select_n3A_2597 = arith.select %gt3A_2593, %mul3A_2596, %select_n3A_2586 : vector<16xi1>, vector<16xf32>
      %mul3A_2598 = arith.constant 2.500000e-01 : f32
      %mul3A_2599 = vector.broadcast %mul3A_2598 : f32 to vector<16xf32>
      %mul3A_2600 = arith.mulf %select_n3A_2590, %mul3A_2599 : vector<16xf32>
      %select_n3A_2601 = arith.select %gt3A_2593, %mul3A_2600, %select_n3A_2590 : vector<16xi1>, vector<16xf32>
      %lt3A_2602 = arith.constant 6.250000e-02 : f32
      %lt3A_2603 = vector.broadcast %lt3A_2602 : f32 to vector<16xf32>
      %lt3A_2604 = arith.cmpf olt, %select_n3A_2597, %lt3A_2603 : vector<16xf32>
      %mul3A_2605 = arith.constant 1.600000e+01 : f32
      %mul3A_2606 = vector.broadcast %mul3A_2605 : f32 to vector<16xf32>
      %mul3A_2607 = arith.mulf %select_n3A_2597, %mul3A_2606 : vector<16xf32>
      %select_n3A_2608 = arith.select %lt3A_2604, %mul3A_2607, %select_n3A_2597 : vector<16xi1>, vector<16xf32>
      %mul3A_2609 = arith.constant 4.000000e+00 : f32
      %mul3A_2610 = vector.broadcast %mul3A_2609 : f32 to vector<16xf32>
      %mul3A_2611 = arith.mulf %select_n3A_2601, %mul3A_2610 : vector<16xf32>
      %select_n3A_2612 = arith.select %lt3A_2604, %mul3A_2611, %select_n3A_2601 : vector<16xi1>, vector<16xf32>
      %gt3A_2613 = arith.constant 2.000000e+00 : f32
      %gt3A_2614 = vector.broadcast %gt3A_2613 : f32 to vector<16xf32>
      %gt3A_2615 = arith.cmpf ogt, %select_n3A_2608, %gt3A_2614 : vector<16xf32>
      %mul3A_2616 = arith.constant 2.500000e-01 : f32
      %mul3A_2617 = vector.broadcast %mul3A_2616 : f32 to vector<16xf32>
      %mul3A_2618 = arith.mulf %select_n3A_2608, %mul3A_2617 : vector<16xf32>
      %select_n3A_2619 = arith.select %gt3A_2615, %mul3A_2618, %select_n3A_2608 : vector<16xi1>, vector<16xf32>
      %mul3A_2620 = arith.constant 5.000000e-01 : f32
      %mul3A_2621 = vector.broadcast %mul3A_2620 : f32 to vector<16xf32>
      %mul3A_2622 = arith.mulf %select_n3A_2612, %mul3A_2621 : vector<16xf32>
      %select_n3A_2623 = arith.select %gt3A_2615, %mul3A_2622, %select_n3A_2612 : vector<16xi1>, vector<16xf32>
      %lt3A_2624 = arith.constant 5.000000e-01 : f32
      %lt3A_2625 = vector.broadcast %lt3A_2624 : f32 to vector<16xf32>
      %lt3A_2626 = arith.cmpf olt, %select_n3A_2619, %lt3A_2625 : vector<16xf32>
      %mul3A_2627 = arith.constant 4.000000e+00 : f32
      %mul3A_2628 = vector.broadcast %mul3A_2627 : f32 to vector<16xf32>
      %mul3A_2629 = arith.mulf %select_n3A_2619, %mul3A_2628 : vector<16xf32>
      %select_n3A_2630 = arith.select %lt3A_2626, %mul3A_2629, %select_n3A_2619 : vector<16xi1>, vector<16xf32>
      %mul3A_2631 = arith.constant 2.000000e+00 : f32
      %mul3A_2632 = vector.broadcast %mul3A_2631 : f32 to vector<16xf32>
      %mul3A_2633 = arith.mulf %select_n3A_2623, %mul3A_2632 : vector<16xf32>
      %select_n3A_2634 = arith.select %lt3A_2626, %mul3A_2633, %select_n3A_2623 : vector<16xi1>, vector<16xf32>
      %gt3A_2635 = arith.constant 2.000000e+00 : f32
      %gt3A_2636 = vector.broadcast %gt3A_2635 : f32 to vector<16xf32>
      %gt3A_2637 = arith.cmpf ogt, %select_n3A_2630, %gt3A_2636 : vector<16xf32>
      %mul3A_2638 = arith.constant 2.500000e-01 : f32
      %mul3A_2639 = vector.broadcast %mul3A_2638 : f32 to vector<16xf32>
      %mul3A_2640 = arith.mulf %select_n3A_2630, %mul3A_2639 : vector<16xf32>
      %select_n3A_2641 = arith.select %gt3A_2637, %mul3A_2640, %select_n3A_2630 : vector<16xi1>, vector<16xf32>
      %mul3A_2642 = arith.constant 5.000000e-01 : f32
      %mul3A_2643 = vector.broadcast %mul3A_2642 : f32 to vector<16xf32>
      %mul3A_2644 = arith.mulf %select_n3A_2634, %mul3A_2643 : vector<16xf32>
      %select_n3A_2645 = arith.select %gt3A_2637, %mul3A_2644, %select_n3A_2634 : vector<16xi1>, vector<16xf32>
      %lt3A_2646 = arith.constant 5.000000e-01 : f32
      %lt3A_2647 = vector.broadcast %lt3A_2646 : f32 to vector<16xf32>
      %lt3A_2648 = arith.cmpf olt, %select_n3A_2641, %lt3A_2647 : vector<16xf32>
      %mul3A_2649 = arith.constant 4.000000e+00 : f32
      %mul3A_2650 = vector.broadcast %mul3A_2649 : f32 to vector<16xf32>
      %mul3A_2651 = arith.mulf %select_n3A_2641, %mul3A_2650 : vector<16xf32>
      %select_n3A_2652 = arith.select %lt3A_2648, %mul3A_2651, %select_n3A_2641 : vector<16xi1>, vector<16xf32>
      %mul3A_2653 = arith.constant 2.000000e+00 : f32
      %mul3A_2654 = vector.broadcast %mul3A_2653 : f32 to vector<16xf32>
      %mul3A_2655 = arith.mulf %select_n3A_2645, %mul3A_2654 : vector<16xf32>
      %select_n3A_2656 = arith.select %lt3A_2648, %mul3A_2655, %select_n3A_2645 : vector<16xi1>, vector<16xf32>
      %gt3A_2657 = arith.constant 2.000000e+00 : f32
      %gt3A_2658 = vector.broadcast %gt3A_2657 : f32 to vector<16xf32>
      %gt3A_2659 = arith.cmpf ogt, %select_n3A_2652, %gt3A_2658 : vector<16xf32>
      %mul3A_2660 = arith.constant 2.500000e-01 : f32
      %mul3A_2661 = vector.broadcast %mul3A_2660 : f32 to vector<16xf32>
      %mul3A_2662 = arith.mulf %select_n3A_2652, %mul3A_2661 : vector<16xf32>
      %select_n3A_2663 = arith.select %gt3A_2659, %mul3A_2662, %select_n3A_2652 : vector<16xi1>, vector<16xf32>
      %mul3A_2664 = arith.constant 5.000000e-01 : f32
      %mul3A_2665 = vector.broadcast %mul3A_2664 : f32 to vector<16xf32>
      %mul3A_2666 = arith.mulf %select_n3A_2656, %mul3A_2665 : vector<16xf32>
      %select_n3A_2667 = arith.select %gt3A_2659, %mul3A_2666, %select_n3A_2656 : vector<16xi1>, vector<16xf32>
      %lt3A_2668 = arith.constant 5.000000e-01 : f32
      %lt3A_2669 = vector.broadcast %lt3A_2668 : f32 to vector<16xf32>
      %lt3A_2670 = arith.cmpf olt, %select_n3A_2663, %lt3A_2669 : vector<16xf32>
      %mul3A_2671 = arith.constant 4.000000e+00 : f32
      %mul3A_2672 = vector.broadcast %mul3A_2671 : f32 to vector<16xf32>
      %mul3A_2673 = arith.mulf %select_n3A_2663, %mul3A_2672 : vector<16xf32>
      %select_n3A_2674 = arith.select %lt3A_2670, %mul3A_2673, %select_n3A_2663 : vector<16xi1>, vector<16xf32>
      %mul3A_2675 = arith.constant 2.000000e+00 : f32
      %mul3A_2676 = vector.broadcast %mul3A_2675 : f32 to vector<16xf32>
      %mul3A_2677 = arith.mulf %select_n3A_2667, %mul3A_2676 : vector<16xf32>
      %select_n3A_2678 = arith.select %lt3A_2670, %mul3A_2677, %select_n3A_2667 : vector<16xi1>, vector<16xf32>
      %broadcast_in_dim3A_2679 = arith.constant 1.000000e+00 : f32
      %broadcast_in_dim3A_2680 = vector.broadcast %broadcast_in_dim3A_2679 : f32 to vector<16xf32>
      %mul3A_2681 = arith.constant 5.000000e-01 : f32
      %mul3A_2682 = vector.broadcast %mul3A_2681 : f32 to vector<16xf32>
      %mul3A_2683 = arith.mulf %mul3A_2682, %select_n3A_2674 : vector<16xf32>
      %mul3A_2684 = arith.mulf %mul3A_2683, %broadcast_in_dim3A_2680 : vector<16xf32>
      %mul3A_2685 = arith.mulf %mul3A_2684, %broadcast_in_dim3A_2680 : vector<16xf32>
      %sub3A_2686 = arith.constant 1.500000e+00 : f32
      %sub3A_2687 = vector.broadcast %sub3A_2686 : f32 to vector<16xf32>
      %sub3A_2688 = arith.subf %sub3A_2687, %mul3A_2685 : vector<16xf32>
      %mul3A_2689 = arith.mulf %broadcast_in_dim3A_2680, %sub3A_2688 : vector<16xf32>
      %mul3A_2690 = arith.constant 5.000000e-01 : f32
      %mul3A_2691 = vector.broadcast %mul3A_2690 : f32 to vector<16xf32>
      %mul3A_2692 = arith.mulf %mul3A_2691, %select_n3A_2674 : vector<16xf32>
      %mul3A_2693 = arith.mulf %mul3A_2692, %mul3A_2689 : vector<16xf32>
      %mul3A_2694 = arith.mulf %mul3A_2693, %mul3A_2689 : vector<16xf32>
      %sub3A_2695 = arith.constant 1.500000e+00 : f32
      %sub3A_2696 = vector.broadcast %sub3A_2695 : f32 to vector<16xf32>
      %sub3A_2697 = arith.subf %sub3A_2696, %mul3A_2694 : vector<16xf32>
      %mul3A_2698 = arith.mulf %mul3A_2689, %sub3A_2697 : vector<16xf32>
      %mul3A_2699 = arith.constant 5.000000e-01 : f32
      %mul3A_2700 = vector.broadcast %mul3A_2699 : f32 to vector<16xf32>
      %mul3A_2701 = arith.mulf %mul3A_2700, %select_n3A_2674 : vector<16xf32>
      %mul3A_2702 = arith.mulf %mul3A_2701, %mul3A_2698 : vector<16xf32>
      %mul3A_2703 = arith.mulf %mul3A_2702, %mul3A_2698 : vector<16xf32>
      %sub3A_2704 = arith.constant 1.500000e+00 : f32
      %sub3A_2705 = vector.broadcast %sub3A_2704 : f32 to vector<16xf32>
      %sub3A_2706 = arith.subf %sub3A_2705, %mul3A_2703 : vector<16xf32>
      %mul3A_2707 = arith.mulf %mul3A_2698, %sub3A_2706 : vector<16xf32>
      %mul3A_2708 = arith.constant 5.000000e-01 : f32
      %mul3A_2709 = vector.broadcast %mul3A_2708 : f32 to vector<16xf32>
      %mul3A_2710 = arith.mulf %mul3A_2709, %select_n3A_2674 : vector<16xf32>
      %mul3A_2711 = arith.mulf %mul3A_2710, %mul3A_2707 : vector<16xf32>
      %mul3A_2712 = arith.mulf %mul3A_2711, %mul3A_2707 : vector<16xf32>
      %sub3A_2713 = arith.constant 1.500000e+00 : f32
      %sub3A_2714 = vector.broadcast %sub3A_2713 : f32 to vector<16xf32>
      %sub3A_2715 = arith.subf %sub3A_2714, %mul3A_2712 : vector<16xf32>
      %mul3A_2716 = arith.mulf %mul3A_2707, %sub3A_2715 : vector<16xf32>
      %mul3A_2717 = arith.constant 5.000000e-01 : f32
      %mul3A_2718 = vector.broadcast %mul3A_2717 : f32 to vector<16xf32>
      %mul3A_2719 = arith.mulf %mul3A_2718, %select_n3A_2674 : vector<16xf32>
      %mul3A_2720 = arith.mulf %mul3A_2719, %mul3A_2716 : vector<16xf32>
      %mul3A_2721 = arith.mulf %mul3A_2720, %mul3A_2716 : vector<16xf32>
      %sub3A_2722 = arith.constant 1.500000e+00 : f32
      %sub3A_2723 = vector.broadcast %sub3A_2722 : f32 to vector<16xf32>
      %sub3A_2724 = arith.subf %sub3A_2723, %mul3A_2721 : vector<16xf32>
      %mul3A_2725 = arith.mulf %mul3A_2716, %sub3A_2724 : vector<16xf32>
      %mul3A_2726 = arith.constant 5.000000e-01 : f32
      %mul3A_2727 = vector.broadcast %mul3A_2726 : f32 to vector<16xf32>
      %mul3A_2728 = arith.mulf %mul3A_2727, %select_n3A_2674 : vector<16xf32>
      %mul3A_2729 = arith.mulf %mul3A_2728, %mul3A_2725 : vector<16xf32>
      %mul3A_2730 = arith.mulf %mul3A_2729, %mul3A_2725 : vector<16xf32>
      %sub3A_2731 = arith.constant 1.500000e+00 : f32
      %sub3A_2732 = vector.broadcast %sub3A_2731 : f32 to vector<16xf32>
      %sub3A_2733 = arith.subf %sub3A_2732, %mul3A_2730 : vector<16xf32>
      %mul3A_2734 = arith.mulf %mul3A_2725, %sub3A_2733 : vector<16xf32>
      %mul3A_2735 = arith.mulf %mul3A_2734, %select_n3A_2678 : vector<16xf32>
      %mul3A_2736 = arith.mulf %get3A_2401, %mul3A_2735 : vector<16xf32>
      %swap3A_2737 = arith.constant 5 : i32
      %swap3A_2738 = arith.index_cast %swap3A_2737 : i32 to index
      %swap3A_2739 = arith.constant 0 : index
      %swap3A_2740 = tpu.vector_load %arg10[%swap3A_2738, %swap3A_2739] {strides = array<i32>} : memref<8x128xf32, #tpu.memory_space<vmem>>, vector<1x16xf32>,
      %swap3A_2741 = vector.shape_cast %swap3A_2740 : vector<1x16xf32> to vector<16xf32>
      %swap3A_2742 = vector.shape_cast %mul3A_2736 : vector<16xf32> to vector<1x16xf32>
      tpu.vector_store %arg10[%swap3A_2738, %swap3A_2739], %swap3A_2742 {strides = array<i32>} : memref<8x128xf32, #tpu.memory_space<vmem>>, vector<1x16xf32>,
      %mul3A_2743 = arith.mulf %get3A_2408, %mul3A_2735 : vector<16xf32>
      %swap3A_2744 = arith.constant 5 : i32
      %swap3A_2745 = arith.index_cast %swap3A_2744 : i32 to index
      %swap3A_2746 = arith.constant 16 : index
      %swap3A_2747 = tpu.vector_load %arg10[%swap3A_2745, %swap3A_2746] {strides = array<i32>} : memref<8x128xf32, #tpu.memory_space<vmem>>, vector<1x16xf32>,
      %swap3A_2748 = vector.shape_cast %swap3A_2747 : vector<1x16xf32> to vector<16xf32>
      %swap3A_2749 = vector.shape_cast %mul3A_2743 : vector<16xf32> to vector<1x16xf32>
      tpu.vector_store %arg10[%swap3A_2745, %swap3A_2746], %swap3A_2749 {strides = array<i32>} : memref<8x128xf32, #tpu.memory_space<vmem>>, vector<1x16xf32>,
      %mul3A_2750 = arith.mulf %get3A_2415, %mul3A_2735 : vector<16xf32>
      %swap3A_2751 = arith.constant 5 : i32
      %swap3A_2752 = arith.index_cast %swap3A_2751 : i32 to index
      %swap3A_2753 = arith.constant 32 : index
      %swap3A_2754 = tpu.vector_load %arg10[%swap3A_2752, %swap3A_2753] {strides = array<i32>} : memref<8x128xf32, #tpu.memory_space<vmem>>, vector<1x16xf32>,
      %swap3A_2755 = vector.shape_cast %swap3A_2754 : vector<1x16xf32> to vector<16xf32>
      %swap3A_2756 = vector.shape_cast %mul3A_2750 : vector<16xf32> to vector<1x16xf32>
      tpu.vector_store %arg10[%swap3A_2752, %swap3A_2753], %swap3A_2756 {strides = array<i32>} : memref<8x128xf32, #tpu.memory_space<vmem>>, vector<1x16xf32>,
      %mul3A_2757 = arith.mulf %get3A_2422, %mul3A_2735 : vector<16xf32>
      %swap3A_2758 = arith.constant 5 : i32
      %swap3A_2759 = arith.index_cast %swap3A_2758 : i32 to index
      %swap3A_2760 = arith.constant 48 : index
      %swap3A_2761 = tpu.vector_load %arg10[%swap3A_2759, %swap3A_2760] {strides = array<i32>} : memref<8x128xf32, #tpu.memory_space<vmem>>, vector<1x16xf32>,
      %swap3A_2762 = vector.shape_cast %swap3A_2761 : vector<1x16xf32> to vector<16xf32>
      %swap3A_2763 = vector.shape_cast %mul3A_2757 : vector<16xf32> to vector<1x16xf32>
      tpu.vector_store %arg10[%swap3A_2759, %swap3A_2760], %swap3A_2763 {strides = array<i32>} : memref<8x128xf32, #tpu.memory_space<vmem>>, vector<1x16xf32>,
      %mul3A_2764 = arith.mulf %get3A_2429, %mul3A_2735 : vector<16xf32>
      %swap3A_2765 = arith.constant 5 : i32
      %swap3A_2766 = arith.index_cast %swap3A_2765 : i32 to index
      %swap3A_2767 = arith.constant 64 : index
      %swap3A_2768 = tpu.vector_load %arg10[%swap3A_2766, %swap3A_2767] {strides = array<i32>} : memref<8x128xf32, #tpu.memory_space<vmem>>, vector<1x16xf32>,
      %swap3A_2769 = vector.shape_cast %swap3A_2768 : vector<1x16xf32> to vector<16xf32>
      %swap3A_2770 = vector.shape_cast %mul3A_2764 : vector<16xf32> to vector<1x16xf32>
      tpu.vector_store %arg10[%swap3A_2766, %swap3A_2767], %swap3A_2770 {strides = array<i32>} : memref<8x128xf32, #tpu.memory_space<vmem>>, vector<1x16xf32>,
      %mul3A_2771 = arith.mulf %get3A_2436, %mul3A_2735 : vector<16xf32>
      %swap3A_2772 = arith.constant 5 : i32
      %swap3A_2773 = arith.index_cast %swap3A_2772 : i32 to index
      %swap3A_2774 = arith.constant 80 : index
      %swap3A_2775 = tpu.vector_load %arg10[%swap3A_2773, %swap3A_2774] {strides = array<i32>} : memref<8x128xf32, #tpu.memory_space<vmem>>, vector<1x16xf32>,
      %swap3A_2776 = vector.shape_cast %swap3A_2775 : vector<1x16xf32> to vector<16xf32>
      %swap3A_2777 = vector.shape_cast %mul3A_2771 : vector<16xf32> to vector<1x16xf32>
      tpu.vector_store %arg10[%swap3A_2773, %swap3A_2774], %swap3A_2777 {strides = array<i32>} : memref<8x128xf32, #tpu.memory_space<vmem>>, vector<1x16xf32>,
      %mul3A_2778 = arith.mulf %get3A_2443, %mul3A_2735 : vector<16xf32>
      %swap3A_2779 = arith.constant 5 : i32
      %swap3A_2780 = arith.index_cast %swap3A_2779 : i32 to index
      %swap3A_2781 = arith.constant 96 : index
      %swap3A_2782 = tpu.vector_load %arg10[%swap3A_2780, %swap3A_2781] {strides = array<i32>} : memref<8x128xf32, #tpu.memory_space<vmem>>, vector<1x16xf32>,
      %swap3A_2783 = vector.shape_cast %swap3A_2782 : vector<1x16xf32> to vector<16xf32>
      %swap3A_2784 = vector.shape_cast %mul3A_2778 : vector<16xf32> to vector<1x16xf32>
      tpu.vector_store %arg10[%swap3A_2780, %swap3A_2781], %swap3A_2784 {strides = array<i32>} : memref<8x128xf32, #tpu.memory_space<vmem>>, vector<1x16xf32>,
      %mul3A_2785 = arith.mulf %get3A_2450, %mul3A_2735 : vector<16xf32>
      %swap3A_2786 = arith.constant 5 : i32
      %swap3A_2787 = arith.index_cast %swap3A_2786 : i32 to index
      %swap3A_2788 = arith.constant 112 : index
      %swap3A_2789 = tpu.vector_load %arg10[%swap3A_2787, %swap3A_2788] {strides = array<i32>} : memref<8x128xf32, #tpu.memory_space<vmem>>, vector<1x16xf32>,
      %swap3A_2790 = vector.shape_cast %swap3A_2789 : vector<1x16xf32> to vector<16xf32>
      %swap3A_2791 = vector.shape_cast %mul3A_2785 : vector<16xf32> to vector<1x16xf32>
      tpu.vector_store %arg10[%swap3A_2787, %swap3A_2788], %swap3A_2791 {strides = array<i32>} : memref<8x128xf32, #tpu.memory_space<vmem>>, vector<1x16xf32>,
      %broadcast_in_dim3A_2792 = arith.constant 0.000000e+00 : f32
      %broadcast_in_dim3A_2793 = vector.broadcast %broadcast_in_dim3A_2792 : f32 to vector<16xf32>
      %get3A_2794 = arith.constant 6 : i32
      %get3A_2795 = arith.index_cast %get3A_2794 : i32 to index
      %get3A_2796 = arith.constant 0 : index
      %get3A_2797 = tpu.vector_load %arg10[%get3A_2795, %get3A_2796] {strides = array<i32>} : memref<8x128xf32, #tpu.memory_space<vmem>>, vector<1x16xf32>,
      %get3A_2798 = vector.shape_cast %get3A_2797 : vector<1x16xf32> to vector<16xf32>
      %mul3A_2799 = arith.mulf %get3A_2798, %get3A_2798 : vector<16xf32>
      %add3A_2800 = arith.addf %broadcast_in_dim3A_2793, %mul3A_2799 : vector<16xf32>
      %get3A_2801 = arith.constant 6 : i32
      %get3A_2802 = arith.index_cast %get3A_2801 : i32 to index
      %get3A_2803 = arith.constant 16 : index
      %get3A_2804 = tpu.vector_load %arg10[%get3A_2802, %get3A_2803] {strides = array<i32>} : memref<8x128xf32, #tpu.memory_space<vmem>>, vector<1x16xf32>,
      %get3A_2805 = vector.shape_cast %get3A_2804 : vector<1x16xf32> to vector<16xf32>
      %mul3A_2806 = arith.mulf %get3A_2805, %get3A_2805 : vector<16xf32>
      %add3A_2807 = arith.addf %add3A_2800, %mul3A_2806 : vector<16xf32>
      %get3A_2808 = arith.constant 6 : i32
      %get3A_2809 = arith.index_cast %get3A_2808 : i32 to index
      %get3A_2810 = arith.constant 32 : index
      %get3A_2811 = tpu.vector_load %arg10[%get3A_2809, %get3A_2810] {strides = array<i32>} : memref<8x128xf32, #tpu.memory_space<vmem>>, vector<1x16xf32>,
      %get3A_2812 = vector.shape_cast %get3A_2811 : vector<1x16xf32> to vector<16xf32>
      %mul3A_2813 = arith.mulf %get3A_2812, %get3A_2812 : vector<16xf32>
      %add3A_2814 = arith.addf %add3A_2807, %mul3A_2813 : vector<16xf32>
      %get3A_2815 = arith.constant 6 : i32
      %get3A_2816 = arith.index_cast %get3A_2815 : i32 to index
      %get3A_2817 = arith.constant 48 : index
      %get3A_2818 = tpu.vector_load %arg10[%get3A_2816, %get3A_2817] {strides = array<i32>} : memref<8x128xf32, #tpu.memory_space<vmem>>, vector<1x16xf32>,
      %get3A_2819 = vector.shape_cast %get3A_2818 : vector<1x16xf32> to vector<16xf32>
      %mul3A_2820 = arith.mulf %get3A_2819, %get3A_2819 : vector<16xf32>
      %add3A_2821 = arith.addf %add3A_2814, %mul3A_2820 : vector<16xf32>
      %get3A_2822 = arith.constant 6 : i32
      %get3A_2823 = arith.index_cast %get3A_2822 : i32 to index
      %get3A_2824 = arith.constant 64 : index
      %get3A_2825 = tpu.vector_load %arg10[%get3A_2823, %get3A_2824] {strides = array<i32>} : memref<8x128xf32, #tpu.memory_space<vmem>>, vector<1x16xf32>,
      %get3A_2826 = vector.shape_cast %get3A_2825 : vector<1x16xf32> to vector<16xf32>
      %mul3A_2827 = arith.mulf %get3A_2826, %get3A_2826 : vector<16xf32>
      %add3A_2828 = arith.addf %add3A_2821, %mul3A_2827 : vector<16xf32>
      %get3A_2829 = arith.constant 6 : i32
      %get3A_2830 = arith.index_cast %get3A_2829 : i32 to index
      %get3A_2831 = arith.constant 80 : index
      %get3A_2832 = tpu.vector_load %arg10[%get3A_2830, %get3A_2831] {strides = array<i32>} : memref<8x128xf32, #tpu.memory_space<vmem>>, vector<1x16xf32>,
      %get3A_2833 = vector.shape_cast %get3A_2832 : vector<1x16xf32> to vector<16xf32>
      %mul3A_2834 = arith.mulf %get3A_2833, %get3A_2833 : vector<16xf32>
      %add3A_2835 = arith.addf %add3A_2828, %mul3A_2834 : vector<16xf32>
      %get3A_2836 = arith.constant 6 : i32
      %get3A_2837 = arith.index_cast %get3A_2836 : i32 to index
      %get3A_2838 = arith.constant 96 : index
      %get3A_2839 = tpu.vector_load %arg10[%get3A_2837, %get3A_2838] {strides = array<i32>} : memref<8x128xf32, #tpu.memory_space<vmem>>, vector<1x16xf32>,
      %get3A_2840 = vector.shape_cast %get3A_2839 : vector<1x16xf32> to vector<16xf32>
      %mul3A_2841 = arith.mulf %get3A_2840, %get3A_2840 : vector<16xf32>
      %add3A_2842 = arith.addf %add3A_2835, %mul3A_2841 : vector<16xf32>
      %get3A_2843 = arith.constant 6 : i32
      %get3A_2844 = arith.index_cast %get3A_2843 : i32 to index
      %get3A_2845 = arith.constant 112 : index
      %get3A_2846 = tpu.vector_load %arg10[%get3A_2844, %get3A_2845] {strides = array<i32>} : memref<8x128xf32, #tpu.memory_space<vmem>>, vector<1x16xf32>,
      %get3A_2847 = vector.shape_cast %get3A_2846 : vector<1x16xf32> to vector<16xf32>
      %mul3A_2848 = arith.mulf %get3A_2847, %get3A_2847 : vector<16xf32>
      %add3A_2849 = arith.addf %add3A_2842, %mul3A_2848 : vector<16xf32>
      %swap3A_2850 = arith.constant 0 : index
      %swap3A_2851 = tpu.vector_load %arg11[%swap3A_2850] {strides = array<i32>} : memref<32xf32, #tpu.memory_space<vmem>>, vector<16xf32>,
      %swap3A_2852 = vector.shape_cast %swap3A_2851 : vector<16xf32> to vector<16xf32>
      %swap3A_2853 = vector.shape_cast %add3A_2849 : vector<16xf32> to vector<16xf32>
      tpu.vector_store %arg11[%swap3A_2850], %swap3A_2853 {strides = array<i32>} : memref<32xf32, #tpu.memory_space<vmem>>, vector<16xf32>,
      %swap3A_2854 = arith.constant 16 : index
      %swap3A_2855 = tpu.vector_load %arg11[%swap3A_2854] {strides = array<i32>} : memref<32xf32, #tpu.memory_space<vmem>>, vector<16xf32>,
      %swap3A_2856 = vector.shape_cast %swap3A_2855 : vector<16xf32> to vector<16xf32>
      %swap3A_2857 = vector.shape_cast %add3A_2849 : vector<16xf32> to vector<16xf32>
      tpu.vector_store %arg11[%swap3A_2854], %swap3A_2857 {strides = array<i32>} : memref<32xf32, #tpu.memory_space<vmem>>, vector<16xf32>,
      %get3A_2858 = arith.constant 8 : index
      %get3A_2859 = tpu.vector_load %arg11[%get3A_2858] {strides = array<i32>} : memref<32xf32, #tpu.memory_space<vmem>>, vector<16xf32>,
      %get3A_2860 = vector.shape_cast %get3A_2859 : vector<16xf32> to vector<16xf32>
      %add3A_2861 = arith.addf %add3A_2849, %get3A_2860 : vector<16xf32>
      %swap3A_2862 = arith.constant 0 : index
      %swap3A_2863 = tpu.vector_load %arg11[%swap3A_2862] {strides = array<i32>} : memref<32xf32, #tpu.memory_space<vmem>>, vector<16xf32>,
      %swap3A_2864 = vector.shape_cast %swap3A_2863 : vector<16xf32> to vector<16xf32>
      %swap3A_2865 = vector.shape_cast %add3A_2861 : vector<16xf32> to vector<16xf32>
      tpu.vector_store %arg11[%swap3A_2862], %swap3A_2865 {strides = array<i32>} : memref<32xf32, #tpu.memory_space<vmem>>, vector<16xf32>,
      %swap3A_2866 = arith.constant 16 : index
      %swap3A_2867 = tpu.vector_load %arg11[%swap3A_2866] {strides = array<i32>} : memref<32xf32, #tpu.memory_space<vmem>>, vector<16xf32>,
      %swap3A_2868 = vector.shape_cast %swap3A_2867 : vector<16xf32> to vector<16xf32>
      %swap3A_2869 = vector.shape_cast %add3A_2861 : vector<16xf32> to vector<16xf32>
      tpu.vector_store %arg11[%swap3A_2866], %swap3A_2869 {strides = array<i32>} : memref<32xf32, #tpu.memory_space<vmem>>, vector<16xf32>,
      %get3A_2870 = arith.constant 4 : index
      %get3A_2871 = tpu.vector_load %arg11[%get3A_2870] {strides = array<i32>} : memref<32xf32, #tpu.memory_space<vmem>>, vector<16xf32>,
      %get3A_2872 = vector.shape_cast %get3A_2871 : vector<16xf32> to vector<16xf32>
      %add3A_2873 = arith.addf %add3A_2861, %get3A_2872 : vector<16xf32>
      %swap3A_2874 = arith.constant 0 : index
      %swap3A_2875 = tpu.vector_load %arg11[%swap3A_2874] {strides = array<i32>} : memref<32xf32, #tpu.memory_space<vmem>>, vector<16xf32>,
      %swap3A_2876 = vector.shape_cast %swap3A_2875 : vector<16xf32> to vector<16xf32>
      %swap3A_2877 = vector.shape_cast %add3A_2873 : vector<16xf32> to vector<16xf32>
      tpu.vector_store %arg11[%swap3A_2874], %swap3A_2877 {strides = array<i32>} : memref<32xf32, #tpu.memory_space<vmem>>, vector<16xf32>,
      %swap3A_2878 = arith.constant 16 : index
      %swap3A_2879 = tpu.vector_load %arg11[%swap3A_2878] {strides = array<i32>} : memref<32xf32, #tpu.memory_space<vmem>>, vector<16xf32>,
      %swap3A_2880 = vector.shape_cast %swap3A_2879 : vector<16xf32> to vector<16xf32>
      %swap3A_2881 = vector.shape_cast %add3A_2873 : vector<16xf32> to vector<16xf32>
      tpu.vector_store %arg11[%swap3A_2878], %swap3A_2881 {strides = array<i32>} : memref<32xf32, #tpu.memory_space<vmem>>, vector<16xf32>,
      %get3A_2882 = arith.constant 2 : index
      %get3A_2883 = tpu.vector_load %arg11[%get3A_2882] {strides = array<i32>} : memref<32xf32, #tpu.memory_space<vmem>>, vector<16xf32>,
      %get3A_2884 = vector.shape_cast %get3A_2883 : vector<16xf32> to vector<16xf32>
      %add3A_2885 = arith.addf %add3A_2873, %get3A_2884 : vector<16xf32>
      %swap3A_2886 = arith.constant 0 : index
      %swap3A_2887 = tpu.vector_load %arg11[%swap3A_2886] {strides = array<i32>} : memref<32xf32, #tpu.memory_space<vmem>>, vector<16xf32>,
      %swap3A_2888 = vector.shape_cast %swap3A_2887 : vector<16xf32> to vector<16xf32>
      %swap3A_2889 = vector.shape_cast %add3A_2885 : vector<16xf32> to vector<16xf32>
      tpu.vector_store %arg11[%swap3A_2886], %swap3A_2889 {strides = array<i32>} : memref<32xf32, #tpu.memory_space<vmem>>, vector<16xf32>,
      %swap3A_2890 = arith.constant 16 : index
      %swap3A_2891 = tpu.vector_load %arg11[%swap3A_2890] {strides = array<i32>} : memref<32xf32, #tpu.memory_space<vmem>>, vector<16xf32>,
      %swap3A_2892 = vector.shape_cast %swap3A_2891 : vector<16xf32> to vector<16xf32>
      %swap3A_2893 = vector.shape_cast %add3A_2885 : vector<16xf32> to vector<16xf32>
      tpu.vector_store %arg11[%swap3A_2890], %swap3A_2893 {strides = array<i32>} : memref<32xf32, #tpu.memory_space<vmem>>, vector<16xf32>,
      %get3A_2894 = arith.constant 1 : index
      %get3A_2895 = tpu.vector_load %arg11[%get3A_2894] {strides = array<i32>} : memref<32xf32, #tpu.memory_space<vmem>>, vector<16xf32>,
      %get3A_2896 = vector.shape_cast %get3A_2895 : vector<16xf32> to vector<16xf32>
      %add3A_2897 = arith.addf %add3A_2885, %get3A_2896 : vector<16xf32>
      %broadcast_in_dim3A_2898 = arith.constant 1.000000e+00 : f32
      %broadcast_in_dim3A_2899 = vector.broadcast %broadcast_in_dim3A_2898 : f32 to vector<16xf32>
      %gt3A_2900 = arith.constant 1.84467441E+19 : f32
      %gt3A_2901 = vector.broadcast %gt3A_2900 : f32 to vector<16xf32>
      %gt3A_2902 = arith.cmpf ogt, %add3A_2897, %gt3A_2901 : vector<16xf32>
      %mul3A_2903 = arith.constant 5.42101086E-20 : f32
      %mul3A_2904 = vector.broadcast %mul3A_2903 : f32 to vector<16xf32>
      %mul3A_2905 = arith.mulf %add3A_2897, %mul3A_2904 : vector<16xf32>
      %select_n3A_2906 = arith.select %gt3A_2902, %mul3A_2905, %add3A_2897 : vector<16xi1>, vector<16xf32>
      %mul3A_2907 = arith.constant 2.32830644E-10 : f32
      %mul3A_2908 = vector.broadcast %mul3A_2907 : f32 to vector<16xf32>
      %mul3A_2909 = arith.mulf %broadcast_in_dim3A_2899, %mul3A_2908 : vector<16xf32>
      %select_n3A_2910 = arith.select %gt3A_2902, %mul3A_2909, %broadcast_in_dim3A_2899 : vector<16xi1>, vector<16xf32>
      %lt3A_2911 = arith.constant 5.42101086E-20 : f32
      %lt3A_2912 = vector.broadcast %lt3A_2911 : f32 to vector<16xf32>
      %lt3A_2913 = arith.cmpf olt, %select_n3A_2906, %lt3A_2912 : vector<16xf32>
      %mul3A_2914 = arith.constant 1.84467441E+19 : f32
      %mul3A_2915 = vector.broadcast %mul3A_2914 : f32 to vector<16xf32>
      %mul3A_2916 = arith.mulf %select_n3A_2906, %mul3A_2915 : vector<16xf32>
      %select_n3A_2917 = arith.select %lt3A_2913, %mul3A_2916, %select_n3A_2906 : vector<16xi1>, vector<16xf32>
      %mul3A_2918 = arith.constant 4.2949673E+9 : f32
      %mul3A_2919 = vector.broadcast %mul3A_2918 : f32 to vector<16xf32>
      %mul3A_2920 = arith.mulf %select_n3A_2910, %mul3A_2919 : vector<16xf32>
      %select_n3A_2921 = arith.select %lt3A_2913, %mul3A_2920, %select_n3A_2910 : vector<16xi1>, vector<16xf32>
      %gt3A_2922 = arith.constant 4.2949673E+9 : f32
      %gt3A_2923 = vector.broadcast %gt3A_2922 : f32 to vector<16xf32>
      %gt3A_2924 = arith.cmpf ogt, %select_n3A_2917, %gt3A_2923 : vector<16xf32>
      %mul3A_2925 = arith.constant 2.32830644E-10 : f32
      %mul3A_2926 = vector.broadcast %mul3A_2925 : f32 to vector<16xf32>
      %mul3A_2927 = arith.mulf %select_n3A_2917, %mul3A_2926 : vector<16xf32>
      %select_n3A_2928 = arith.select %gt3A_2924, %mul3A_2927, %select_n3A_2917 : vector<16xi1>, vector<16xf32>
      %mul3A_2929 = arith.constant 1.52587891E-5 : f32
      %mul3A_2930 = vector.broadcast %mul3A_2929 : f32 to vector<16xf32>
      %mul3A_2931 = arith.mulf %select_n3A_2921, %mul3A_2930 : vector<16xf32>
      %select_n3A_2932 = arith.select %gt3A_2924, %mul3A_2931, %select_n3A_2921 : vector<16xi1>, vector<16xf32>
      %lt3A_2933 = arith.constant 2.32830644E-10 : f32
      %lt3A_2934 = vector.broadcast %lt3A_2933 : f32 to vector<16xf32>
      %lt3A_2935 = arith.cmpf olt, %select_n3A_2928, %lt3A_2934 : vector<16xf32>
      %mul3A_2936 = arith.constant 4.2949673E+9 : f32
      %mul3A_2937 = vector.broadcast %mul3A_2936 : f32 to vector<16xf32>
      %mul3A_2938 = arith.mulf %select_n3A_2928, %mul3A_2937 : vector<16xf32>
      %select_n3A_2939 = arith.select %lt3A_2935, %mul3A_2938, %select_n3A_2928 : vector<16xi1>, vector<16xf32>
      %mul3A_2940 = arith.constant 6.553600e+04 : f32
      %mul3A_2941 = vector.broadcast %mul3A_2940 : f32 to vector<16xf32>
      %mul3A_2942 = arith.mulf %select_n3A_2932, %mul3A_2941 : vector<16xf32>
      %select_n3A_2943 = arith.select %lt3A_2935, %mul3A_2942, %select_n3A_2932 : vector<16xi1>, vector<16xf32>
      %gt3A_2944 = arith.constant 6.553600e+04 : f32
      %gt3A_2945 = vector.broadcast %gt3A_2944 : f32 to vector<16xf32>
      %gt3A_2946 = arith.cmpf ogt, %select_n3A_2939, %gt3A_2945 : vector<16xf32>
      %mul3A_2947 = arith.constant 1.52587891E-5 : f32
      %mul3A_2948 = vector.broadcast %mul3A_2947 : f32 to vector<16xf32>
      %mul3A_2949 = arith.mulf %select_n3A_2939, %mul3A_2948 : vector<16xf32>
      %select_n3A_2950 = arith.select %gt3A_2946, %mul3A_2949, %select_n3A_2939 : vector<16xi1>, vector<16xf32>
      %mul3A_2951 = arith.constant 3.906250e-03 : f32
      %mul3A_2952 = vector.broadcast %mul3A_2951 : f32 to vector<16xf32>
      %mul3A_2953 = arith.mulf %select_n3A_2943, %mul3A_2952 : vector<16xf32>
      %select_n3A_2954 = arith.select %gt3A_2946, %mul3A_2953, %select_n3A_2943 : vector<16xi1>, vector<16xf32>
      %lt3A_2955 = arith.constant 1.52587891E-5 : f32
      %lt3A_2956 = vector.broadcast %lt3A_2955 : f32 to vector<16xf32>
      %lt3A_2957 = arith.cmpf olt, %select_n3A_2950, %lt3A_2956 : vector<16xf32>
      %mul3A_2958 = arith.constant 6.553600e+04 : f32
      %mul3A_2959 = vector.broadcast %mul3A_2958 : f32 to vector<16xf32>
      %mul3A_2960 = arith.mulf %select_n3A_2950, %mul3A_2959 : vector<16xf32>
      %select_n3A_2961 = arith.select %lt3A_2957, %mul3A_2960, %select_n3A_2950 : vector<16xi1>, vector<16xf32>
      %mul3A_2962 = arith.constant 2.560000e+02 : f32
      %mul3A_2963 = vector.broadcast %mul3A_2962 : f32 to vector<16xf32>
      %mul3A_2964 = arith.mulf %select_n3A_2954, %mul3A_2963 : vector<16xf32>
      %select_n3A_2965 = arith.select %lt3A_2957, %mul3A_2964, %select_n3A_2954 : vector<16xi1>, vector<16xf32>
      %gt3A_2966 = arith.constant 2.560000e+02 : f32
      %gt3A_2967 = vector.broadcast %gt3A_2966 : f32 to vector<16xf32>
      %gt3A_2968 = arith.cmpf ogt, %select_n3A_2961, %gt3A_2967 : vector<16xf32>
      %mul3A_2969 = arith.constant 3.906250e-03 : f32
      %mul3A_2970 = vector.broadcast %mul3A_2969 : f32 to vector<16xf32>
      %mul3A_2971 = arith.mulf %select_n3A_2961, %mul3A_2970 : vector<16xf32>
      %select_n3A_2972 = arith.select %gt3A_2968, %mul3A_2971, %select_n3A_2961 : vector<16xi1>, vector<16xf32>
      %mul3A_2973 = arith.constant 6.250000e-02 : f32
      %mul3A_2974 = vector.broadcast %mul3A_2973 : f32 to vector<16xf32>
      %mul3A_2975 = arith.mulf %select_n3A_2965, %mul3A_2974 : vector<16xf32>
      %select_n3A_2976 = arith.select %gt3A_2968, %mul3A_2975, %select_n3A_2965 : vector<16xi1>, vector<16xf32>
      %lt3A_2977 = arith.constant 3.906250e-03 : f32
      %lt3A_2978 = vector.broadcast %lt3A_2977 : f32 to vector<16xf32>
      %lt3A_2979 = arith.cmpf olt, %select_n3A_2972, %lt3A_2978 : vector<16xf32>
      %mul3A_2980 = arith.constant 2.560000e+02 : f32
      %mul3A_2981 = vector.broadcast %mul3A_2980 : f32 to vector<16xf32>
      %mul3A_2982 = arith.mulf %select_n3A_2972, %mul3A_2981 : vector<16xf32>
      %select_n3A_2983 = arith.select %lt3A_2979, %mul3A_2982, %select_n3A_2972 : vector<16xi1>, vector<16xf32>
      %mul3A_2984 = arith.constant 1.600000e+01 : f32
      %mul3A_2985 = vector.broadcast %mul3A_2984 : f32 to vector<16xf32>
      %mul3A_2986 = arith.mulf %select_n3A_2976, %mul3A_2985 : vector<16xf32>
      %select_n3A_2987 = arith.select %lt3A_2979, %mul3A_2986, %select_n3A_2976 : vector<16xi1>, vector<16xf32>
      %gt3A_2988 = arith.constant 1.600000e+01 : f32
      %gt3A_2989 = vector.broadcast %gt3A_2988 : f32 to vector<16xf32>
      %gt3A_2990 = arith.cmpf ogt, %select_n3A_2983, %gt3A_2989 : vector<16xf32>
      %mul3A_2991 = arith.constant 6.250000e-02 : f32
      %mul3A_2992 = vector.broadcast %mul3A_2991 : f32 to vector<16xf32>
      %mul3A_2993 = arith.mulf %select_n3A_2983, %mul3A_2992 : vector<16xf32>
      %select_n3A_2994 = arith.select %gt3A_2990, %mul3A_2993, %select_n3A_2983 : vector<16xi1>, vector<16xf32>
      %mul3A_2995 = arith.constant 2.500000e-01 : f32
      %mul3A_2996 = vector.broadcast %mul3A_2995 : f32 to vector<16xf32>
      %mul3A_2997 = arith.mulf %select_n3A_2987, %mul3A_2996 : vector<16xf32>
      %select_n3A_2998 = arith.select %gt3A_2990, %mul3A_2997, %select_n3A_2987 : vector<16xi1>, vector<16xf32>
      %lt3A_2999 = arith.constant 6.250000e-02 : f32
      %lt3A_3000 = vector.broadcast %lt3A_2999 : f32 to vector<16xf32>
      %lt3A_3001 = arith.cmpf olt, %select_n3A_2994, %lt3A_3000 : vector<16xf32>
      %mul3A_3002 = arith.constant 1.600000e+01 : f32
      %mul3A_3003 = vector.broadcast %mul3A_3002 : f32 to vector<16xf32>
      %mul3A_3004 = arith.mulf %select_n3A_2994, %mul3A_3003 : vector<16xf32>
      %select_n3A_3005 = arith.select %lt3A_3001, %mul3A_3004, %select_n3A_2994 : vector<16xi1>, vector<16xf32>
      %mul3A_3006 = arith.constant 4.000000e+00 : f32
      %mul3A_3007 = vector.broadcast %mul3A_3006 : f32 to vector<16xf32>
      %mul3A_3008 = arith.mulf %select_n3A_2998, %mul3A_3007 : vector<16xf32>
      %select_n3A_3009 = arith.select %lt3A_3001, %mul3A_3008, %select_n3A_2998 : vector<16xi1>, vector<16xf32>
      %gt3A_3010 = arith.constant 2.000000e+00 : f32
      %gt3A_3011 = vector.broadcast %gt3A_3010 : f32 to vector<16xf32>
      %gt3A_3012 = arith.cmpf ogt, %select_n3A_3005, %gt3A_3011 : vector<16xf32>
      %mul3A_3013 = arith.constant 2.500000e-01 : f32
      %mul3A_3014 = vector.broadcast %mul3A_3013 : f32 to vector<16xf32>
      %mul3A_3015 = arith.mulf %select_n3A_3005, %mul3A_3014 : vector<16xf32>
      %select_n3A_3016 = arith.select %gt3A_3012, %mul3A_3015, %select_n3A_3005 : vector<16xi1>, vector<16xf32>
      %mul3A_3017 = arith.constant 5.000000e-01 : f32
      %mul3A_3018 = vector.broadcast %mul3A_3017 : f32 to vector<16xf32>
      %mul3A_3019 = arith.mulf %select_n3A_3009, %mul3A_3018 : vector<16xf32>
      %select_n3A_3020 = arith.select %gt3A_3012, %mul3A_3019, %select_n3A_3009 : vector<16xi1>, vector<16xf32>
      %lt3A_3021 = arith.constant 5.000000e-01 : f32
      %lt3A_3022 = vector.broadcast %lt3A_3021 : f32 to vector<16xf32>
      %lt3A_3023 = arith.cmpf olt, %select_n3A_3016, %lt3A_3022 : vector<16xf32>
      %mul3A_3024 = arith.constant 4.000000e+00 : f32
      %mul3A_3025 = vector.broadcast %mul3A_3024 : f32 to vector<16xf32>
      %mul3A_3026 = arith.mulf %select_n3A_3016, %mul3A_3025 : vector<16xf32>
      %select_n3A_3027 = arith.select %lt3A_3023, %mul3A_3026, %select_n3A_3016 : vector<16xi1>, vector<16xf32>
      %mul3A_3028 = arith.constant 2.000000e+00 : f32
      %mul3A_3029 = vector.broadcast %mul3A_3028 : f32 to vector<16xf32>
      %mul3A_3030 = arith.mulf %select_n3A_3020, %mul3A_3029 : vector<16xf32>
      %select_n3A_3031 = arith.select %lt3A_3023, %mul3A_3030, %select_n3A_3020 : vector<16xi1>, vector<16xf32>
      %gt3A_3032 = arith.constant 2.000000e+00 : f32
      %gt3A_3033 = vector.broadcast %gt3A_3032 : f32 to vector<16xf32>
      %gt3A_3034 = arith.cmpf ogt, %select_n3A_3027, %gt3A_3033 : vector<16xf32>
      %mul3A_3035 = arith.constant 2.500000e-01 : f32
      %mul3A_3036 = vector.broadcast %mul3A_3035 : f32 to vector<16xf32>
      %mul3A_3037 = arith.mulf %select_n3A_3027, %mul3A_3036 : vector<16xf32>
      %select_n3A_3038 = arith.select %gt3A_3034, %mul3A_3037, %select_n3A_3027 : vector<16xi1>, vector<16xf32>
      %mul3A_3039 = arith.constant 5.000000e-01 : f32
      %mul3A_3040 = vector.broadcast %mul3A_3039 : f32 to vector<16xf32>
      %mul3A_3041 = arith.mulf %select_n3A_3031, %mul3A_3040 : vector<16xf32>
      %select_n3A_3042 = arith.select %gt3A_3034, %mul3A_3041, %select_n3A_3031 : vector<16xi1>, vector<16xf32>
      %lt3A_3043 = arith.constant 5.000000e-01 : f32
      %lt3A_3044 = vector.broadcast %lt3A_3043 : f32 to vector<16xf32>
      %lt3A_3045 = arith.cmpf olt, %select_n3A_3038, %lt3A_3044 : vector<16xf32>
      %mul3A_3046 = arith.constant 4.000000e+00 : f32
      %mul3A_3047 = vector.broadcast %mul3A_3046 : f32 to vector<16xf32>
      %mul3A_3048 = arith.mulf %select_n3A_3038, %mul3A_3047 : vector<16xf32>
      %select_n3A_3049 = arith.select %lt3A_3045, %mul3A_3048, %select_n3A_3038 : vector<16xi1>, vector<16xf32>
      %mul3A_3050 = arith.constant 2.000000e+00 : f32
      %mul3A_3051 = vector.broadcast %mul3A_3050 : f32 to vector<16xf32>
      %mul3A_3052 = arith.mulf %select_n3A_3042, %mul3A_3051 : vector<16xf32>
      %select_n3A_3053 = arith.select %lt3A_3045, %mul3A_3052, %select_n3A_3042 : vector<16xi1>, vector<16xf32>
      %gt3A_3054 = arith.constant 2.000000e+00 : f32
      %gt3A_3055 = vector.broadcast %gt3A_3054 : f32 to vector<16xf32>
      %gt3A_3056 = arith.cmpf ogt, %select_n3A_3049, %gt3A_3055 : vector<16xf32>
      %mul3A_3057 = arith.constant 2.500000e-01 : f32
      %mul3A_3058 = vector.broadcast %mul3A_3057 : f32 to vector<16xf32>
      %mul3A_3059 = arith.mulf %select_n3A_3049, %mul3A_3058 : vector<16xf32>
      %select_n3A_3060 = arith.select %gt3A_3056, %mul3A_3059, %select_n3A_3049 : vector<16xi1>, vector<16xf32>
      %mul3A_3061 = arith.constant 5.000000e-01 : f32
      %mul3A_3062 = vector.broadcast %mul3A_3061 : f32 to vector<16xf32>
      %mul3A_3063 = arith.mulf %select_n3A_3053, %mul3A_3062 : vector<16xf32>
      %select_n3A_3064 = arith.select %gt3A_3056, %mul3A_3063, %select_n3A_3053 : vector<16xi1>, vector<16xf32>
      %lt3A_3065 = arith.constant 5.000000e-01 : f32
      %lt3A_3066 = vector.broadcast %lt3A_3065 : f32 to vector<16xf32>
      %lt3A_3067 = arith.cmpf olt, %select_n3A_3060, %lt3A_3066 : vector<16xf32>
      %mul3A_3068 = arith.constant 4.000000e+00 : f32
      %mul3A_3069 = vector.broadcast %mul3A_3068 : f32 to vector<16xf32>
      %mul3A_3070 = arith.mulf %select_n3A_3060, %mul3A_3069 : vector<16xf32>
      %select_n3A_3071 = arith.select %lt3A_3067, %mul3A_3070, %select_n3A_3060 : vector<16xi1>, vector<16xf32>
      %mul3A_3072 = arith.constant 2.000000e+00 : f32
      %mul3A_3073 = vector.broadcast %mul3A_3072 : f32 to vector<16xf32>
      %mul3A_3074 = arith.mulf %select_n3A_3064, %mul3A_3073 : vector<16xf32>
      %select_n3A_3075 = arith.select %lt3A_3067, %mul3A_3074, %select_n3A_3064 : vector<16xi1>, vector<16xf32>
      %broadcast_in_dim3A_3076 = arith.constant 1.000000e+00 : f32
      %broadcast_in_dim3A_3077 = vector.broadcast %broadcast_in_dim3A_3076 : f32 to vector<16xf32>
      %mul3A_3078 = arith.constant 5.000000e-01 : f32
      %mul3A_3079 = vector.broadcast %mul3A_3078 : f32 to vector<16xf32>
      %mul3A_3080 = arith.mulf %mul3A_3079, %select_n3A_3071 : vector<16xf32>
      %mul3A_3081 = arith.mulf %mul3A_3080, %broadcast_in_dim3A_3077 : vector<16xf32>
      %mul3A_3082 = arith.mulf %mul3A_3081, %broadcast_in_dim3A_3077 : vector<16xf32>
      %sub3A_3083 = arith.constant 1.500000e+00 : f32
      %sub3A_3084 = vector.broadcast %sub3A_3083 : f32 to vector<16xf32>
      %sub3A_3085 = arith.subf %sub3A_3084, %mul3A_3082 : vector<16xf32>
      %mul3A_3086 = arith.mulf %broadcast_in_dim3A_3077, %sub3A_3085 : vector<16xf32>
      %mul3A_3087 = arith.constant 5.000000e-01 : f32
      %mul3A_3088 = vector.broadcast %mul3A_3087 : f32 to vector<16xf32>
      %mul3A_3089 = arith.mulf %mul3A_3088, %select_n3A_3071 : vector<16xf32>
      %mul3A_3090 = arith.mulf %mul3A_3089, %mul3A_3086 : vector<16xf32>
      %mul3A_3091 = arith.mulf %mul3A_3090, %mul3A_3086 : vector<16xf32>
      %sub3A_3092 = arith.constant 1.500000e+00 : f32
      %sub3A_3093 = vector.broadcast %sub3A_3092 : f32 to vector<16xf32>
      %sub3A_3094 = arith.subf %sub3A_3093, %mul3A_3091 : vector<16xf32>
      %mul3A_3095 = arith.mulf %mul3A_3086, %sub3A_3094 : vector<16xf32>
      %mul3A_3096 = arith.constant 5.000000e-01 : f32
      %mul3A_3097 = vector.broadcast %mul3A_3096 : f32 to vector<16xf32>
      %mul3A_3098 = arith.mulf %mul3A_3097, %select_n3A_3071 : vector<16xf32>
      %mul3A_3099 = arith.mulf %mul3A_3098, %mul3A_3095 : vector<16xf32>
      %mul3A_3100 = arith.mulf %mul3A_3099, %mul3A_3095 : vector<16xf32>
      %sub3A_3101 = arith.constant 1.500000e+00 : f32
      %sub3A_3102 = vector.broadcast %sub3A_3101 : f32 to vector<16xf32>
      %sub3A_3103 = arith.subf %sub3A_3102, %mul3A_3100 : vector<16xf32>
      %mul3A_3104 = arith.mulf %mul3A_3095, %sub3A_3103 : vector<16xf32>
      %mul3A_3105 = arith.constant 5.000000e-01 : f32
      %mul3A_3106 = vector.broadcast %mul3A_3105 : f32 to vector<16xf32>
      %mul3A_3107 = arith.mulf %mul3A_3106, %select_n3A_3071 : vector<16xf32>
      %mul3A_3108 = arith.mulf %mul3A_3107, %mul3A_3104 : vector<16xf32>
      %mul3A_3109 = arith.mulf %mul3A_3108, %mul3A_3104 : vector<16xf32>
      %sub3A_3110 = arith.constant 1.500000e+00 : f32
      %sub3A_3111 = vector.broadcast %sub3A_3110 : f32 to vector<16xf32>
      %sub3A_3112 = arith.subf %sub3A_3111, %mul3A_3109 : vector<16xf32>
      %mul3A_3113 = arith.mulf %mul3A_3104, %sub3A_3112 : vector<16xf32>
      %mul3A_3114 = arith.constant 5.000000e-01 : f32
      %mul3A_3115 = vector.broadcast %mul3A_3114 : f32 to vector<16xf32>
      %mul3A_3116 = arith.mulf %mul3A_3115, %select_n3A_3071 : vector<16xf32>
      %mul3A_3117 = arith.mulf %mul3A_3116, %mul3A_3113 : vector<16xf32>
      %mul3A_3118 = arith.mulf %mul3A_3117, %mul3A_3113 : vector<16xf32>
      %sub3A_3119 = arith.constant 1.500000e+00 : f32
      %sub3A_3120 = vector.broadcast %sub3A_3119 : f32 to vector<16xf32>
      %sub3A_3121 = arith.subf %sub3A_3120, %mul3A_3118 : vector<16xf32>
      %mul3A_3122 = arith.mulf %mul3A_3113, %sub3A_3121 : vector<16xf32>
      %mul3A_3123 = arith.constant 5.000000e-01 : f32
      %mul3A_3124 = vector.broadcast %mul3A_3123 : f32 to vector<16xf32>
      %mul3A_3125 = arith.mulf %mul3A_3124, %select_n3A_3071 : vector<16xf32>
      %mul3A_3126 = arith.mulf %mul3A_3125, %mul3A_3122 : vector<16xf32>
      %mul3A_3127 = arith.mulf %mul3A_3126, %mul3A_3122 : vector<16xf32>
      %sub3A_3128 = arith.constant 1.500000e+00 : f32
      %sub3A_3129 = vector.broadcast %sub3A_3128 : f32 to vector<16xf32>
      %sub3A_3130 = arith.subf %sub3A_3129, %mul3A_3127 : vector<16xf32>
      %mul3A_3131 = arith.mulf %mul3A_3122, %sub3A_3130 : vector<16xf32>
      %mul3A_3132 = arith.mulf %mul3A_3131, %select_n3A_3075 : vector<16xf32>
      %mul3A_3133 = arith.mulf %get3A_2798, %mul3A_3132 : vector<16xf32>
      %swap3A_3134 = arith.constant 6 : i32
      %swap3A_3135 = arith.index_cast %swap3A_3134 : i32 to index
      %swap3A_3136 = arith.constant 0 : index
      %swap3A_3137 = tpu.vector_load %arg10[%swap3A_3135, %swap3A_3136] {strides = array<i32>} : memref<8x128xf32, #tpu.memory_space<vmem>>, vector<1x16xf32>,
      %swap3A_3138 = vector.shape_cast %swap3A_3137 : vector<1x16xf32> to vector<16xf32>
      %swap3A_3139 = vector.shape_cast %mul3A_3133 : vector<16xf32> to vector<1x16xf32>
      tpu.vector_store %arg10[%swap3A_3135, %swap3A_3136], %swap3A_3139 {strides = array<i32>} : memref<8x128xf32, #tpu.memory_space<vmem>>, vector<1x16xf32>,
      %mul3A_3140 = arith.mulf %get3A_2805, %mul3A_3132 : vector<16xf32>
      %swap3A_3141 = arith.constant 6 : i32
      %swap3A_3142 = arith.index_cast %swap3A_3141 : i32 to index
      %swap3A_3143 = arith.constant 16 : index
      %swap3A_3144 = tpu.vector_load %arg10[%swap3A_3142, %swap3A_3143] {strides = array<i32>} : memref<8x128xf32, #tpu.memory_space<vmem>>, vector<1x16xf32>,
      %swap3A_3145 = vector.shape_cast %swap3A_3144 : vector<1x16xf32> to vector<16xf32>
      %swap3A_3146 = vector.shape_cast %mul3A_3140 : vector<16xf32> to vector<1x16xf32>
      tpu.vector_store %arg10[%swap3A_3142, %swap3A_3143], %swap3A_3146 {strides = array<i32>} : memref<8x128xf32, #tpu.memory_space<vmem>>, vector<1x16xf32>,
      %mul3A_3147 = arith.mulf %get3A_2812, %mul3A_3132 : vector<16xf32>
      %swap3A_3148 = arith.constant 6 : i32
      %swap3A_3149 = arith.index_cast %swap3A_3148 : i32 to index
      %swap3A_3150 = arith.constant 32 : index
      %swap3A_3151 = tpu.vector_load %arg10[%swap3A_3149, %swap3A_3150] {strides = array<i32>} : memref<8x128xf32, #tpu.memory_space<vmem>>, vector<1x16xf32>,
      %swap3A_3152 = vector.shape_cast %swap3A_3151 : vector<1x16xf32> to vector<16xf32>
      %swap3A_3153 = vector.shape_cast %mul3A_3147 : vector<16xf32> to vector<1x16xf32>
      tpu.vector_store %arg10[%swap3A_3149, %swap3A_3150], %swap3A_3153 {strides = array<i32>} : memref<8x128xf32, #tpu.memory_space<vmem>>, vector<1x16xf32>,
      %mul3A_3154 = arith.mulf %get3A_2819, %mul3A_3132 : vector<16xf32>
      %swap3A_3155 = arith.constant 6 : i32
      %swap3A_3156 = arith.index_cast %swap3A_3155 : i32 to index
      %swap3A_3157 = arith.constant 48 : index
      %swap3A_3158 = tpu.vector_load %arg10[%swap3A_3156, %swap3A_3157] {strides = array<i32>} : memref<8x128xf32, #tpu.memory_space<vmem>>, vector<1x16xf32>,
      %swap3A_3159 = vector.shape_cast %swap3A_3158 : vector<1x16xf32> to vector<16xf32>
      %swap3A_3160 = vector.shape_cast %mul3A_3154 : vector<16xf32> to vector<1x16xf32>
      tpu.vector_store %arg10[%swap3A_3156, %swap3A_3157], %swap3A_3160 {strides = array<i32>} : memref<8x128xf32, #tpu.memory_space<vmem>>, vector<1x16xf32>,
      %mul3A_3161 = arith.mulf %get3A_2826, %mul3A_3132 : vector<16xf32>
      %swap3A_3162 = arith.constant 6 : i32
      %swap3A_3163 = arith.index_cast %swap3A_3162 : i32 to index
      %swap3A_3164 = arith.constant 64 : index
      %swap3A_3165 = tpu.vector_load %arg10[%swap3A_3163, %swap3A_3164] {strides = array<i32>} : memref<8x128xf32, #tpu.memory_space<vmem>>, vector<1x16xf32>,
      %swap3A_3166 = vector.shape_cast %swap3A_3165 : vector<1x16xf32> to vector<16xf32>
      %swap3A_3167 = vector.shape_cast %mul3A_3161 : vector<16xf32> to vector<1x16xf32>
      tpu.vector_store %arg10[%swap3A_3163, %swap3A_3164], %swap3A_3167 {strides = array<i32>} : memref<8x128xf32, #tpu.memory_space<vmem>>, vector<1x16xf32>,
      %mul3A_3168 = arith.mulf %get3A_2833, %mul3A_3132 : vector<16xf32>
      %swap3A_3169 = arith.constant 6 : i32
      %swap3A_3170 = arith.index_cast %swap3A_3169 : i32 to index
      %swap3A_3171 = arith.constant 80 : index
      %swap3A_3172 = tpu.vector_load %arg10[%swap3A_3170, %swap3A_3171] {strides = array<i32>} : memref<8x128xf32, #tpu.memory_space<vmem>>, vector<1x16xf32>,
      %swap3A_3173 = vector.shape_cast %swap3A_3172 : vector<1x16xf32> to vector<16xf32>
      %swap3A_3174 = vector.shape_cast %mul3A_3168 : vector<16xf32> to vector<1x16xf32>
      tpu.vector_store %arg10[%swap3A_3170, %swap3A_3171], %swap3A_3174 {strides = array<i32>} : memref<8x128xf32, #tpu.memory_space<vmem>>, vector<1x16xf32>,
      %mul3A_3175 = arith.mulf %get3A_2840, %mul3A_3132 : vector<16xf32>
      %swap3A_3176 = arith.constant 6 : i32
      %swap3A_3177 = arith.index_cast %swap3A_3176 : i32 to index
      %swap3A_3178 = arith.constant 96 : index
      %swap3A_3179 = tpu.vector_load %arg10[%swap3A_3177, %swap3A_3178] {strides = array<i32>} : memref<8x128xf32, #tpu.memory_space<vmem>>, vector<1x16xf32>,
      %swap3A_3180 = vector.shape_cast %swap3A_3179 : vector<1x16xf32> to vector<16xf32>
      %swap3A_3181 = vector.shape_cast %mul3A_3175 : vector<16xf32> to vector<1x16xf32>
      tpu.vector_store %arg10[%swap3A_3177, %swap3A_3178], %swap3A_3181 {strides = array<i32>} : memref<8x128xf32, #tpu.memory_space<vmem>>, vector<1x16xf32>,
      %mul3A_3182 = arith.mulf %get3A_2847, %mul3A_3132 : vector<16xf32>
      %swap3A_3183 = arith.constant 6 : i32
      %swap3A_3184 = arith.index_cast %swap3A_3183 : i32 to index
      %swap3A_3185 = arith.constant 112 : index
      %swap3A_3186 = tpu.vector_load %arg10[%swap3A_3184, %swap3A_3185] {strides = array<i32>} : memref<8x128xf32, #tpu.memory_space<vmem>>, vector<1x16xf32>,
      %swap3A_3187 = vector.shape_cast %swap3A_3186 : vector<1x16xf32> to vector<16xf32>
      %swap3A_3188 = vector.shape_cast %mul3A_3182 : vector<16xf32> to vector<1x16xf32>
      tpu.vector_store %arg10[%swap3A_3184, %swap3A_3185], %swap3A_3188 {strides = array<i32>} : memref<8x128xf32, #tpu.memory_space<vmem>>, vector<1x16xf32>,
      %broadcast_in_dim3A_3189 = arith.constant 0.000000e+00 : f32
      %broadcast_in_dim3A_3190 = vector.broadcast %broadcast_in_dim3A_3189 : f32 to vector<16xf32>
      %get3A_3191 = arith.constant 7 : i32
      %get3A_3192 = arith.index_cast %get3A_3191 : i32 to index
      %get3A_3193 = arith.constant 0 : index
      %get3A_3194 = tpu.vector_load %arg10[%get3A_3192, %get3A_3193] {strides = array<i32>} : memref<8x128xf32, #tpu.memory_space<vmem>>, vector<1x16xf32>,
      %get3A_3195 = vector.shape_cast %get3A_3194 : vector<1x16xf32> to vector<16xf32>
      %mul3A_3196 = arith.mulf %get3A_3195, %get3A_3195 : vector<16xf32>
      %add3A_3197 = arith.addf %broadcast_in_dim3A_3190, %mul3A_3196 : vector<16xf32>
      %get3A_3198 = arith.constant 7 : i32
      %get3A_3199 = arith.index_cast %get3A_3198 : i32 to index
      %get3A_3200 = arith.constant 16 : index
      %get3A_3201 = tpu.vector_load %arg10[%get3A_3199, %get3A_3200] {strides = array<i32>} : memref<8x128xf32, #tpu.memory_space<vmem>>, vector<1x16xf32>,
      %get3A_3202 = vector.shape_cast %get3A_3201 : vector<1x16xf32> to vector<16xf32>
      %mul3A_3203 = arith.mulf %get3A_3202, %get3A_3202 : vector<16xf32>
      %add3A_3204 = arith.addf %add3A_3197, %mul3A_3203 : vector<16xf32>
      %get3A_3205 = arith.constant 7 : i32
      %get3A_3206 = arith.index_cast %get3A_3205 : i32 to index
      %get3A_3207 = arith.constant 32 : index
      %get3A_3208 = tpu.vector_load %arg10[%get3A_3206, %get3A_3207] {strides = array<i32>} : memref<8x128xf32, #tpu.memory_space<vmem>>, vector<1x16xf32>,
      %get3A_3209 = vector.shape_cast %get3A_3208 : vector<1x16xf32> to vector<16xf32>
      %mul3A_3210 = arith.mulf %get3A_3209, %get3A_3209 : vector<16xf32>
      %add3A_3211 = arith.addf %add3A_3204, %mul3A_3210 : vector<16xf32>
      %get3A_3212 = arith.constant 7 : i32
      %get3A_3213 = arith.index_cast %get3A_3212 : i32 to index
      %get3A_3214 = arith.constant 48 : index
      %get3A_3215 = tpu.vector_load %arg10[%get3A_3213, %get3A_3214] {strides = array<i32>} : memref<8x128xf32, #tpu.memory_space<vmem>>, vector<1x16xf32>,
      %get3A_3216 = vector.shape_cast %get3A_3215 : vector<1x16xf32> to vector<16xf32>
      %mul3A_3217 = arith.mulf %get3A_3216, %get3A_3216 : vector<16xf32>
      %add3A_3218 = arith.addf %add3A_3211, %mul3A_3217 : vector<16xf32>
      %get3A_3219 = arith.constant 7 : i32
      %get3A_3220 = arith.index_cast %get3A_3219 : i32 to index
      %get3A_3221 = arith.constant 64 : index
      %get3A_3222 = tpu.vector_load %arg10[%get3A_3220, %get3A_3221] {strides = array<i32>} : memref<8x128xf32, #tpu.memory_space<vmem>>, vector<1x16xf32>,
      %get3A_3223 = vector.shape_cast %get3A_3222 : vector<1x16xf32> to vector<16xf32>
      %mul3A_3224 = arith.mulf %get3A_3223, %get3A_3223 : vector<16xf32>
      %add3A_3225 = arith.addf %add3A_3218, %mul3A_3224 : vector<16xf32>
      %get3A_3226 = arith.constant 7 : i32
      %get3A_3227 = arith.index_cast %get3A_3226 : i32 to index
      %get3A_3228 = arith.constant 80 : index
      %get3A_3229 = tpu.vector_load %arg10[%get3A_3227, %get3A_3228] {strides = array<i32>} : memref<8x128xf32, #tpu.memory_space<vmem>>, vector<1x16xf32>,
      %get3A_3230 = vector.shape_cast %get3A_3229 : vector<1x16xf32> to vector<16xf32>
      %mul3A_3231 = arith.mulf %get3A_3230, %get3A_3230 : vector<16xf32>
      %add3A_3232 = arith.addf %add3A_3225, %mul3A_3231 : vector<16xf32>
      %get3A_3233 = arith.constant 7 : i32
      %get3A_3234 = arith.index_cast %get3A_3233 : i32 to index
      %get3A_3235 = arith.constant 96 : index
      %get3A_3236 = tpu.vector_load %arg10[%get3A_3234, %get3A_3235] {strides = array<i32>} : memref<8x128xf32, #tpu.memory_space<vmem>>, vector<1x16xf32>,
      %get3A_3237 = vector.shape_cast %get3A_3236 : vector<1x16xf32> to vector<16xf32>
      %mul3A_3238 = arith.mulf %get3A_3237, %get3A_3237 : vector<16xf32>
      %add3A_3239 = arith.addf %add3A_3232, %mul3A_3238 : vector<16xf32>
      %get3A_3240 = arith.constant 7 : i32
      %get3A_3241 = arith.index_cast %get3A_3240 : i32 to index
      %get3A_3242 = arith.constant 112 : index
      %get3A_3243 = tpu.vector_load %arg10[%get3A_3241, %get3A_3242] {strides = array<i32>} : memref<8x128xf32, #tpu.memory_space<vmem>>, vector<1x16xf32>,
      %get3A_3244 = vector.shape_cast %get3A_3243 : vector<1x16xf32> to vector<16xf32>
      %mul3A_3245 = arith.mulf %get3A_3244, %get3A_3244 : vector<16xf32>
      %add3A_3246 = arith.addf %add3A_3239, %mul3A_3245 : vector<16xf32>
      %swap3A_3247 = arith.constant 0 : index
      %swap3A_3248 = tpu.vector_load %arg11[%swap3A_3247] {strides = array<i32>} : memref<32xf32, #tpu.memory_space<vmem>>, vector<16xf32>,
      %swap3A_3249 = vector.shape_cast %swap3A_3248 : vector<16xf32> to vector<16xf32>
      %swap3A_3250 = vector.shape_cast %add3A_3246 : vector<16xf32> to vector<16xf32>
      tpu.vector_store %arg11[%swap3A_3247], %swap3A_3250 {strides = array<i32>} : memref<32xf32, #tpu.memory_space<vmem>>, vector<16xf32>,
      %swap3A_3251 = arith.constant 16 : index
      %swap3A_3252 = tpu.vector_load %arg11[%swap3A_3251] {strides = array<i32>} : memref<32xf32, #tpu.memory_space<vmem>>, vector<16xf32>,
      %swap3A_3253 = vector.shape_cast %swap3A_3252 : vector<16xf32> to vector<16xf32>
      %swap3A_3254 = vector.shape_cast %add3A_3246 : vector<16xf32> to vector<16xf32>
      tpu.vector_store %arg11[%swap3A_3251], %swap3A_3254 {strides = array<i32>} : memref<32xf32, #tpu.memory_space<vmem>>, vector<16xf32>,
      %get3A_3255 = arith.constant 8 : index
      %get3A_3256 = tpu.vector_load %arg11[%get3A_3255] {strides = array<i32>} : memref<32xf32, #tpu.memory_space<vmem>>, vector<16xf32>,
      %get3A_3257 = vector.shape_cast %get3A_3256 : vector<16xf32> to vector<16xf32>
      %add3A_3258 = arith.addf %add3A_3246, %get3A_3257 : vector<16xf32>
      %swap3A_3259 = arith.constant 0 : index
      %swap3A_3260 = tpu.vector_load %arg11[%swap3A_3259] {strides = array<i32>} : memref<32xf32, #tpu.memory_space<vmem>>, vector<16xf32>,
      %swap3A_3261 = vector.shape_cast %swap3A_3260 : vector<16xf32> to vector<16xf32>
      %swap3A_3262 = vector.shape_cast %add3A_3258 : vector<16xf32> to vector<16xf32>
      tpu.vector_store %arg11[%swap3A_3259], %swap3A_3262 {strides = array<i32>} : memref<32xf32, #tpu.memory_space<vmem>>, vector<16xf32>,
      %swap3A_3263 = arith.constant 16 : index
      %swap3A_3264 = tpu.vector_load %arg11[%swap3A_3263] {strides = array<i32>} : memref<32xf32, #tpu.memory_space<vmem>>, vector<16xf32>,
      %swap3A_3265 = vector.shape_cast %swap3A_3264 : vector<16xf32> to vector<16xf32>
      %swap3A_3266 = vector.shape_cast %add3A_3258 : vector<16xf32> to vector<16xf32>
      tpu.vector_store %arg11[%swap3A_3263], %swap3A_3266 {strides = array<i32>} : memref<32xf32, #tpu.memory_space<vmem>>, vector<16xf32>,
      %get3A_3267 = arith.constant 4 : index
      %get3A_3268 = tpu.vector_load %arg11[%get3A_3267] {strides = array<i32>} : memref<32xf32, #tpu.memory_space<vmem>>, vector<16xf32>,
      %get3A_3269 = vector.shape_cast %get3A_3268 : vector<16xf32> to vector<16xf32>
      %add3A_3270 = arith.addf %add3A_3258, %get3A_3269 : vector<16xf32>
      %swap3A_3271 = arith.constant 0 : index
      %swap3A_3272 = tpu.vector_load %arg11[%swap3A_3271] {strides = array<i32>} : memref<32xf32, #tpu.memory_space<vmem>>, vector<16xf32>,
      %swap3A_3273 = vector.shape_cast %swap3A_3272 : vector<16xf32> to vector<16xf32>
      %swap3A_3274 = vector.shape_cast %add3A_3270 : vector<16xf32> to vector<16xf32>
      tpu.vector_store %arg11[%swap3A_3271], %swap3A_3274 {strides = array<i32>} : memref<32xf32, #tpu.memory_space<vmem>>, vector<16xf32>,
      %swap3A_3275 = arith.constant 16 : index
      %swap3A_3276 = tpu.vector_load %arg11[%swap3A_3275] {strides = array<i32>} : memref<32xf32, #tpu.memory_space<vmem>>, vector<16xf32>,
      %swap3A_3277 = vector.shape_cast %swap3A_3276 : vector<16xf32> to vector<16xf32>
      %swap3A_3278 = vector.shape_cast %add3A_3270 : vector<16xf32> to vector<16xf32>
      tpu.vector_store %arg11[%swap3A_3275], %swap3A_3278 {strides = array<i32>} : memref<32xf32, #tpu.memory_space<vmem>>, vector<16xf32>,
      %get3A_3279 = arith.constant 2 : index
      %get3A_3280 = tpu.vector_load %arg11[%get3A_3279] {strides = array<i32>} : memref<32xf32, #tpu.memory_space<vmem>>, vector<16xf32>,
      %get3A_3281 = vector.shape_cast %get3A_3280 : vector<16xf32> to vector<16xf32>
      %add3A_3282 = arith.addf %add3A_3270, %get3A_3281 : vector<16xf32>
      %swap3A_3283 = arith.constant 0 : index
      %swap3A_3284 = tpu.vector_load %arg11[%swap3A_3283] {strides = array<i32>} : memref<32xf32, #tpu.memory_space<vmem>>, vector<16xf32>,
      %swap3A_3285 = vector.shape_cast %swap3A_3284 : vector<16xf32> to vector<16xf32>
      %swap3A_3286 = vector.shape_cast %add3A_3282 : vector<16xf32> to vector<16xf32>
      tpu.vector_store %arg11[%swap3A_3283], %swap3A_3286 {strides = array<i32>} : memref<32xf32, #tpu.memory_space<vmem>>, vector<16xf32>,
      %swap3A_3287 = arith.constant 16 : index
      %swap3A_3288 = tpu.vector_load %arg11[%swap3A_3287] {strides = array<i32>} : memref<32xf32, #tpu.memory_space<vmem>>, vector<16xf32>,
      %swap3A_3289 = vector.shape_cast %swap3A_3288 : vector<16xf32> to vector<16xf32>
      %swap3A_3290 = vector.shape_cast %add3A_3282 : vector<16xf32> to vector<16xf32>
      tpu.vector_store %arg11[%swap3A_3287], %swap3A_3290 {strides = array<i32>} : memref<32xf32, #tpu.memory_space<vmem>>, vector<16xf32>,
      %get3A_3291 = arith.constant 1 : index
      %get3A_3292 = tpu.vector_load %arg11[%get3A_3291] {strides = array<i32>} : memref<32xf32, #tpu.memory_space<vmem>>, vector<16xf32>,
      %get3A_3293 = vector.shape_cast %get3A_3292 : vector<16xf32> to vector<16xf32>
      %add3A_3294 = arith.addf %add3A_3282, %get3A_3293 : vector<16xf32>
      %broadcast_in_dim3A_3295 = arith.constant 1.000000e+00 : f32
      %broadcast_in_dim3A_3296 = vector.broadcast %broadcast_in_dim3A_3295 : f32 to vector<16xf32>
      %gt3A_3297 = arith.constant 1.84467441E+19 : f32
      %gt3A_3298 = vector.broadcast %gt3A_3297 : f32 to vector<16xf32>
      %gt3A_3299 = arith.cmpf ogt, %add3A_3294, %gt3A_3298 : vector<16xf32>
      %mul3A_3300 = arith.constant 5.42101086E-20 : f32
      %mul3A_3301 = vector.broadcast %mul3A_3300 : f32 to vector<16xf32>
      %mul3A_3302 = arith.mulf %add3A_3294, %mul3A_3301 : vector<16xf32>
      %select_n3A_3303 = arith.select %gt3A_3299, %mul3A_3302, %add3A_3294 : vector<16xi1>, vector<16xf32>
      %mul3A_3304 = arith.constant 2.32830644E-10 : f32
      %mul3A_3305 = vector.broadcast %mul3A_3304 : f32 to vector<16xf32>
      %mul3A_3306 = arith.mulf %broadcast_in_dim3A_3296, %mul3A_3305 : vector<16xf32>
      %select_n3A_3307 = arith.select %gt3A_3299, %mul3A_3306, %broadcast_in_dim3A_3296 : vector<16xi1>, vector<16xf32>
      %lt3A_3308 = arith.constant 5.42101086E-20 : f32
      %lt3A_3309 = vector.broadcast %lt3A_3308 : f32 to vector<16xf32>
      %lt3A_3310 = arith.cmpf olt, %select_n3A_3303, %lt3A_3309 : vector<16xf32>
      %mul3A_3311 = arith.constant 1.84467441E+19 : f32
      %mul3A_3312 = vector.broadcast %mul3A_3311 : f32 to vector<16xf32>
      %mul3A_3313 = arith.mulf %select_n3A_3303, %mul3A_3312 : vector<16xf32>
      %select_n3A_3314 = arith.select %lt3A_3310, %mul3A_3313, %select_n3A_3303 : vector<16xi1>, vector<16xf32>
      %mul3A_3315 = arith.constant 4.2949673E+9 : f32
      %mul3A_3316 = vector.broadcast %mul3A_3315 : f32 to vector<16xf32>
      %mul3A_3317 = arith.mulf %select_n3A_3307, %mul3A_3316 : vector<16xf32>
      %select_n3A_3318 = arith.select %lt3A_3310, %mul3A_3317, %select_n3A_3307 : vector<16xi1>, vector<16xf32>
      %gt3A_3319 = arith.constant 4.2949673E+9 : f32
      %gt3A_3320 = vector.broadcast %gt3A_3319 : f32 to vector<16xf32>
      %gt3A_3321 = arith.cmpf ogt, %select_n3A_3314, %gt3A_3320 : vector<16xf32>
      %mul3A_3322 = arith.constant 2.32830644E-10 : f32
      %mul3A_3323 = vector.broadcast %mul3A_3322 : f32 to vector<16xf32>
      %mul3A_3324 = arith.mulf %select_n3A_3314, %mul3A_3323 : vector<16xf32>
      %select_n3A_3325 = arith.select %gt3A_3321, %mul3A_3324, %select_n3A_3314 : vector<16xi1>, vector<16xf32>
      %mul3A_3326 = arith.constant 1.52587891E-5 : f32
      %mul3A_3327 = vector.broadcast %mul3A_3326 : f32 to vector<16xf32>
      %mul3A_3328 = arith.mulf %select_n3A_3318, %mul3A_3327 : vector<16xf32>
      %select_n3A_3329 = arith.select %gt3A_3321, %mul3A_3328, %select_n3A_3318 : vector<16xi1>, vector<16xf32>
      %lt3A_3330 = arith.constant 2.32830644E-10 : f32
      %lt3A_3331 = vector.broadcast %lt3A_3330 : f32 to vector<16xf32>
      %lt3A_3332 = arith.cmpf olt, %select_n3A_3325, %lt3A_3331 : vector<16xf32>
      %mul3A_3333 = arith.constant 4.2949673E+9 : f32
      %mul3A_3334 = vector.broadcast %mul3A_3333 : f32 to vector<16xf32>
      %mul3A_3335 = arith.mulf %select_n3A_3325, %mul3A_3334 : vector<16xf32>
      %select_n3A_3336 = arith.select %lt3A_3332, %mul3A_3335, %select_n3A_3325 : vector<16xi1>, vector<16xf32>
      %mul3A_3337 = arith.constant 6.553600e+04 : f32
      %mul3A_3338 = vector.broadcast %mul3A_3337 : f32 to vector<16xf32>
      %mul3A_3339 = arith.mulf %select_n3A_3329, %mul3A_3338 : vector<16xf32>
      %select_n3A_3340 = arith.select %lt3A_3332, %mul3A_3339, %select_n3A_3329 : vector<16xi1>, vector<16xf32>
      %gt3A_3341 = arith.constant 6.553600e+04 : f32
      %gt3A_3342 = vector.broadcast %gt3A_3341 : f32 to vector<16xf32>
      %gt3A_3343 = arith.cmpf ogt, %select_n3A_3336, %gt3A_3342 : vector<16xf32>
      %mul3A_3344 = arith.constant 1.52587891E-5 : f32
      %mul3A_3345 = vector.broadcast %mul3A_3344 : f32 to vector<16xf32>
      %mul3A_3346 = arith.mulf %select_n3A_3336, %mul3A_3345 : vector<16xf32>
      %select_n3A_3347 = arith.select %gt3A_3343, %mul3A_3346, %select_n3A_3336 : vector<16xi1>, vector<16xf32>
      %mul3A_3348 = arith.constant 3.906250e-03 : f32
      %mul3A_3349 = vector.broadcast %mul3A_3348 : f32 to vector<16xf32>
      %mul3A_3350 = arith.mulf %select_n3A_3340, %mul3A_3349 : vector<16xf32>
      %select_n3A_3351 = arith.select %gt3A_3343, %mul3A_3350, %select_n3A_3340 : vector<16xi1>, vector<16xf32>
      %lt3A_3352 = arith.constant 1.52587891E-5 : f32
      %lt3A_3353 = vector.broadcast %lt3A_3352 : f32 to vector<16xf32>
      %lt3A_3354 = arith.cmpf olt, %select_n3A_3347, %lt3A_3353 : vector<16xf32>
      %mul3A_3355 = arith.constant 6.553600e+04 : f32
      %mul3A_3356 = vector.broadcast %mul3A_3355 : f32 to vector<16xf32>
      %mul3A_3357 = arith.mulf %select_n3A_3347, %mul3A_3356 : vector<16xf32>
      %select_n3A_3358 = arith.select %lt3A_3354, %mul3A_3357, %select_n3A_3347 : vector<16xi1>, vector<16xf32>
      %mul3A_3359 = arith.constant 2.560000e+02 : f32
      %mul3A_3360 = vector.broadcast %mul3A_3359 : f32 to vector<16xf32>
      %mul3A_3361 = arith.mulf %select_n3A_3351, %mul3A_3360 : vector<16xf32>
      %select_n3A_3362 = arith.select %lt3A_3354, %mul3A_3361, %select_n3A_3351 : vector<16xi1>, vector<16xf32>
      %gt3A_3363 = arith.constant 2.560000e+02 : f32
      %gt3A_3364 = vector.broadcast %gt3A_3363 : f32 to vector<16xf32>
      %gt3A_3365 = arith.cmpf ogt, %select_n3A_3358, %gt3A_3364 : vector<16xf32>
      %mul3A_3366 = arith.constant 3.906250e-03 : f32
      %mul3A_3367 = vector.broadcast %mul3A_3366 : f32 to vector<16xf32>
      %mul3A_3368 = arith.mulf %select_n3A_3358, %mul3A_3367 : vector<16xf32>
      %select_n3A_3369 = arith.select %gt3A_3365, %mul3A_3368, %select_n3A_3358 : vector<16xi1>, vector<16xf32>
      %mul3A_3370 = arith.constant 6.250000e-02 : f32
      %mul3A_3371 = vector.broadcast %mul3A_3370 : f32 to vector<16xf32>
      %mul3A_3372 = arith.mulf %select_n3A_3362, %mul3A_3371 : vector<16xf32>
      %select_n3A_3373 = arith.select %gt3A_3365, %mul3A_3372, %select_n3A_3362 : vector<16xi1>, vector<16xf32>
      %lt3A_3374 = arith.constant 3.906250e-03 : f32
      %lt3A_3375 = vector.broadcast %lt3A_3374 : f32 to vector<16xf32>
      %lt3A_3376 = arith.cmpf olt, %select_n3A_3369, %lt3A_3375 : vector<16xf32>
      %mul3A_3377 = arith.constant 2.560000e+02 : f32
      %mul3A_3378 = vector.broadcast %mul3A_3377 : f32 to vector<16xf32>
      %mul3A_3379 = arith.mulf %select_n3A_3369, %mul3A_3378 : vector<16xf32>
      %select_n3A_3380 = arith.select %lt3A_3376, %mul3A_3379, %select_n3A_3369 : vector<16xi1>, vector<16xf32>
      %mul3A_3381 = arith.constant 1.600000e+01 : f32
      %mul3A_3382 = vector.broadcast %mul3A_3381 : f32 to vector<16xf32>
      %mul3A_3383 = arith.mulf %select_n3A_3373, %mul3A_3382 : vector<16xf32>
      %select_n3A_3384 = arith.select %lt3A_3376, %mul3A_3383, %select_n3A_3373 : vector<16xi1>, vector<16xf32>
      %gt3A_3385 = arith.constant 1.600000e+01 : f32
      %gt3A_3386 = vector.broadcast %gt3A_3385 : f32 to vector<16xf32>
      %gt3A_3387 = arith.cmpf ogt, %select_n3A_3380, %gt3A_3386 : vector<16xf32>
      %mul3A_3388 = arith.constant 6.250000e-02 : f32
      %mul3A_3389 = vector.broadcast %mul3A_3388 : f32 to vector<16xf32>
      %mul3A_3390 = arith.mulf %select_n3A_3380, %mul3A_3389 : vector<16xf32>
      %select_n3A_3391 = arith.select %gt3A_3387, %mul3A_3390, %select_n3A_3380 : vector<16xi1>, vector<16xf32>
      %mul3A_3392 = arith.constant 2.500000e-01 : f32
      %mul3A_3393 = vector.broadcast %mul3A_3392 : f32 to vector<16xf32>
      %mul3A_3394 = arith.mulf %select_n3A_3384, %mul3A_3393 : vector<16xf32>
      %select_n3A_3395 = arith.select %gt3A_3387, %mul3A_3394, %select_n3A_3384 : vector<16xi1>, vector<16xf32>
      %lt3A_3396 = arith.constant 6.250000e-02 : f32
      %lt3A_3397 = vector.broadcast %lt3A_3396 : f32 to vector<16xf32>
      %lt3A_3398 = arith.cmpf olt, %select_n3A_3391, %lt3A_3397 : vector<16xf32>
      %mul3A_3399 = arith.constant 1.600000e+01 : f32
      %mul3A_3400 = vector.broadcast %mul3A_3399 : f32 to vector<16xf32>
      %mul3A_3401 = arith.mulf %select_n3A_3391, %mul3A_3400 : vector<16xf32>
      %select_n3A_3402 = arith.select %lt3A_3398, %mul3A_3401, %select_n3A_3391 : vector<16xi1>, vector<16xf32>
      %mul3A_3403 = arith.constant 4.000000e+00 : f32
      %mul3A_3404 = vector.broadcast %mul3A_3403 : f32 to vector<16xf32>
      %mul3A_3405 = arith.mulf %select_n3A_3395, %mul3A_3404 : vector<16xf32>
      %select_n3A_3406 = arith.select %lt3A_3398, %mul3A_3405, %select_n3A_3395 : vector<16xi1>, vector<16xf32>
      %gt3A_3407 = arith.constant 2.000000e+00 : f32
      %gt3A_3408 = vector.broadcast %gt3A_3407 : f32 to vector<16xf32>
      %gt3A_3409 = arith.cmpf ogt, %select_n3A_3402, %gt3A_3408 : vector<16xf32>
      %mul3A_3410 = arith.constant 2.500000e-01 : f32
      %mul3A_3411 = vector.broadcast %mul3A_3410 : f32 to vector<16xf32>
      %mul3A_3412 = arith.mulf %select_n3A_3402, %mul3A_3411 : vector<16xf32>
      %select_n3A_3413 = arith.select %gt3A_3409, %mul3A_3412, %select_n3A_3402 : vector<16xi1>, vector<16xf32>
      %mul3A_3414 = arith.constant 5.000000e-01 : f32
      %mul3A_3415 = vector.broadcast %mul3A_3414 : f32 to vector<16xf32>
      %mul3A_3416 = arith.mulf %select_n3A_3406, %mul3A_3415 : vector<16xf32>
      %select_n3A_3417 = arith.select %gt3A_3409, %mul3A_3416, %select_n3A_3406 : vector<16xi1>, vector<16xf32>
      %lt3A_3418 = arith.constant 5.000000e-01 : f32
      %lt3A_3419 = vector.broadcast %lt3A_3418 : f32 to vector<16xf32>
      %lt3A_3420 = arith.cmpf olt, %select_n3A_3413, %lt3A_3419 : vector<16xf32>
      %mul3A_3421 = arith.constant 4.000000e+00 : f32
      %mul3A_3422 = vector.broadcast %mul3A_3421 : f32 to vector<16xf32>
      %mul3A_3423 = arith.mulf %select_n3A_3413, %mul3A_3422 : vector<16xf32>
      %select_n3A_3424 = arith.select %lt3A_3420, %mul3A_3423, %select_n3A_3413 : vector<16xi1>, vector<16xf32>
      %mul3A_3425 = arith.constant 2.000000e+00 : f32
      %mul3A_3426 = vector.broadcast %mul3A_3425 : f32 to vector<16xf32>
      %mul3A_3427 = arith.mulf %select_n3A_3417, %mul3A_3426 : vector<16xf32>
      %select_n3A_3428 = arith.select %lt3A_3420, %mul3A_3427, %select_n3A_3417 : vector<16xi1>, vector<16xf32>
      %gt3A_3429 = arith.constant 2.000000e+00 : f32
      %gt3A_3430 = vector.broadcast %gt3A_3429 : f32 to vector<16xf32>
      %gt3A_3431 = arith.cmpf ogt, %select_n3A_3424, %gt3A_3430 : vector<16xf32>
      %mul3A_3432 = arith.constant 2.500000e-01 : f32
      %mul3A_3433 = vector.broadcast %mul3A_3432 : f32 to vector<16xf32>
      %mul3A_3434 = arith.mulf %select_n3A_3424, %mul3A_3433 : vector<16xf32>
      %select_n3A_3435 = arith.select %gt3A_3431, %mul3A_3434, %select_n3A_3424 : vector<16xi1>, vector<16xf32>
      %mul3A_3436 = arith.constant 5.000000e-01 : f32
      %mul3A_3437 = vector.broadcast %mul3A_3436 : f32 to vector<16xf32>
      %mul3A_3438 = arith.mulf %select_n3A_3428, %mul3A_3437 : vector<16xf32>
      %select_n3A_3439 = arith.select %gt3A_3431, %mul3A_3438, %select_n3A_3428 : vector<16xi1>, vector<16xf32>
      %lt3A_3440 = arith.constant 5.000000e-01 : f32
      %lt3A_3441 = vector.broadcast %lt3A_3440 : f32 to vector<16xf32>
      %lt3A_3442 = arith.cmpf olt, %select_n3A_3435, %lt3A_3441 : vector<16xf32>
      %mul3A_3443 = arith.constant 4.000000e+00 : f32
      %mul3A_3444 = vector.broadcast %mul3A_3443 : f32 to vector<16xf32>
      %mul3A_3445 = arith.mulf %select_n3A_3435, %mul3A_3444 : vector<16xf32>
      %select_n3A_3446 = arith.select %lt3A_3442, %mul3A_3445, %select_n3A_3435 : vector<16xi1>, vector<16xf32>
      %mul3A_3447 = arith.constant 2.000000e+00 : f32
      %mul3A_3448 = vector.broadcast %mul3A_3447 : f32 to vector<16xf32>
      %mul3A_3449 = arith.mulf %select_n3A_3439, %mul3A_3448 : vector<16xf32>
      %select_n3A_3450 = arith.select %lt3A_3442, %mul3A_3449, %select_n3A_3439 : vector<16xi1>, vector<16xf32>
      %gt3A_3451 = arith.constant 2.000000e+00 : f32
      %gt3A_3452 = vector.broadcast %gt3A_3451 : f32 to vector<16xf32>
      %gt3A_3453 = arith.cmpf ogt, %select_n3A_3446, %gt3A_3452 : vector<16xf32>
      %mul3A_3454 = arith.constant 2.500000e-01 : f32
      %mul3A_3455 = vector.broadcast %mul3A_3454 : f32 to vector<16xf32>
      %mul3A_3456 = arith.mulf %select_n3A_3446, %mul3A_3455 : vector<16xf32>
      %select_n3A_3457 = arith.select %gt3A_3453, %mul3A_3456, %select_n3A_3446 : vector<16xi1>, vector<16xf32>
      %mul3A_3458 = arith.constant 5.000000e-01 : f32
      %mul3A_3459 = vector.broadcast %mul3A_3458 : f32 to vector<16xf32>
      %mul3A_3460 = arith.mulf %select_n3A_3450, %mul3A_3459 : vector<16xf32>
      %select_n3A_3461 = arith.select %gt3A_3453, %mul3A_3460, %select_n3A_3450 : vector<16xi1>, vector<16xf32>
      %lt3A_3462 = arith.constant 5.000000e-01 : f32
      %lt3A_3463 = vector.broadcast %lt3A_3462 : f32 to vector<16xf32>
      %lt3A_3464 = arith.cmpf olt, %select_n3A_3457, %lt3A_3463 : vector<16xf32>
      %mul3A_3465 = arith.constant 4.000000e+00 : f32
      %mul3A_3466 = vector.broadcast %mul3A_3465 : f32 to vector<16xf32>
      %mul3A_3467 = arith.mulf %select_n3A_3457, %mul3A_3466 : vector<16xf32>
      %select_n3A_3468 = arith.select %lt3A_3464, %mul3A_3467, %select_n3A_3457 : vector<16xi1>, vector<16xf32>
      %mul3A_3469 = arith.constant 2.000000e+00 : f32
      %mul3A_3470 = vector.broadcast %mul3A_3469 : f32 to vector<16xf32>
      %mul3A_3471 = arith.mulf %select_n3A_3461, %mul3A_3470 : vector<16xf32>
      %select_n3A_3472 = arith.select %lt3A_3464, %mul3A_3471, %select_n3A_3461 : vector<16xi1>, vector<16xf32>
      %broadcast_in_dim3A_3473 = arith.constant 1.000000e+00 : f32
      %broadcast_in_dim3A_3474 = vector.broadcast %broadcast_in_dim3A_3473 : f32 to vector<16xf32>
      %mul3A_3475 = arith.constant 5.000000e-01 : f32
      %mul3A_3476 = vector.broadcast %mul3A_3475 : f32 to vector<16xf32>
      %mul3A_3477 = arith.mulf %mul3A_3476, %select_n3A_3468 : vector<16xf32>
      %mul3A_3478 = arith.mulf %mul3A_3477, %broadcast_in_dim3A_3474 : vector<16xf32>
      %mul3A_3479 = arith.mulf %mul3A_3478, %broadcast_in_dim3A_3474 : vector<16xf32>
      %sub3A_3480 = arith.constant 1.500000e+00 : f32
      %sub3A_3481 = vector.broadcast %sub3A_3480 : f32 to vector<16xf32>
      %sub3A_3482 = arith.subf %sub3A_3481, %mul3A_3479 : vector<16xf32>
      %mul3A_3483 = arith.mulf %broadcast_in_dim3A_3474, %sub3A_3482 : vector<16xf32>
      %mul3A_3484 = arith.constant 5.000000e-01 : f32
      %mul3A_3485 = vector.broadcast %mul3A_3484 : f32 to vector<16xf32>
      %mul3A_3486 = arith.mulf %mul3A_3485, %select_n3A_3468 : vector<16xf32>
      %mul3A_3487 = arith.mulf %mul3A_3486, %mul3A_3483 : vector<16xf32>
      %mul3A_3488 = arith.mulf %mul3A_3487, %mul3A_3483 : vector<16xf32>
      %sub3A_3489 = arith.constant 1.500000e+00 : f32
      %sub3A_3490 = vector.broadcast %sub3A_3489 : f32 to vector<16xf32>
      %sub3A_3491 = arith.subf %sub3A_3490, %mul3A_3488 : vector<16xf32>
      %mul3A_3492 = arith.mulf %mul3A_3483, %sub3A_3491 : vector<16xf32>
      %mul3A_3493 = arith.constant 5.000000e-01 : f32
      %mul3A_3494 = vector.broadcast %mul3A_3493 : f32 to vector<16xf32>
      %mul3A_3495 = arith.mulf %mul3A_3494, %select_n3A_3468 : vector<16xf32>
      %mul3A_3496 = arith.mulf %mul3A_3495, %mul3A_3492 : vector<16xf32>
      %mul3A_3497 = arith.mulf %mul3A_3496, %mul3A_3492 : vector<16xf32>
      %sub3A_3498 = arith.constant 1.500000e+00 : f32
      %sub3A_3499 = vector.broadcast %sub3A_3498 : f32 to vector<16xf32>
      %sub3A_3500 = arith.subf %sub3A_3499, %mul3A_3497 : vector<16xf32>
      %mul3A_3501 = arith.mulf %mul3A_3492, %sub3A_3500 : vector<16xf32>
      %mul3A_3502 = arith.constant 5.000000e-01 : f32
      %mul3A_3503 = vector.broadcast %mul3A_3502 : f32 to vector<16xf32>
      %mul3A_3504 = arith.mulf %mul3A_3503, %select_n3A_3468 : vector<16xf32>
      %mul3A_3505 = arith.mulf %mul3A_3504, %mul3A_3501 : vector<16xf32>
      %mul3A_3506 = arith.mulf %mul3A_3505, %mul3A_3501 : vector<16xf32>
      %sub3A_3507 = arith.constant 1.500000e+00 : f32
      %sub3A_3508 = vector.broadcast %sub3A_3507 : f32 to vector<16xf32>
      %sub3A_3509 = arith.subf %sub3A_3508, %mul3A_3506 : vector<16xf32>
      %mul3A_3510 = arith.mulf %mul3A_3501, %sub3A_3509 : vector<16xf32>
      %mul3A_3511 = arith.constant 5.000000e-01 : f32
      %mul3A_3512 = vector.broadcast %mul3A_3511 : f32 to vector<16xf32>
      %mul3A_3513 = arith.mulf %mul3A_3512, %select_n3A_3468 : vector<16xf32>
      %mul3A_3514 = arith.mulf %mul3A_3513, %mul3A_3510 : vector<16xf32>
      %mul3A_3515 = arith.mulf %mul3A_3514, %mul3A_3510 : vector<16xf32>
      %sub3A_3516 = arith.constant 1.500000e+00 : f32
      %sub3A_3517 = vector.broadcast %sub3A_3516 : f32 to vector<16xf32>
      %sub3A_3518 = arith.subf %sub3A_3517, %mul3A_3515 : vector<16xf32>
      %mul3A_3519 = arith.mulf %mul3A_3510, %sub3A_3518 : vector<16xf32>
      %mul3A_3520 = arith.constant 5.000000e-01 : f32
      %mul3A_3521 = vector.broadcast %mul3A_3520 : f32 to vector<16xf32>
      %mul3A_3522 = arith.mulf %mul3A_3521, %select_n3A_3468 : vector<16xf32>
      %mul3A_3523 = arith.mulf %mul3A_3522, %mul3A_3519 : vector<16xf32>
      %mul3A_3524 = arith.mulf %mul3A_3523, %mul3A_3519 : vector<16xf32>
      %sub3A_3525 = arith.constant 1.500000e+00 : f32
      %sub3A_3526 = vector.broadcast %sub3A_3525 : f32 to vector<16xf32>
      %sub3A_3527 = arith.subf %sub3A_3526, %mul3A_3524 : vector<16xf32>
      %mul3A_3528 = arith.mulf %mul3A_3519, %sub3A_3527 : vector<16xf32>
      %mul3A_3529 = arith.mulf %mul3A_3528, %select_n3A_3472 : vector<16xf32>
      %mul3A_3530 = arith.mulf %get3A_3195, %mul3A_3529 : vector<16xf32>
      %swap3A_3531 = arith.constant 7 : i32
      %swap3A_3532 = arith.index_cast %swap3A_3531 : i32 to index
      %swap3A_3533 = arith.constant 0 : index
      %swap3A_3534 = tpu.vector_load %arg10[%swap3A_3532, %swap3A_3533] {strides = array<i32>} : memref<8x128xf32, #tpu.memory_space<vmem>>, vector<1x16xf32>,
      %swap3A_3535 = vector.shape_cast %swap3A_3534 : vector<1x16xf32> to vector<16xf32>
      %swap3A_3536 = vector.shape_cast %mul3A_3530 : vector<16xf32> to vector<1x16xf32>
      tpu.vector_store %arg10[%swap3A_3532, %swap3A_3533], %swap3A_3536 {strides = array<i32>} : memref<8x128xf32, #tpu.memory_space<vmem>>, vector<1x16xf32>,
      %mul3A_3537 = arith.mulf %get3A_3202, %mul3A_3529 : vector<16xf32>
      %swap3A_3538 = arith.constant 7 : i32
      %swap3A_3539 = arith.index_cast %swap3A_3538 : i32 to index
      %swap3A_3540 = arith.constant 16 : index
      %swap3A_3541 = tpu.vector_load %arg10[%swap3A_3539, %swap3A_3540] {strides = array<i32>} : memref<8x128xf32, #tpu.memory_space<vmem>>, vector<1x16xf32>,
      %swap3A_3542 = vector.shape_cast %swap3A_3541 : vector<1x16xf32> to vector<16xf32>
      %swap3A_3543 = vector.shape_cast %mul3A_3537 : vector<16xf32> to vector<1x16xf32>
      tpu.vector_store %arg10[%swap3A_3539, %swap3A_3540], %swap3A_3543 {strides = array<i32>} : memref<8x128xf32, #tpu.memory_space<vmem>>, vector<1x16xf32>,
      %mul3A_3544 = arith.mulf %get3A_3209, %mul3A_3529 : vector<16xf32>
      %swap3A_3545 = arith.constant 7 : i32
      %swap3A_3546 = arith.index_cast %swap3A_3545 : i32 to index
      %swap3A_3547 = arith.constant 32 : index
      %swap3A_3548 = tpu.vector_load %arg10[%swap3A_3546, %swap3A_3547] {strides = array<i32>} : memref<8x128xf32, #tpu.memory_space<vmem>>, vector<1x16xf32>,
      %swap3A_3549 = vector.shape_cast %swap3A_3548 : vector<1x16xf32> to vector<16xf32>
      %swap3A_3550 = vector.shape_cast %mul3A_3544 : vector<16xf32> to vector<1x16xf32>
      tpu.vector_store %arg10[%swap3A_3546, %swap3A_3547], %swap3A_3550 {strides = array<i32>} : memref<8x128xf32, #tpu.memory_space<vmem>>, vector<1x16xf32>,
      %mul3A_3551 = arith.mulf %get3A_3216, %mul3A_3529 : vector<16xf32>
      %swap3A_3552 = arith.constant 7 : i32
      %swap3A_3553 = arith.index_cast %swap3A_3552 : i32 to index
      %swap3A_3554 = arith.constant 48 : index
      %swap3A_3555 = tpu.vector_load %arg10[%swap3A_3553, %swap3A_3554] {strides = array<i32>} : memref<8x128xf32, #tpu.memory_space<vmem>>, vector<1x16xf32>,
      %swap3A_3556 = vector.shape_cast %swap3A_3555 : vector<1x16xf32> to vector<16xf32>
      %swap3A_3557 = vector.shape_cast %mul3A_3551 : vector<16xf32> to vector<1x16xf32>
      tpu.vector_store %arg10[%swap3A_3553, %swap3A_3554], %swap3A_3557 {strides = array<i32>} : memref<8x128xf32, #tpu.memory_space<vmem>>, vector<1x16xf32>,
      %mul3A_3558 = arith.mulf %get3A_3223, %mul3A_3529 : vector<16xf32>
      %swap3A_3559 = arith.constant 7 : i32
      %swap3A_3560 = arith.index_cast %swap3A_3559 : i32 to index
      %swap3A_3561 = arith.constant 64 : index
      %swap3A_3562 = tpu.vector_load %arg10[%swap3A_3560, %swap3A_3561] {strides = array<i32>} : memref<8x128xf32, #tpu.memory_space<vmem>>, vector<1x16xf32>,
      %swap3A_3563 = vector.shape_cast %swap3A_3562 : vector<1x16xf32> to vector<16xf32>
      %swap3A_3564 = vector.shape_cast %mul3A_3558 : vector<16xf32> to vector<1x16xf32>
      tpu.vector_store %arg10[%swap3A_3560, %swap3A_3561], %swap3A_3564 {strides = array<i32>} : memref<8x128xf32, #tpu.memory_space<vmem>>, vector<1x16xf32>,
      %mul3A_3565 = arith.mulf %get3A_3230, %mul3A_3529 : vector<16xf32>
      %swap3A_3566 = arith.constant 7 : i32
      %swap3A_3567 = arith.index_cast %swap3A_3566 : i32 to index
      %swap3A_3568 = arith.constant 80 : index
      %swap3A_3569 = tpu.vector_load %arg10[%swap3A_3567, %swap3A_3568] {strides = array<i32>} : memref<8x128xf32, #tpu.memory_space<vmem>>, vector<1x16xf32>,
      %swap3A_3570 = vector.shape_cast %swap3A_3569 : vector<1x16xf32> to vector<16xf32>
      %swap3A_3571 = vector.shape_cast %mul3A_3565 : vector<16xf32> to vector<1x16xf32>
      tpu.vector_store %arg10[%swap3A_3567, %swap3A_3568], %swap3A_3571 {strides = array<i32>} : memref<8x128xf32, #tpu.memory_space<vmem>>, vector<1x16xf32>,
      %mul3A_3572 = arith.mulf %get3A_3237, %mul3A_3529 : vector<16xf32>
      %swap3A_3573 = arith.constant 7 : i32
      %swap3A_3574 = arith.index_cast %swap3A_3573 : i32 to index
      %swap3A_3575 = arith.constant 96 : index
      %swap3A_3576 = tpu.vector_load %arg10[%swap3A_3574, %swap3A_3575] {strides = array<i32>} : memref<8x128xf32, #tpu.memory_space<vmem>>, vector<1x16xf32>,
      %swap3A_3577 = vector.shape_cast %swap3A_3576 : vector<1x16xf32> to vector<16xf32>
      %swap3A_3578 = vector.shape_cast %mul3A_3572 : vector<16xf32> to vector<1x16xf32>
      tpu.vector_store %arg10[%swap3A_3574, %swap3A_3575], %swap3A_3578 {strides = array<i32>} : memref<8x128xf32, #tpu.memory_space<vmem>>, vector<1x16xf32>,
      %mul3A_3579 = arith.mulf %get3A_3244, %mul3A_3529 : vector<16xf32>
      %swap3A_3580 = arith.constant 7 : i32
      %swap3A_3581 = arith.index_cast %swap3A_3580 : i32 to index
      %swap3A_3582 = arith.constant 112 : index
      %swap3A_3583 = tpu.vector_load %arg10[%swap3A_3581, %swap3A_3582] {strides = array<i32>} : memref<8x128xf32, #tpu.memory_space<vmem>>, vector<1x16xf32>,
      %swap3A_3584 = vector.shape_cast %swap3A_3583 : vector<1x16xf32> to vector<16xf32>
      %swap3A_3585 = vector.shape_cast %mul3A_3579 : vector<16xf32> to vector<1x16xf32>
      tpu.vector_store %arg10[%swap3A_3581, %swap3A_3582], %swap3A_3585 {strides = array<i32>} : memref<8x128xf32, #tpu.memory_space<vmem>>, vector<1x16xf32>,
      %mul3A_3586 = arith.constant 8 : i32
      %mul3A_3587 = arith.muli %arg1, %mul3A_3586 : i32
      "tpu.region"() ({
        %run_scoped3A = tpu.sem_alloc : memref<!tpu.dma_semaphore, #tpu.memory_space<semaphore_mem>>
        %dma_start3A_3588 = arith.constant 0 : i32
        %dma_start3A_3589 = tpu.memref_slice %arg9[%mul3A_3587, %dma_start3A_3588] : memref<120x128xf32, #tpu.memory_space<vmem_shared>> -> memref<8x128xf32, #tpu.memory_space<vmem_shared>>
        %dma_start3A_3590 = arith.constant 0 : i32
        %dma_start3A_3591 = tpu.memref_slice %arg9[%mul3A_3587, %dma_start3A_3590] : memref<120x128xf32, #tpu.memory_space<vmem_shared>> -> memref<8x128xf32, #tpu.memory_space<vmem_shared>>
        tpu.enqueue_dma source(%arg10 : memref<8x128xf32, #tpu.memory_space<vmem>>) target(%dma_start3A_3591 : memref<8x128xf32, #tpu.memory_space<vmem_shared>>) target_semaphore(%run_scoped3A : memref<!tpu.dma_semaphore, #tpu.memory_space<semaphore_mem>>)
        %dma_wait3A_3592 = arith.constant 0 : i32
        %dma_wait3A_3593 = tpu.memref_slice %arg9[%mul3A_3587, %dma_wait3A_3592] : memref<120x128xf32, #tpu.memory_space<vmem_shared>> -> memref<8x128xf32, #tpu.memory_space<vmem_shared>>
        %dma_wait3A_3594 = arith.constant 0 : i32
        %dma_wait3A_3595 = tpu.memref_slice %arg9[%mul3A_3587, %dma_wait3A_3594] : memref<120x128xf32, #tpu.memory_space<vmem_shared>> -> memref<8x128xf32, #tpu.memory_space<vmem_shared>>
        tpu.wait_dma2 semaphore(%run_scoped3A : memref<!tpu.dma_semaphore, #tpu.memory_space<semaphore_mem>>) src(%arg10 : memref<8x128xf32, #tpu.memory_space<vmem>>) dst(%dma_wait3A_3595 : memref<8x128xf32, #tpu.memory_space<vmem_shared>>)
        tpu.yield
      }) : () -> ()
    } else {
    }
    %gt3A_134 = arith.constant 0 : i32
    %gt3A_135 = arith.cmpi sgt, %select_n3A, %gt3A_134 : i32
    %convert_element_type3A_136 = arith.extui %gt3A_135 : i1 to i32
    %cond3A_137 = arith.constant 0 : i32
    %cond3A_138 = arith.cmpi ne, %convert_element_type3A_136, %cond3A_137 : i32
    scf.if %cond3A_138 {
      %dma_wait3A_412 = arith.constant 0 : i32
      %dma_wait3A_413 = arith.constant 0 : i32
      %dma_wait3A_414 = tpu.memref_slice %arg5[%dma_wait3A_412, %dma_wait3A_413] : memref<25x128xi32, #tpu.memory_space<vmem>> -> memref<1x128xi32, #tpu.memory_space<vmem>>
      %dma_wait3A_415 = tpu.memref_squeeze %dma_wait3A_414 : memref<1x128xi32, #tpu.memory_space<vmem>> -> memref<128xi32, #tpu.memory_space<vmem>>
      %dma_wait3A_416 = arith.constant 0 : i32
      %dma_wait3A_417 = tpu.memref_slice %arg3[%dma_wait3A_416] : memref<100000xi32, #tpu.memory_space<hbm>> -> memref<128xi32, #tpu.memory_space<hbm>>
      %dma_wait3A_418 = arith.constant 0 : i32
      %dma_wait3A_419 = tpu.memref_slice %arg5[%dma_wait3A_412, %dma_wait3A_418] : memref<25x128xi32, #tpu.memory_space<vmem>> -> memref<1x128xi32, #tpu.memory_space<vmem>>
      %dma_wait3A_420 = tpu.memref_squeeze %dma_wait3A_419 : memref<1x128xi32, #tpu.memory_space<vmem>> -> memref<128xi32, #tpu.memory_space<vmem>>
      %dma_wait3A_421 = arith.constant 0 : i32
      %dma_wait3A_422 = tpu.memref_slice %arg3[%dma_wait3A_421] : memref<100000xi32, #tpu.memory_space<hbm>> -> memref<128xi32, #tpu.memory_space<hbm>>
      tpu.wait_dma2 semaphore(%arg22 : memref<!tpu.dma_semaphore, #tpu.memory_space<semaphore_mem>>) src(%dma_wait3A_422 : memref<128xi32, #tpu.memory_space<hbm>>) dst(%dma_wait3A_420 : memref<128xi32, #tpu.memory_space<vmem>>)
    } else {
    }
    %gt3A_139 = arith.constant 1 : i32
    %gt3A_140 = arith.cmpi sgt, %select_n3A, %gt3A_139 : i32
    %convert_element_type3A_141 = arith.extui %gt3A_140 : i1 to i32
    %cond3A_142 = arith.constant 0 : i32
    %cond3A_143 = arith.cmpi ne, %convert_element_type3A_141, %cond3A_142 : i32
    scf.if %cond3A_143 {
      %dma_wait3A_412 = arith.constant 1 : i32
      %dma_wait3A_413 = arith.constant 0 : i32
      %dma_wait3A_414 = tpu.memref_slice %arg5[%dma_wait3A_412, %dma_wait3A_413] : memref<25x128xi32, #tpu.memory_space<vmem>> -> memref<1x128xi32, #tpu.memory_space<vmem>>
      %dma_wait3A_415 = tpu.memref_squeeze %dma_wait3A_414 : memref<1x128xi32, #tpu.memory_space<vmem>> -> memref<128xi32, #tpu.memory_space<vmem>>
      %dma_wait3A_416 = arith.constant 0 : i32
      %dma_wait3A_417 = tpu.memref_slice %arg3[%dma_wait3A_416] : memref<100000xi32, #tpu.memory_space<hbm>> -> memref<128xi32, #tpu.memory_space<hbm>>
      %dma_wait3A_418 = arith.constant 0 : i32
      %dma_wait3A_419 = tpu.memref_slice %arg5[%dma_wait3A_412, %dma_wait3A_418] : memref<25x128xi32, #tpu.memory_space<vmem>> -> memref<1x128xi32, #tpu.memory_space<vmem>>
      %dma_wait3A_420 = tpu.memref_squeeze %dma_wait3A_419 : memref<1x128xi32, #tpu.memory_space<vmem>> -> memref<128xi32, #tpu.memory_space<vmem>>
      %dma_wait3A_421 = arith.constant 0 : i32
      %dma_wait3A_422 = tpu.memref_slice %arg3[%dma_wait3A_421] : memref<100000xi32, #tpu.memory_space<hbm>> -> memref<128xi32, #tpu.memory_space<hbm>>
      tpu.wait_dma2 semaphore(%arg22 : memref<!tpu.dma_semaphore, #tpu.memory_space<semaphore_mem>>) src(%dma_wait3A_422 : memref<128xi32, #tpu.memory_space<hbm>>) dst(%dma_wait3A_420 : memref<128xi32, #tpu.memory_space<vmem>>)
    } else {
    }
    %gt3A_144 = arith.constant 2 : i32
    %gt3A_145 = arith.cmpi sgt, %select_n3A, %gt3A_144 : i32
    %convert_element_type3A_146 = arith.extui %gt3A_145 : i1 to i32
    %cond3A_147 = arith.constant 0 : i32
    %cond3A_148 = arith.cmpi ne, %convert_element_type3A_146, %cond3A_147 : i32
    scf.if %cond3A_148 {
      %dma_wait3A_412 = arith.constant 2 : i32
      %dma_wait3A_413 = arith.constant 0 : i32
      %dma_wait3A_414 = tpu.memref_slice %arg5[%dma_wait3A_412, %dma_wait3A_413] : memref<25x128xi32, #tpu.memory_space<vmem>> -> memref<1x128xi32, #tpu.memory_space<vmem>>
      %dma_wait3A_415 = tpu.memref_squeeze %dma_wait3A_414 : memref<1x128xi32, #tpu.memory_space<vmem>> -> memref<128xi32, #tpu.memory_space<vmem>>
      %dma_wait3A_416 = arith.constant 0 : i32
      %dma_wait3A_417 = tpu.memref_slice %arg3[%dma_wait3A_416] : memref<100000xi32, #tpu.memory_space<hbm>> -> memref<128xi32, #tpu.memory_space<hbm>>
      %dma_wait3A_418 = arith.constant 0 : i32
      %dma_wait3A_419 = tpu.memref_slice %arg5[%dma_wait3A_412, %dma_wait3A_418] : memref<25x128xi32, #tpu.memory_space<vmem>> -> memref<1x128xi32, #tpu.memory_space<vmem>>
      %dma_wait3A_420 = tpu.memref_squeeze %dma_wait3A_419 : memref<1x128xi32, #tpu.memory_space<vmem>> -> memref<128xi32, #tpu.memory_space<vmem>>
      %dma_wait3A_421 = arith.constant 0 : i32
      %dma_wait3A_422 = tpu.memref_slice %arg3[%dma_wait3A_421] : memref<100000xi32, #tpu.memory_space<hbm>> -> memref<128xi32, #tpu.memory_space<hbm>>
      tpu.wait_dma2 semaphore(%arg22 : memref<!tpu.dma_semaphore, #tpu.memory_space<semaphore_mem>>) src(%dma_wait3A_422 : memref<128xi32, #tpu.memory_space<hbm>>) dst(%dma_wait3A_420 : memref<128xi32, #tpu.memory_space<vmem>>)
    } else {
    }
    %gt3A_149 = arith.constant 3 : i32
    %gt3A_150 = arith.cmpi sgt, %select_n3A, %gt3A_149 : i32
    %convert_element_type3A_151 = arith.extui %gt3A_150 : i1 to i32
    %cond3A_152 = arith.constant 0 : i32
    %cond3A_153 = arith.cmpi ne, %convert_element_type3A_151, %cond3A_152 : i32
    scf.if %cond3A_153 {
      %dma_wait3A_412 = arith.constant 3 : i32
      %dma_wait3A_413 = arith.constant 0 : i32
      %dma_wait3A_414 = tpu.memref_slice %arg5[%dma_wait3A_412, %dma_wait3A_413] : memref<25x128xi32, #tpu.memory_space<vmem>> -> memref<1x128xi32, #tpu.memory_space<vmem>>
      %dma_wait3A_415 = tpu.memref_squeeze %dma_wait3A_414 : memref<1x128xi32, #tpu.memory_space<vmem>> -> memref<128xi32, #tpu.memory_space<vmem>>
      %dma_wait3A_416 = arith.constant 0 : i32
      %dma_wait3A_417 = tpu.memref_slice %arg3[%dma_wait3A_416] : memref<100000xi32, #tpu.memory_space<hbm>> -> memref<128xi32, #tpu.memory_space<hbm>>
      %dma_wait3A_418 = arith.constant 0 : i32
      %dma_wait3A_419 = tpu.memref_slice %arg5[%dma_wait3A_412, %dma_wait3A_418] : memref<25x128xi32, #tpu.memory_space<vmem>> -> memref<1x128xi32, #tpu.memory_space<vmem>>
      %dma_wait3A_420 = tpu.memref_squeeze %dma_wait3A_419 : memref<1x128xi32, #tpu.memory_space<vmem>> -> memref<128xi32, #tpu.memory_space<vmem>>
      %dma_wait3A_421 = arith.constant 0 : i32
      %dma_wait3A_422 = tpu.memref_slice %arg3[%dma_wait3A_421] : memref<100000xi32, #tpu.memory_space<hbm>> -> memref<128xi32, #tpu.memory_space<hbm>>
      tpu.wait_dma2 semaphore(%arg22 : memref<!tpu.dma_semaphore, #tpu.memory_space<semaphore_mem>>) src(%dma_wait3A_422 : memref<128xi32, #tpu.memory_space<hbm>>) dst(%dma_wait3A_420 : memref<128xi32, #tpu.memory_space<vmem>>)
    } else {
    }
    %gt3A_154 = arith.constant 4 : i32
    %gt3A_155 = arith.cmpi sgt, %select_n3A, %gt3A_154 : i32
    %convert_element_type3A_156 = arith.extui %gt3A_155 : i1 to i32
    %cond3A_157 = arith.constant 0 : i32
    %cond3A_158 = arith.cmpi ne, %convert_element_type3A_156, %cond3A_157 : i32
    scf.if %cond3A_158 {
      %dma_wait3A_412 = arith.constant 4 : i32
      %dma_wait3A_413 = arith.constant 0 : i32
      %dma_wait3A_414 = tpu.memref_slice %arg5[%dma_wait3A_412, %dma_wait3A_413] : memref<25x128xi32, #tpu.memory_space<vmem>> -> memref<1x128xi32, #tpu.memory_space<vmem>>
      %dma_wait3A_415 = tpu.memref_squeeze %dma_wait3A_414 : memref<1x128xi32, #tpu.memory_space<vmem>> -> memref<128xi32, #tpu.memory_space<vmem>>
      %dma_wait3A_416 = arith.constant 0 : i32
      %dma_wait3A_417 = tpu.memref_slice %arg3[%dma_wait3A_416] : memref<100000xi32, #tpu.memory_space<hbm>> -> memref<128xi32, #tpu.memory_space<hbm>>
      %dma_wait3A_418 = arith.constant 0 : i32
      %dma_wait3A_419 = tpu.memref_slice %arg5[%dma_wait3A_412, %dma_wait3A_418] : memref<25x128xi32, #tpu.memory_space<vmem>> -> memref<1x128xi32, #tpu.memory_space<vmem>>
      %dma_wait3A_420 = tpu.memref_squeeze %dma_wait3A_419 : memref<1x128xi32, #tpu.memory_space<vmem>> -> memref<128xi32, #tpu.memory_space<vmem>>
      %dma_wait3A_421 = arith.constant 0 : i32
      %dma_wait3A_422 = tpu.memref_slice %arg3[%dma_wait3A_421] : memref<100000xi32, #tpu.memory_space<hbm>> -> memref<128xi32, #tpu.memory_space<hbm>>
      tpu.wait_dma2 semaphore(%arg22 : memref<!tpu.dma_semaphore, #tpu.memory_space<semaphore_mem>>) src(%dma_wait3A_422 : memref<128xi32, #tpu.memory_space<hbm>>) dst(%dma_wait3A_420 : memref<128xi32, #tpu.memory_space<vmem>>)
    } else {
    }
    %gt3A_159 = arith.constant 5 : i32
    %gt3A_160 = arith.cmpi sgt, %select_n3A, %gt3A_159 : i32
    %convert_element_type3A_161 = arith.extui %gt3A_160 : i1 to i32
    %cond3A_162 = arith.constant 0 : i32
    %cond3A_163 = arith.cmpi ne, %convert_element_type3A_161, %cond3A_162 : i32
    scf.if %cond3A_163 {
      %dma_wait3A_412 = arith.constant 5 : i32
      %dma_wait3A_413 = arith.constant 0 : i32
      %dma_wait3A_414 = tpu.memref_slice %arg5[%dma_wait3A_412, %dma_wait3A_413] : memref<25x128xi32, #tpu.memory_space<vmem>> -> memref<1x128xi32, #tpu.memory_space<vmem>>
      %dma_wait3A_415 = tpu.memref_squeeze %dma_wait3A_414 : memref<1x128xi32, #tpu.memory_space<vmem>> -> memref<128xi32, #tpu.memory_space<vmem>>
      %dma_wait3A_416 = arith.constant 0 : i32
      %dma_wait3A_417 = tpu.memref_slice %arg3[%dma_wait3A_416] : memref<100000xi32, #tpu.memory_space<hbm>> -> memref<128xi32, #tpu.memory_space<hbm>>
      %dma_wait3A_418 = arith.constant 0 : i32
      %dma_wait3A_419 = tpu.memref_slice %arg5[%dma_wait3A_412, %dma_wait3A_418] : memref<25x128xi32, #tpu.memory_space<vmem>> -> memref<1x128xi32, #tpu.memory_space<vmem>>
      %dma_wait3A_420 = tpu.memref_squeeze %dma_wait3A_419 : memref<1x128xi32, #tpu.memory_space<vmem>> -> memref<128xi32, #tpu.memory_space<vmem>>
      %dma_wait3A_421 = arith.constant 0 : i32
      %dma_wait3A_422 = tpu.memref_slice %arg3[%dma_wait3A_421] : memref<100000xi32, #tpu.memory_space<hbm>> -> memref<128xi32, #tpu.memory_space<hbm>>
      tpu.wait_dma2 semaphore(%arg22 : memref<!tpu.dma_semaphore, #tpu.memory_space<semaphore_mem>>) src(%dma_wait3A_422 : memref<128xi32, #tpu.memory_space<hbm>>) dst(%dma_wait3A_420 : memref<128xi32, #tpu.memory_space<vmem>>)
    } else {
    }
    %gt3A_164 = arith.constant 6 : i32
    %gt3A_165 = arith.cmpi sgt, %select_n3A, %gt3A_164 : i32
    %convert_element_type3A_166 = arith.extui %gt3A_165 : i1 to i32
    %cond3A_167 = arith.constant 0 : i32
    %cond3A_168 = arith.cmpi ne, %convert_element_type3A_166, %cond3A_167 : i32
    scf.if %cond3A_168 {
      %dma_wait3A_412 = arith.constant 6 : i32
      %dma_wait3A_413 = arith.constant 0 : i32
      %dma_wait3A_414 = tpu.memref_slice %arg5[%dma_wait3A_412, %dma_wait3A_413] : memref<25x128xi32, #tpu.memory_space<vmem>> -> memref<1x128xi32, #tpu.memory_space<vmem>>
      %dma_wait3A_415 = tpu.memref_squeeze %dma_wait3A_414 : memref<1x128xi32, #tpu.memory_space<vmem>> -> memref<128xi32, #tpu.memory_space<vmem>>
      %dma_wait3A_416 = arith.constant 0 : i32
      %dma_wait3A_417 = tpu.memref_slice %arg3[%dma_wait3A_416] : memref<100000xi32, #tpu.memory_space<hbm>> -> memref<128xi32, #tpu.memory_space<hbm>>
      %dma_wait3A_418 = arith.constant 0 : i32
      %dma_wait3A_419 = tpu.memref_slice %arg5[%dma_wait3A_412, %dma_wait3A_418] : memref<25x128xi32, #tpu.memory_space<vmem>> -> memref<1x128xi32, #tpu.memory_space<vmem>>
      %dma_wait3A_420 = tpu.memref_squeeze %dma_wait3A_419 : memref<1x128xi32, #tpu.memory_space<vmem>> -> memref<128xi32, #tpu.memory_space<vmem>>
      %dma_wait3A_421 = arith.constant 0 : i32
      %dma_wait3A_422 = tpu.memref_slice %arg3[%dma_wait3A_421] : memref<100000xi32, #tpu.memory_space<hbm>> -> memref<128xi32, #tpu.memory_space<hbm>>
      tpu.wait_dma2 semaphore(%arg22 : memref<!tpu.dma_semaphore, #tpu.memory_space<semaphore_mem>>) src(%dma_wait3A_422 : memref<128xi32, #tpu.memory_space<hbm>>) dst(%dma_wait3A_420 : memref<128xi32, #tpu.memory_space<vmem>>)
    } else {
    }
    %gt3A_169 = arith.constant 7 : i32
    %gt3A_170 = arith.cmpi sgt, %select_n3A, %gt3A_169 : i32
    %convert_element_type3A_171 = arith.extui %gt3A_170 : i1 to i32
    %cond3A_172 = arith.constant 0 : i32
    %cond3A_173 = arith.cmpi ne, %convert_element_type3A_171, %cond3A_172 : i32
    scf.if %cond3A_173 {
      %dma_wait3A_412 = arith.constant 7 : i32
      %dma_wait3A_413 = arith.constant 0 : i32
      %dma_wait3A_414 = tpu.memref_slice %arg5[%dma_wait3A_412, %dma_wait3A_413] : memref<25x128xi32, #tpu.memory_space<vmem>> -> memref<1x128xi32, #tpu.memory_space<vmem>>
      %dma_wait3A_415 = tpu.memref_squeeze %dma_wait3A_414 : memref<1x128xi32, #tpu.memory_space<vmem>> -> memref<128xi32, #tpu.memory_space<vmem>>
      %dma_wait3A_416 = arith.constant 0 : i32
      %dma_wait3A_417 = tpu.memref_slice %arg3[%dma_wait3A_416] : memref<100000xi32, #tpu.memory_space<hbm>> -> memref<128xi32, #tpu.memory_space<hbm>>
      %dma_wait3A_418 = arith.constant 0 : i32
      %dma_wait3A_419 = tpu.memref_slice %arg5[%dma_wait3A_412, %dma_wait3A_418] : memref<25x128xi32, #tpu.memory_space<vmem>> -> memref<1x128xi32, #tpu.memory_space<vmem>>
      %dma_wait3A_420 = tpu.memref_squeeze %dma_wait3A_419 : memref<1x128xi32, #tpu.memory_space<vmem>> -> memref<128xi32, #tpu.memory_space<vmem>>
      %dma_wait3A_421 = arith.constant 0 : i32
      %dma_wait3A_422 = tpu.memref_slice %arg3[%dma_wait3A_421] : memref<100000xi32, #tpu.memory_space<hbm>> -> memref<128xi32, #tpu.memory_space<hbm>>
      tpu.wait_dma2 semaphore(%arg22 : memref<!tpu.dma_semaphore, #tpu.memory_space<semaphore_mem>>) src(%dma_wait3A_422 : memref<128xi32, #tpu.memory_space<hbm>>) dst(%dma_wait3A_420 : memref<128xi32, #tpu.memory_space<vmem>>)
    } else {
    }
    %gt3A_174 = arith.constant 8 : i32
    %gt3A_175 = arith.cmpi sgt, %select_n3A, %gt3A_174 : i32
    %convert_element_type3A_176 = arith.extui %gt3A_175 : i1 to i32
    %cond3A_177 = arith.constant 0 : i32
    %cond3A_178 = arith.cmpi ne, %convert_element_type3A_176, %cond3A_177 : i32
    scf.if %cond3A_178 {
      %dma_wait3A_412 = arith.constant 8 : i32
      %dma_wait3A_413 = arith.constant 0 : i32
      %dma_wait3A_414 = tpu.memref_slice %arg5[%dma_wait3A_412, %dma_wait3A_413] : memref<25x128xi32, #tpu.memory_space<vmem>> -> memref<1x128xi32, #tpu.memory_space<vmem>>
      %dma_wait3A_415 = tpu.memref_squeeze %dma_wait3A_414 : memref<1x128xi32, #tpu.memory_space<vmem>> -> memref<128xi32, #tpu.memory_space<vmem>>
      %dma_wait3A_416 = arith.constant 0 : i32
      %dma_wait3A_417 = tpu.memref_slice %arg3[%dma_wait3A_416] : memref<100000xi32, #tpu.memory_space<hbm>> -> memref<128xi32, #tpu.memory_space<hbm>>
      %dma_wait3A_418 = arith.constant 0 : i32
      %dma_wait3A_419 = tpu.memref_slice %arg5[%dma_wait3A_412, %dma_wait3A_418] : memref<25x128xi32, #tpu.memory_space<vmem>> -> memref<1x128xi32, #tpu.memory_space<vmem>>
      %dma_wait3A_420 = tpu.memref_squeeze %dma_wait3A_419 : memref<1x128xi32, #tpu.memory_space<vmem>> -> memref<128xi32, #tpu.memory_space<vmem>>
      %dma_wait3A_421 = arith.constant 0 : i32
      %dma_wait3A_422 = tpu.memref_slice %arg3[%dma_wait3A_421] : memref<100000xi32, #tpu.memory_space<hbm>> -> memref<128xi32, #tpu.memory_space<hbm>>
      tpu.wait_dma2 semaphore(%arg22 : memref<!tpu.dma_semaphore, #tpu.memory_space<semaphore_mem>>) src(%dma_wait3A_422 : memref<128xi32, #tpu.memory_space<hbm>>) dst(%dma_wait3A_420 : memref<128xi32, #tpu.memory_space<vmem>>)
    } else {
    }
    %gt3A_179 = arith.constant 9 : i32
    %gt3A_180 = arith.cmpi sgt, %select_n3A, %gt3A_179 : i32
    %convert_element_type3A_181 = arith.extui %gt3A_180 : i1 to i32
    %cond3A_182 = arith.constant 0 : i32
    %cond3A_183 = arith.cmpi ne, %convert_element_type3A_181, %cond3A_182 : i32
    scf.if %cond3A_183 {
      %dma_wait3A_412 = arith.constant 9 : i32
      %dma_wait3A_413 = arith.constant 0 : i32
      %dma_wait3A_414 = tpu.memref_slice %arg5[%dma_wait3A_412, %dma_wait3A_413] : memref<25x128xi32, #tpu.memory_space<vmem>> -> memref<1x128xi32, #tpu.memory_space<vmem>>
      %dma_wait3A_415 = tpu.memref_squeeze %dma_wait3A_414 : memref<1x128xi32, #tpu.memory_space<vmem>> -> memref<128xi32, #tpu.memory_space<vmem>>
      %dma_wait3A_416 = arith.constant 0 : i32
      %dma_wait3A_417 = tpu.memref_slice %arg3[%dma_wait3A_416] : memref<100000xi32, #tpu.memory_space<hbm>> -> memref<128xi32, #tpu.memory_space<hbm>>
      %dma_wait3A_418 = arith.constant 0 : i32
      %dma_wait3A_419 = tpu.memref_slice %arg5[%dma_wait3A_412, %dma_wait3A_418] : memref<25x128xi32, #tpu.memory_space<vmem>> -> memref<1x128xi32, #tpu.memory_space<vmem>>
      %dma_wait3A_420 = tpu.memref_squeeze %dma_wait3A_419 : memref<1x128xi32, #tpu.memory_space<vmem>> -> memref<128xi32, #tpu.memory_space<vmem>>
      %dma_wait3A_421 = arith.constant 0 : i32
      %dma_wait3A_422 = tpu.memref_slice %arg3[%dma_wait3A_421] : memref<100000xi32, #tpu.memory_space<hbm>> -> memref<128xi32, #tpu.memory_space<hbm>>
      tpu.wait_dma2 semaphore(%arg22 : memref<!tpu.dma_semaphore, #tpu.memory_space<semaphore_mem>>) src(%dma_wait3A_422 : memref<128xi32, #tpu.memory_space<hbm>>) dst(%dma_wait3A_420 : memref<128xi32, #tpu.memory_space<vmem>>)
    } else {
    }
    %gt3A_184 = arith.constant 10 : i32
    %gt3A_185 = arith.cmpi sgt, %select_n3A, %gt3A_184 : i32
    %convert_element_type3A_186 = arith.extui %gt3A_185 : i1 to i32
    %cond3A_187 = arith.constant 0 : i32
    %cond3A_188 = arith.cmpi ne, %convert_element_type3A_186, %cond3A_187 : i32
    scf.if %cond3A_188 {
      %dma_wait3A_412 = arith.constant 10 : i32
      %dma_wait3A_413 = arith.constant 0 : i32
      %dma_wait3A_414 = tpu.memref_slice %arg5[%dma_wait3A_412, %dma_wait3A_413] : memref<25x128xi32, #tpu.memory_space<vmem>> -> memref<1x128xi32, #tpu.memory_space<vmem>>
      %dma_wait3A_415 = tpu.memref_squeeze %dma_wait3A_414 : memref<1x128xi32, #tpu.memory_space<vmem>> -> memref<128xi32, #tpu.memory_space<vmem>>
      %dma_wait3A_416 = arith.constant 0 : i32
      %dma_wait3A_417 = tpu.memref_slice %arg3[%dma_wait3A_416] : memref<100000xi32, #tpu.memory_space<hbm>> -> memref<128xi32, #tpu.memory_space<hbm>>
      %dma_wait3A_418 = arith.constant 0 : i32
      %dma_wait3A_419 = tpu.memref_slice %arg5[%dma_wait3A_412, %dma_wait3A_418] : memref<25x128xi32, #tpu.memory_space<vmem>> -> memref<1x128xi32, #tpu.memory_space<vmem>>
      %dma_wait3A_420 = tpu.memref_squeeze %dma_wait3A_419 : memref<1x128xi32, #tpu.memory_space<vmem>> -> memref<128xi32, #tpu.memory_space<vmem>>
      %dma_wait3A_421 = arith.constant 0 : i32
      %dma_wait3A_422 = tpu.memref_slice %arg3[%dma_wait3A_421] : memref<100000xi32, #tpu.memory_space<hbm>> -> memref<128xi32, #tpu.memory_space<hbm>>
      tpu.wait_dma2 semaphore(%arg22 : memref<!tpu.dma_semaphore, #tpu.memory_space<semaphore_mem>>) src(%dma_wait3A_422 : memref<128xi32, #tpu.memory_space<hbm>>) dst(%dma_wait3A_420 : memref<128xi32, #tpu.memory_space<vmem>>)
    } else {
    }
    %gt3A_189 = arith.constant 11 : i32
    %gt3A_190 = arith.cmpi sgt, %select_n3A, %gt3A_189 : i32
    %convert_element_type3A_191 = arith.extui %gt3A_190 : i1 to i32
    %cond3A_192 = arith.constant 0 : i32
    %cond3A_193 = arith.cmpi ne, %convert_element_type3A_191, %cond3A_192 : i32
    scf.if %cond3A_193 {
      %dma_wait3A_412 = arith.constant 11 : i32
      %dma_wait3A_413 = arith.constant 0 : i32
      %dma_wait3A_414 = tpu.memref_slice %arg5[%dma_wait3A_412, %dma_wait3A_413] : memref<25x128xi32, #tpu.memory_space<vmem>> -> memref<1x128xi32, #tpu.memory_space<vmem>>
      %dma_wait3A_415 = tpu.memref_squeeze %dma_wait3A_414 : memref<1x128xi32, #tpu.memory_space<vmem>> -> memref<128xi32, #tpu.memory_space<vmem>>
      %dma_wait3A_416 = arith.constant 0 : i32
      %dma_wait3A_417 = tpu.memref_slice %arg3[%dma_wait3A_416] : memref<100000xi32, #tpu.memory_space<hbm>> -> memref<128xi32, #tpu.memory_space<hbm>>
      %dma_wait3A_418 = arith.constant 0 : i32
      %dma_wait3A_419 = tpu.memref_slice %arg5[%dma_wait3A_412, %dma_wait3A_418] : memref<25x128xi32, #tpu.memory_space<vmem>> -> memref<1x128xi32, #tpu.memory_space<vmem>>
      %dma_wait3A_420 = tpu.memref_squeeze %dma_wait3A_419 : memref<1x128xi32, #tpu.memory_space<vmem>> -> memref<128xi32, #tpu.memory_space<vmem>>
      %dma_wait3A_421 = arith.constant 0 : i32
      %dma_wait3A_422 = tpu.memref_slice %arg3[%dma_wait3A_421] : memref<100000xi32, #tpu.memory_space<hbm>> -> memref<128xi32, #tpu.memory_space<hbm>>
      tpu.wait_dma2 semaphore(%arg22 : memref<!tpu.dma_semaphore, #tpu.memory_space<semaphore_mem>>) src(%dma_wait3A_422 : memref<128xi32, #tpu.memory_space<hbm>>) dst(%dma_wait3A_420 : memref<128xi32, #tpu.memory_space<vmem>>)
    } else {
    }
    %gt3A_194 = arith.constant 12 : i32
    %gt3A_195 = arith.cmpi sgt, %select_n3A, %gt3A_194 : i32
    %convert_element_type3A_196 = arith.extui %gt3A_195 : i1 to i32
    %cond3A_197 = arith.constant 0 : i32
    %cond3A_198 = arith.cmpi ne, %convert_element_type3A_196, %cond3A_197 : i32
    scf.if %cond3A_198 {
      %dma_wait3A_412 = arith.constant 12 : i32
      %dma_wait3A_413 = arith.constant 0 : i32
      %dma_wait3A_414 = tpu.memref_slice %arg5[%dma_wait3A_412, %dma_wait3A_413] : memref<25x128xi32, #tpu.memory_space<vmem>> -> memref<1x128xi32, #tpu.memory_space<vmem>>
      %dma_wait3A_415 = tpu.memref_squeeze %dma_wait3A_414 : memref<1x128xi32, #tpu.memory_space<vmem>> -> memref<128xi32, #tpu.memory_space<vmem>>
      %dma_wait3A_416 = arith.constant 0 : i32
      %dma_wait3A_417 = tpu.memref_slice %arg3[%dma_wait3A_416] : memref<100000xi32, #tpu.memory_space<hbm>> -> memref<128xi32, #tpu.memory_space<hbm>>
      %dma_wait3A_418 = arith.constant 0 : i32
      %dma_wait3A_419 = tpu.memref_slice %arg5[%dma_wait3A_412, %dma_wait3A_418] : memref<25x128xi32, #tpu.memory_space<vmem>> -> memref<1x128xi32, #tpu.memory_space<vmem>>
      %dma_wait3A_420 = tpu.memref_squeeze %dma_wait3A_419 : memref<1x128xi32, #tpu.memory_space<vmem>> -> memref<128xi32, #tpu.memory_space<vmem>>
      %dma_wait3A_421 = arith.constant 0 : i32
      %dma_wait3A_422 = tpu.memref_slice %arg3[%dma_wait3A_421] : memref<100000xi32, #tpu.memory_space<hbm>> -> memref<128xi32, #tpu.memory_space<hbm>>
      tpu.wait_dma2 semaphore(%arg22 : memref<!tpu.dma_semaphore, #tpu.memory_space<semaphore_mem>>) src(%dma_wait3A_422 : memref<128xi32, #tpu.memory_space<hbm>>) dst(%dma_wait3A_420 : memref<128xi32, #tpu.memory_space<vmem>>)
    } else {
    }
    %gt3A_199 = arith.constant 13 : i32
    %gt3A_200 = arith.cmpi sgt, %select_n3A, %gt3A_199 : i32
    %convert_element_type3A_201 = arith.extui %gt3A_200 : i1 to i32
    %cond3A_202 = arith.constant 0 : i32
    %cond3A_203 = arith.cmpi ne, %convert_element_type3A_201, %cond3A_202 : i32
    scf.if %cond3A_203 {
      %dma_wait3A_412 = arith.constant 13 : i32
      %dma_wait3A_413 = arith.constant 0 : i32
      %dma_wait3A_414 = tpu.memref_slice %arg5[%dma_wait3A_412, %dma_wait3A_413] : memref<25x128xi32, #tpu.memory_space<vmem>> -> memref<1x128xi32, #tpu.memory_space<vmem>>
      %dma_wait3A_415 = tpu.memref_squeeze %dma_wait3A_414 : memref<1x128xi32, #tpu.memory_space<vmem>> -> memref<128xi32, #tpu.memory_space<vmem>>
      %dma_wait3A_416 = arith.constant 0 : i32
      %dma_wait3A_417 = tpu.memref_slice %arg3[%dma_wait3A_416] : memref<100000xi32, #tpu.memory_space<hbm>> -> memref<128xi32, #tpu.memory_space<hbm>>
      %dma_wait3A_418 = arith.constant 0 : i32
      %dma_wait3A_419 = tpu.memref_slice %arg5[%dma_wait3A_412, %dma_wait3A_418] : memref<25x128xi32, #tpu.memory_space<vmem>> -> memref<1x128xi32, #tpu.memory_space<vmem>>
      %dma_wait3A_420 = tpu.memref_squeeze %dma_wait3A_419 : memref<1x128xi32, #tpu.memory_space<vmem>> -> memref<128xi32, #tpu.memory_space<vmem>>
      %dma_wait3A_421 = arith.constant 0 : i32
      %dma_wait3A_422 = tpu.memref_slice %arg3[%dma_wait3A_421] : memref<100000xi32, #tpu.memory_space<hbm>> -> memref<128xi32, #tpu.memory_space<hbm>>
      tpu.wait_dma2 semaphore(%arg22 : memref<!tpu.dma_semaphore, #tpu.memory_space<semaphore_mem>>) src(%dma_wait3A_422 : memref<128xi32, #tpu.memory_space<hbm>>) dst(%dma_wait3A_420 : memref<128xi32, #tpu.memory_space<vmem>>)
    } else {
    }
    %gt3A_204 = arith.constant 14 : i32
    %gt3A_205 = arith.cmpi sgt, %select_n3A, %gt3A_204 : i32
    %convert_element_type3A_206 = arith.extui %gt3A_205 : i1 to i32
    %cond3A_207 = arith.constant 0 : i32
    %cond3A_208 = arith.cmpi ne, %convert_element_type3A_206, %cond3A_207 : i32
    scf.if %cond3A_208 {
      %dma_wait3A_412 = arith.constant 14 : i32
      %dma_wait3A_413 = arith.constant 0 : i32
      %dma_wait3A_414 = tpu.memref_slice %arg5[%dma_wait3A_412, %dma_wait3A_413] : memref<25x128xi32, #tpu.memory_space<vmem>> -> memref<1x128xi32, #tpu.memory_space<vmem>>
      %dma_wait3A_415 = tpu.memref_squeeze %dma_wait3A_414 : memref<1x128xi32, #tpu.memory_space<vmem>> -> memref<128xi32, #tpu.memory_space<vmem>>
      %dma_wait3A_416 = arith.constant 0 : i32
      %dma_wait3A_417 = tpu.memref_slice %arg3[%dma_wait3A_416] : memref<100000xi32, #tpu.memory_space<hbm>> -> memref<128xi32, #tpu.memory_space<hbm>>
      %dma_wait3A_418 = arith.constant 0 : i32
      %dma_wait3A_419 = tpu.memref_slice %arg5[%dma_wait3A_412, %dma_wait3A_418] : memref<25x128xi32, #tpu.memory_space<vmem>> -> memref<1x128xi32, #tpu.memory_space<vmem>>
      %dma_wait3A_420 = tpu.memref_squeeze %dma_wait3A_419 : memref<1x128xi32, #tpu.memory_space<vmem>> -> memref<128xi32, #tpu.memory_space<vmem>>
      %dma_wait3A_421 = arith.constant 0 : i32
      %dma_wait3A_422 = tpu.memref_slice %arg3[%dma_wait3A_421] : memref<100000xi32, #tpu.memory_space<hbm>> -> memref<128xi32, #tpu.memory_space<hbm>>
      tpu.wait_dma2 semaphore(%arg22 : memref<!tpu.dma_semaphore, #tpu.memory_space<semaphore_mem>>) src(%dma_wait3A_422 : memref<128xi32, #tpu.memory_space<hbm>>) dst(%dma_wait3A_420 : memref<128xi32, #tpu.memory_space<vmem>>)
    } else {
    }
    %gt3A_209 = arith.constant 15 : i32
    %gt3A_210 = arith.cmpi sgt, %select_n3A, %gt3A_209 : i32
    %convert_element_type3A_211 = arith.extui %gt3A_210 : i1 to i32
    %cond3A_212 = arith.constant 0 : i32
    %cond3A_213 = arith.cmpi ne, %convert_element_type3A_211, %cond3A_212 : i32
    scf.if %cond3A_213 {
      %dma_wait3A_412 = arith.constant 15 : i32
      %dma_wait3A_413 = arith.constant 0 : i32
      %dma_wait3A_414 = tpu.memref_slice %arg5[%dma_wait3A_412, %dma_wait3A_413] : memref<25x128xi32, #tpu.memory_space<vmem>> -> memref<1x128xi32, #tpu.memory_space<vmem>>
      %dma_wait3A_415 = tpu.memref_squeeze %dma_wait3A_414 : memref<1x128xi32, #tpu.memory_space<vmem>> -> memref<128xi32, #tpu.memory_space<vmem>>
      %dma_wait3A_416 = arith.constant 0 : i32
      %dma_wait3A_417 = tpu.memref_slice %arg3[%dma_wait3A_416] : memref<100000xi32, #tpu.memory_space<hbm>> -> memref<128xi32, #tpu.memory_space<hbm>>
      %dma_wait3A_418 = arith.constant 0 : i32
      %dma_wait3A_419 = tpu.memref_slice %arg5[%dma_wait3A_412, %dma_wait3A_418] : memref<25x128xi32, #tpu.memory_space<vmem>> -> memref<1x128xi32, #tpu.memory_space<vmem>>
      %dma_wait3A_420 = tpu.memref_squeeze %dma_wait3A_419 : memref<1x128xi32, #tpu.memory_space<vmem>> -> memref<128xi32, #tpu.memory_space<vmem>>
      %dma_wait3A_421 = arith.constant 0 : i32
      %dma_wait3A_422 = tpu.memref_slice %arg3[%dma_wait3A_421] : memref<100000xi32, #tpu.memory_space<hbm>> -> memref<128xi32, #tpu.memory_space<hbm>>
      tpu.wait_dma2 semaphore(%arg22 : memref<!tpu.dma_semaphore, #tpu.memory_space<semaphore_mem>>) src(%dma_wait3A_422 : memref<128xi32, #tpu.memory_space<hbm>>) dst(%dma_wait3A_420 : memref<128xi32, #tpu.memory_space<vmem>>)
    } else {
    }
    %gt3A_214 = arith.constant 16 : i32
    %gt3A_215 = arith.cmpi sgt, %select_n3A, %gt3A_214 : i32
    %convert_element_type3A_216 = arith.extui %gt3A_215 : i1 to i32
    %cond3A_217 = arith.constant 0 : i32
    %cond3A_218 = arith.cmpi ne, %convert_element_type3A_216, %cond3A_217 : i32
    scf.if %cond3A_218 {
      %dma_wait3A_412 = arith.constant 16 : i32
      %dma_wait3A_413 = arith.constant 0 : i32
      %dma_wait3A_414 = tpu.memref_slice %arg5[%dma_wait3A_412, %dma_wait3A_413] : memref<25x128xi32, #tpu.memory_space<vmem>> -> memref<1x128xi32, #tpu.memory_space<vmem>>
      %dma_wait3A_415 = tpu.memref_squeeze %dma_wait3A_414 : memref<1x128xi32, #tpu.memory_space<vmem>> -> memref<128xi32, #tpu.memory_space<vmem>>
      %dma_wait3A_416 = arith.constant 0 : i32
      %dma_wait3A_417 = tpu.memref_slice %arg3[%dma_wait3A_416] : memref<100000xi32, #tpu.memory_space<hbm>> -> memref<128xi32, #tpu.memory_space<hbm>>
      %dma_wait3A_418 = arith.constant 0 : i32
      %dma_wait3A_419 = tpu.memref_slice %arg5[%dma_wait3A_412, %dma_wait3A_418] : memref<25x128xi32, #tpu.memory_space<vmem>> -> memref<1x128xi32, #tpu.memory_space<vmem>>
      %dma_wait3A_420 = tpu.memref_squeeze %dma_wait3A_419 : memref<1x128xi32, #tpu.memory_space<vmem>> -> memref<128xi32, #tpu.memory_space<vmem>>
      %dma_wait3A_421 = arith.constant 0 : i32
      %dma_wait3A_422 = tpu.memref_slice %arg3[%dma_wait3A_421] : memref<100000xi32, #tpu.memory_space<hbm>> -> memref<128xi32, #tpu.memory_space<hbm>>
      tpu.wait_dma2 semaphore(%arg22 : memref<!tpu.dma_semaphore, #tpu.memory_space<semaphore_mem>>) src(%dma_wait3A_422 : memref<128xi32, #tpu.memory_space<hbm>>) dst(%dma_wait3A_420 : memref<128xi32, #tpu.memory_space<vmem>>)
    } else {
    }
    %gt3A_219 = arith.constant 17 : i32
    %gt3A_220 = arith.cmpi sgt, %select_n3A, %gt3A_219 : i32
    %convert_element_type3A_221 = arith.extui %gt3A_220 : i1 to i32
    %cond3A_222 = arith.constant 0 : i32
    %cond3A_223 = arith.cmpi ne, %convert_element_type3A_221, %cond3A_222 : i32
    scf.if %cond3A_223 {
      %dma_wait3A_412 = arith.constant 17 : i32
      %dma_wait3A_413 = arith.constant 0 : i32
      %dma_wait3A_414 = tpu.memref_slice %arg5[%dma_wait3A_412, %dma_wait3A_413] : memref<25x128xi32, #tpu.memory_space<vmem>> -> memref<1x128xi32, #tpu.memory_space<vmem>>
      %dma_wait3A_415 = tpu.memref_squeeze %dma_wait3A_414 : memref<1x128xi32, #tpu.memory_space<vmem>> -> memref<128xi32, #tpu.memory_space<vmem>>
      %dma_wait3A_416 = arith.constant 0 : i32
      %dma_wait3A_417 = tpu.memref_slice %arg3[%dma_wait3A_416] : memref<100000xi32, #tpu.memory_space<hbm>> -> memref<128xi32, #tpu.memory_space<hbm>>
      %dma_wait3A_418 = arith.constant 0 : i32
      %dma_wait3A_419 = tpu.memref_slice %arg5[%dma_wait3A_412, %dma_wait3A_418] : memref<25x128xi32, #tpu.memory_space<vmem>> -> memref<1x128xi32, #tpu.memory_space<vmem>>
      %dma_wait3A_420 = tpu.memref_squeeze %dma_wait3A_419 : memref<1x128xi32, #tpu.memory_space<vmem>> -> memref<128xi32, #tpu.memory_space<vmem>>
      %dma_wait3A_421 = arith.constant 0 : i32
      %dma_wait3A_422 = tpu.memref_slice %arg3[%dma_wait3A_421] : memref<100000xi32, #tpu.memory_space<hbm>> -> memref<128xi32, #tpu.memory_space<hbm>>
      tpu.wait_dma2 semaphore(%arg22 : memref<!tpu.dma_semaphore, #tpu.memory_space<semaphore_mem>>) src(%dma_wait3A_422 : memref<128xi32, #tpu.memory_space<hbm>>) dst(%dma_wait3A_420 : memref<128xi32, #tpu.memory_space<vmem>>)
    } else {
    }
    %gt3A_224 = arith.constant 18 : i32
    %gt3A_225 = arith.cmpi sgt, %select_n3A, %gt3A_224 : i32
    %convert_element_type3A_226 = arith.extui %gt3A_225 : i1 to i32
    %cond3A_227 = arith.constant 0 : i32
    %cond3A_228 = arith.cmpi ne, %convert_element_type3A_226, %cond3A_227 : i32
    scf.if %cond3A_228 {
      %dma_wait3A_412 = arith.constant 18 : i32
      %dma_wait3A_413 = arith.constant 0 : i32
      %dma_wait3A_414 = tpu.memref_slice %arg5[%dma_wait3A_412, %dma_wait3A_413] : memref<25x128xi32, #tpu.memory_space<vmem>> -> memref<1x128xi32, #tpu.memory_space<vmem>>
      %dma_wait3A_415 = tpu.memref_squeeze %dma_wait3A_414 : memref<1x128xi32, #tpu.memory_space<vmem>> -> memref<128xi32, #tpu.memory_space<vmem>>
      %dma_wait3A_416 = arith.constant 0 : i32
      %dma_wait3A_417 = tpu.memref_slice %arg3[%dma_wait3A_416] : memref<100000xi32, #tpu.memory_space<hbm>> -> memref<128xi32, #tpu.memory_space<hbm>>
      %dma_wait3A_418 = arith.constant 0 : i32
      %dma_wait3A_419 = tpu.memref_slice %arg5[%dma_wait3A_412, %dma_wait3A_418] : memref<25x128xi32, #tpu.memory_space<vmem>> -> memref<1x128xi32, #tpu.memory_space<vmem>>
      %dma_wait3A_420 = tpu.memref_squeeze %dma_wait3A_419 : memref<1x128xi32, #tpu.memory_space<vmem>> -> memref<128xi32, #tpu.memory_space<vmem>>
      %dma_wait3A_421 = arith.constant 0 : i32
      %dma_wait3A_422 = tpu.memref_slice %arg3[%dma_wait3A_421] : memref<100000xi32, #tpu.memory_space<hbm>> -> memref<128xi32, #tpu.memory_space<hbm>>
      tpu.wait_dma2 semaphore(%arg22 : memref<!tpu.dma_semaphore, #tpu.memory_space<semaphore_mem>>) src(%dma_wait3A_422 : memref<128xi32, #tpu.memory_space<hbm>>) dst(%dma_wait3A_420 : memref<128xi32, #tpu.memory_space<vmem>>)
    } else {
    }
    %gt3A_229 = arith.constant 19 : i32
    %gt3A_230 = arith.cmpi sgt, %select_n3A, %gt3A_229 : i32
    %convert_element_type3A_231 = arith.extui %gt3A_230 : i1 to i32
    %cond3A_232 = arith.constant 0 : i32
    %cond3A_233 = arith.cmpi ne, %convert_element_type3A_231, %cond3A_232 : i32
    scf.if %cond3A_233 {
      %dma_wait3A_412 = arith.constant 19 : i32
      %dma_wait3A_413 = arith.constant 0 : i32
      %dma_wait3A_414 = tpu.memref_slice %arg5[%dma_wait3A_412, %dma_wait3A_413] : memref<25x128xi32, #tpu.memory_space<vmem>> -> memref<1x128xi32, #tpu.memory_space<vmem>>
      %dma_wait3A_415 = tpu.memref_squeeze %dma_wait3A_414 : memref<1x128xi32, #tpu.memory_space<vmem>> -> memref<128xi32, #tpu.memory_space<vmem>>
      %dma_wait3A_416 = arith.constant 0 : i32
      %dma_wait3A_417 = tpu.memref_slice %arg3[%dma_wait3A_416] : memref<100000xi32, #tpu.memory_space<hbm>> -> memref<128xi32, #tpu.memory_space<hbm>>
      %dma_wait3A_418 = arith.constant 0 : i32
      %dma_wait3A_419 = tpu.memref_slice %arg5[%dma_wait3A_412, %dma_wait3A_418] : memref<25x128xi32, #tpu.memory_space<vmem>> -> memref<1x128xi32, #tpu.memory_space<vmem>>
      %dma_wait3A_420 = tpu.memref_squeeze %dma_wait3A_419 : memref<1x128xi32, #tpu.memory_space<vmem>> -> memref<128xi32, #tpu.memory_space<vmem>>
      %dma_wait3A_421 = arith.constant 0 : i32
      %dma_wait3A_422 = tpu.memref_slice %arg3[%dma_wait3A_421] : memref<100000xi32, #tpu.memory_space<hbm>> -> memref<128xi32, #tpu.memory_space<hbm>>
      tpu.wait_dma2 semaphore(%arg22 : memref<!tpu.dma_semaphore, #tpu.memory_space<semaphore_mem>>) src(%dma_wait3A_422 : memref<128xi32, #tpu.memory_space<hbm>>) dst(%dma_wait3A_420 : memref<128xi32, #tpu.memory_space<vmem>>)
    } else {
    }
    %gt3A_234 = arith.constant 20 : i32
    %gt3A_235 = arith.cmpi sgt, %select_n3A, %gt3A_234 : i32
    %convert_element_type3A_236 = arith.extui %gt3A_235 : i1 to i32
    %cond3A_237 = arith.constant 0 : i32
    %cond3A_238 = arith.cmpi ne, %convert_element_type3A_236, %cond3A_237 : i32
    scf.if %cond3A_238 {
      %dma_wait3A_412 = arith.constant 20 : i32
      %dma_wait3A_413 = arith.constant 0 : i32
      %dma_wait3A_414 = tpu.memref_slice %arg5[%dma_wait3A_412, %dma_wait3A_413] : memref<25x128xi32, #tpu.memory_space<vmem>> -> memref<1x128xi32, #tpu.memory_space<vmem>>
      %dma_wait3A_415 = tpu.memref_squeeze %dma_wait3A_414 : memref<1x128xi32, #tpu.memory_space<vmem>> -> memref<128xi32, #tpu.memory_space<vmem>>
      %dma_wait3A_416 = arith.constant 0 : i32
      %dma_wait3A_417 = tpu.memref_slice %arg3[%dma_wait3A_416] : memref<100000xi32, #tpu.memory_space<hbm>> -> memref<128xi32, #tpu.memory_space<hbm>>
      %dma_wait3A_418 = arith.constant 0 : i32
      %dma_wait3A_419 = tpu.memref_slice %arg5[%dma_wait3A_412, %dma_wait3A_418] : memref<25x128xi32, #tpu.memory_space<vmem>> -> memref<1x128xi32, #tpu.memory_space<vmem>>
      %dma_wait3A_420 = tpu.memref_squeeze %dma_wait3A_419 : memref<1x128xi32, #tpu.memory_space<vmem>> -> memref<128xi32, #tpu.memory_space<vmem>>
      %dma_wait3A_421 = arith.constant 0 : i32
      %dma_wait3A_422 = tpu.memref_slice %arg3[%dma_wait3A_421] : memref<100000xi32, #tpu.memory_space<hbm>> -> memref<128xi32, #tpu.memory_space<hbm>>
      tpu.wait_dma2 semaphore(%arg22 : memref<!tpu.dma_semaphore, #tpu.memory_space<semaphore_mem>>) src(%dma_wait3A_422 : memref<128xi32, #tpu.memory_space<hbm>>) dst(%dma_wait3A_420 : memref<128xi32, #tpu.memory_space<vmem>>)
    } else {
    }
    %gt3A_239 = arith.constant 21 : i32
    %gt3A_240 = arith.cmpi sgt, %select_n3A, %gt3A_239 : i32
    %convert_element_type3A_241 = arith.extui %gt3A_240 : i1 to i32
    %cond3A_242 = arith.constant 0 : i32
    %cond3A_243 = arith.cmpi ne, %convert_element_type3A_241, %cond3A_242 : i32
    scf.if %cond3A_243 {
      %dma_wait3A_412 = arith.constant 21 : i32
      %dma_wait3A_413 = arith.constant 0 : i32
      %dma_wait3A_414 = tpu.memref_slice %arg5[%dma_wait3A_412, %dma_wait3A_413] : memref<25x128xi32, #tpu.memory_space<vmem>> -> memref<1x128xi32, #tpu.memory_space<vmem>>
      %dma_wait3A_415 = tpu.memref_squeeze %dma_wait3A_414 : memref<1x128xi32, #tpu.memory_space<vmem>> -> memref<128xi32, #tpu.memory_space<vmem>>
      %dma_wait3A_416 = arith.constant 0 : i32
      %dma_wait3A_417 = tpu.memref_slice %arg3[%dma_wait3A_416] : memref<100000xi32, #tpu.memory_space<hbm>> -> memref<128xi32, #tpu.memory_space<hbm>>
      %dma_wait3A_418 = arith.constant 0 : i32
      %dma_wait3A_419 = tpu.memref_slice %arg5[%dma_wait3A_412, %dma_wait3A_418] : memref<25x128xi32, #tpu.memory_space<vmem>> -> memref<1x128xi32, #tpu.memory_space<vmem>>
      %dma_wait3A_420 = tpu.memref_squeeze %dma_wait3A_419 : memref<1x128xi32, #tpu.memory_space<vmem>> -> memref<128xi32, #tpu.memory_space<vmem>>
      %dma_wait3A_421 = arith.constant 0 : i32
      %dma_wait3A_422 = tpu.memref_slice %arg3[%dma_wait3A_421] : memref<100000xi32, #tpu.memory_space<hbm>> -> memref<128xi32, #tpu.memory_space<hbm>>
      tpu.wait_dma2 semaphore(%arg22 : memref<!tpu.dma_semaphore, #tpu.memory_space<semaphore_mem>>) src(%dma_wait3A_422 : memref<128xi32, #tpu.memory_space<hbm>>) dst(%dma_wait3A_420 : memref<128xi32, #tpu.memory_space<vmem>>)
    } else {
    }
    %gt3A_244 = arith.constant 22 : i32
    %gt3A_245 = arith.cmpi sgt, %select_n3A, %gt3A_244 : i32
    %convert_element_type3A_246 = arith.extui %gt3A_245 : i1 to i32
    %cond3A_247 = arith.constant 0 : i32
    %cond3A_248 = arith.cmpi ne, %convert_element_type3A_246, %cond3A_247 : i32
    scf.if %cond3A_248 {
      %dma_wait3A_412 = arith.constant 22 : i32
      %dma_wait3A_413 = arith.constant 0 : i32
      %dma_wait3A_414 = tpu.memref_slice %arg5[%dma_wait3A_412, %dma_wait3A_413] : memref<25x128xi32, #tpu.memory_space<vmem>> -> memref<1x128xi32, #tpu.memory_space<vmem>>
      %dma_wait3A_415 = tpu.memref_squeeze %dma_wait3A_414 : memref<1x128xi32, #tpu.memory_space<vmem>> -> memref<128xi32, #tpu.memory_space<vmem>>
      %dma_wait3A_416 = arith.constant 0 : i32
      %dma_wait3A_417 = tpu.memref_slice %arg3[%dma_wait3A_416] : memref<100000xi32, #tpu.memory_space<hbm>> -> memref<128xi32, #tpu.memory_space<hbm>>
      %dma_wait3A_418 = arith.constant 0 : i32
      %dma_wait3A_419 = tpu.memref_slice %arg5[%dma_wait3A_412, %dma_wait3A_418] : memref<25x128xi32, #tpu.memory_space<vmem>> -> memref<1x128xi32, #tpu.memory_space<vmem>>
      %dma_wait3A_420 = tpu.memref_squeeze %dma_wait3A_419 : memref<1x128xi32, #tpu.memory_space<vmem>> -> memref<128xi32, #tpu.memory_space<vmem>>
      %dma_wait3A_421 = arith.constant 0 : i32
      %dma_wait3A_422 = tpu.memref_slice %arg3[%dma_wait3A_421] : memref<100000xi32, #tpu.memory_space<hbm>> -> memref<128xi32, #tpu.memory_space<hbm>>
      tpu.wait_dma2 semaphore(%arg22 : memref<!tpu.dma_semaphore, #tpu.memory_space<semaphore_mem>>) src(%dma_wait3A_422 : memref<128xi32, #tpu.memory_space<hbm>>) dst(%dma_wait3A_420 : memref<128xi32, #tpu.memory_space<vmem>>)
    } else {
    }
    %gt3A_249 = arith.constant 23 : i32
    %gt3A_250 = arith.cmpi sgt, %select_n3A, %gt3A_249 : i32
    %convert_element_type3A_251 = arith.extui %gt3A_250 : i1 to i32
    %cond3A_252 = arith.constant 0 : i32
    %cond3A_253 = arith.cmpi ne, %convert_element_type3A_251, %cond3A_252 : i32
    scf.if %cond3A_253 {
      %dma_wait3A_412 = arith.constant 23 : i32
      %dma_wait3A_413 = arith.constant 0 : i32
      %dma_wait3A_414 = tpu.memref_slice %arg5[%dma_wait3A_412, %dma_wait3A_413] : memref<25x128xi32, #tpu.memory_space<vmem>> -> memref<1x128xi32, #tpu.memory_space<vmem>>
      %dma_wait3A_415 = tpu.memref_squeeze %dma_wait3A_414 : memref<1x128xi32, #tpu.memory_space<vmem>> -> memref<128xi32, #tpu.memory_space<vmem>>
      %dma_wait3A_416 = arith.constant 0 : i32
      %dma_wait3A_417 = tpu.memref_slice %arg3[%dma_wait3A_416] : memref<100000xi32, #tpu.memory_space<hbm>> -> memref<128xi32, #tpu.memory_space<hbm>>
      %dma_wait3A_418 = arith.constant 0 : i32
      %dma_wait3A_419 = tpu.memref_slice %arg5[%dma_wait3A_412, %dma_wait3A_418] : memref<25x128xi32, #tpu.memory_space<vmem>> -> memref<1x128xi32, #tpu.memory_space<vmem>>
      %dma_wait3A_420 = tpu.memref_squeeze %dma_wait3A_419 : memref<1x128xi32, #tpu.memory_space<vmem>> -> memref<128xi32, #tpu.memory_space<vmem>>
      %dma_wait3A_421 = arith.constant 0 : i32
      %dma_wait3A_422 = tpu.memref_slice %arg3[%dma_wait3A_421] : memref<100000xi32, #tpu.memory_space<hbm>> -> memref<128xi32, #tpu.memory_space<hbm>>
      tpu.wait_dma2 semaphore(%arg22 : memref<!tpu.dma_semaphore, #tpu.memory_space<semaphore_mem>>) src(%dma_wait3A_422 : memref<128xi32, #tpu.memory_space<hbm>>) dst(%dma_wait3A_420 : memref<128xi32, #tpu.memory_space<vmem>>)
    } else {
    }
    %gt3A_254 = arith.constant 24 : i32
    %gt3A_255 = arith.cmpi sgt, %select_n3A, %gt3A_254 : i32
    %convert_element_type3A_256 = arith.extui %gt3A_255 : i1 to i32
    %cond3A_257 = arith.constant 0 : i32
    %cond3A_258 = arith.cmpi ne, %convert_element_type3A_256, %cond3A_257 : i32
    scf.if %cond3A_258 {
      %dma_wait3A_412 = arith.constant 24 : i32
      %dma_wait3A_413 = arith.constant 0 : i32
      %dma_wait3A_414 = tpu.memref_slice %arg5[%dma_wait3A_412, %dma_wait3A_413] : memref<25x128xi32, #tpu.memory_space<vmem>> -> memref<1x128xi32, #tpu.memory_space<vmem>>
      %dma_wait3A_415 = tpu.memref_squeeze %dma_wait3A_414 : memref<1x128xi32, #tpu.memory_space<vmem>> -> memref<128xi32, #tpu.memory_space<vmem>>
      %dma_wait3A_416 = arith.constant 0 : i32
      %dma_wait3A_417 = tpu.memref_slice %arg3[%dma_wait3A_416] : memref<100000xi32, #tpu.memory_space<hbm>> -> memref<128xi32, #tpu.memory_space<hbm>>
      %dma_wait3A_418 = arith.constant 0 : i32
      %dma_wait3A_419 = tpu.memref_slice %arg5[%dma_wait3A_412, %dma_wait3A_418] : memref<25x128xi32, #tpu.memory_space<vmem>> -> memref<1x128xi32, #tpu.memory_space<vmem>>
      %dma_wait3A_420 = tpu.memref_squeeze %dma_wait3A_419 : memref<1x128xi32, #tpu.memory_space<vmem>> -> memref<128xi32, #tpu.memory_space<vmem>>
      %dma_wait3A_421 = arith.constant 0 : i32
      %dma_wait3A_422 = tpu.memref_slice %arg3[%dma_wait3A_421] : memref<100000xi32, #tpu.memory_space<hbm>> -> memref<128xi32, #tpu.memory_space<hbm>>
      tpu.wait_dma2 semaphore(%arg22 : memref<!tpu.dma_semaphore, #tpu.memory_space<semaphore_mem>>) src(%dma_wait3A_422 : memref<128xi32, #tpu.memory_space<hbm>>) dst(%dma_wait3A_420 : memref<128xi32, #tpu.memory_space<vmem>>)
    } else {
    }
    %barrier3A = arith.constant 0 : index
    tpu.barrier barrier_id(%barrier3A)
    %eq3A_259 = arith.constant 13 : i32
    %eq3A_260 = arith.cmpi eq, %add3A, %eq3A_259 : i32
    %convert_element_type3A_261 = arith.extui %eq3A_260 : i1 to i32
    %cond3A_262 = arith.constant 0 : i32
    %cond3A_263 = arith.cmpi ne, %convert_element_type3A_261, %cond3A_262 : i32
    scf.if %cond3A_263 {
      %dma_wait3A_412 = arith.constant 0 : i32
      %dma_wait3A_413 = tpu.memref_slice %arg3[%dma_wait3A_412] : memref<100000xi32, #tpu.memory_space<hbm>> -> memref<32xi32, #tpu.memory_space<hbm>>
      %dma_wait3A_414 = arith.constant 0 : i32
      %dma_wait3A_415 = tpu.memref_slice %arg3[%dma_wait3A_414] : memref<100000xi32, #tpu.memory_space<hbm>> -> memref<32xi32, #tpu.memory_space<hbm>>
      tpu.wait_dma2 semaphore(%arg23 : memref<!tpu.dma_semaphore, #tpu.memory_space<semaphore_mem>>) src(%dma_wait3A_415 : memref<32xi32, #tpu.memory_space<hbm>>) dst(%arg7 : memref<32xi32, #tpu.memory_space<vmem>>)
      %dma_start3A_416 = arith.constant 0 : i32
      %dma_start3A_417 = arith.constant 0 : i32
      %dma_start3A_418 = tpu.memref_slice %arg9[%dma_start3A_416, %dma_start3A_417] : memref<120x128xf32, #tpu.memory_space<vmem_shared>> -> memref<120x128xf32, #tpu.memory_space<vmem_shared>>
      tpu.enqueue_indirect_dma source(%dma_start3A_418 : memref<120x128xf32, #tpu.memory_space<vmem_shared>>) target(%arg8 : memref<32x128xf32, #tpu.memory_space<vmem>>) offsets(%arg7 : memref<32xi32, #tpu.memory_space<vmem>>) semaphore(%arg23 : memref<!tpu.dma_semaphore, #tpu.memory_space<semaphore_mem>>)
    } else {
    }
    %dma_start3A = arith.constant 0 : i32
    %dma_start3A_264 = arith.constant 0 : i32
    %dma_start3A_265 = arith.constant 0 : i32
    %dma_start3A_266 = arith.constant 0 : i32
    %dma_start3A_267 = tpu.memref_slice %arg6[%dma_start3A_264, %dma_start3A_265, %dma_start3A_266] : memref<5x128x128xf32, #tpu.memory_space<vmem>> -> memref<1x128x128xf32, #tpu.memory_space<vmem>>
    %dma_start3A_268 = tpu.memref_squeeze %dma_start3A_267 : memref<1x128x128xf32, #tpu.memory_space<vmem>> -> memref<128x128xf32, #tpu.memory_space<vmem>>
    %dma_start3A_269 = arith.constant 0 : i32
    %dma_start3A_270 = tpu.memref_slice %arg5[%dma_start3A, %dma_start3A_269] : memref<25x128xi32, #tpu.memory_space<vmem>> -> memref<1x128xi32, #tpu.memory_space<vmem>>
    %dma_start3A_271 = tpu.memref_squeeze %dma_start3A_270 : memref<1x128xi32, #tpu.memory_space<vmem>> -> memref<128xi32, #tpu.memory_space<vmem>>
    %dma_start3A_272 = arith.constant 0 : i32
    %dma_start3A_273 = arith.constant 0 : i32
    %dma_start3A_274 = tpu.memref_slice %arg9[%dma_start3A_272, %dma_start3A_273] : memref<120x128xf32, #tpu.memory_space<vmem_shared>> -> memref<120x128xf32, #tpu.memory_space<vmem_shared>>
    tpu.enqueue_indirect_dma source(%dma_start3A_274 : memref<120x128xf32, #tpu.memory_space<vmem_shared>>) target(%dma_start3A_268 : memref<128x128xf32, #tpu.memory_space<vmem>>) offsets(%dma_start3A_271 : memref<128xi32, #tpu.memory_space<vmem>>) semaphore(%arg12 : memref<!tpu.dma_semaphore, #tpu.memory_space<semaphore_mem>>)
    %dma_start3A_275 = arith.constant 1 : i32
    %dma_start3A_276 = arith.constant 1 : i32
    %dma_start3A_277 = arith.constant 0 : i32
    %dma_start3A_278 = arith.constant 0 : i32
    %dma_start3A_279 = tpu.memref_slice %arg6[%dma_start3A_276, %dma_start3A_277, %dma_start3A_278] : memref<5x128x128xf32, #tpu.memory_space<vmem>> -> memref<1x128x128xf32, #tpu.memory_space<vmem>>
    %dma_start3A_280 = tpu.memref_squeeze %dma_start3A_279 : memref<1x128x128xf32, #tpu.memory_space<vmem>> -> memref<128x128xf32, #tpu.memory_space<vmem>>
    %dma_start3A_281 = arith.constant 0 : i32
    %dma_start3A_282 = tpu.memref_slice %arg5[%dma_start3A_275, %dma_start3A_281] : memref<25x128xi32, #tpu.memory_space<vmem>> -> memref<1x128xi32, #tpu.memory_space<vmem>>
    %dma_start3A_283 = tpu.memref_squeeze %dma_start3A_282 : memref<1x128xi32, #tpu.memory_space<vmem>> -> memref<128xi32, #tpu.memory_space<vmem>>
    %dma_start3A_284 = arith.constant 0 : i32
    %dma_start3A_285 = arith.constant 0 : i32
    %dma_start3A_286 = tpu.memref_slice %arg9[%dma_start3A_284, %dma_start3A_285] : memref<120x128xf32, #tpu.memory_space<vmem_shared>> -> memref<120x128xf32, #tpu.memory_space<vmem_shared>>
    tpu.enqueue_indirect_dma source(%dma_start3A_286 : memref<120x128xf32, #tpu.memory_space<vmem_shared>>) target(%dma_start3A_280 : memref<128x128xf32, #tpu.memory_space<vmem>>) offsets(%dma_start3A_283 : memref<128xi32, #tpu.memory_space<vmem>>) semaphore(%arg13 : memref<!tpu.dma_semaphore, #tpu.memory_space<semaphore_mem>>)
    %dma_start3A_287 = arith.constant 2 : i32
    %dma_start3A_288 = arith.constant 2 : i32
    %dma_start3A_289 = arith.constant 0 : i32
    %dma_start3A_290 = arith.constant 0 : i32
    %dma_start3A_291 = tpu.memref_slice %arg6[%dma_start3A_288, %dma_start3A_289, %dma_start3A_290] : memref<5x128x128xf32, #tpu.memory_space<vmem>> -> memref<1x128x128xf32, #tpu.memory_space<vmem>>
    %dma_start3A_292 = tpu.memref_squeeze %dma_start3A_291 : memref<1x128x128xf32, #tpu.memory_space<vmem>> -> memref<128x128xf32, #tpu.memory_space<vmem>>
    %dma_start3A_293 = arith.constant 0 : i32
    %dma_start3A_294 = tpu.memref_slice %arg5[%dma_start3A_287, %dma_start3A_293] : memref<25x128xi32, #tpu.memory_space<vmem>> -> memref<1x128xi32, #tpu.memory_space<vmem>>
    %dma_start3A_295 = tpu.memref_squeeze %dma_start3A_294 : memref<1x128xi32, #tpu.memory_space<vmem>> -> memref<128xi32, #tpu.memory_space<vmem>>
    %dma_start3A_296 = arith.constant 0 : i32
    %dma_start3A_297 = arith.constant 0 : i32
    %dma_start3A_298 = tpu.memref_slice %arg9[%dma_start3A_296, %dma_start3A_297] : memref<120x128xf32, #tpu.memory_space<vmem_shared>> -> memref<120x128xf32, #tpu.memory_space<vmem_shared>>
    tpu.enqueue_indirect_dma source(%dma_start3A_298 : memref<120x128xf32, #tpu.memory_space<vmem_shared>>) target(%dma_start3A_292 : memref<128x128xf32, #tpu.memory_space<vmem>>) offsets(%dma_start3A_295 : memref<128xi32, #tpu.memory_space<vmem>>) semaphore(%arg14 : memref<!tpu.dma_semaphore, #tpu.memory_space<semaphore_mem>>)
    %dma_start3A_299 = arith.constant 3 : i32
    %dma_start3A_300 = arith.constant 3 : i32
    %dma_start3A_301 = arith.constant 0 : i32
    %dma_start3A_302 = arith.constant 0 : i32
    %dma_start3A_303 = tpu.memref_slice %arg6[%dma_start3A_300, %dma_start3A_301, %dma_start3A_302] : memref<5x128x128xf32, #tpu.memory_space<vmem>> -> memref<1x128x128xf32, #tpu.memory_space<vmem>>
    %dma_start3A_304 = tpu.memref_squeeze %dma_start3A_303 : memref<1x128x128xf32, #tpu.memory_space<vmem>> -> memref<128x128xf32, #tpu.memory_space<vmem>>
    %dma_start3A_305 = arith.constant 0 : i32
    %dma_start3A_306 = tpu.memref_slice %arg5[%dma_start3A_299, %dma_start3A_305] : memref<25x128xi32, #tpu.memory_space<vmem>> -> memref<1x128xi32, #tpu.memory_space<vmem>>
    %dma_start3A_307 = tpu.memref_squeeze %dma_start3A_306 : memref<1x128xi32, #tpu.memory_space<vmem>> -> memref<128xi32, #tpu.memory_space<vmem>>
    %dma_start3A_308 = arith.constant 0 : i32
    %dma_start3A_309 = arith.constant 0 : i32
    %dma_start3A_310 = tpu.memref_slice %arg9[%dma_start3A_308, %dma_start3A_309] : memref<120x128xf32, #tpu.memory_space<vmem_shared>> -> memref<120x128xf32, #tpu.memory_space<vmem_shared>>
    tpu.enqueue_indirect_dma source(%dma_start3A_310 : memref<120x128xf32, #tpu.memory_space<vmem_shared>>) target(%dma_start3A_304 : memref<128x128xf32, #tpu.memory_space<vmem>>) offsets(%dma_start3A_307 : memref<128xi32, #tpu.memory_space<vmem>>) semaphore(%arg15 : memref<!tpu.dma_semaphore, #tpu.memory_space<semaphore_mem>>)
    %dma_start3A_311 = arith.constant 4 : i32
    %dma_start3A_312 = arith.constant 4 : i32
    %dma_start3A_313 = arith.constant 0 : i32
    %dma_start3A_314 = arith.constant 0 : i32
    %dma_start3A_315 = tpu.memref_slice %arg6[%dma_start3A_312, %dma_start3A_313, %dma_start3A_314] : memref<5x128x128xf32, #tpu.memory_space<vmem>> -> memref<1x128x128xf32, #tpu.memory_space<vmem>>
    %dma_start3A_316 = tpu.memref_squeeze %dma_start3A_315 : memref<1x128x128xf32, #tpu.memory_space<vmem>> -> memref<128x128xf32, #tpu.memory_space<vmem>>
    %dma_start3A_317 = arith.constant 0 : i32
    %dma_start3A_318 = tpu.memref_slice %arg5[%dma_start3A_311, %dma_start3A_317] : memref<25x128xi32, #tpu.memory_space<vmem>> -> memref<1x128xi32, #tpu.memory_space<vmem>>
    %dma_start3A_319 = tpu.memref_squeeze %dma_start3A_318 : memref<1x128xi32, #tpu.memory_space<vmem>> -> memref<128xi32, #tpu.memory_space<vmem>>
    %dma_start3A_320 = arith.constant 0 : i32
    %dma_start3A_321 = arith.constant 0 : i32
    %dma_start3A_322 = tpu.memref_slice %arg9[%dma_start3A_320, %dma_start3A_321] : memref<120x128xf32, #tpu.memory_space<vmem_shared>> -> memref<120x128xf32, #tpu.memory_space<vmem_shared>>
    tpu.enqueue_indirect_dma source(%dma_start3A_322 : memref<120x128xf32, #tpu.memory_space<vmem_shared>>) target(%dma_start3A_316 : memref<128x128xf32, #tpu.memory_space<vmem>>) offsets(%dma_start3A_319 : memref<128xi32, #tpu.memory_space<vmem>>) semaphore(%arg16 : memref<!tpu.dma_semaphore, #tpu.memory_space<semaphore_mem>>)
    %eq3A_323 = arith.constant 13 : i32
    %eq3A_324 = arith.cmpi eq, %add3A, %eq3A_323 : i32
    %convert_element_type3A_325 = arith.extui %eq3A_324 : i1 to i32
    %cond3A_326 = arith.constant 0 : i32
    %cond3A_327 = arith.cmpi ne, %convert_element_type3A_325, %cond3A_326 : i32
    scf.if %cond3A_327 {
      %dma_wait3A_412 = arith.constant 0 : i32
      %dma_wait3A_413 = arith.constant 0 : i32
      %dma_wait3A_414 = tpu.memref_slice %arg4[%dma_wait3A_412, %dma_wait3A_413] : memref<100000x128xf32, #tpu.memory_space<hbm>> -> memref<32x128xf32, #tpu.memory_space<hbm>>
      %dma_wait3A_415 = arith.constant 0 : i32
      %dma_wait3A_416 = arith.constant 0 : i32
      %dma_wait3A_417 = tpu.memref_slice %arg4[%dma_wait3A_415, %dma_wait3A_416] : memref<100000x128xf32, #tpu.memory_space<hbm>> -> memref<32x128xf32, #tpu.memory_space<hbm>>
      tpu.wait_dma2 semaphore(%arg23 : memref<!tpu.dma_semaphore, #tpu.memory_space<semaphore_mem>>) src(%dma_wait3A_417 : memref<32x128xf32, #tpu.memory_space<hbm>>) dst(%arg8 : memref<32x128xf32, #tpu.memory_space<vmem>>)
      %dma_start3A_418 = arith.constant 99968 : i32
      %dma_start3A_419 = arith.constant 0 : i32
      %dma_start3A_420 = tpu.memref_slice %arg4[%dma_start3A_418, %dma_start3A_419] : memref<100000x128xf32, #tpu.memory_space<hbm>> -> memref<32x128xf32, #tpu.memory_space<hbm>>
      %dma_start3A_421 = arith.constant 99968 : i32
      %dma_start3A_422 = arith.constant 0 : i32
      %dma_start3A_423 = tpu.memref_slice %arg4[%dma_start3A_421, %dma_start3A_422] : memref<100000x128xf32, #tpu.memory_space<hbm>> -> memref<32x128xf32, #tpu.memory_space<hbm>>
      tpu.enqueue_dma source(%arg8 : memref<32x128xf32, #tpu.memory_space<vmem>>) target(%dma_start3A_423 : memref<32x128xf32, #tpu.memory_space<hbm>>) target_semaphore(%arg23 : memref<!tpu.dma_semaphore, #tpu.memory_space<semaphore_mem>>)
    } else {
    }
    %scan3A = arith.constant 0 : i32
    %scan3A_328 = arith.constant 0 : i32
    %scan3A_329 = arith.constant 5 : i32
    %scan3A_330 = arith.addi %scan3A_328, %scan3A_329 : i32
    %scan3A_331 = arith.constant 1 : i32
    scf.for %scan3A_412 = %scan3A_328 to %scan3A_330 step %scan3A_331  : i32 {
      %mul3A_413 = arith.constant 5 : i32
      %mul3A_414 = arith.muli %scan3A_412, %mul3A_413 : i32
      %add3A_415 = arith.constant 0 : i32
      %add3A_416 = arith.addi %mul3A_414, %add3A_415 : i32
      %lt3A_417 = arith.cmpi slt, %add3A_416, %select_n3A : i32
      %convert_element_type3A_418 = arith.extui %lt3A_417 : i1 to i32
      %cond3A_419 = arith.constant 0 : i32
      %cond3A_420 = arith.cmpi ne, %convert_element_type3A_418, %cond3A_419 : i32
      scf.if %cond3A_420 {
        %mul3A_482 = arith.constant 32 : i32
        %mul3A_483 = arith.muli %add3A_416, %mul3A_482 : i32
        %add3A_484 = arith.addi %add3A, %mul3A_483 : i32
        %mul3A_485 = arith.constant 128 : i32
        %mul3A_486 = arith.muli %add3A_484, %mul3A_485 : i32
        %dma_wait3A_487 = arith.constant 0 : i32
        %dma_wait3A_488 = arith.constant 0 : i32
        %dma_wait3A_489 = arith.constant 0 : i32
        %dma_wait3A_490 = tpu.memref_slice %arg6[%dma_wait3A_487, %dma_wait3A_488, %dma_wait3A_489] : memref<5x128x128xf32, #tpu.memory_space<vmem>> -> memref<1x128x128xf32, #tpu.memory_space<vmem>>
        %dma_wait3A_491 = tpu.memref_squeeze %dma_wait3A_490 : memref<1x128x128xf32, #tpu.memory_space<vmem>> -> memref<128x128xf32, #tpu.memory_space<vmem>>
        %dma_wait3A_492 = arith.constant 0 : i32
        %dma_wait3A_493 = arith.constant 0 : i32
        %dma_wait3A_494 = tpu.memref_slice %arg4[%dma_wait3A_492, %dma_wait3A_493] : memref<100000x128xf32, #tpu.memory_space<hbm>> -> memref<128x128xf32, #tpu.memory_space<hbm>>
        %dma_wait3A_495 = arith.constant 0 : i32
        %dma_wait3A_496 = arith.constant 0 : i32
        %dma_wait3A_497 = tpu.memref_slice %arg6[%dma_wait3A_487, %dma_wait3A_495, %dma_wait3A_496] : memref<5x128x128xf32, #tpu.memory_space<vmem>> -> memref<1x128x128xf32, #tpu.memory_space<vmem>>
        %dma_wait3A_498 = tpu.memref_squeeze %dma_wait3A_497 : memref<1x128x128xf32, #tpu.memory_space<vmem>> -> memref<128x128xf32, #tpu.memory_space<vmem>>
        %dma_wait3A_499 = arith.constant 0 : i32
        %dma_wait3A_500 = arith.constant 0 : i32
        %dma_wait3A_501 = tpu.memref_slice %arg4[%dma_wait3A_499, %dma_wait3A_500] : memref<100000x128xf32, #tpu.memory_space<hbm>> -> memref<128x128xf32, #tpu.memory_space<hbm>>
        tpu.wait_dma2 semaphore(%arg12 : memref<!tpu.dma_semaphore, #tpu.memory_space<semaphore_mem>>) src(%dma_wait3A_501 : memref<128x128xf32, #tpu.memory_space<hbm>>) dst(%dma_wait3A_498 : memref<128x128xf32, #tpu.memory_space<vmem>>)
        %dma_start3A_502 = arith.constant 0 : i32
        %dma_start3A_503 = arith.constant 0 : i32
        %dma_start3A_504 = arith.constant 0 : i32
        %dma_start3A_505 = tpu.memref_slice %arg6[%dma_start3A_502, %dma_start3A_503, %dma_start3A_504] : memref<5x128x128xf32, #tpu.memory_space<vmem>> -> memref<1x128x128xf32, #tpu.memory_space<vmem>>
        %dma_start3A_506 = tpu.memref_squeeze %dma_start3A_505 : memref<1x128x128xf32, #tpu.memory_space<vmem>> -> memref<128x128xf32, #tpu.memory_space<vmem>>
        %dma_start3A_507 = arith.constant 0 : i32
        %dma_start3A_508 = tpu.memref_slice %arg4[%mul3A_486, %dma_start3A_507] : memref<100000x128xf32, #tpu.memory_space<hbm>> -> memref<128x128xf32, #tpu.memory_space<hbm>>
        %dma_start3A_509 = arith.constant 0 : i32
        %dma_start3A_510 = tpu.memref_slice %arg4[%mul3A_486, %dma_start3A_509] : memref<100000x128xf32, #tpu.memory_space<hbm>> -> memref<128x128xf32, #tpu.memory_space<hbm>>
        %dma_start3A_511 = arith.constant 0 : i32
        %dma_start3A_512 = arith.constant 0 : i32
        %dma_start3A_513 = tpu.memref_slice %arg6[%dma_start3A_502, %dma_start3A_511, %dma_start3A_512] : memref<5x128x128xf32, #tpu.memory_space<vmem>> -> memref<1x128x128xf32, #tpu.memory_space<vmem>>
        %dma_start3A_514 = tpu.memref_squeeze %dma_start3A_513 : memref<1x128x128xf32, #tpu.memory_space<vmem>> -> memref<128x128xf32, #tpu.memory_space<vmem>>
        tpu.enqueue_dma source(%dma_start3A_514 : memref<128x128xf32, #tpu.memory_space<vmem>>) target(%dma_start3A_510 : memref<128x128xf32, #tpu.memory_space<hbm>>) target_semaphore(%arg17 : memref<!tpu.dma_semaphore, #tpu.memory_space<semaphore_mem>>)
      } else {
      }
      %sub3A = arith.constant 5 : i32
      %sub3A_421 = arith.subi %select_n3A, %sub3A : i32
      %lt3A_422 = arith.cmpi slt, %add3A_416, %sub3A_421 : i32
      %convert_element_type3A_423 = arith.extui %lt3A_422 : i1 to i32
      %cond3A_424 = arith.constant 0 : i32
      %cond3A_425 = arith.cmpi ne, %convert_element_type3A_423, %cond3A_424 : i32
      scf.if %cond3A_425 {
        %dma_wait3A_482 = arith.constant 0 : i32
        %dma_wait3A_483 = arith.constant 0 : i32
        %dma_wait3A_484 = arith.constant 0 : i32
        %dma_wait3A_485 = tpu.memref_slice %arg6[%dma_wait3A_482, %dma_wait3A_483, %dma_wait3A_484] : memref<5x128x128xf32, #tpu.memory_space<vmem>> -> memref<1x128x128xf32, #tpu.memory_space<vmem>>
        %dma_wait3A_486 = tpu.memref_squeeze %dma_wait3A_485 : memref<1x128x128xf32, #tpu.memory_space<vmem>> -> memref<128x128xf32, #tpu.memory_space<vmem>>
        %dma_wait3A_487 = arith.constant 0 : i32
        %dma_wait3A_488 = arith.constant 0 : i32
        %dma_wait3A_489 = tpu.memref_slice %arg4[%dma_wait3A_487, %dma_wait3A_488] : memref<100000x128xf32, #tpu.memory_space<hbm>> -> memref<128x128xf32, #tpu.memory_space<hbm>>
        %dma_wait3A_490 = arith.constant 0 : i32
        %dma_wait3A_491 = arith.constant 0 : i32
        %dma_wait3A_492 = tpu.memref_slice %arg4[%dma_wait3A_490, %dma_wait3A_491] : memref<100000x128xf32, #tpu.memory_space<hbm>> -> memref<128x128xf32, #tpu.memory_space<hbm>>
        %dma_wait3A_493 = arith.constant 0 : i32
        %dma_wait3A_494 = arith.constant 0 : i32
        %dma_wait3A_495 = tpu.memref_slice %arg6[%dma_wait3A_482, %dma_wait3A_493, %dma_wait3A_494] : memref<5x128x128xf32, #tpu.memory_space<vmem>> -> memref<1x128x128xf32, #tpu.memory_space<vmem>>
        %dma_wait3A_496 = tpu.memref_squeeze %dma_wait3A_495 : memref<1x128x128xf32, #tpu.memory_space<vmem>> -> memref<128x128xf32, #tpu.memory_space<vmem>>
        tpu.wait_dma2 semaphore(%arg17 : memref<!tpu.dma_semaphore, #tpu.memory_space<semaphore_mem>>) src(%dma_wait3A_496 : memref<128x128xf32, #tpu.memory_space<vmem>>) dst(%dma_wait3A_492 : memref<128x128xf32, #tpu.memory_space<hbm>>)
        %add3A_497 = arith.constant 5 : i32
        %add3A_498 = arith.addi %add3A_416, %add3A_497 : i32
        %dma_start3A_499 = arith.constant 0 : i32
        %dma_start3A_500 = arith.constant 0 : i32
        %dma_start3A_501 = arith.constant 0 : i32
        %dma_start3A_502 = tpu.memref_slice %arg6[%dma_start3A_499, %dma_start3A_500, %dma_start3A_501] : memref<5x128x128xf32, #tpu.memory_space<vmem>> -> memref<1x128x128xf32, #tpu.memory_space<vmem>>
        %dma_start3A_503 = tpu.memref_squeeze %dma_start3A_502 : memref<1x128x128xf32, #tpu.memory_space<vmem>> -> memref<128x128xf32, #tpu.memory_space<vmem>>
        %dma_start3A_504 = arith.constant 0 : i32
        %dma_start3A_505 = tpu.memref_slice %arg5[%add3A_498, %dma_start3A_504] : memref<25x128xi32, #tpu.memory_space<vmem>> -> memref<1x128xi32, #tpu.memory_space<vmem>>
        %dma_start3A_506 = tpu.memref_squeeze %dma_start3A_505 : memref<1x128xi32, #tpu.memory_space<vmem>> -> memref<128xi32, #tpu.memory_space<vmem>>
        %dma_start3A_507 = arith.constant 0 : i32
        %dma_start3A_508 = arith.constant 0 : i32
        %dma_start3A_509 = tpu.memref_slice %arg9[%dma_start3A_507, %dma_start3A_508] : memref<120x128xf32, #tpu.memory_space<vmem_shared>> -> memref<120x128xf32, #tpu.memory_space<vmem_shared>>
        tpu.enqueue_indirect_dma source(%dma_start3A_509 : memref<120x128xf32, #tpu.memory_space<vmem_shared>>) target(%dma_start3A_503 : memref<128x128xf32, #tpu.memory_space<vmem>>) offsets(%dma_start3A_506 : memref<128xi32, #tpu.memory_space<vmem>>) semaphore(%arg12 : memref<!tpu.dma_semaphore, #tpu.memory_space<semaphore_mem>>)
      } else {
      }
      %mul3A_426 = arith.constant 5 : i32
      %mul3A_427 = arith.muli %scan3A_412, %mul3A_426 : i32
      %add3A_428 = arith.constant 1 : i32
      %add3A_429 = arith.addi %mul3A_427, %add3A_428 : i32
      %lt3A_430 = arith.cmpi slt, %add3A_429, %select_n3A : i32
      %convert_element_type3A_431 = arith.extui %lt3A_430 : i1 to i32
      %cond3A_432 = arith.constant 0 : i32
      %cond3A_433 = arith.cmpi ne, %convert_element_type3A_431, %cond3A_432 : i32
      scf.if %cond3A_433 {
        %mul3A_482 = arith.constant 32 : i32
        %mul3A_483 = arith.muli %add3A_429, %mul3A_482 : i32
        %add3A_484 = arith.addi %add3A, %mul3A_483 : i32
        %mul3A_485 = arith.constant 128 : i32
        %mul3A_486 = arith.muli %add3A_484, %mul3A_485 : i32
        %dma_wait3A_487 = arith.constant 1 : i32
        %dma_wait3A_488 = arith.constant 0 : i32
        %dma_wait3A_489 = arith.constant 0 : i32
        %dma_wait3A_490 = tpu.memref_slice %arg6[%dma_wait3A_487, %dma_wait3A_488, %dma_wait3A_489] : memref<5x128x128xf32, #tpu.memory_space<vmem>> -> memref<1x128x128xf32, #tpu.memory_space<vmem>>
        %dma_wait3A_491 = tpu.memref_squeeze %dma_wait3A_490 : memref<1x128x128xf32, #tpu.memory_space<vmem>> -> memref<128x128xf32, #tpu.memory_space<vmem>>
        %dma_wait3A_492 = arith.constant 0 : i32
        %dma_wait3A_493 = arith.constant 0 : i32
        %dma_wait3A_494 = tpu.memref_slice %arg4[%dma_wait3A_492, %dma_wait3A_493] : memref<100000x128xf32, #tpu.memory_space<hbm>> -> memref<128x128xf32, #tpu.memory_space<hbm>>
        %dma_wait3A_495 = arith.constant 0 : i32
        %dma_wait3A_496 = arith.constant 0 : i32
        %dma_wait3A_497 = tpu.memref_slice %arg6[%dma_wait3A_487, %dma_wait3A_495, %dma_wait3A_496] : memref<5x128x128xf32, #tpu.memory_space<vmem>> -> memref<1x128x128xf32, #tpu.memory_space<vmem>>
        %dma_wait3A_498 = tpu.memref_squeeze %dma_wait3A_497 : memref<1x128x128xf32, #tpu.memory_space<vmem>> -> memref<128x128xf32, #tpu.memory_space<vmem>>
        %dma_wait3A_499 = arith.constant 0 : i32
        %dma_wait3A_500 = arith.constant 0 : i32
        %dma_wait3A_501 = tpu.memref_slice %arg4[%dma_wait3A_499, %dma_wait3A_500] : memref<100000x128xf32, #tpu.memory_space<hbm>> -> memref<128x128xf32, #tpu.memory_space<hbm>>
        tpu.wait_dma2 semaphore(%arg13 : memref<!tpu.dma_semaphore, #tpu.memory_space<semaphore_mem>>) src(%dma_wait3A_501 : memref<128x128xf32, #tpu.memory_space<hbm>>) dst(%dma_wait3A_498 : memref<128x128xf32, #tpu.memory_space<vmem>>)
        %dma_start3A_502 = arith.constant 1 : i32
        %dma_start3A_503 = arith.constant 0 : i32
        %dma_start3A_504 = arith.constant 0 : i32
        %dma_start3A_505 = tpu.memref_slice %arg6[%dma_start3A_502, %dma_start3A_503, %dma_start3A_504] : memref<5x128x128xf32, #tpu.memory_space<vmem>> -> memref<1x128x128xf32, #tpu.memory_space<vmem>>
        %dma_start3A_506 = tpu.memref_squeeze %dma_start3A_505 : memref<1x128x128xf32, #tpu.memory_space<vmem>> -> memref<128x128xf32, #tpu.memory_space<vmem>>
        %dma_start3A_507 = arith.constant 0 : i32
        %dma_start3A_508 = tpu.memref_slice %arg4[%mul3A_486, %dma_start3A_507] : memref<100000x128xf32, #tpu.memory_space<hbm>> -> memref<128x128xf32, #tpu.memory_space<hbm>>
        %dma_start3A_509 = arith.constant 0 : i32
        %dma_start3A_510 = tpu.memref_slice %arg4[%mul3A_486, %dma_start3A_509] : memref<100000x128xf32, #tpu.memory_space<hbm>> -> memref<128x128xf32, #tpu.memory_space<hbm>>
        %dma_start3A_511 = arith.constant 0 : i32
        %dma_start3A_512 = arith.constant 0 : i32
        %dma_start3A_513 = tpu.memref_slice %arg6[%dma_start3A_502, %dma_start3A_511, %dma_start3A_512] : memref<5x128x128xf32, #tpu.memory_space<vmem>> -> memref<1x128x128xf32, #tpu.memory_space<vmem>>
        %dma_start3A_514 = tpu.memref_squeeze %dma_start3A_513 : memref<1x128x128xf32, #tpu.memory_space<vmem>> -> memref<128x128xf32, #tpu.memory_space<vmem>>
        tpu.enqueue_dma source(%dma_start3A_514 : memref<128x128xf32, #tpu.memory_space<vmem>>) target(%dma_start3A_510 : memref<128x128xf32, #tpu.memory_space<hbm>>) target_semaphore(%arg18 : memref<!tpu.dma_semaphore, #tpu.memory_space<semaphore_mem>>)
      } else {
      }
      %sub3A_434 = arith.constant 5 : i32
      %sub3A_435 = arith.subi %select_n3A, %sub3A_434 : i32
      %lt3A_436 = arith.cmpi slt, %add3A_429, %sub3A_435 : i32
      %convert_element_type3A_437 = arith.extui %lt3A_436 : i1 to i32
      %cond3A_438 = arith.constant 0 : i32
      %cond3A_439 = arith.cmpi ne, %convert_element_type3A_437, %cond3A_438 : i32
      scf.if %cond3A_439 {
        %dma_wait3A_482 = arith.constant 1 : i32
        %dma_wait3A_483 = arith.constant 0 : i32
        %dma_wait3A_484 = arith.constant 0 : i32
        %dma_wait3A_485 = tpu.memref_slice %arg6[%dma_wait3A_482, %dma_wait3A_483, %dma_wait3A_484] : memref<5x128x128xf32, #tpu.memory_space<vmem>> -> memref<1x128x128xf32, #tpu.memory_space<vmem>>
        %dma_wait3A_486 = tpu.memref_squeeze %dma_wait3A_485 : memref<1x128x128xf32, #tpu.memory_space<vmem>> -> memref<128x128xf32, #tpu.memory_space<vmem>>
        %dma_wait3A_487 = arith.constant 0 : i32
        %dma_wait3A_488 = arith.constant 0 : i32
        %dma_wait3A_489 = tpu.memref_slice %arg4[%dma_wait3A_487, %dma_wait3A_488] : memref<100000x128xf32, #tpu.memory_space<hbm>> -> memref<128x128xf32, #tpu.memory_space<hbm>>
        %dma_wait3A_490 = arith.constant 0 : i32
        %dma_wait3A_491 = arith.constant 0 : i32
        %dma_wait3A_492 = tpu.memref_slice %arg4[%dma_wait3A_490, %dma_wait3A_491] : memref<100000x128xf32, #tpu.memory_space<hbm>> -> memref<128x128xf32, #tpu.memory_space<hbm>>
        %dma_wait3A_493 = arith.constant 0 : i32
        %dma_wait3A_494 = arith.constant 0 : i32
        %dma_wait3A_495 = tpu.memref_slice %arg6[%dma_wait3A_482, %dma_wait3A_493, %dma_wait3A_494] : memref<5x128x128xf32, #tpu.memory_space<vmem>> -> memref<1x128x128xf32, #tpu.memory_space<vmem>>
        %dma_wait3A_496 = tpu.memref_squeeze %dma_wait3A_495 : memref<1x128x128xf32, #tpu.memory_space<vmem>> -> memref<128x128xf32, #tpu.memory_space<vmem>>
        tpu.wait_dma2 semaphore(%arg18 : memref<!tpu.dma_semaphore, #tpu.memory_space<semaphore_mem>>) src(%dma_wait3A_496 : memref<128x128xf32, #tpu.memory_space<vmem>>) dst(%dma_wait3A_492 : memref<128x128xf32, #tpu.memory_space<hbm>>)
        %add3A_497 = arith.constant 5 : i32
        %add3A_498 = arith.addi %add3A_429, %add3A_497 : i32
        %dma_start3A_499 = arith.constant 1 : i32
        %dma_start3A_500 = arith.constant 0 : i32
        %dma_start3A_501 = arith.constant 0 : i32
        %dma_start3A_502 = tpu.memref_slice %arg6[%dma_start3A_499, %dma_start3A_500, %dma_start3A_501] : memref<5x128x128xf32, #tpu.memory_space<vmem>> -> memref<1x128x128xf32, #tpu.memory_space<vmem>>
        %dma_start3A_503 = tpu.memref_squeeze %dma_start3A_502 : memref<1x128x128xf32, #tpu.memory_space<vmem>> -> memref<128x128xf32, #tpu.memory_space<vmem>>
        %dma_start3A_504 = arith.constant 0 : i32
        %dma_start3A_505 = tpu.memref_slice %arg5[%add3A_498, %dma_start3A_504] : memref<25x128xi32, #tpu.memory_space<vmem>> -> memref<1x128xi32, #tpu.memory_space<vmem>>
        %dma_start3A_506 = tpu.memref_squeeze %dma_start3A_505 : memref<1x128xi32, #tpu.memory_space<vmem>> -> memref<128xi32, #tpu.memory_space<vmem>>
        %dma_start3A_507 = arith.constant 0 : i32
        %dma_start3A_508 = arith.constant 0 : i32
        %dma_start3A_509 = tpu.memref_slice %arg9[%dma_start3A_507, %dma_start3A_508] : memref<120x128xf32, #tpu.memory_space<vmem_shared>> -> memref<120x128xf32, #tpu.memory_space<vmem_shared>>
        tpu.enqueue_indirect_dma source(%dma_start3A_509 : memref<120x128xf32, #tpu.memory_space<vmem_shared>>) target(%dma_start3A_503 : memref<128x128xf32, #tpu.memory_space<vmem>>) offsets(%dma_start3A_506 : memref<128xi32, #tpu.memory_space<vmem>>) semaphore(%arg13 : memref<!tpu.dma_semaphore, #tpu.memory_space<semaphore_mem>>)
      } else {
      }
      %mul3A_440 = arith.constant 5 : i32
      %mul3A_441 = arith.muli %scan3A_412, %mul3A_440 : i32
      %add3A_442 = arith.constant 2 : i32
      %add3A_443 = arith.addi %mul3A_441, %add3A_442 : i32
      %lt3A_444 = arith.cmpi slt, %add3A_443, %select_n3A : i32
      %convert_element_type3A_445 = arith.extui %lt3A_444 : i1 to i32
      %cond3A_446 = arith.constant 0 : i32
      %cond3A_447 = arith.cmpi ne, %convert_element_type3A_445, %cond3A_446 : i32
      scf.if %cond3A_447 {
        %mul3A_482 = arith.constant 32 : i32
        %mul3A_483 = arith.muli %add3A_443, %mul3A_482 : i32
        %add3A_484 = arith.addi %add3A, %mul3A_483 : i32
        %mul3A_485 = arith.constant 128 : i32
        %mul3A_486 = arith.muli %add3A_484, %mul3A_485 : i32
        %dma_wait3A_487 = arith.constant 2 : i32
        %dma_wait3A_488 = arith.constant 0 : i32
        %dma_wait3A_489 = arith.constant 0 : i32
        %dma_wait3A_490 = tpu.memref_slice %arg6[%dma_wait3A_487, %dma_wait3A_488, %dma_wait3A_489] : memref<5x128x128xf32, #tpu.memory_space<vmem>> -> memref<1x128x128xf32, #tpu.memory_space<vmem>>
        %dma_wait3A_491 = tpu.memref_squeeze %dma_wait3A_490 : memref<1x128x128xf32, #tpu.memory_space<vmem>> -> memref<128x128xf32, #tpu.memory_space<vmem>>
        %dma_wait3A_492 = arith.constant 0 : i32
        %dma_wait3A_493 = arith.constant 0 : i32
        %dma_wait3A_494 = tpu.memref_slice %arg4[%dma_wait3A_492, %dma_wait3A_493] : memref<100000x128xf32, #tpu.memory_space<hbm>> -> memref<128x128xf32, #tpu.memory_space<hbm>>
        %dma_wait3A_495 = arith.constant 0 : i32
        %dma_wait3A_496 = arith.constant 0 : i32
        %dma_wait3A_497 = tpu.memref_slice %arg6[%dma_wait3A_487, %dma_wait3A_495, %dma_wait3A_496] : memref<5x128x128xf32, #tpu.memory_space<vmem>> -> memref<1x128x128xf32, #tpu.memory_space<vmem>>
        %dma_wait3A_498 = tpu.memref_squeeze %dma_wait3A_497 : memref<1x128x128xf32, #tpu.memory_space<vmem>> -> memref<128x128xf32, #tpu.memory_space<vmem>>
        %dma_wait3A_499 = arith.constant 0 : i32
        %dma_wait3A_500 = arith.constant 0 : i32
        %dma_wait3A_501 = tpu.memref_slice %arg4[%dma_wait3A_499, %dma_wait3A_500] : memref<100000x128xf32, #tpu.memory_space<hbm>> -> memref<128x128xf32, #tpu.memory_space<hbm>>
        tpu.wait_dma2 semaphore(%arg14 : memref<!tpu.dma_semaphore, #tpu.memory_space<semaphore_mem>>) src(%dma_wait3A_501 : memref<128x128xf32, #tpu.memory_space<hbm>>) dst(%dma_wait3A_498 : memref<128x128xf32, #tpu.memory_space<vmem>>)
        %dma_start3A_502 = arith.constant 2 : i32
        %dma_start3A_503 = arith.constant 0 : i32
        %dma_start3A_504 = arith.constant 0 : i32
        %dma_start3A_505 = tpu.memref_slice %arg6[%dma_start3A_502, %dma_start3A_503, %dma_start3A_504] : memref<5x128x128xf32, #tpu.memory_space<vmem>> -> memref<1x128x128xf32, #tpu.memory_space<vmem>>
        %dma_start3A_506 = tpu.memref_squeeze %dma_start3A_505 : memref<1x128x128xf32, #tpu.memory_space<vmem>> -> memref<128x128xf32, #tpu.memory_space<vmem>>
        %dma_start3A_507 = arith.constant 0 : i32
        %dma_start3A_508 = tpu.memref_slice %arg4[%mul3A_486, %dma_start3A_507] : memref<100000x128xf32, #tpu.memory_space<hbm>> -> memref<128x128xf32, #tpu.memory_space<hbm>>
        %dma_start3A_509 = arith.constant 0 : i32
        %dma_start3A_510 = tpu.memref_slice %arg4[%mul3A_486, %dma_start3A_509] : memref<100000x128xf32, #tpu.memory_space<hbm>> -> memref<128x128xf32, #tpu.memory_space<hbm>>
        %dma_start3A_511 = arith.constant 0 : i32
        %dma_start3A_512 = arith.constant 0 : i32
        %dma_start3A_513 = tpu.memref_slice %arg6[%dma_start3A_502, %dma_start3A_511, %dma_start3A_512] : memref<5x128x128xf32, #tpu.memory_space<vmem>> -> memref<1x128x128xf32, #tpu.memory_space<vmem>>
        %dma_start3A_514 = tpu.memref_squeeze %dma_start3A_513 : memref<1x128x128xf32, #tpu.memory_space<vmem>> -> memref<128x128xf32, #tpu.memory_space<vmem>>
        tpu.enqueue_dma source(%dma_start3A_514 : memref<128x128xf32, #tpu.memory_space<vmem>>) target(%dma_start3A_510 : memref<128x128xf32, #tpu.memory_space<hbm>>) target_semaphore(%arg19 : memref<!tpu.dma_semaphore, #tpu.memory_space<semaphore_mem>>)
      } else {
      }
      %sub3A_448 = arith.constant 5 : i32
      %sub3A_449 = arith.subi %select_n3A, %sub3A_448 : i32
      %lt3A_450 = arith.cmpi slt, %add3A_443, %sub3A_449 : i32
      %convert_element_type3A_451 = arith.extui %lt3A_450 : i1 to i32
      %cond3A_452 = arith.constant 0 : i32
      %cond3A_453 = arith.cmpi ne, %convert_element_type3A_451, %cond3A_452 : i32
      scf.if %cond3A_453 {
        %dma_wait3A_482 = arith.constant 2 : i32
        %dma_wait3A_483 = arith.constant 0 : i32
        %dma_wait3A_484 = arith.constant 0 : i32
        %dma_wait3A_485 = tpu.memref_slice %arg6[%dma_wait3A_482, %dma_wait3A_483, %dma_wait3A_484] : memref<5x128x128xf32, #tpu.memory_space<vmem>> -> memref<1x128x128xf32, #tpu.memory_space<vmem>>
        %dma_wait3A_486 = tpu.memref_squeeze %dma_wait3A_485 : memref<1x128x128xf32, #tpu.memory_space<vmem>> -> memref<128x128xf32, #tpu.memory_space<vmem>>
        %dma_wait3A_487 = arith.constant 0 : i32
        %dma_wait3A_488 = arith.constant 0 : i32
        %dma_wait3A_489 = tpu.memref_slice %arg4[%dma_wait3A_487, %dma_wait3A_488] : memref<100000x128xf32, #tpu.memory_space<hbm>> -> memref<128x128xf32, #tpu.memory_space<hbm>>
        %dma_wait3A_490 = arith.constant 0 : i32
        %dma_wait3A_491 = arith.constant 0 : i32
        %dma_wait3A_492 = tpu.memref_slice %arg4[%dma_wait3A_490, %dma_wait3A_491] : memref<100000x128xf32, #tpu.memory_space<hbm>> -> memref<128x128xf32, #tpu.memory_space<hbm>>
        %dma_wait3A_493 = arith.constant 0 : i32
        %dma_wait3A_494 = arith.constant 0 : i32
        %dma_wait3A_495 = tpu.memref_slice %arg6[%dma_wait3A_482, %dma_wait3A_493, %dma_wait3A_494] : memref<5x128x128xf32, #tpu.memory_space<vmem>> -> memref<1x128x128xf32, #tpu.memory_space<vmem>>
        %dma_wait3A_496 = tpu.memref_squeeze %dma_wait3A_495 : memref<1x128x128xf32, #tpu.memory_space<vmem>> -> memref<128x128xf32, #tpu.memory_space<vmem>>
        tpu.wait_dma2 semaphore(%arg19 : memref<!tpu.dma_semaphore, #tpu.memory_space<semaphore_mem>>) src(%dma_wait3A_496 : memref<128x128xf32, #tpu.memory_space<vmem>>) dst(%dma_wait3A_492 : memref<128x128xf32, #tpu.memory_space<hbm>>)
        %add3A_497 = arith.constant 5 : i32
        %add3A_498 = arith.addi %add3A_443, %add3A_497 : i32
        %dma_start3A_499 = arith.constant 2 : i32
        %dma_start3A_500 = arith.constant 0 : i32
        %dma_start3A_501 = arith.constant 0 : i32
        %dma_start3A_502 = tpu.memref_slice %arg6[%dma_start3A_499, %dma_start3A_500, %dma_start3A_501] : memref<5x128x128xf32, #tpu.memory_space<vmem>> -> memref<1x128x128xf32, #tpu.memory_space<vmem>>
        %dma_start3A_503 = tpu.memref_squeeze %dma_start3A_502 : memref<1x128x128xf32, #tpu.memory_space<vmem>> -> memref<128x128xf32, #tpu.memory_space<vmem>>
        %dma_start3A_504 = arith.constant 0 : i32
        %dma_start3A_505 = tpu.memref_slice %arg5[%add3A_498, %dma_start3A_504] : memref<25x128xi32, #tpu.memory_space<vmem>> -> memref<1x128xi32, #tpu.memory_space<vmem>>
        %dma_start3A_506 = tpu.memref_squeeze %dma_start3A_505 : memref<1x128xi32, #tpu.memory_space<vmem>> -> memref<128xi32, #tpu.memory_space<vmem>>
        %dma_start3A_507 = arith.constant 0 : i32
        %dma_start3A_508 = arith.constant 0 : i32
        %dma_start3A_509 = tpu.memref_slice %arg9[%dma_start3A_507, %dma_start3A_508] : memref<120x128xf32, #tpu.memory_space<vmem_shared>> -> memref<120x128xf32, #tpu.memory_space<vmem_shared>>
        tpu.enqueue_indirect_dma source(%dma_start3A_509 : memref<120x128xf32, #tpu.memory_space<vmem_shared>>) target(%dma_start3A_503 : memref<128x128xf32, #tpu.memory_space<vmem>>) offsets(%dma_start3A_506 : memref<128xi32, #tpu.memory_space<vmem>>) semaphore(%arg14 : memref<!tpu.dma_semaphore, #tpu.memory_space<semaphore_mem>>)
      } else {
      }
      %mul3A_454 = arith.constant 5 : i32
      %mul3A_455 = arith.muli %scan3A_412, %mul3A_454 : i32
      %add3A_456 = arith.constant 3 : i32
      %add3A_457 = arith.addi %mul3A_455, %add3A_456 : i32
      %lt3A_458 = arith.cmpi slt, %add3A_457, %select_n3A : i32
      %convert_element_type3A_459 = arith.extui %lt3A_458 : i1 to i32
      %cond3A_460 = arith.constant 0 : i32
      %cond3A_461 = arith.cmpi ne, %convert_element_type3A_459, %cond3A_460 : i32
      scf.if %cond3A_461 {
        %mul3A_482 = arith.constant 32 : i32
        %mul3A_483 = arith.muli %add3A_457, %mul3A_482 : i32
        %add3A_484 = arith.addi %add3A, %mul3A_483 : i32
        %mul3A_485 = arith.constant 128 : i32
        %mul3A_486 = arith.muli %add3A_484, %mul3A_485 : i32
        %dma_wait3A_487 = arith.constant 3 : i32
        %dma_wait3A_488 = arith.constant 0 : i32
        %dma_wait3A_489 = arith.constant 0 : i32
        %dma_wait3A_490 = tpu.memref_slice %arg6[%dma_wait3A_487, %dma_wait3A_488, %dma_wait3A_489] : memref<5x128x128xf32, #tpu.memory_space<vmem>> -> memref<1x128x128xf32, #tpu.memory_space<vmem>>
        %dma_wait3A_491 = tpu.memref_squeeze %dma_wait3A_490 : memref<1x128x128xf32, #tpu.memory_space<vmem>> -> memref<128x128xf32, #tpu.memory_space<vmem>>
        %dma_wait3A_492 = arith.constant 0 : i32
        %dma_wait3A_493 = arith.constant 0 : i32
        %dma_wait3A_494 = tpu.memref_slice %arg4[%dma_wait3A_492, %dma_wait3A_493] : memref<100000x128xf32, #tpu.memory_space<hbm>> -> memref<128x128xf32, #tpu.memory_space<hbm>>
        %dma_wait3A_495 = arith.constant 0 : i32
        %dma_wait3A_496 = arith.constant 0 : i32
        %dma_wait3A_497 = tpu.memref_slice %arg6[%dma_wait3A_487, %dma_wait3A_495, %dma_wait3A_496] : memref<5x128x128xf32, #tpu.memory_space<vmem>> -> memref<1x128x128xf32, #tpu.memory_space<vmem>>
        %dma_wait3A_498 = tpu.memref_squeeze %dma_wait3A_497 : memref<1x128x128xf32, #tpu.memory_space<vmem>> -> memref<128x128xf32, #tpu.memory_space<vmem>>
        %dma_wait3A_499 = arith.constant 0 : i32
        %dma_wait3A_500 = arith.constant 0 : i32
        %dma_wait3A_501 = tpu.memref_slice %arg4[%dma_wait3A_499, %dma_wait3A_500] : memref<100000x128xf32, #tpu.memory_space<hbm>> -> memref<128x128xf32, #tpu.memory_space<hbm>>
        tpu.wait_dma2 semaphore(%arg15 : memref<!tpu.dma_semaphore, #tpu.memory_space<semaphore_mem>>) src(%dma_wait3A_501 : memref<128x128xf32, #tpu.memory_space<hbm>>) dst(%dma_wait3A_498 : memref<128x128xf32, #tpu.memory_space<vmem>>)
        %dma_start3A_502 = arith.constant 3 : i32
        %dma_start3A_503 = arith.constant 0 : i32
        %dma_start3A_504 = arith.constant 0 : i32
        %dma_start3A_505 = tpu.memref_slice %arg6[%dma_start3A_502, %dma_start3A_503, %dma_start3A_504] : memref<5x128x128xf32, #tpu.memory_space<vmem>> -> memref<1x128x128xf32, #tpu.memory_space<vmem>>
        %dma_start3A_506 = tpu.memref_squeeze %dma_start3A_505 : memref<1x128x128xf32, #tpu.memory_space<vmem>> -> memref<128x128xf32, #tpu.memory_space<vmem>>
        %dma_start3A_507 = arith.constant 0 : i32
        %dma_start3A_508 = tpu.memref_slice %arg4[%mul3A_486, %dma_start3A_507] : memref<100000x128xf32, #tpu.memory_space<hbm>> -> memref<128x128xf32, #tpu.memory_space<hbm>>
        %dma_start3A_509 = arith.constant 0 : i32
        %dma_start3A_510 = tpu.memref_slice %arg4[%mul3A_486, %dma_start3A_509] : memref<100000x128xf32, #tpu.memory_space<hbm>> -> memref<128x128xf32, #tpu.memory_space<hbm>>
        %dma_start3A_511 = arith.constant 0 : i32
        %dma_start3A_512 = arith.constant 0 : i32
        %dma_start3A_513 = tpu.memref_slice %arg6[%dma_start3A_502, %dma_start3A_511, %dma_start3A_512] : memref<5x128x128xf32, #tpu.memory_space<vmem>> -> memref<1x128x128xf32, #tpu.memory_space<vmem>>
        %dma_start3A_514 = tpu.memref_squeeze %dma_start3A_513 : memref<1x128x128xf32, #tpu.memory_space<vmem>> -> memref<128x128xf32, #tpu.memory_space<vmem>>
        tpu.enqueue_dma source(%dma_start3A_514 : memref<128x128xf32, #tpu.memory_space<vmem>>) target(%dma_start3A_510 : memref<128x128xf32, #tpu.memory_space<hbm>>) target_semaphore(%arg20 : memref<!tpu.dma_semaphore, #tpu.memory_space<semaphore_mem>>)
      } else {
      }
      %sub3A_462 = arith.constant 5 : i32
      %sub3A_463 = arith.subi %select_n3A, %sub3A_462 : i32
      %lt3A_464 = arith.cmpi slt, %add3A_457, %sub3A_463 : i32
      %convert_element_type3A_465 = arith.extui %lt3A_464 : i1 to i32
      %cond3A_466 = arith.constant 0 : i32
      %cond3A_467 = arith.cmpi ne, %convert_element_type3A_465, %cond3A_466 : i32
      scf.if %cond3A_467 {
        %dma_wait3A_482 = arith.constant 3 : i32
        %dma_wait3A_483 = arith.constant 0 : i32
        %dma_wait3A_484 = arith.constant 0 : i32
        %dma_wait3A_485 = tpu.memref_slice %arg6[%dma_wait3A_482, %dma_wait3A_483, %dma_wait3A_484] : memref<5x128x128xf32, #tpu.memory_space<vmem>> -> memref<1x128x128xf32, #tpu.memory_space<vmem>>
        %dma_wait3A_486 = tpu.memref_squeeze %dma_wait3A_485 : memref<1x128x128xf32, #tpu.memory_space<vmem>> -> memref<128x128xf32, #tpu.memory_space<vmem>>
        %dma_wait3A_487 = arith.constant 0 : i32
        %dma_wait3A_488 = arith.constant 0 : i32
        %dma_wait3A_489 = tpu.memref_slice %arg4[%dma_wait3A_487, %dma_wait3A_488] : memref<100000x128xf32, #tpu.memory_space<hbm>> -> memref<128x128xf32, #tpu.memory_space<hbm>>
        %dma_wait3A_490 = arith.constant 0 : i32
        %dma_wait3A_491 = arith.constant 0 : i32
        %dma_wait3A_492 = tpu.memref_slice %arg4[%dma_wait3A_490, %dma_wait3A_491] : memref<100000x128xf32, #tpu.memory_space<hbm>> -> memref<128x128xf32, #tpu.memory_space<hbm>>
        %dma_wait3A_493 = arith.constant 0 : i32
        %dma_wait3A_494 = arith.constant 0 : i32
        %dma_wait3A_495 = tpu.memref_slice %arg6[%dma_wait3A_482, %dma_wait3A_493, %dma_wait3A_494] : memref<5x128x128xf32, #tpu.memory_space<vmem>> -> memref<1x128x128xf32, #tpu.memory_space<vmem>>
        %dma_wait3A_496 = tpu.memref_squeeze %dma_wait3A_495 : memref<1x128x128xf32, #tpu.memory_space<vmem>> -> memref<128x128xf32, #tpu.memory_space<vmem>>
        tpu.wait_dma2 semaphore(%arg20 : memref<!tpu.dma_semaphore, #tpu.memory_space<semaphore_mem>>) src(%dma_wait3A_496 : memref<128x128xf32, #tpu.memory_space<vmem>>) dst(%dma_wait3A_492 : memref<128x128xf32, #tpu.memory_space<hbm>>)
        %add3A_497 = arith.constant 5 : i32
        %add3A_498 = arith.addi %add3A_457, %add3A_497 : i32
        %dma_start3A_499 = arith.constant 3 : i32
        %dma_start3A_500 = arith.constant 0 : i32
        %dma_start3A_501 = arith.constant 0 : i32
        %dma_start3A_502 = tpu.memref_slice %arg6[%dma_start3A_499, %dma_start3A_500, %dma_start3A_501] : memref<5x128x128xf32, #tpu.memory_space<vmem>> -> memref<1x128x128xf32, #tpu.memory_space<vmem>>
        %dma_start3A_503 = tpu.memref_squeeze %dma_start3A_502 : memref<1x128x128xf32, #tpu.memory_space<vmem>> -> memref<128x128xf32, #tpu.memory_space<vmem>>
        %dma_start3A_504 = arith.constant 0 : i32
        %dma_start3A_505 = tpu.memref_slice %arg5[%add3A_498, %dma_start3A_504] : memref<25x128xi32, #tpu.memory_space<vmem>> -> memref<1x128xi32, #tpu.memory_space<vmem>>
        %dma_start3A_506 = tpu.memref_squeeze %dma_start3A_505 : memref<1x128xi32, #tpu.memory_space<vmem>> -> memref<128xi32, #tpu.memory_space<vmem>>
        %dma_start3A_507 = arith.constant 0 : i32
        %dma_start3A_508 = arith.constant 0 : i32
        %dma_start3A_509 = tpu.memref_slice %arg9[%dma_start3A_507, %dma_start3A_508] : memref<120x128xf32, #tpu.memory_space<vmem_shared>> -> memref<120x128xf32, #tpu.memory_space<vmem_shared>>
        tpu.enqueue_indirect_dma source(%dma_start3A_509 : memref<120x128xf32, #tpu.memory_space<vmem_shared>>) target(%dma_start3A_503 : memref<128x128xf32, #tpu.memory_space<vmem>>) offsets(%dma_start3A_506 : memref<128xi32, #tpu.memory_space<vmem>>) semaphore(%arg15 : memref<!tpu.dma_semaphore, #tpu.memory_space<semaphore_mem>>)
      } else {
      }
      %mul3A_468 = arith.constant 5 : i32
      %mul3A_469 = arith.muli %scan3A_412, %mul3A_468 : i32
      %add3A_470 = arith.constant 4 : i32
      %add3A_471 = arith.addi %mul3A_469, %add3A_470 : i32
      %lt3A_472 = arith.cmpi slt, %add3A_471, %select_n3A : i32
      %convert_element_type3A_473 = arith.extui %lt3A_472 : i1 to i32
      %cond3A_474 = arith.constant 0 : i32
      %cond3A_475 = arith.cmpi ne, %convert_element_type3A_473, %cond3A_474 : i32
      scf.if %cond3A_475 {
        %mul3A_482 = arith.constant 32 : i32
        %mul3A_483 = arith.muli %add3A_471, %mul3A_482 : i32
        %add3A_484 = arith.addi %add3A, %mul3A_483 : i32
        %mul3A_485 = arith.constant 128 : i32
        %mul3A_486 = arith.muli %add3A_484, %mul3A_485 : i32
        %dma_wait3A_487 = arith.constant 4 : i32
        %dma_wait3A_488 = arith.constant 0 : i32
        %dma_wait3A_489 = arith.constant 0 : i32
        %dma_wait3A_490 = tpu.memref_slice %arg6[%dma_wait3A_487, %dma_wait3A_488, %dma_wait3A_489] : memref<5x128x128xf32, #tpu.memory_space<vmem>> -> memref<1x128x128xf32, #tpu.memory_space<vmem>>
        %dma_wait3A_491 = tpu.memref_squeeze %dma_wait3A_490 : memref<1x128x128xf32, #tpu.memory_space<vmem>> -> memref<128x128xf32, #tpu.memory_space<vmem>>
        %dma_wait3A_492 = arith.constant 0 : i32
        %dma_wait3A_493 = arith.constant 0 : i32
        %dma_wait3A_494 = tpu.memref_slice %arg4[%dma_wait3A_492, %dma_wait3A_493] : memref<100000x128xf32, #tpu.memory_space<hbm>> -> memref<128x128xf32, #tpu.memory_space<hbm>>
        %dma_wait3A_495 = arith.constant 0 : i32
        %dma_wait3A_496 = arith.constant 0 : i32
        %dma_wait3A_497 = tpu.memref_slice %arg6[%dma_wait3A_487, %dma_wait3A_495, %dma_wait3A_496] : memref<5x128x128xf32, #tpu.memory_space<vmem>> -> memref<1x128x128xf32, #tpu.memory_space<vmem>>
        %dma_wait3A_498 = tpu.memref_squeeze %dma_wait3A_497 : memref<1x128x128xf32, #tpu.memory_space<vmem>> -> memref<128x128xf32, #tpu.memory_space<vmem>>
        %dma_wait3A_499 = arith.constant 0 : i32
        %dma_wait3A_500 = arith.constant 0 : i32
        %dma_wait3A_501 = tpu.memref_slice %arg4[%dma_wait3A_499, %dma_wait3A_500] : memref<100000x128xf32, #tpu.memory_space<hbm>> -> memref<128x128xf32, #tpu.memory_space<hbm>>
        tpu.wait_dma2 semaphore(%arg16 : memref<!tpu.dma_semaphore, #tpu.memory_space<semaphore_mem>>) src(%dma_wait3A_501 : memref<128x128xf32, #tpu.memory_space<hbm>>) dst(%dma_wait3A_498 : memref<128x128xf32, #tpu.memory_space<vmem>>)
        %dma_start3A_502 = arith.constant 4 : i32
        %dma_start3A_503 = arith.constant 0 : i32
        %dma_start3A_504 = arith.constant 0 : i32
        %dma_start3A_505 = tpu.memref_slice %arg6[%dma_start3A_502, %dma_start3A_503, %dma_start3A_504] : memref<5x128x128xf32, #tpu.memory_space<vmem>> -> memref<1x128x128xf32, #tpu.memory_space<vmem>>
        %dma_start3A_506 = tpu.memref_squeeze %dma_start3A_505 : memref<1x128x128xf32, #tpu.memory_space<vmem>> -> memref<128x128xf32, #tpu.memory_space<vmem>>
        %dma_start3A_507 = arith.constant 0 : i32
        %dma_start3A_508 = tpu.memref_slice %arg4[%mul3A_486, %dma_start3A_507] : memref<100000x128xf32, #tpu.memory_space<hbm>> -> memref<128x128xf32, #tpu.memory_space<hbm>>
        %dma_start3A_509 = arith.constant 0 : i32
        %dma_start3A_510 = tpu.memref_slice %arg4[%mul3A_486, %dma_start3A_509] : memref<100000x128xf32, #tpu.memory_space<hbm>> -> memref<128x128xf32, #tpu.memory_space<hbm>>
        %dma_start3A_511 = arith.constant 0 : i32
        %dma_start3A_512 = arith.constant 0 : i32
        %dma_start3A_513 = tpu.memref_slice %arg6[%dma_start3A_502, %dma_start3A_511, %dma_start3A_512] : memref<5x128x128xf32, #tpu.memory_space<vmem>> -> memref<1x128x128xf32, #tpu.memory_space<vmem>>
        %dma_start3A_514 = tpu.memref_squeeze %dma_start3A_513 : memref<1x128x128xf32, #tpu.memory_space<vmem>> -> memref<128x128xf32, #tpu.memory_space<vmem>>
        tpu.enqueue_dma source(%dma_start3A_514 : memref<128x128xf32, #tpu.memory_space<vmem>>) target(%dma_start3A_510 : memref<128x128xf32, #tpu.memory_space<hbm>>) target_semaphore(%arg21 : memref<!tpu.dma_semaphore, #tpu.memory_space<semaphore_mem>>)
      } else {
      }
      %sub3A_476 = arith.constant 5 : i32
      %sub3A_477 = arith.subi %select_n3A, %sub3A_476 : i32
      %lt3A_478 = arith.cmpi slt, %add3A_471, %sub3A_477 : i32
      %convert_element_type3A_479 = arith.extui %lt3A_478 : i1 to i32
      %cond3A_480 = arith.constant 0 : i32
      %cond3A_481 = arith.cmpi ne, %convert_element_type3A_479, %cond3A_480 : i32
      scf.if %cond3A_481 {
        %dma_wait3A_482 = arith.constant 4 : i32
        %dma_wait3A_483 = arith.constant 0 : i32
        %dma_wait3A_484 = arith.constant 0 : i32
        %dma_wait3A_485 = tpu.memref_slice %arg6[%dma_wait3A_482, %dma_wait3A_483, %dma_wait3A_484] : memref<5x128x128xf32, #tpu.memory_space<vmem>> -> memref<1x128x128xf32, #tpu.memory_space<vmem>>
        %dma_wait3A_486 = tpu.memref_squeeze %dma_wait3A_485 : memref<1x128x128xf32, #tpu.memory_space<vmem>> -> memref<128x128xf32, #tpu.memory_space<vmem>>
        %dma_wait3A_487 = arith.constant 0 : i32
        %dma_wait3A_488 = arith.constant 0 : i32
        %dma_wait3A_489 = tpu.memref_slice %arg4[%dma_wait3A_487, %dma_wait3A_488] : memref<100000x128xf32, #tpu.memory_space<hbm>> -> memref<128x128xf32, #tpu.memory_space<hbm>>
        %dma_wait3A_490 = arith.constant 0 : i32
        %dma_wait3A_491 = arith.constant 0 : i32
        %dma_wait3A_492 = tpu.memref_slice %arg4[%dma_wait3A_490, %dma_wait3A_491] : memref<100000x128xf32, #tpu.memory_space<hbm>> -> memref<128x128xf32, #tpu.memory_space<hbm>>
        %dma_wait3A_493 = arith.constant 0 : i32
        %dma_wait3A_494 = arith.constant 0 : i32
        %dma_wait3A_495 = tpu.memref_slice %arg6[%dma_wait3A_482, %dma_wait3A_493, %dma_wait3A_494] : memref<5x128x128xf32, #tpu.memory_space<vmem>> -> memref<1x128x128xf32, #tpu.memory_space<vmem>>
        %dma_wait3A_496 = tpu.memref_squeeze %dma_wait3A_495 : memref<1x128x128xf32, #tpu.memory_space<vmem>> -> memref<128x128xf32, #tpu.memory_space<vmem>>
        tpu.wait_dma2 semaphore(%arg21 : memref<!tpu.dma_semaphore, #tpu.memory_space<semaphore_mem>>) src(%dma_wait3A_496 : memref<128x128xf32, #tpu.memory_space<vmem>>) dst(%dma_wait3A_492 : memref<128x128xf32, #tpu.memory_space<hbm>>)
        %add3A_497 = arith.constant 5 : i32
        %add3A_498 = arith.addi %add3A_471, %add3A_497 : i32
        %dma_start3A_499 = arith.constant 4 : i32
        %dma_start3A_500 = arith.constant 0 : i32
        %dma_start3A_501 = arith.constant 0 : i32
        %dma_start3A_502 = tpu.memref_slice %arg6[%dma_start3A_499, %dma_start3A_500, %dma_start3A_501] : memref<5x128x128xf32, #tpu.memory_space<vmem>> -> memref<1x128x128xf32, #tpu.memory_space<vmem>>
        %dma_start3A_503 = tpu.memref_squeeze %dma_start3A_502 : memref<1x128x128xf32, #tpu.memory_space<vmem>> -> memref<128x128xf32, #tpu.memory_space<vmem>>
        %dma_start3A_504 = arith.constant 0 : i32
        %dma_start3A_505 = tpu.memref_slice %arg5[%add3A_498, %dma_start3A_504] : memref<25x128xi32, #tpu.memory_space<vmem>> -> memref<1x128xi32, #tpu.memory_space<vmem>>
        %dma_start3A_506 = tpu.memref_squeeze %dma_start3A_505 : memref<1x128xi32, #tpu.memory_space<vmem>> -> memref<128xi32, #tpu.memory_space<vmem>>
        %dma_start3A_507 = arith.constant 0 : i32
        %dma_start3A_508 = arith.constant 0 : i32
        %dma_start3A_509 = tpu.memref_slice %arg9[%dma_start3A_507, %dma_start3A_508] : memref<120x128xf32, #tpu.memory_space<vmem_shared>> -> memref<120x128xf32, #tpu.memory_space<vmem_shared>>
        tpu.enqueue_indirect_dma source(%dma_start3A_509 : memref<120x128xf32, #tpu.memory_space<vmem_shared>>) target(%dma_start3A_503 : memref<128x128xf32, #tpu.memory_space<vmem>>) offsets(%dma_start3A_506 : memref<128xi32, #tpu.memory_space<vmem>>) semaphore(%arg16 : memref<!tpu.dma_semaphore, #tpu.memory_space<semaphore_mem>>)
      } else {
      }
    }
    %scan3A_332 = arith.constant 5 : i32
    %dma_wait3A = arith.constant 0 : i32
    %dma_wait3A_333 = arith.constant 0 : i32
    %dma_wait3A_334 = arith.constant 0 : i32
    %dma_wait3A_335 = tpu.memref_slice %arg6[%dma_wait3A, %dma_wait3A_333, %dma_wait3A_334] : memref<5x128x128xf32, #tpu.memory_space<vmem>> -> memref<1x128x128xf32, #tpu.memory_space<vmem>>
    %dma_wait3A_336 = tpu.memref_squeeze %dma_wait3A_335 : memref<1x128x128xf32, #tpu.memory_space<vmem>> -> memref<128x128xf32, #tpu.memory_space<vmem>>
    %dma_wait3A_337 = arith.constant 0 : i32
    %dma_wait3A_338 = arith.constant 0 : i32
    %dma_wait3A_339 = tpu.memref_slice %arg4[%dma_wait3A_337, %dma_wait3A_338] : memref<100000x128xf32, #tpu.memory_space<hbm>> -> memref<128x128xf32, #tpu.memory_space<hbm>>
    %dma_wait3A_340 = arith.constant 0 : i32
    %dma_wait3A_341 = arith.constant 0 : i32
    %dma_wait3A_342 = tpu.memref_slice %arg4[%dma_wait3A_340, %dma_wait3A_341] : memref<100000x128xf32, #tpu.memory_space<hbm>> -> memref<128x128xf32, #tpu.memory_space<hbm>>
    %dma_wait3A_343 = arith.constant 0 : i32
    %dma_wait3A_344 = arith.constant 0 : i32
    %dma_wait3A_345 = tpu.memref_slice %arg6[%dma_wait3A, %dma_wait3A_343, %dma_wait3A_344] : memref<5x128x128xf32, #tpu.memory_space<vmem>> -> memref<1x128x128xf32, #tpu.memory_space<vmem>>
    %dma_wait3A_346 = tpu.memref_squeeze %dma_wait3A_345 : memref<1x128x128xf32, #tpu.memory_space<vmem>> -> memref<128x128xf32, #tpu.memory_space<vmem>>
    tpu.wait_dma2 semaphore(%arg17 : memref<!tpu.dma_semaphore, #tpu.memory_space<semaphore_mem>>) src(%dma_wait3A_346 : memref<128x128xf32, #tpu.memory_space<vmem>>) dst(%dma_wait3A_342 : memref<128x128xf32, #tpu.memory_space<hbm>>)
    %dma_wait3A_347 = arith.constant 1 : i32
    %dma_wait3A_348 = arith.constant 0 : i32
    %dma_wait3A_349 = arith.constant 0 : i32
    %dma_wait3A_350 = tpu.memref_slice %arg6[%dma_wait3A_347, %dma_wait3A_348, %dma_wait3A_349] : memref<5x128x128xf32, #tpu.memory_space<vmem>> -> memref<1x128x128xf32, #tpu.memory_space<vmem>>
    %dma_wait3A_351 = tpu.memref_squeeze %dma_wait3A_350 : memref<1x128x128xf32, #tpu.memory_space<vmem>> -> memref<128x128xf32, #tpu.memory_space<vmem>>
    %dma_wait3A_352 = arith.constant 0 : i32
    %dma_wait3A_353 = arith.constant 0 : i32
    %dma_wait3A_354 = tpu.memref_slice %arg4[%dma_wait3A_352, %dma_wait3A_353] : memref<100000x128xf32, #tpu.memory_space<hbm>> -> memref<128x128xf32, #tpu.memory_space<hbm>>
    %dma_wait3A_355 = arith.constant 0 : i32
    %dma_wait3A_356 = arith.constant 0 : i32
    %dma_wait3A_357 = tpu.memref_slice %arg4[%dma_wait3A_355, %dma_wait3A_356] : memref<100000x128xf32, #tpu.memory_space<hbm>> -> memref<128x128xf32, #tpu.memory_space<hbm>>
    %dma_wait3A_358 = arith.constant 0 : i32
    %dma_wait3A_359 = arith.constant 0 : i32
    %dma_wait3A_360 = tpu.memref_slice %arg6[%dma_wait3A_347, %dma_wait3A_358, %dma_wait3A_359] : memref<5x128x128xf32, #tpu.memory_space<vmem>> -> memref<1x128x128xf32, #tpu.memory_space<vmem>>
    %dma_wait3A_361 = tpu.memref_squeeze %dma_wait3A_360 : memref<1x128x128xf32, #tpu.memory_space<vmem>> -> memref<128x128xf32, #tpu.memory_space<vmem>>
    tpu.wait_dma2 semaphore(%arg18 : memref<!tpu.dma_semaphore, #tpu.memory_space<semaphore_mem>>) src(%dma_wait3A_361 : memref<128x128xf32, #tpu.memory_space<vmem>>) dst(%dma_wait3A_357 : memref<128x128xf32, #tpu.memory_space<hbm>>)
    %dma_wait3A_362 = arith.constant 2 : i32
    %dma_wait3A_363 = arith.constant 0 : i32
    %dma_wait3A_364 = arith.constant 0 : i32
    %dma_wait3A_365 = tpu.memref_slice %arg6[%dma_wait3A_362, %dma_wait3A_363, %dma_wait3A_364] : memref<5x128x128xf32, #tpu.memory_space<vmem>> -> memref<1x128x128xf32, #tpu.memory_space<vmem>>
    %dma_wait3A_366 = tpu.memref_squeeze %dma_wait3A_365 : memref<1x128x128xf32, #tpu.memory_space<vmem>> -> memref<128x128xf32, #tpu.memory_space<vmem>>
    %dma_wait3A_367 = arith.constant 0 : i32
    %dma_wait3A_368 = arith.constant 0 : i32
    %dma_wait3A_369 = tpu.memref_slice %arg4[%dma_wait3A_367, %dma_wait3A_368] : memref<100000x128xf32, #tpu.memory_space<hbm>> -> memref<128x128xf32, #tpu.memory_space<hbm>>
    %dma_wait3A_370 = arith.constant 0 : i32
    %dma_wait3A_371 = arith.constant 0 : i32
    %dma_wait3A_372 = tpu.memref_slice %arg4[%dma_wait3A_370, %dma_wait3A_371] : memref<100000x128xf32, #tpu.memory_space<hbm>> -> memref<128x128xf32, #tpu.memory_space<hbm>>
    %dma_wait3A_373 = arith.constant 0 : i32
    %dma_wait3A_374 = arith.constant 0 : i32
    %dma_wait3A_375 = tpu.memref_slice %arg6[%dma_wait3A_362, %dma_wait3A_373, %dma_wait3A_374] : memref<5x128x128xf32, #tpu.memory_space<vmem>> -> memref<1x128x128xf32, #tpu.memory_space<vmem>>
    %dma_wait3A_376 = tpu.memref_squeeze %dma_wait3A_375 : memref<1x128x128xf32, #tpu.memory_space<vmem>> -> memref<128x128xf32, #tpu.memory_space<vmem>>
    tpu.wait_dma2 semaphore(%arg19 : memref<!tpu.dma_semaphore, #tpu.memory_space<semaphore_mem>>) src(%dma_wait3A_376 : memref<128x128xf32, #tpu.memory_space<vmem>>) dst(%dma_wait3A_372 : memref<128x128xf32, #tpu.memory_space<hbm>>)
    %dma_wait3A_377 = arith.constant 3 : i32
    %dma_wait3A_378 = arith.constant 0 : i32
    %dma_wait3A_379 = arith.constant 0 : i32
    %dma_wait3A_380 = tpu.memref_slice %arg6[%dma_wait3A_377, %dma_wait3A_378, %dma_wait3A_379] : memref<5x128x128xf32, #tpu.memory_space<vmem>> -> memref<1x128x128xf32, #tpu.memory_space<vmem>>
    %dma_wait3A_381 = tpu.memref_squeeze %dma_wait3A_380 : memref<1x128x128xf32, #tpu.memory_space<vmem>> -> memref<128x128xf32, #tpu.memory_space<vmem>>
    %dma_wait3A_382 = arith.constant 0 : i32
    %dma_wait3A_383 = arith.constant 0 : i32
    %dma_wait3A_384 = tpu.memref_slice %arg4[%dma_wait3A_382, %dma_wait3A_383] : memref<100000x128xf32, #tpu.memory_space<hbm>> -> memref<128x128xf32, #tpu.memory_space<hbm>>
    %dma_wait3A_385 = arith.constant 0 : i32
    %dma_wait3A_386 = arith.constant 0 : i32
    %dma_wait3A_387 = tpu.memref_slice %arg4[%dma_wait3A_385, %dma_wait3A_386] : memref<100000x128xf32, #tpu.memory_space<hbm>> -> memref<128x128xf32, #tpu.memory_space<hbm>>
    %dma_wait3A_388 = arith.constant 0 : i32
    %dma_wait3A_389 = arith.constant 0 : i32
    %dma_wait3A_390 = tpu.memref_slice %arg6[%dma_wait3A_377, %dma_wait3A_388, %dma_wait3A_389] : memref<5x128x128xf32, #tpu.memory_space<vmem>> -> memref<1x128x128xf32, #tpu.memory_space<vmem>>
    %dma_wait3A_391 = tpu.memref_squeeze %dma_wait3A_390 : memref<1x128x128xf32, #tpu.memory_space<vmem>> -> memref<128x128xf32, #tpu.memory_space<vmem>>
    tpu.wait_dma2 semaphore(%arg20 : memref<!tpu.dma_semaphore, #tpu.memory_space<semaphore_mem>>) src(%dma_wait3A_391 : memref<128x128xf32, #tpu.memory_space<vmem>>) dst(%dma_wait3A_387 : memref<128x128xf32, #tpu.memory_space<hbm>>)
    %dma_wait3A_392 = arith.constant 4 : i32
    %dma_wait3A_393 = arith.constant 0 : i32
    %dma_wait3A_394 = arith.constant 0 : i32
    %dma_wait3A_395 = tpu.memref_slice %arg6[%dma_wait3A_392, %dma_wait3A_393, %dma_wait3A_394] : memref<5x128x128xf32, #tpu.memory_space<vmem>> -> memref<1x128x128xf32, #tpu.memory_space<vmem>>
    %dma_wait3A_396 = tpu.memref_squeeze %dma_wait3A_395 : memref<1x128x128xf32, #tpu.memory_space<vmem>> -> memref<128x128xf32, #tpu.memory_space<vmem>>
    %dma_wait3A_397 = arith.constant 0 : i32
    %dma_wait3A_398 = arith.constant 0 : i32
    %dma_wait3A_399 = tpu.memref_slice %arg4[%dma_wait3A_397, %dma_wait3A_398] : memref<100000x128xf32, #tpu.memory_space<hbm>> -> memref<128x128xf32, #tpu.memory_space<hbm>>
    %dma_wait3A_400 = arith.constant 0 : i32
    %dma_wait3A_401 = arith.constant 0 : i32
    %dma_wait3A_402 = tpu.memref_slice %arg4[%dma_wait3A_400, %dma_wait3A_401] : memref<100000x128xf32, #tpu.memory_space<hbm>> -> memref<128x128xf32, #tpu.memory_space<hbm>>
    %dma_wait3A_403 = arith.constant 0 : i32
    %dma_wait3A_404 = arith.constant 0 : i32
    %dma_wait3A_405 = tpu.memref_slice %arg6[%dma_wait3A_392, %dma_wait3A_403, %dma_wait3A_404] : memref<5x128x128xf32, #tpu.memory_space<vmem>> -> memref<1x128x128xf32, #tpu.memory_space<vmem>>
    %dma_wait3A_406 = tpu.memref_squeeze %dma_wait3A_405 : memref<1x128x128xf32, #tpu.memory_space<vmem>> -> memref<128x128xf32, #tpu.memory_space<vmem>>
    tpu.wait_dma2 semaphore(%arg21 : memref<!tpu.dma_semaphore, #tpu.memory_space<semaphore_mem>>) src(%dma_wait3A_406 : memref<128x128xf32, #tpu.memory_space<vmem>>) dst(%dma_wait3A_402 : memref<128x128xf32, #tpu.memory_space<hbm>>)
    %eq3A_407 = arith.constant 13 : i32
    %eq3A_408 = arith.cmpi eq, %add3A, %eq3A_407 : i32
    %convert_element_type3A_409 = arith.extui %eq3A_408 : i1 to i32
    %cond3A_410 = arith.constant 0 : i32
    %cond3A_411 = arith.cmpi ne, %convert_element_type3A_409, %cond3A_410 : i32
    scf.if %cond3A_411 {
      %dma_wait3A_412 = arith.constant 99968 : i32
      %dma_wait3A_413 = arith.constant 0 : i32
      %dma_wait3A_414 = tpu.memref_slice %arg4[%dma_wait3A_412, %dma_wait3A_413] : memref<100000x128xf32, #tpu.memory_space<hbm>> -> memref<32x128xf32, #tpu.memory_space<hbm>>
      %dma_wait3A_415 = arith.constant 99968 : i32
      %dma_wait3A_416 = arith.constant 0 : i32
      %dma_wait3A_417 = tpu.memref_slice %arg4[%dma_wait3A_415, %dma_wait3A_416] : memref<100000x128xf32, #tpu.memory_space<hbm>> -> memref<32x128xf32, #tpu.memory_space<hbm>>
      tpu.wait_dma2 semaphore(%arg23 : memref<!tpu.dma_semaphore, #tpu.memory_space<semaphore_mem>>) src(%arg8 : memref<32x128xf32, #tpu.memory_space<vmem>>) dst(%dma_wait3A_417 : memref<32x128xf32, #tpu.memory_space<hbm>>)
    } else {
    }
    return
  }
}

</mosaic_0001>

<sc_bundles>
// kernel: kernel.3.cloned.1.call-start
scs
__scs_entry_jumppad:
0x0: {  	(pc) =	sbr.rel $0x88, $3  }
0x1: {  	(tag) =	ssettag $0x0;
	lr =	simm.s32 $0x1  }
0x2: {  	[smem:$0x3F9F] =	sst lr;
	_ =	strace $0xD0000000  }
0x3: {  	_ = 	snop  }
0x4: {  	_ = 	snop  }
0x5: {  	_ = 	snop  }
0x6: {  	_ = 	snop  }
0x7: {  	_ = 	snop  }
__scs_overlays_trampoline_lowered:
0x8: {  	[smem:$0x3FAE] =	sst s0  }
0x9: {  	[smem:$0x3FAF] =	sst s1  }
0xa: {  	[smem:$0x3FB0] =	sst s2  }
0xb: {  	[smem:$0x3FB1] =	sst s3  }
0xc: {  	[smem:$0x3FB2] =	sst s4  }
0xd: {  	[smem:$0x3FB3] =	sst s5  }
0xe: {  	[smem:$0x3FB4] =	sst s6  }
0xf: {  	[smem:$0x3FB5] =	sst s7  }
0x10: {  	[smem:$0x3FB6] =	sst s8  }
0x11: {  	[smem:$0x3FB7] =	sst s9;
	s0 =	simm.s32 @!p0 $0x0  }
0x12: {  	s1 =	sld [smem:$0x3F9D];
	s0 =	simm.s32 @p0 $0x1  }
0x13: {  	[smem:$0x3FB8] =	sst s0;
	s0 =	simm.s32 @!p1 $0x0  }
0x14: {  	s2 =	sld [smem:$0x3F9C];
	s0 =	simm.s32 @p1 $0x1  }
0x15: {  	[smem:$0x3FB9] =	sst s0;
	s0 =	simm.s32 @!p2 $0x0  }
0x16: {  	s3 =	sld [smem:$0x3FDB];
	s0 =	simm.s32 @p2 $0x1  }
0x17: {  	s4 =	simm.s32 $0x1BF5;
	[smem:$0x3FBB] =	sst s0  }
0x18: {  	s0 =	sld [smem:$0x3F9E];
	_ =	swait.ge [sflag:s4], $0x0  }
0x19: {  	s7 =	sld [smem:$0x3F9F]  }
0x1a: {  	s8 =	sadd.s32 $0xFFFFE003, lr  }
0x1b: {  	s9 =	sadd.s32 $0xFFFFFEF7, lr;
	s5 =	simm.s32 $0xFFFFFFFF;
	p2 =	slt.u32 s8, $0xFFFFF086  }
0x1c: {  	p1 =	slt.u32 s9, $0xF7A;
	s5 =	simm.s32 @!p2 $0x0  }
0x1d: {  	s5 =	simm.s32 @p1 $0x1;
	p0 =	seq.s32 s7, s2  }
0x1e: {  	s7 =	smul.u32 @!p0 $0xF7A, s2;
	p2 =	seq.s32 @!p0 s5, $0x0  }
0x1f: {  	s9 =	smul.u32 $0xF7A, s1;
	s8 =	simm.s32 @!p0 $0x1BF5;
	p2 =	por !p2, p0  }
0x20: {  	[sflag:s8] =	ssyncset.s32 @!p0 $0xFFFFF086;
	s6 =	sadd.s32 @!p0 s3, s7;
	s7 =	simm.s32 @!p0 $0x108  }
0x21: {  	s3 =	sadd.s32 s3, s9;
	s6 =	sadd.s32 @!p0 $0x88, s6;
	s7 =	simm.s32 @p2 $0x1082  }
0x22: {  	[simem:s7], [sflag:s8] =	dma.local @!p0 [hbm:s6], $0xF7A  }
0x23: {  	s9 =	sor.u32 $0xD0000000, s2;
	s6 =	simm.s32 $0x108;
	_ =	swait.ge @!p0 [sflag:s8], $0x0  }
0x24: {  	s3 =	sadd.s32 $0x88, s3;
	s6 =	simm.s32 @!p1 $0x1082;
	[sflag:s4] =	ssyncset.s32 $0xFFFFF086  }
0x25: {  	[simem:s6], [sflag:s4] =	dma.local [hbm:s3], $0xF7A  }
0x26: {  	[smem:$0x3F9F] =	sst s1;
	(tag) =	ssettag s2;
	_ =	strace s9  }
0x27: {  	s1 =	sld [smem:$0x3FAF]  }
0x28: {  	s2 =	sld [smem:$0x3FB0]  }
0x29: {  	s4 =	sld [smem:$0x3FB2]  }
0x2a: {  	p0 =	seq.s32 s5, $0x0;
	s5 =	sld [smem:$0x3FB3]  }
0x2b: {  	s6 =	sld [smem:$0x3FB4]  }
0x2c: {  	s7 =	sld [smem:$0x3FB5]  }
0x2d: {  	s3 =	simm.s32 $0x108;
	s8 =	sld [smem:$0x3FB6]  }
0x2e: {  	s3 =	simm.s32 @!p0 $0x1082;
	s9 =	sld [smem:$0x3FB7]  }
0x2f: {  	lr =	sadd.s32 s0, s3;
	s0 =	sld [smem:$0x3FAE]  }
0x30: {  	s3 =	sld [smem:$0x3FB1]  }
0x31: {  	[smem:$0x3FBA] =	sst s10  }
0x32: {  	s10 =	sld [smem:$0x3FB8];
	_ =	sdelay $0x3  }
0x33: {  	p0 =	seq.s32 s10, $0x1;
	s10 =	sld [smem:$0x3FBA];
	_ =	sdelay $0x3  }
0x34: {  	[smem:$0x3FBA] =	sst s10  }
0x35: {  	s10 =	sld [smem:$0x3FB9];
	_ =	sdelay $0x3  }
0x36: {  	p1 =	seq.s32 s10, $0x1;
	s10 =	sld [smem:$0x3FBA];
	_ =	sdelay $0x3  }
0x37: {  	[smem:$0x3FBA] =	sst s10  }
0x38: {  	s10 =	sld [smem:$0x3FBB]  }
0x39: {  	_ = 	snop;
	(pc) =	sbr.ind lr, $3  }
0x3a: {  	_ = 	snop  }
0x3b: {  	_ = 	snop  }
0x3c: {  	p2 =	seq.s32 s10, $0x1;
	s10 =	sld [smem:$0x3FBA]  }
0x3d: {  	_ =	shalt  }
0x3e: {  	_ =	shalt  }
0x3f: {  	_ =	shalt  }
0x40: {  	_ =	shalt  }
0x41: {  	_ =	shalt  }
0x42: {  	_ =	shalt  }
0x43: {  	_ =	shalt  }
0x44: {  	_ =	shalt  }
0x45: {  	_ =	shalt  }
0x46: {  	_ =	shalt  }
0x47: {  	_ =	shalt  }
0x48: {  	_ =	shalt  }
0x49: {  	_ =	shalt  }
0x4a: {  	_ =	shalt  }
0x4b: {  	_ =	shalt  }
0x4c: {  	_ =	shalt  }
0x4d: {  	_ =	shalt  }
0x4e: {  	_ =	shalt  }
0x4f: {  	_ =	shalt  }
0x50: {  	_ =	shalt  }
0x51: {  	_ =	shalt  }
0x52: {  	_ =	shalt  }
0x53: {  	_ =	shalt  }
0x54: {  	_ =	shalt  }
0x55: {  	_ =	shalt  }
0x56: {  	_ =	shalt  }
0x57: {  	_ =	shalt  }
0x58: {  	_ =	shalt  }
0x59: {  	_ =	shalt  }
0x5a: {  	_ =	shalt  }
0x5b: {  	_ =	shalt  }
0x5c: {  	_ =	shalt  }
0x5d: {  	_ =	shalt  }
0x5e: {  	_ =	shalt  }
0x5f: {  	_ =	shalt  }
0x60: {  	_ =	shalt  }
0x61: {  	_ =	shalt  }
0x62: {  	_ =	shalt  }
0x63: {  	_ =	shalt  }
0x64: {  	_ =	shalt  }
0x65: {  	_ =	shalt  }
0x66: {  	_ =	shalt  }
0x67: {  	_ =	shalt  }
0x68: {  	_ =	shalt  }
0x69: {  	_ =	shalt  }
0x6a: {  	_ =	shalt  }
0x6b: {  	_ =	shalt  }
0x6c: {  	_ =	shalt  }
0x6d: {  	_ =	shalt  }
0x6e: {  	_ =	shalt  }
0x6f: {  	_ =	shalt  }
0x70: {  	_ =	shalt  }
0x71: {  	_ =	shalt  }
0x72: {  	_ =	shalt  }
0x73: {  	_ =	shalt  }
0x74: {  	_ =	shalt  }
0x75: {  	_ =	shalt  }
0x76: {  	_ =	shalt  }
0x77: {  	_ =	shalt  }
0x78: {  	_ =	shalt  }
0x79: {  	_ =	shalt  }
0x7a: {  	_ =	shalt  }
0x7b: {  	_ =	shalt  }
0x7c: {  	_ =	shalt  }
0x7d: {  	_ =	shalt  }
0x7e: {  	_ =	shalt  }
0x7f: {  	_ =	shalt  }
0x80: {  	_ =	shalt  }
0x81: {  	_ =	shalt  }
0x82: {  	_ =	shalt  }
0x83: {  	_ =	shalt  }
0x84: {  	_ =	shalt  }
0x85: {  	_ =	shalt  }
0x86: {  	_ =	shalt  }
0x87: {  	_ =	shalt  }
.Lfunc_end0:
.L_simem_size_0:
called_computation_lowered:
.L_overlay_start_0:
0x88: {  	s2 =	sld [smem:$0x3FD9]  }
0x89: {  	s3 =	sld [smem:$0x3FFE];
	_ =	sdelay $0x1  }
0x8a: {  	s1 =	srdreg.scid  }
0x8b: {  	s0 =	sand.u32 $0x1, s1  }
0x8c: {  	s18 =	sshll.u32 s0, $0xA;
	s2 =	sadd.s32 s3, s2  }
0x8d: {  	s2 =	sadd.s32 s2, s18  }
0x8e: {  	[smem:$0x3FC6] =	sst s2  }
0x8f: {  	_ = 	snop  }
0x90: {  	s2 =	sld [smem:$0x3FC9]  }
0x91: {  	s19 =	sld [smem:$0x3FC8]  }
0x92: {  	s4 =	sld [smem:$0x3FD0];
	(tm) =	ssettm $0x1  }
0x93: {  	s5 =	sld [smem:$0x3FFB];
	_ =	sdelay $0x3  }
0x94: {  	_ =	strace s5  }
0x95: {  	s5 =	sld [smem:$0x3FFC];
	_ =	sdelay $0x3  }
0x96: {  	_ =	strace s5  }
0x97: {  	s5 =	sld [smem:$0x3FFD];
	_ =	sdelay $0x3  }
0x98: {  	_ =	strace s5  }
0x99: {  	_ =	strace $0x8FFFFFFF  }
0x9a: {  	s20 =	sld [smem:$0x3FDB];
	_ =	sdelay $0x1  }
0x9b: {  	s6 =	simm.s32 $_scs_section_size  }
0x9c: {  	s7 =	simm.s32 $_size__tile_overlayer_lowered;
	s8 =	simm.s32 $_tile_overlayer_lowered  }
0x9d: {  	s23 =	simm.s32 $0x1BFF;
	s22 =	sshll.u32 s8, $0x1;
	s5 =	sadd.s32 s6, s20  }
0x9e: {  	s9 =	simm.s32 $0x0;
	s21 =	sshll.u32 s7, $0x1;
	s7 =	sadd.s32 s22, s5  }
0x9f: {  	[timem:s9], [sflag:s23] =	dma.local [hbm:s7], s21  }
0xa0: {  	_ =	swait.ge [sflag:s23], s21  }
0xa1: {  	s6 =	ssub.s32 $0x0, s21;
	[sflag:s23] =	ssyncset.done $0x0  }
0xa2: {  	[sflag:s23] =	ssyncadd.s32 s6;
	_ =	sdelay $0x1  }
0xa3: {  	s24 =	simm.s32 $0x1B8B  }
0xa4: {  	_ =	swait.ge [sflag:s24], $0x1  }
0xa5: {  	[sflag:s24] =	ssyncset.done $0x0  }
0xa6: {  	s25 =	simm.s32 $0x1B8E;
	[sflag:s24] =	ssyncadd.s32 $0xFFFFFFFF  }
0xa7: {  	s26 =	simm.s32 $execute0_lowered;
	[smem:$0x3FD2] =	sst s25  }
0xa8: {  	s6 =	sshll.u32 s26, $0x1;
	_ =	strace $0x80000046;
	[dreg:$0x1] =	wrdreg $0xFFFFFFFF  }
0xa9: {  	s28 =	simm.s32 $_size_execute0_lowered;
	s5 =	sadd.s32 s5, s6;
	[dreg:$0x0] =	wrdreg $0x0  }
0xaa: {  	s6 =	sshll.u32 s28, $0x1;
	[dreg:$0x2] =	wrdreg s5  }
0xab: {  	[dreg:$0x3] =	wrdreg s6  }
0xac: {  	[dreg:$0x4] =	wrdreg $0xC0  }
0xad: {  	_ =	task [dreg:s9], $0x5FFFF  }
0xae: {  	[dreg:$0x1] =	wrdreg $0xFFFFFFFF  }
0xaf: {  	[dreg:$0x0] =	wrdreg $0x60  }
0xb0: {  	[dreg:$0x2] =	wrdreg s19  }
0xb1: {  	[dreg:$0x3] =	wrdreg s2  }
0xb2: {  	[dreg:$0x4] =	wrdreg s4  }
0xb3: {  	[dreg:$0x5] =	wrdreg $0x160800  }
0xb4: {  	[dreg:$0x6] =	wrdreg $0x9  }
0xb5: {  	_ =	task.clear_ibuf [dreg:s9], $0x7FFFF;
	_ =	strace $0x90000046  }
0xb6: {  	s29 =	simm.s32 $0x9;
	_ =	strace $0x80000048  }
0xb7: {  	_ =	swait.ge [sflag:s29], $0x1  }
0xb8: {  	[sflag:s29] =	ssyncadd.s32 $0xFFFFFFFF  }
0xb9: {  	_ =	strace $0x90000048  }
0xba: {  	_ =	sfence  }
0xbb: {  	s30 =	sld [smem:$0x0];
	_ =	sdelay $0x2  }
0xbc: {  	s31 =	sshll.u32 s1, $0xD;
	s1 =	sshrl.u32 s1, $0x2  }
0xbd: {  	s3 =	sand.u32 $0x4000, s31;
	s1 =	sadd.s32 s1, s30  }
0xbe: {  	s0 =	sor.u32 s3, s0;
	s1 =	sshll.u32 s1, $0x11  }
0xbf: {  	s0 =	sor.u32 s1, s0  }
0xc0: {  	s0 =	sadd.s32 $0x8F2B, s0  }
0xc1: {  	[sflag:s0] =	ssyncadd.remote.s32 $0x1  }
0xc2: {  	_ =	sfence.sel $0xFFFF  }
0xc3: {  	[dreg:$0x0] =	wrdreg $0xFFFFFFFF;
	(pc) =	sbr.abs _section_cstart, $3  }
0xc4: {  	[dreg:$0x1] =	wrdreg $0xFFFFFFFF  }
0xc5: {  	_ =	task.clear_ibuf [dreg:s9], $0x2FFFF;
	_ =	strace $0x9FFFFFFF  }
0xc6: {  	(tm) =	ssettm $0x7FFFFFFF  }
0xc7: {  	_ =	shalt  }
tec
execute0_lowered:
.L_overlay_start_1:
0x0: {  	(tag) =	ssettag $0x1  }
0x1: {  	s0 =	rddreg [dreg:$0x0]  }
0x2: {  	s1 =	rddreg [dreg:$0x1]  }
0x3: {  	s6 =	rddreg [dreg:$0x2]  }
0x4: {  	s2 =	rddreg [dreg:$0x3]  }
0x5: {  	s4 =	srdreg.scid;
	s12 =	stileid.u32;
	s3 =	simm.s32 $0x0  }
0x6: {  	s15 =	simm.s32 $0x1000;
	s16 =	simm.s32 $0x5000;
	s17 =	simm.s32 $0x9000  }
0x7: {  	s7 =	sand.u32 $0x1, s4;
	s18 =	sshll.u32 s12, $0x1;
	[smem:$0x7FF] =	sst s3  }
0x8: {  	s4 =	simm.s32 $0x19;
	s31 =	sshll.u32 s12, $0x7;
	s11 =	sshll.u32 s12, $0xC  }
0x9: {  	s8 =	ssub.s32 $0x2, s7;
	_ =	strace $0x80000047;
	[dreg:$0x5] =	wrdreg s15  }
0xa: {  	s9 =	sor.u32 s7, s18;
	s0 =	sadd.s32 s0, s31;
	[dreg:$0x6] =	wrdreg s16  }
0xb: {  	s13 =	sadd.s32 s11, s6;
	[dreg:$0x7] =	wrdreg s17;
	s5 =	sshll.u32 s9, $0x4  }
0xc: {  	[dreg:$0x14] =	wrdreg s0;
	s5 =	sadd.s32 s1, s5;
	s1 =	sadd.s32 $0x30D0, s1  }
0xd: {  	s7 =	sshll.u32 s7, $0xB;
	s19 =	sadd.s32 $0x200, s5;
	[dreg:$0x18] =	wrdreg s1  }
0xe: {  	s15 =	simm.s32 $0x8;
	s20 =	sadd.s32 $0x400, s5;
	[dreg:$0x9] =	wrdreg s19  }
0xf: {  	s16 =	simm.s32 $0x9;
	s21 =	sadd.s32 $0x600, s5;
	[dreg:$0xa] =	wrdreg s20  }
0x10: {  	s10 =	sshrl.u32 s8, $0x1;
	s22 =	sadd.s32 $0x800, s5;
	[dreg:$0xb] =	wrdreg s21  }
0x11: {  	p0 =	slt.u32 s9, $0xD;
	s23 =	sadd.s32 $0xA00, s5;
	[dreg:$0xc] =	wrdreg s22  }
0x12: {  	s8 =	ssub.s32 s8, s10;
	s24 =	sadd.s32 $0xC00, s5;
	[dreg:$0xd] =	wrdreg s23  }
0x13: {  	s4 =	simm.s32 @!p0 $0x18;
	s25 =	sadd.s32 $0xE00, s5;
	[dreg:$0xe] =	wrdreg s24  }
0x14: {  	p0 =	sgt.u32 s9, $0xC;
	s26 =	sadd.s32 $0x1000, s5;
	[dreg:$0xf] =	wrdreg s25  }
0x15: {  	s10 =	simm.s32 $0x2;
	s28 =	sadd.s32 $0x1200, s5;
	[dreg:$0x10] =	wrdreg s26  }
0x16: {  	s29 =	sadd.s32 $0x1400, s5;
	s30 =	sadd.s32 $0x1600, s5;
	[dreg:$0x11] =	wrdreg s28  }
0x17: {  	s14 =	sadd.s32 $0x1800, s5;
	p2 =	sne.s32 @p0 s9, $0xD;
	[dreg:$0x12] =	wrdreg s29  }
0x18: {  	s18 =	sadd.s32 $0x1A00, s5;
	s31 =	sadd.s32 $0x2800, s5;
	[dreg:$0x13] =	wrdreg s30  }
0x19: {  	s1 =	sadd.s32 $0x2A00, s5;
	s17 =	sadd.s32 $0x2C00, s5;
	[dreg:$0x15] =	wrdreg s14  }
0x1a: {  	s9 =	simm.s32 $0x1;
	s19 =	sadd.s32 s7, s13;
	[dreg:$0x16] =	wrdreg s18  }
0x1b: {  	s20 =	simm.s32 $0xD000;
	s21 =	sadd.s32 $0x1C00, s5;
	[smem:$0x7FD] =	sst s31  }
0x1c: {  	s22 =	sshrl.u32 s11, $0x2;
	s23 =	sadd.s32 $0x186800, s6;
	[dreg:$0x8] =	wrdreg s20  }
0x1d: {  	s24 =	smax.u32 s8, $0x1;
	p1 =	por p2, !p0;
	[dreg:$0x17] =	wrdreg s21  }
0x1e: {  	p2 =	por !p2, !p0;
	s25 =	sadd.s32 $0x1E00, s5;
	[dreg:$0x1a] =	wrdreg s23  }
0x1f: {  	s26 =	sadd.s32 $0x2000, s5;
	s28 =	sadd.s32 $0x2200, s5;
	[dreg:$0x1b] =	wrdreg s24  }
0x20: {  	s29 =	sadd.s32 $0x2400, s5;
	s30 =	sadd.s32 $0x2600, s5;
	[dreg:$0x1c] =	wrdreg s25  }
0x21: {  	s6 =	sadd.s32 $0x3000, s5;
	s7 =	sadd.s32 $0xFFFFFFFB, s4;
	[dreg:$0x1d] =	wrdreg s26  }
0x22: {  	s8 =	simm.s32 $0xB;
	s11 =	simm.s32 $0x3;
	[dreg:$0x1e] =	wrdreg s28  }
0x23: {  	s13 =	simm.s32 $0x6;
	s0 =	sadd.s32 s22, s2;
	[dreg:$0x1f] =	wrdreg s29  }
0x24: {  	s14 =	simm.s32 $0x7;
	[dreg:$0x19] =	wrdreg s0;
	s0 =	simm.s32 @!p2 $0x0  }
0x25: {  	[smem:$0x7FC] =	sst s30;
	s0 =	simm.s32 @p2 $0x1;
	p2 =	seq.s32 s12, $0xF  }
0x26: {  	s18 =	simm.s32 $0xA;
	[smem:$0x7FA] =	sst s0;
	s0 =	simm.s32 @!p2 $0x0  }
0x27: {  	s23 =	sadd.s32 $0x2E00, s5;
	s20 =	simm.s32 $0xD;
	s0 =	simm.s32 @p2 $0x1  }
0x28: {  	s21 =	simm.s32 $0x0;
	s12 =	simm.s32 $0x4;
	[smem:$0x7FB] =	sst s0  }
.LBB2_1:
0x29: {  	[tilespmem:s3], [sflag:$0xB] =	stream.linear.gather [hbm4b:s5+s3], $0x80, $0x38;
	[tilespmem:$0x168C0] =	vst v63  }
0x2a: {  	s0 =	rddreg [dreg:$0x9]  }
0x2b: {  	s22 =	simm.s32 $0x80;
	s30 =	rddreg [dreg:$0xa]  }
0x2c: {  	[tilespmem:s22], [sflag:$0xB] =	stream.linear.gather [hbm4b:s0+s3], $0x80, $0x38;
	[tilespmem:$0x168C0] =	vst v63  }
0x2d: {  	s31 =	simm.s32 $0x100;
	s25 =	rddreg [dreg:$0xc]  }
0x2e: {  	[tilespmem:s31], [sflag:$0xB] =	stream.linear.gather [hbm4b:s30+s3], $0x80, $0x38;
	[tilespmem:$0x168C0] =	vst v63  }
0x2f: {  	s24 =	simm.s32 $0x180;
	s22 =	rddreg [dreg:$0xb]  }
0x30: {  	[tilespmem:s24], [sflag:$0xB] =	stream.linear.gather [hbm4b:s22+s3], $0x80, $0x38;
	[tilespmem:$0x168C0] =	vst v63  }
0x31: {  	s26 =	simm.s32 $0x200;
	s28 =	rddreg [dreg:$0xd]  }
0x32: {  	[tilespmem:s26], [sflag:$0xB] =	stream.linear.gather [hbm4b:s25+s3], $0x80, $0x38;
	[tilespmem:$0x168C0] =	vst v63  }
0x33: {  	s29 =	simm.s32 $0x280;
	s30 =	rddreg [dreg:$0xe]  }
0x34: {  	[tilespmem:s29], [sflag:$0xB] =	stream.linear.gather [hbm4b:s28+s3], $0x80, $0x38;
	[tilespmem:$0x168C0] =	vst v63  }
0x35: {  	s31 =	simm.s32 $0x300;
	s22 =	rddreg [dreg:$0xf]  }
0x36: {  	[tilespmem:s31], [sflag:$0xB] =	stream.linear.gather [hbm4b:s30+s3], $0x80, $0x38;
	[tilespmem:$0x168C0] =	vst v63  }
0x37: {  	s24 =	simm.s32 $0x380;
	s25 =	rddreg [dreg:$0x10]  }
0x38: {  	[tilespmem:s24], [sflag:$0xB] =	stream.linear.gather [hbm4b:s22+s3], $0x80, $0x38;
	[tilespmem:$0x168C0] =	vst v63  }
0x39: {  	s26 =	simm.s32 $0x400;
	s28 =	rddreg [dreg:$0x11]  }
0x3a: {  	[tilespmem:s26], [sflag:$0xB] =	stream.linear.gather [hbm4b:s25+s3], $0x80, $0x38;
	[tilespmem:$0x168C0] =	vst v63  }
0x3b: {  	s29 =	simm.s32 $0x480;
	s30 =	rddreg [dreg:$0x12]  }
0x3c: {  	[tilespmem:s29], [sflag:$0xB] =	stream.linear.gather [hbm4b:s28+s3], $0x80, $0x38;
	[tilespmem:$0x168C0] =	vst v63  }
0x3d: {  	s31 =	simm.s32 $0x500;
	s22 =	rddreg [dreg:$0x13]  }
0x3e: {  	[tilespmem:s31], [sflag:$0xB] =	stream.linear.gather [hbm4b:s30+s3], $0x80, $0x38;
	[tilespmem:$0x168C0] =	vst v63  }
0x3f: {  	s24 =	simm.s32 $0x580;
	s25 =	rddreg [dreg:$0x15]  }
0x40: {  	[tilespmem:s24], [sflag:$0xB] =	stream.linear.gather [hbm4b:s22+s3], $0x80, $0x38;
	[tilespmem:$0x168C0] =	vst v63  }
0x41: {  	s26 =	simm.s32 $0x600;
	s28 =	rddreg [dreg:$0x16]  }
0x42: {  	[tilespmem:s26], [sflag:$0xB] =	stream.linear.gather [hbm4b:s25+s3], $0x80, $0x38;
	[tilespmem:$0x168C0] =	vst v63  }
0x43: {  	s29 =	simm.s32 $0x680;
	s30 =	rddreg [dreg:$0x17]  }
0x44: {  	[tilespmem:s29], [sflag:$0xB] =	stream.linear.gather [hbm4b:s28+s3], $0x80, $0x38;
	[tilespmem:$0x168C0] =	vst v63  }
0x45: {  	s31 =	simm.s32 $0x700;
	s22 =	rddreg [dreg:$0x1c]  }
0x46: {  	[tilespmem:s31], [sflag:$0xB] =	stream.linear.gather [hbm4b:s30+s3], $0x80, $0x38;
	[tilespmem:$0x168C0] =	vst v63  }
0x47: {  	s24 =	simm.s32 $0x780;
	s25 =	rddreg [dreg:$0x1d]  }
0x48: {  	[tilespmem:s24], [sflag:$0xB] =	stream.linear.gather [hbm4b:s22+s3], $0x80, $0x38;
	[tilespmem:$0x168C0] =	vst v63  }
0x49: {  	s26 =	simm.s32 $0x800;
	s28 =	rddreg [dreg:$0x1e]  }
0x4a: {  	[tilespmem:s26], [sflag:$0xB] =	stream.linear.gather [hbm4b:s25+s3], $0x80, $0x38;
	[tilespmem:$0x168C0] =	vst v63  }
0x4b: {  	s29 =	simm.s32 $0x880;
	s30 =	rddreg [dreg:$0x1f]  }
0x4c: {  	[tilespmem:s29], [sflag:$0xB] =	stream.linear.gather [hbm4b:s28+s3], $0x80, $0x38;
	[tilespmem:$0x168C0] =	vst v63  }
0x4d: {  	s31 =	simm.s32 $0x900;
	s22 =	sld [smem:$0x7FC]  }
0x4e: {  	[tilespmem:s31], [sflag:$0xB] =	stream.linear.gather [hbm4b:s30+s3], $0x80, $0x38;
	[tilespmem:$0x168C0] =	vst v63  }
0x4f: {  	s24 =	simm.s32 $0x980;
	s25 =	sld [smem:$0x7FD]  }
0x50: {  	[tilespmem:s24], [sflag:$0xB] =	stream.linear.gather [hbm4b:s22+s3], $0x80, $0x38;
	[tilespmem:$0x168C0] =	vst v63  }
0x51: {  	s26 =	simm.s32 $0xA00  }
0x52: {  	[tilespmem:s26], [sflag:$0xB] =	stream.linear.gather [hbm4b:s25+s3], $0x80, $0x38;
	[tilespmem:$0x168C0] =	vst v63  }
0x53: {  	s28 =	simm.s32 $0xA80;
	s31 =	sld [smem:$0x7FB]  }
0x54: {  	[tilespmem:s28], [sflag:$0xB] =	stream.linear.gather [hbm4b:s1+s3], $0x80, $0x38;
	[tilespmem:$0x168C0] =	vst v63  }
0x55: {  	s29 =	simm.s32 $0xB00  }
0x56: {  	[tilespmem:s29], [sflag:$0xB] =	stream.linear.gather [hbm4b:s17+s3], $0x80, $0x38;
	[tilespmem:$0x168C0] =	vst v63  }
0x57: {  	s30 =	simm.s32 $0xB80;
	p2 =	seq.s32 s31, $0x1  }
0x58: {  	[tilespmem:s30], [sflag:$0xB] =	stream.linear.gather [hbm4b:s23+s3], $0x80, $0x38;
	[tilespmem:$0x168C0] =	vst v63  }
.Ltmp0:
0x59: {  	_ = 	snop;
	(pc) =	sbr.rel @p2 .LBB2_3-.Ltmp0, $4  }
0x5a: {  	s0 =	rddreg [dreg:$0x18];
	s22 =	simm.s32 @!p1 $0x0;
	s24 =	simm.s32 @!p1 $0x15000  }
0x5b: {  	[tilespmem:s24], [sflag:$0xC] =	stream.linear.gather @!p1 [hbm4b:s0+s22], $0x20, $0x38;
	[tilespmem:$0x168C0] =	vst v63  }
0x5c: {  	s22 =	simm.s32 @!p0 $0x0;
	s24 =	simm.s32 @!p0 $0xC00  }
0x5d: {  	[tilespmem:s24], [sflag:$0xB] =	stream.linear.gather @!p0 [hbm4b:s6+s22], $0x80, $0x38;
	[tilespmem:$0x168C0] =	vst v63  }
0x5e: {  	s0 =	rddreg [dreg:$0x14];
	s22 =	simm.s32 $0x16440  }
0x5f: {  	[tilespmem:s22], [sflag:$0xD] =	stream.linear.gather [hbm4b:s0+s3], $0x400, $0x38;
	[tilespmem:$0x168C0] =	vst v63  }
0x60: {  	_ =	swait.ge [sflag:s20], $0x400  }
0x61: {  	[sflag:s20] =	ssyncset.done $0x0  }
0x62: {  	[sflag:s20] =	ssyncadd.s32 $0xFFFFFC00  }
0x63: {  	v14 =	vld [tilespmem:$0x16440]  }
0x64: {  	v13 =	vld [tilespmem:$0x16450];
	_ =	sdelay $0x1  }
0x65: {  	v12 =	vld [tilespmem:$0x16460];
	_ =	sdelay $0x1  }
0x66: {  	v11 =	vld [tilespmem:$0x16470]  }
0x67: {  	v0 =	vmul.f32 v14, v14;
	v2 =	vmul.f32 v13, v13  }
0x68: {  	v1 =	vld [tilespmem:$0x16480]  }
0x69: {  	v49 =	vmul.f32 v12, v12;
	v0 =	vadd.f32 v2, v0  }
0x6a: {  	v10 =	vld [tilespmem:$0x16490]  }
0x6b: {  	v50 =	vmul.f32 v11, v11;
	v0 =	vadd.f32 v49, v0  }
0x6c: {  	v9 =	vld [tilespmem:$0x164A0]  }
0x6d: {  	v3 =	vmul.f32 v1, v1;
	v2 =	vadd.f32 v50, v0  }
0x6e: {  	v0 =	vld [tilespmem:$0x164B0]  }
0x6f: {  	v51 =	vmul.f32 v10, v10;
	v2 =	vadd.f32 v3, v2;
	_ =	sdelay $0x1  }
0x70: {  	v52 =	vmul.f32 v9, v9;
	v2 =	vadd.f32 v51, v2;
	_ =	sdelay $0x1  }
0x71: {  	v53 =	vmul.f32 v0, v0;
	v2 =	vadd.f32 v52, v2;
	_ =	sdelay $0x1  }
0x72: {  	v2 =	vadd.f32 v53, v2;
	_ =	sdelay $0x1  }
0x73: {  	[tilespmem:$0x16840] =	vst v2  }
0x74: {  	[tilespmem:$0x16850] =	vst v2  }
0x75: {  	v54 =	vld [tilespmem:$0x16848];
	_ =	sdelay $0x4  }
0x76: {  	v2 =	vadd.f32 v54, v2;
	_ =	sdelay $0x1  }
0x77: {  	[tilespmem:$0x16840] =	vst v2  }
0x78: {  	[tilespmem:$0x16850] =	vst v2  }
0x79: {  	v55 =	vld [tilespmem:$0x16844];
	_ =	sdelay $0x4  }
0x7a: {  	v2 =	vadd.f32 v55, v2;
	_ =	sdelay $0x1  }
0x7b: {  	v18 =	vld [tilespmem:$0x164C0];
	[tilespmem:$0x16840] =	vst v2  }
0x7c: {  	v17 =	vld [tilespmem:$0x164D0];
	[tilespmem:$0x16850] =	vst v2  }
0x7d: {  	v56 =	vld [tilespmem:$0x16842]  }
0x7e: {  	v21 =	vld [tilespmem:$0x164E0];
	_ =	sdelay $0x1  }
0x7f: {  	v22 =	vld [tilespmem:$0x164F0]  }
0x80: {  	v4 =	vmul.f32 v18, v18;
	v5 =	vmul.f32 v17, v17  }
0x81: {  	v35 =	vld [tilespmem:$0x16500];
	v2 =	vadd.f32 v56, v2  }
0x82: {  	v58 =	vmul.f32 v21, v21;
	v4 =	vadd.f32 v5, v4  }
0x83: {  	v33 =	vld [tilespmem:$0x16510];
	[tilespmem:$0x16840] =	vst v2  }
0x84: {  	v34 =	vld [tilespmem:$0x16520];
	v60 =	vmul.f32 v22, v22;
	v59 =	vadd.f32 v58, v4;
	[tilespmem:$0x16850] =	vst v2  }
0x85: {  	v57 =	vld [tilespmem:$0x16841]  }
0x86: {  	v62 =	vmul.f32 v35, v35;
	v3 =	vadd.f32 v60, v59  }
0x87: {  	v36 =	vld [tilespmem:$0x16530]  }
0x88: {  	v63 =	vmul.f32 v33, v33;
	v3 =	vadd.f32 v62, v3;
	_ =	sdelay $0x1  }
0x89: {  	v8 =	vmul.f32 v34, v34;
	v3 =	vadd.f32 v63, v3;
	v2 =	vadd.f32 v57, v2;
	_ =	sdelay $0x1  }
0x8a: {  	v15 =	vmul.f32 v36, v36;
	v3 =	vadd.f32 v8, v3;
	v61 =	vmul.f32 $5.421010860e-20, v2  }
0x8b: {  	vm2 =	vgt.f32 v2, $1.844674410e+19  }
0x8c: {  	v3 =	vadd.f32 v15, v3;
	v2 =	vsel vm2, v61, v2  }
0x8d: {  	v5 =	vmul.f32 $1.844674410e+19, v2  }
0x8e: {  	[tilespmem:$0x16840] =	vst v3;
	vm1 =	vlt.f32 v2, $5.421010860e-20  }
0x8f: {  	[tilespmem:$0x16850] =	vst v3;
	v2 =	vsel vm1, v5, v2  }
0x90: {  	v19 =	vld [tilespmem:$0x16848];
	v5 =	vmul.f32 $2.328306440e-10, v2  }
0x91: {  	vm10 =	vgt.f32 v2, $4.294967300e+09  }
0x92: {  	v2 =	vsel vm10, v5, v2  }
0x93: {  	v16 =	vmul.f32 $4.294967300e+09, v2  }
0x94: {  	vm12 =	vlt.f32 v2, $2.328306440e-10  }
0x95: {  	v47 =	vld [tilespmem:$0x16540];
	v3 =	vadd.f32 v19, v3;
	v2 =	vsel vm12, v16, v2  }
0x96: {  	v46 =	vld [tilespmem:$0x16550];
	v4 =	vmul.f32 $1.525878910e-05, v2  }
0x97: {  	[tilespmem:$0x16840] =	vst v3;
	vm11 =	vgt.f32 v2, $6.553600000e+04  }
0x98: {  	v45 =	vld [tilespmem:$0x16560];
	[tilespmem:$0x16850] =	vst v3;
	v2 =	vsel vm11, v4, v2  }
0x99: {  	v20 =	vld [tilespmem:$0x16844];
	v4 =	vmul.f32 $6.553600000e+04, v2  }
0x9a: {  	v48 =	vld [tilespmem:$0x16570];
	vm9 =	vlt.f32 v2, $1.525878910e-05  }
0x9b: {  	v28 =	vmul.f32 v47, v47;
	v7 =	vmul.f32 v46, v46;
	v2 =	vsel vm9, v4, v2  }
0x9c: {  	v49 =	vld [tilespmem:$0x16580];
	v4 =	vmul.f32 $3.906250000e-03, v2  }
0x9d: {  	v29 =	vmul.f32 v45, v45;
	v5 =	vadd.f32 v7, v28;
	vm13 =	vgt.f32 v2, $2.560000000e+02  }
0x9e: {  	v50 =	vld [tilespmem:$0x16590];
	v3 =	vadd.f32 v20, v3;
	v2 =	vsel vm13, v4, v2  }
0x9f: {  	v31 =	vmul.f32 v48, v48;
	v5 =	vadd.f32 v29, v5;
	v4 =	vmul.f32 $2.560000000e+02, v2  }
0xa0: {  	v63 =	vld [tilespmem:$0x165A0];
	[tilespmem:$0x16840] =	vst v3;
	vm0 =	vlt.f32 v2, $3.906250000e-03  }
0xa1: {  	v32 =	vmul.f32 v49, v49;
	v52 =	vld [tilespmem:$0x165B0];
	[tilespmem:$0x16850] =	vst v3;
	v5 =	vadd.f32 v31, v5;
	v2 =	vsel vm0, v4, v2  }
0xa2: {  	v23 =	vld [tilespmem:$0x16842];
	v4 =	vmul.f32 $6.250000000e-02, v2  }
0xa3: {  	v38 =	vmul.f32 v50, v50;
	v5 =	vadd.f32 v32, v5;
	vm7 =	vgt.f32 v2, $1.600000000e+01  }
0xa4: {  	v2 =	vsel vm7, v4, v2  }
0xa5: {  	v40 =	vmul.f32 v63, v63;
	v5 =	vadd.f32 v38, v5;
	v4 =	vmul.f32 $1.600000000e+01, v2  }
0xa6: {  	v42 =	vmul.f32 v52, v52;
	vm6 =	vlt.f32 v2, $6.250000000e-02  }
0xa7: {  	v3 =	vadd.f32 v23, v3;
	v5 =	vadd.f32 v40, v5;
	v2 =	vsel vm6, v4, v2  }
0xa8: {  	v4 =	vmul.f32 $2.500000000e-01, v2  }
0xa9: {  	v24 =	vimm.f32 $1.000000000e+00;
	[tilespmem:$0x16840] =	vst v3;
	v5 =	vadd.f32 v42, v5;
	vm5 =	vgt.f32 v2, $2.000000000e+00  }
0xaa: {  	v27 =	vsel vm2, $0x2F800000, v24;
	[tilespmem:$0x16850] =	vst v3;
	v2 =	vsel vm5, v4, v2  }
0xab: {  	v8 =	vmul.f32 $4.294967300e+09, v27;
	v30 =	vld [tilespmem:$0x16841];
	[tilespmem:$0x16840] =	vst v5;
	v4 =	vmul.f32 $4.000000000e+00, v2  }
0xac: {  	[tilespmem:$0x16850] =	vst v5;
	vm4 =	vlt.f32 v2, $5.000000000e-01  }
0xad: {  	v56 =	vld [tilespmem:$0x16848];
	v2 =	vsel vm4, v4, v2;
	v4 =	vsel vm1, v8, v27  }
0xae: {  	v6 =	vmul.f32 $2.500000000e-01, v2;
	v8 =	vmul.f32 $1.525878910e-05, v4  }
0xaf: {  	vm2 =	vgt.f32 v2, $2.000000000e+00  }
0xb0: {  	v2 =	vsel vm2, v6, v2;
	v4 =	vsel vm10, v8, v4  }
0xb1: {  	v6 =	vmul.f32 $4.000000000e+00, v2;
	v39 =	vmul.f32 $6.553600000e+04, v4  }
0xb2: {  	v5 =	vadd.f32 v56, v5;
	vm3 =	vlt.f32 v2, $5.000000000e-01  }
0xb3: {  	v3 =	vadd.f32 v30, v3;
	v2 =	vsel vm3, v6, v2;
	v4 =	vsel vm12, v39, v4  }
0xb4: {  	[tilespmem:$0x16840] =	vst v5;
	v15 =	vmul.f32 $2.500000000e-01, v2;
	v43 =	vmul.f32 $3.906250000e-03, v4  }
0xb5: {  	v41 =	vmul.f32 $5.421010860e-20, v3;
	[tilespmem:$0x16850] =	vst v5;
	vm1 =	vgt.f32 v2, $2.000000000e+00  }
0xb6: {  	vm14 =	vgt.f32 v3, $1.844674410e+19;
	v62 =	vld [tilespmem:$0x16844];
	v2 =	vsel vm1, v15, v2;
	v4 =	vsel vm11, v43, v4  }
0xb7: {  	v3 =	vsel vm14, v41, v3;
	v37 =	vmul.f32 $4.000000000e+00, v2;
	v53 =	vmul.f32 $2.560000000e+02, v4  }
0xb8: {  	v51 =	vmul.f32 $1.844674410e+19, v3;
	vm10 =	vlt.f32 v2, $5.000000000e-01  }
0xb9: {  	vm8 =	vlt.f32 v3, $5.421010860e-20;
	v2 =	vsel vm10, v37, v2;
	v4 =	vsel vm9, v53, v4  }
0xba: {  	v3 =	vsel vm8, v51, v3;
	v2 =	vmul.f32 $5.000000000e-01, v2;
	v16 =	vmul.f32 $6.250000000e-02, v4  }
0xbb: {  	v5 =	vadd.f32 v62, v5;
	v15 =	vmul.f32 $2.328306440e-10, v3  }
0xbc: {  	vm15 =	vgt.f32 v3, $4.294967300e+09;
	v44 =	vsub.f32 $1.500000000e+00, v2;
	v4 =	vsel vm13, v16, v4  }
0xbd: {  	[tilespmem:$0x16840] =	vst v5;
	v3 =	vsel vm15, v15, v3;
	v16 =	vmul.f32 $1.600000000e+01, v4  }
0xbe: {  	[tilespmem:$0x16850] =	vst v5;
	v15 =	vmul.f32 $4.294967300e+09, v3;
	v54 =	vmul.f32 v44, v2  }
0xbf: {  	v29 =	vld [tilespmem:$0x16842];
	vm13 =	vlt.f32 v3, $2.328306440e-10;
	v4 =	vsel vm0, v16, v4  }
0xc0: {  	v3 =	vsel vm13, v15, v3;
	v55 =	vmul.f32 v54, v44;
	v59 =	vmul.f32 $2.500000000e-01, v4  }
0xc1: {  	v57 =	vmul.f32 $1.525878910e-05, v3  }
0xc2: {  	vm0 =	vgt.f32 v3, $6.553600000e+04;
	v6 =	vsub.f32 $1.500000000e+00, v55;
	v4 =	vsel vm7, v59, v4  }
0xc3: {  	v3 =	vsel vm0, v57, v3;
	v20 =	vmul.f32 $4.000000000e+00, v4  }
0xc4: {  	v5 =	vadd.f32 v29, v5;
	v61 =	vmul.f32 $6.553600000e+04, v3;
	v6 =	vmul.f32 v6, v44  }
0xc5: {  	v43 =	vld [tilespmem:$0x165C0];
	vm12 =	vlt.f32 v3, $1.525878910e-05;
	v4 =	vsel vm6, v20, v4  }
0xc6: {  	[tilespmem:$0x16840] =	vst v5;
	v53 =	vld [tilespmem:$0x165E0];
	v3 =	vsel vm12, v61, v3;
	v58 =	vmul.f32 v6, v2;
	v23 =	vmul.f32 $5.000000000e-01, v4  }
0xc7: {  	[tilespmem:$0x16850] =	vst v5;
	v8 =	vmul.f32 $3.906250000e-03, v3;
	v44 =	vld [tilespmem:$0x165D0]  }
0xc8: {  	vm11 =	vgt.f32 v3, $2.560000000e+02;
	v60 =	vmul.f32 v58, v6;
	v4 =	vsel vm5, v23, v4;
	v23 =	vld [tilespmem:$0x16841]  }
0xc9: {  	v31 =	vsel vm14, $0x2F800000, v24;
	v3 =	vsel vm11, v8, v3  }
0xca: {  	v32 =	vmul.f32 $4.294967300e+09, v31;
	v26 =	vmul.f32 $2.560000000e+02, v3;
	v7 =	vsub.f32 $1.500000000e+00, v60  }
0xcb: {  	v56 =	vmul.f32 v43, v43;
	v59 =	vmul.f32 v53, v53;
	vm9 =	vlt.f32 v3, $3.906250000e-03;
	v60 =	vld [tilespmem:$0x16610]  }
0xcc: {  	v3 =	vsel vm9, v26, v3;
	v6 =	vmul.f32 v7, v6;
	v7 =	vadd.f32 v4, v4  }
0xcd: {  	v57 =	vmul.f32 v44, v44;
	v27 =	vmul.f32 $6.250000000e-02, v3;
	v5 =	vadd.f32 v23, v5  }
0xce: {  	v25 =	vmul.f32 v6, v2;
	v4 =	vsel vm4, v7, v4;
	v7 =	vsel vm8, v32, v31  }
0xcf: {  	vm4 =	vgt.f32 v3, $1.600000000e+01;
	v30 =	vmul.f32 $5.000000000e-01, v4;
	v16 =	vmul.f32 $1.525878910e-05, v7  }
0xd0: {  	v3 =	vsel vm4, v27, v3;
	v27 =	vmul.f32 $5.421010860e-20, v5;
	v40 =	vmul.f32 v60, v60  }
0xd1: {  	v8 =	vmul.f32 v25, v6;
	v15 =	vmul.f32 $1.600000000e+01, v3  }
0xd2: {  	vm5 =	vlt.f32 v3, $6.250000000e-02;
	v4 =	vsel vm2, v30, v4;
	v7 =	vsel vm15, v16, v7  }
0xd3: {  	v28 =	vsub.f32 $1.500000000e+00, v8;
	v19 =	vadd.f32 v4, v4;
	v3 =	vsel vm5, v15, v3  }
0xd4: {  	v39 =	vmul.f32 $6.553600000e+04, v7;
	v15 =	vmul.f32 $2.500000000e-01, v3  }
0xd5: {  	vm6 =	vgt.f32 v3, $2.000000000e+00;
	v6 =	vmul.f32 v28, v6;
	v4 =	vsel vm3, v19, v4  }
0xd6: {  	v7 =	vsel vm13, v39, v7;
	v3 =	vsel vm6, v15, v3;
	v38 =	vmul.f32 $5.000000000e-01, v4  }
0xd7: {  	v51 =	vmul.f32 $3.906250000e-03, v7;
	v15 =	vmul.f32 $4.000000000e+00, v3  }
0xd8: {  	v20 =	vmul.f32 v6, v2;
	vm8 =	vlt.f32 v3, $5.000000000e-01;
	v4 =	vsel vm1, v38, v4  }
0xd9: {  	v58 =	vld [tilespmem:$0x16600];
	v54 =	vsel vm0, v51, v7;
	vm0 =	vgt.f32 v5, $1.844674410e+19;
	v3 =	vsel vm8, v15, v3  }
0xda: {  	v7 =	vadd.f32 v57, v56;
	v37 =	vmul.f32 v20, v6;
	v41 =	vmul.f32 $2.500000000e-01, v3  }
0xdb: {  	v16 =	vadd.f32 v4, v4;
	v5 =	vsel vm0, v27, v5;
	v27 =	vld [tilespmem:$0x16620];
	vm7 =	vgt.f32 v3, $2.000000000e+00  }
0xdc: {  	v15 =	vmul.f32 $2.560000000e+02, v54;
	v61 =	vmul.f32 $1.844674410e+19, v5;
	v3 =	vsel vm7, v41, v3;
	v41 =	vld [tilespmem:$0x165F0]  }
0xdd: {  	v7 =	vadd.f32 v59, v7;
	vm15 =	vlt.f32 v5, $5.421010860e-20;
	v8 =	vsub.f32 $1.500000000e+00, v37  }
0xde: {  	v37 =	vmul.f32 v58, v58;
	v4 =	vsel vm10, v16, v4;
	v5 =	vsel vm15, v61, v5  }
0xdf: {  	v39 =	vld [tilespmem:$0x16630];
	v6 =	vmul.f32 v8, v6;
	v55 =	vmul.f32 $4.000000000e+00, v3;
	vm3 =	vlt.f32 v3, $5.000000000e-01  }
0xe0: {  	v30 =	vmul.f32 $2.328306440e-10, v5;
	vm14 =	vgt.f32 v5, $4.294967300e+09;
	v51 =	vmul.f32 v27, v27  }
0xe1: {  	v2 =	vmul.f32 v6, v2;
	v3 =	vsel vm3, v55, v3;
	v62 =	vmul.f32 v41, v41  }
0xe2: {  	v42 =	vsel vm14, v30, v5;
	vm2 =	vgt.f32 v3, $2.000000000e+00;
	v26 =	vmul.f32 $2.500000000e-01, v3  }
0xe3: {  	v25 =	vmul.f32 v2, v6;
	v2 =	vsel vm12, v15, v54;
	v7 =	vadd.f32 v62, v7  }
0xe4: {  	v55 =	vmul.f32 v39, v39;
	v3 =	vsel vm2, v26, v3;
	v38 =	vmul.f32 $6.250000000e-02, v2  }
0xe5: {  	v5 =	vmul.f32 $4.294967300e+09, v42;
	v26 =	vmul.f32 $4.000000000e+00, v3;
	v7 =	vadd.f32 v37, v7  }
0xe6: {  	vm1 =	vlt.f32 v3, $5.000000000e-01;
	v56 =	vsub.f32 $1.500000000e+00, v25;
	v23 =	vsel vm11, v38, v2  }
0xe7: {  	[tilespmem:$0x1FF00] =	vst v53;
	v3 =	vsel vm1, v26, v3;
	v53 =	vmul.f32 $1.600000000e+01, v23;
	v7 =	vadd.f32 v40, v7  }
0xe8: {  	vm13 =	vlt.f32 v42, $2.328306440e-10;
	v6 =	vmul.f32 v56, v6;
	v2 =	vmul.f32 $5.000000000e-01, v3  }
0xe9: {  	v3 =	vsel vm13, v5, v42;
	v23 =	vsel vm9, v53, v23;
	v54 =	vadd.f32 v51, v7  }
0xea: {  	v57 =	vmul.f32 $1.525878910e-05, v3;
	vm11 =	vgt.f32 v3, $6.553600000e+04;
	v4 =	vmul.f32 v6, v4  }
0xeb: {  	[tilespmem:$0x1FF20] =	vst v58;
	v31 =	vsub.f32 $1.500000000e+00, v2;
	v59 =	vmul.f32 $2.500000000e-01, v23;
	v5 =	vadd.f32 v55, v54  }
0xec: {  	[tilespmem:$0x1FF40] =	vst v27;
	v3 =	vsel vm11, v57, v3;
	v27 =	vmul.f32 v4, v13;
	v38 =	vmul.f32 v4, v11  }
0xed: {  	v58 =	vmul.f32 v31, v2;
	v61 =	vmul.f32 $6.553600000e+04, v3;
	v62 =	vsel vm4, v59, v23;
	[tilespmem:$0x16840] =	vst v5  }
0xee: {  	v1 =	vmul.f32 v4, v1;
	vm9 =	vlt.f32 v3, $1.525878910e-05;
	v7 =	vmul.f32 $4.000000000e+00, v62;
	[tilespmem:$0x16850] =	vst v5  }
0xef: {  	[tilespmem:$0x1FF30] =	vst v60;
	v51 =	vmul.f32 v4, v10;
	v60 =	vmul.f32 v58, v31;
	v3 =	vsel vm9, v61, v3;
	v20 =	vld [tilespmem:$0x16848]  }
0xf0: {  	v0 =	vmul.f32 v4, v0;
	v25 =	vmul.f32 $3.906250000e-03, v3;
	v6 =	vsel vm5, v7, v62  }
0xf1: {  	vm12 =	vgt.f32 v3, $2.560000000e+02;
	v15 =	vsub.f32 $1.500000000e+00, v60;
	v28 =	vmul.f32 $5.000000000e-01, v6  }
0xf2: {  	v23 =	vmul.f32 v4, v14;
	v59 =	vsel vm0, $0x2F800000, v24;
	v3 =	vsel vm12, v25, v3  }
0xf3: {  	v26 =	vmul.f32 v15, v31;
	v30 =	vmul.f32 $2.560000000e+02, v3;
	v6 =	vsel vm6, v28, v6  }
0xf4: {  	[tilespmem:$0x1FF50] =	vst v39;
	vm6 =	vlt.f32 v3, $3.906250000e-03;
	v13 =	vadd.f32 v6, v6;
	v5 =	vadd.f32 v20, v5  }
0xf5: {  	[tilespmem:$0x1FE50] =	vst v27;
	v55 =	vmul.f32 v4, v9;
	v27 =	vld [tilespmem:$0x16670];
	v29 =	vmul.f32 v26, v2;
	v3 =	vsel vm6, v30, v3  }
0xf6: {  	v60 =	vmul.f32 $4.294967300e+09, v59;
	v32 =	vmul.f32 $6.250000000e-02, v3;
	v6 =	vsel vm8, v13, v6;
	[tilespmem:$0x16840] =	vst v5  }
0xf7: {  	v58 =	vld [tilespmem:$0x16640];
	vm8 =	vgt.f32 v3, $1.600000000e+01;
	v14 =	vmul.f32 v29, v26;
	v39 =	vmul.f32 $5.000000000e-01, v6;
	[tilespmem:$0x16850] =	vst v5  }
0xf8: {  	v31 =	vmul.f32 v4, v12;
	v10 =	vsel vm15, v60, v59;
	v3 =	vsel vm8, v32, v3;
	v40 =	vld [tilespmem:$0x16844]  }
0xf9: {  	v37 =	vsub.f32 $1.500000000e+00, v14;
	v42 =	vmul.f32 $1.600000000e+01, v3;
	v53 =	vsel vm7, v39, v6;
	v39 =	vld [tilespmem:$0x16650]  }
0xfa: {  	[tilespmem:$0x1FEA0] =	vst v55;
	v55 =	vmul.f32 v27, v27;
	v12 =	vmul.f32 $1.525878910e-05, v10;
	vm10 =	vlt.f32 v3, $6.250000000e-02  }
0xfb: {  	[tilespmem:$0x1FE70] =	vst v38;
	v32 =	vld [tilespmem:$0x16660];
	v56 =	vadd.f32 v53, v53;
	v7 =	vmul.f32 v37, v26;
	v3 =	vsel vm10, v42, v3  }
0xfc: {  	[tilespmem:$0x1FE80] =	vst v1;
	v38 =	vmul.f32 v58, v58;
	v57 =	vmul.f32 $2.500000000e-01, v3;
	vm7 =	vgt.f32 v3, $2.000000000e+00  }
0xfd: {  	[tilespmem:$0x1FE90] =	vst v51;
	v28 =	vld [tilespmem:$0x16680];
	v1 =	vsel vm3, v56, v53;
	v54 =	vmul.f32 v7, v2;
	v5 =	vadd.f32 v40, v5  }
0xfe: {  	[tilespmem:$0x1FEB0] =	vst v0;
	v62 =	vmul.f32 $5.000000000e-01, v1;
	v3 =	vsel vm7, v57, v3;
	v40 =	vmul.f32 v39, v39  }
0xff: {  	v29 =	vld [tilespmem:$0x16690];
	v6 =	vmul.f32 v54, v7;
	v61 =	vmul.f32 $4.000000000e+00, v3;
	[tilespmem:$0x16840] =	vst v5  }
0x100: {  	v51 =	vmul.f32 v32, v32;
	vm5 =	vlt.f32 v3, $5.000000000e-01;
	v0 =	vsel vm2, v62, v1;
	[tilespmem:$0x16850] =	vst v5  }
0x101: {  	v1 =	vadd.f32 v40, v38;
	v6 =	vsub.f32 $1.500000000e+00, v6;
	v3 =	vsel vm5, v61, v3;
	v11 =	vld [tilespmem:$0x16842]  }
0x102: {  	[tilespmem:$0x1FF70] =	vst v58;
	v58 =	vmul.f32 v28, v28;
	v37 =	vmul.f32 $2.500000000e-01, v3;
	vm4 =	vgt.f32 v3, $2.000000000e+00  }
0x103: {  	v20 =	vld [tilespmem:$0x166A0];
	v1 =	vadd.f32 v51, v1;
	v9 =	vmul.f32 v6, v7;
	v6 =	vsel vm14, v12, v10  }
0x104: {  	v62 =	vmul.f32 v29, v29;
	v3 =	vsel vm4, v37, v3;
	v53 =	vmul.f32 $6.553600000e+04, v6  }
0x105: {  	v1 =	vadd.f32 v55, v1;
	v42 =	vmul.f32 v9, v2;
	v54 =	vmul.f32 $4.000000000e+00, v3  }
0x106: {  	vm2 =	vlt.f32 v3, $5.000000000e-01;
	v5 =	vadd.f32 v11, v5;
	v6 =	vsel vm13, v53, v6  }
0x107: {  	v26 =	vld [tilespmem:$0x166B0];
	v56 =	vmul.f32 v42, v9;
	v3 =	vsel vm2, v54, v3;
	v60 =	vmul.f32 $3.906250000e-03, v6  }
0x108: {  	v10 =	vmul.f32 v20, v20;
	v1 =	vadd.f32 v58, v1;
	v57 =	vmul.f32 $2.500000000e-01, v3;
	[tilespmem:$0x16840] =	vst v5  }
0x109: {  	vm3 =	vgt.f32 v3, $2.000000000e+00;
	[tilespmem:$0x16850] =	vst v5;
	v59 =	vsub.f32 $1.500000000e+00, v56;
	v6 =	vsel vm11, v60, v6  }
0x10a: {  	v7 =	vadd.f32 v62, v1;
	v61 =	vld [tilespmem:$0x16841];
	v3 =	vsel vm3, v57, v3;
	v11 =	vmul.f32 $2.560000000e+02, v6  }
0x10b: {  	v4 =	vmul.f32 v59, v9;
	v9 =	vmul.f32 $4.000000000e+00, v3  }
0x10c: {  	v14 =	vmul.f32 v26, v26;
	v13 =	vadd.f32 v10, v7;
	vm0 =	vlt.f32 v3, $5.000000000e-01  }
0x10d: {  	v6 =	vsel vm9, v11, v6;
	v2 =	vmul.f32 v4, v2;
	v12 =	vsel vm0, v9, v3  }
0x10e: {  	v15 =	vmul.f32 $6.250000000e-02, v6;
	v1 =	vmul.f32 $5.000000000e-01, v12  }
0x10f: {  	v3 =	vadd.f32 v14, v13;
	v5 =	vadd.f32 v61, v5;
	v2 =	vmul.f32 v2, v4  }
0x110: {  	v25 =	vld [tilespmem:$0x16710];
	v6 =	vsel vm12, v15, v6;
	v16 =	vsub.f32 $1.500000000e+00, v1  }
0x111: {  	[tilespmem:$0x16840] =	vst v3;
	v37 =	vmul.f32 $5.421010860e-20, v5;
	v40 =	vmul.f32 $1.600000000e+01, v6;
	v2 =	vsub.f32 $1.500000000e+00, v2  }
0x112: {  	v19 =	vadd.f32 v0, v0;
	[tilespmem:$0x16850] =	vst v3;
	vm12 =	vgt.f32 v5, $1.844674410e+19;
	v38 =	vmul.f32 v16, v1  }
0x113: {  	v53 =	vld [tilespmem:$0x16848];
	v5 =	vsel vm12, v37, v5;
	v54 =	vsel vm6, v40, v6;
	v2 =	vmul.f32 v2, v4  }
0x114: {  	v0 =	vsel vm1, v19, v0;
	v51 =	vmul.f32 $1.844674410e+19, v5;
	v4 =	vmul.f32 $2.500000000e-01, v54  }
0x115: {  	v9 =	vmul.f32 v25, v25;
	vm11 =	vlt.f32 v5, $5.421010860e-20;
	v42 =	vmul.f32 v38, v16  }
0x116: {  	v0 =	vmul.f32 v2, v0;
	v5 =	vsel vm11, v51, v5;
	v2 =	vsel vm8, v4, v54  }
0x117: {  	v55 =	vsub.f32 $1.500000000e+00, v42;
	v57 =	vmul.f32 $2.328306440e-10, v5;
	v59 =	vmul.f32 $4.000000000e+00, v2  }
0x118: {  	v3 =	vadd.f32 v53, v3;
	v56 =	vmul.f32 v0, v18;
	v62 =	vmul.f32 v0, v17  }
0x119: {  	vm9 =	vgt.f32 v5, $4.294967300e+09;
	v12 =	vmul.f32 v0, v21;
	v58 =	vmul.f32 v55, v16  }
0x11a: {  	v5 =	vsel vm9, v57, v5;
	v2 =	vsel vm10, v59, v2;
	v16 =	vmul.f32 v0, v22  }
0x11b: {  	[tilespmem:$0x16840] =	vst v3;
	v18 =	vld [tilespmem:$0x166D0];
	v57 =	vsel vm12, $0x2F800000, v24;
	v55 =	vmul.f32 v0, v34;
	v61 =	vmul.f32 $4.294967300e+09, v5  }
0x11c: {  	[tilespmem:$0x16850] =	vst v3;
	v21 =	vld [tilespmem:$0x166E0];
	v6 =	vmul.f32 $5.000000000e-01, v2;
	v38 =	vmul.f32 $4.294967300e+09, v57  }
0x11d: {  	v14 =	vld [tilespmem:$0x16844];
	[tilespmem:$0x1FEC0] =	vst v56;
	vm13 =	vlt.f32 v5, $2.328306440e-10;
	v56 =	vmul.f32 v0, v36;
	v60 =	vmul.f32 v58, v1  }
0x11e: {  	v19 =	vld [tilespmem:$0x166C0];
	v5 =	vsel vm13, v61, v5;
	v2 =	vsel vm7, v6, v2;
	v6 =	vsel vm11, v38, v57  }
0x11f: {  	v7 =	vmul.f32 v60, v58;
	v13 =	vmul.f32 $1.525878910e-05, v5;
	vm14 =	vgt.f32 v5, $6.553600000e+04  }
0x120: {  	v22 =	vld [tilespmem:$0x166F0];
	v17 =	vadd.f32 v2, v2;
	v59 =	vmul.f32 v18, v18;
	v42 =	vmul.f32 $1.525878910e-05, v6  }
0x121: {  	v60 =	vmul.f32 v21, v21;
	v15 =	vsub.f32 $1.500000000e+00, v7;
	v5 =	vsel vm14, v13, v5  }
0x122: {  	[tilespmem:$0x1FE40] =	vst v23;
	v3 =	vadd.f32 v14, v3;
	v6 =	vsel vm9, v42, v6;
	v23 =	vmul.f32 $6.553600000e+04, v5  }
0x123: {  	vm15 =	vlt.f32 v5, $1.525878910e-05;
	v4 =	vmul.f32 v15, v58;
	v58 =	vmul.f32 v19, v19  }
0x124: {  	v2 =	vsel vm5, v17, v2;
	[tilespmem:$0x16840] =	vst v3;
	v10 =	vmul.f32 $6.553600000e+04, v6;
	v5 =	vsel vm15, v23, v5;
	v23 =	vld [tilespmem:$0x16700]  }
0x125: {  	v40 =	vmul.f32 v22, v22;
	[tilespmem:$0x16850] =	vst v3;
	v17 =	vmul.f32 $5.000000000e-01, v2;
	v30 =	vadd.f32 v59, v58  }
0x126: {  	[tilespmem:$0x1FE60] =	vst v31;
	v53 =	vld [tilespmem:$0x16842];
	v6 =	vsel vm13, v10, v6;
	v37 =	vmul.f32 v4, v1;
	v61 =	vmul.f32 $3.906250000e-03, v5  }
0x127: {  	[tilespmem:$0x1FEF0] =	vst v16;
	vm7 =	vgt.f32 v5, $2.560000000e+02;
	v16 =	vmul.f32 $3.906250000e-03, v6;
	v31 =	vadd.f32 v60, v30  }
0x128: {  	v2 =	vsel vm4, v17, v2;
	v37 =	vmul.f32 v37, v4;
	v5 =	vsel vm7, v61, v5;
	v30 =	vld [tilespmem:$0x16720]  }
0x129: {  	v6 =	vsel vm14, v16, v6;
	v40 =	vadd.f32 v40, v31;
	v54 =	vmul.f32 v23, v23  }
0x12a: {  	v38 =	vmul.f32 $2.560000000e+02, v5;
	vm10 =	vlt.f32 v5, $3.906250000e-03;
	v37 =	vsub.f32 $1.500000000e+00, v37;
	v31 =	vld [tilespmem:$0x16730]  }
0x12b: {  	[tilespmem:$0x1FED0] =	vst v62;
	v3 =	vadd.f32 v53, v3;
	v53 =	vmul.f32 v0, v35;
	v62 =	vadd.f32 v54, v40  }
0x12c: {  	v61 =	vmul.f32 $2.560000000e+02, v6;
	v5 =	vsel vm10, v38, v5;
	v4 =	vmul.f32 v37, v4  }
0x12d: {  	[tilespmem:$0x1FEE0] =	vst v12;
	v11 =	vmul.f32 $6.250000000e-02, v5;
	v12 =	vmul.f32 v30, v30;
	v37 =	vadd.f32 v9, v62  }
0x12e: {  	[tilespmem:$0x16840] =	vst v3;
	v6 =	vsel vm15, v61, v6;
	vm12 =	vgt.f32 v5, $1.600000000e+01;
	v54 =	vmul.f32 v0, v33  }
0x12f: {  	v34 =	vld [tilespmem:$0x16750];
	[tilespmem:$0x16850] =	vst v3;
	v5 =	vsel vm12, v11, v5;
	v14 =	vmul.f32 v31, v31;
	v37 =	vadd.f32 v12, v37  }
0x130: {  	v60 =	vld [tilespmem:$0x16841];
	v15 =	vmul.f32 v4, v1;
	v62 =	vadd.f32 v2, v2;
	v13 =	vmul.f32 $1.600000000e+01, v5  }
0x131: {  	v11 =	vmul.f32 $6.250000000e-02, v6;
	vm13 =	vlt.f32 v5, $6.250000000e-02;
	v57 =	vadd.f32 v14, v37  }
0x132: {  	v33 =	vld [tilespmem:$0x16740];
	v58 =	vmul.f32 v15, v4;
	v2 =	vsel vm2, v62, v2;
	v5 =	vsel vm13, v13, v5  }
0x133: {  	v6 =	vsel vm7, v11, v6;
	v13 =	vmul.f32 $5.000000000e-01, v2;
	v59 =	vmul.f32 $2.500000000e-01, v5;
	[tilespmem:$0x16840] =	vst v57  }
0x134: {  	v62 =	vmul.f32 v34, v34;
	vm14 =	vgt.f32 v5, $2.000000000e+00;
	v37 =	vsub.f32 $1.500000000e+00, v58;
	[tilespmem:$0x16850] =	vst v57  }
0x135: {  	v60 =	vadd.f32 v60, v3;
	v2 =	vsel vm3, v13, v2;
	v5 =	vsel vm14, v59, v5;
	v10 =	vld [tilespmem:$0x16848]  }
0x136: {  	v4 =	vmul.f32 v37, v4;
	v37 =	vmul.f32 $1.600000000e+01, v6;
	v15 =	vadd.f32 v2, v2  }
0x137: {  	v61 =	vmul.f32 v33, v33;
	v9 =	vmul.f32 $4.000000000e+00, v5;
	vm15 =	vlt.f32 v5, $5.000000000e-01  }
0x138: {  	v35 =	vld [tilespmem:$0x16760];
	v1 =	vmul.f32 v4, v1;
	v6 =	vsel vm10, v37, v6;
	v2 =	vsel vm0, v15, v2  }
0x139: {  	v5 =	vsel vm15, v9, v5;
	v37 =	vmul.f32 $2.500000000e-01, v6;
	v9 =	vmul.f32 $5.421010860e-20, v60  }
0x13a: {  	v12 =	vmul.f32 $2.500000000e-01, v5;
	v1 =	vmul.f32 v1, v4;
	v7 =	vadd.f32 v10, v57  }
0x13b: {  	v36 =	vld [tilespmem:$0x16770];
	vm11 =	vgt.f32 v5, $2.000000000e+00;
	v16 =	vsel vm12, v37, v6;
	vm12 =	vgt.f32 v60, $1.844674410e+19  }
0x13c: {  	v38 =	vld [tilespmem:$0x16790];
	v5 =	vsel vm11, v12, v5;
	v1 =	vsub.f32 $1.500000000e+00, v1;
	v51 =	vmul.f32 $4.000000000e+00, v16;
	[tilespmem:$0x16840] =	vst v7  }
0x13d: {  	v6 =	vadd.f32 v62, v61;
	v37 =	vld [tilespmem:$0x16780];
	v10 =	vmul.f32 v35, v35;
	v14 =	vmul.f32 $4.000000000e+00, v5;
	[tilespmem:$0x16850] =	vst v7  }
0x13e: {  	v13 =	vsel vm12, v9, v60;
	vm1 =	vlt.f32 v5, $5.000000000e-01;
	v1 =	vmul.f32 v1, v4;
	v42 =	vld [tilespmem:$0x16844]  }
0x13f: {  	v58 =	vsel vm13, v51, v16;
	v4 =	vmul.f32 $1.844674410e+19, v13;
	v5 =	vsel vm1, v14, v5  }
0x140: {  	v40 =	vld [tilespmem:$0x167A0];
	v16 =	vmul.f32 v36, v36;
	vm13 =	vlt.f32 v13, $5.421010860e-20;
	v17 =	vmul.f32 $2.500000000e-01, v5  }
0x141: {  	v11 =	vmul.f32 $5.000000000e-01, v58;
	v14 =	vadd.f32 v10, v6;
	vm2 =	vgt.f32 v5, $2.000000000e+00  }
0x142: {  	v10 =	vmul.f32 v38, v38;
	v0 =	vmul.f32 v1, v2;
	v57 =	vsel vm2, v17, v5  }
0x143: {  	v60 =	vmul.f32 v37, v37;
	v59 =	vmul.f32 $4.000000000e+00, v57;
	v7 =	vadd.f32 v42, v7  }
0x144: {  	v2 =	vsel vm14, v11, v58;
	v5 =	vadd.f32 v16, v14;
	vm0 =	vlt.f32 v57, $5.000000000e-01  }
0x145: {  	v11 =	vmul.f32 v40, v40;
	v17 =	vadd.f32 v2, v2;
	v1 =	vsel vm0, v59, v57;
	[tilespmem:$0x16840] =	vst v7  }
0x146: {  	v62 =	vmul.f32 v0, v50;
	v42 =	vld [tilespmem:$0x167B0];
	v5 =	vadd.f32 v60, v5;
	v15 =	vmul.f32 $5.000000000e-01, v1;
	[tilespmem:$0x16850] =	vst v7  }
0x147: {  	v63 =	vmul.f32 v0, v63;
	v59 =	vsel vm12, $0x2F800000, v24;
	v1 =	vsel vm13, v4, v13;
	v58 =	vld [tilespmem:$0x16842]  }
0x148: {  	v9 =	vmul.f32 $4.294967300e+09, v59;
	v5 =	vadd.f32 v10, v5;
	v57 =	vsub.f32 $1.500000000e+00, v15  }
0x149: {  	v2 =	vsel vm15, v17, v2;
	v61 =	vmul.f32 $2.328306440e-10, v1;
	vm14 =	vgt.f32 v1, $4.294967300e+09  }
0x14a: {  	v4 =	vsel vm13, v9, v59;
	v5 =	vadd.f32 v11, v5;
	v51 =	vmul.f32 v57, v15  }
0x14b: {  	v1 =	vsel vm14, v61, v1;
	v12 =	vmul.f32 $1.525878910e-05, v4;
	v14 =	vmul.f32 v42, v42  }
0x14c: {  	v13 =	vmul.f32 $4.294967300e+09, v1;
	v6 =	vmul.f32 v51, v57;
	v51 =	vadd.f32 v58, v7  }
0x14d: {  	v60 =	vmul.f32 v0, v45;
	vm15 =	vlt.f32 v1, $2.328306440e-10;
	v4 =	vsel vm14, v12, v4  }
0x14e: {  	v5 =	vadd.f32 v14, v5;
	v1 =	vsel vm15, v13, v1;
	v17 =	vmul.f32 $6.553600000e+04, v4;
	[tilespmem:$0x16840] =	vst v51  }
0x14f: {  	v59 =	vmul.f32 v0, v47;
	v16 =	vmul.f32 $1.525878910e-05, v1;
	[tilespmem:$0x16850] =	vst v51  }
0x150: {  	vm8 =	vgt.f32 v1, $6.553600000e+04;
	v6 =	vsub.f32 $1.500000000e+00, v6;
	v4 =	vsel vm15, v17, v4;
	v9 =	vld [tilespmem:$0x16841];
	[tilespmem:$0x16840] =	vst v5  }
0x151: {  	v58 =	vmul.f32 v0, v46;
	v1 =	vsel vm8, v16, v1;
	[tilespmem:$0x16850] =	vst v5;
	v46 =	vmul.f32 $3.906250000e-03, v4  }
0x152: {  	v6 =	vmul.f32 v6, v57;
	v10 =	vmul.f32 $6.553600000e+04, v1;
	v11 =	vld [tilespmem:$0x16848]  }
0x153: {  	v17 =	vmul.f32 v0, v52;
	v57 =	vmul.f32 v0, v48;
	vm9 =	vlt.f32 v1, $1.525878910e-05  }
0x154: {  	v4 =	vsel vm8, v46, v4;
	v48 =	vmul.f32 v6, v15;
	v1 =	vsel vm9, v10, v1  }
0x155: {  	v52 =	vmul.f32 $2.560000000e+02, v4;
	v12 =	vmul.f32 $3.906250000e-03, v1  }
0x156: {  	v14 =	vmul.f32 $5.000000000e-01, v2;
	vm10 =	vgt.f32 v1, $2.560000000e+02;
	v7 =	vmul.f32 v48, v6  }
0x157: {  	v50 =	vsel vm10, v12, v1;
	v1 =	vsel vm9, v52, v4;
	v4 =	vadd.f32 v11, v5  }
0x158: {  	v2 =	vsel vm11, v14, v2;
	v13 =	vsub.f32 $1.500000000e+00, v7;
	v46 =	vmul.f32 $2.560000000e+02, v50  }
0x159: {  	v61 =	vmul.f32 v0, v49;
	v8 =	vadd.f32 v2, v2;
	v48 =	vld [tilespmem:$0x167F0];
	vm11 =	vlt.f32 v50, $3.906250000e-03;
	[tilespmem:$0x16840] =	vst v4  }
0x15a: {  	v10 =	vmul.f32 $6.250000000e-02, v1;
	[tilespmem:$0x16850] =	vst v4;
	v6 =	vmul.f32 v13, v6;
	v0 =	vsel vm11, v46, v50;
	v46 =	vld [tilespmem:$0x167D0]  }
0x15b: {  	v2 =	vsel vm1, v8, v2;
	v50 =	vld [tilespmem:$0x16844]  }
0x15c: {  	v45 =	vld [tilespmem:$0x167C0];
	v1 =	vsel vm10, v10, v1;
	v11 =	vmul.f32 $6.250000000e-02, v0;
	v47 =	vmul.f32 v6, v15  }
0x15d: {  	v13 =	vmul.f32 $5.000000000e-01, v2;
	vm12 =	vgt.f32 v0, $1.600000000e+01;
	v14 =	vmul.f32 $1.600000000e+01, v1  }
0x15e: {  	v52 =	vmul.f32 v48, v48;
	v0 =	vsel vm12, v11, v0;
	v12 =	vmul.f32 v47, v6;
	v47 =	vld [tilespmem:$0x167E0]  }
0x15f: {  	v49 =	vld [tilespmem:$0x16800];
	v7 =	vsel vm2, v13, v2;
	v1 =	vsel vm11, v14, v1;
	v16 =	vmul.f32 $1.600000000e+01, v0  }
0x160: {  	vm13 =	vlt.f32 v0, $6.250000000e-02;
	v13 =	vmul.f32 v46, v46;
	v4 =	vadd.f32 v50, v4  }
0x161: {  	v5 =	vsub.f32 $1.500000000e+00, v12;
	v12 =	vmul.f32 v45, v45;
	v0 =	vsel vm13, v16, v0  }
0x162: {  	v16 =	vmul.f32 $2.500000000e-01, v1;
	v8 =	vmul.f32 $2.500000000e-01, v0;
	vm14 =	vgt.f32 v0, $2.000000000e+00  }
0x163: {  	v11 =	vmul.f32 v5, v6;
	v2 =	vadd.f32 v13, v12;
	v14 =	vmul.f32 v47, v47  }
0x164: {  	v50 =	vld [tilespmem:$0x16810];
	v1 =	vsel vm12, v16, v1;
	v12 =	vadd.f32 v7, v7;
	v13 =	vmul.f32 v49, v49  }
0x165: {  	[tilespmem:$0x16840] =	vst v4;
	v0 =	vsel vm14, v8, v0;
	v8 =	vadd.f32 v9, v51;
	v51 =	vld [tilespmem:$0x16820];
	v2 =	vadd.f32 v14, v2  }
0x166: {  	[tilespmem:$0x16850] =	vst v4;
	v16 =	vsel vm0, v12, v7;
	v7 =	vmul.f32 $4.000000000e+00, v1;
	vm15 =	vlt.f32 v0, $5.000000000e-01  }
0x167: {  	v6 =	vld [tilespmem:$0x16842];
	v12 =	vmul.f32 $5.421010860e-20, v8;
	vm6 =	vgt.f32 v8, $1.844674410e+19;
	v2 =	vadd.f32 v52, v2  }
0x168: {  	v14 =	vmul.f32 $4.000000000e+00, v0;
	v1 =	vsel vm13, v7, v1;
	v5 =	vsel vm6, $0x2F800000, v24;
	v52 =	vld [tilespmem:$0x16830]  }
0x169: {  	v3 =	vsel vm6, v12, v8;
	v10 =	vadd.f32 v13, v2;
	v13 =	vmul.f32 v50, v50  }
0x16a: {  	v0 =	vsel vm15, v14, v0;
	v14 =	vmul.f32 $1.844674410e+19, v3;
	v12 =	vmul.f32 v51, v51  }
0x16b: {  	vm7 =	vlt.f32 v3, $5.421010860e-20;
	v8 =	vmul.f32 $2.500000000e-01, v0;
	v2 =	vadd.f32 v13, v10  }
0x16c: {  	vm8 =	vgt.f32 v0, $2.000000000e+00;
	v3 =	vsel vm7, v14, v3;
	v10 =	vadd.f32 v6, v4  }
0x16d: {  	v13 =	vmul.f32 $4.294967300e+09, v5;
	v14 =	vmul.f32 v52, v52;
	v2 =	vadd.f32 v12, v2  }
0x16e: {  	v0 =	vsel vm8, v8, v0;
	v7 =	vmul.f32 $2.328306440e-10, v3;
	vm9 =	vgt.f32 v3, $4.294967300e+09  }
0x16f: {  	v5 =	vsel vm7, v13, v5;
	[tilespmem:$0x16840] =	vst v10;
	v12 =	vmul.f32 $5.000000000e-01, v1;
	v2 =	vadd.f32 v14, v2  }
0x170: {  	v8 =	vmul.f32 $4.000000000e+00, v0;
	[tilespmem:$0x16850] =	vst v10;
	v3 =	vsel vm9, v7, v3;
	v9 =	vmul.f32 $1.525878910e-05, v5  }
0x171: {  	vm10 =	vlt.f32 v0, $5.000000000e-01;
	v13 =	vmul.f32 $4.294967300e+09, v3;
	v1 =	vsel vm14, v12, v1;
	v12 =	vld [tilespmem:$0x16841];
	[tilespmem:$0x16840] =	vst v2  }
0x172: {  	v0 =	vsel vm10, v8, v0;
	vm11 =	vlt.f32 v3, $2.328306440e-10;
	v5 =	vsel vm9, v9, v5;
	[tilespmem:$0x16850] =	vst v2  }
0x173: {  	v7 =	vadd.f32 v1, v1;
	v3 =	vsel vm11, v13, v3;
	v14 =	vmul.f32 $6.553600000e+04, v5;
	v6 =	vld [tilespmem:$0x16848]  }
0x174: {  	vm12 =	vgt.f32 v0, $2.000000000e+00;
	v13 =	vmul.f32 $1.525878910e-05, v3;
	vm13 =	vgt.f32 v3, $6.553600000e+04  }
0x175: {  	v1 =	vsel vm15, v7, v1;
	v4 =	vsel vm11, v14, v5;
	v5 =	vmul.f32 $2.500000000e-01, v0  }
0x176: {  	v14 =	vmul.f32 v11, v15;
	v3 =	vsel vm13, v13, v3;
	v7 =	vmul.f32 $5.000000000e-01, v1  }
0x177: {  	v9 =	vmul.f32 $3.906250000e-03, v4;
	v13 =	vmul.f32 $6.553600000e+04, v3;
	vm15 =	vlt.f32 v3, $1.525878910e-05  }
0x178: {  	v0 =	vsel vm12, v5, v0;
	v7 =	vsel vm8, v7, v1;
	v6 =	vadd.f32 v6, v2  }
0x179: {  	v4 =	vsel vm13, v9, v4;
	v5 =	vmul.f32 $4.000000000e+00, v0;
	vm14 =	vlt.f32 v0, $5.000000000e-01  }
0x17a: {  	v1 =	vsel vm15, v13, v3;
	v2 =	vmul.f32 v14, v11;
	v14 =	vmul.f32 $2.560000000e+02, v4;
	[tilespmem:$0x16840] =	vst v6  }
0x17b: {  	v8 =	vadd.f32 v7, v7;
	vm6 =	vgt.f32 v1, $2.560000000e+02;
	v0 =	vsel vm14, v5, v0;
	[tilespmem:$0x16850] =	vst v6  }
0x17c: {  	v3 =	vsel vm15, v14, v4;
	v4 =	vmul.f32 $3.906250000e-03, v1;
	v13 =	vmul.f32 $5.000000000e-01, v0;
	v5 =	vld [tilespmem:$0x16844]  }
0x17d: {  	v2 =	vsub.f32 $1.500000000e+00, v2;
	v0 =	vsel vm10, v8, v7;
	v9 =	vmul.f32 $6.250000000e-02, v3  }
0x17e: {  	v7 =	vadd.f32 v12, v10;
	v4 =	vsel vm6, v4, v1;
	v8 =	vsub.f32 $1.500000000e+00, v13  }
0x17f: {  	v14 =	vmul.f32 v2, v11;
	v3 =	vsel vm6, v9, v3;
	v2 =	vmul.f32 $2.560000000e+02, v4  }
0x180: {  	vm7 =	vlt.f32 v4, $3.906250000e-03;
	v9 =	vmul.f32 $1.600000000e+01, v3;
	v12 =	vmul.f32 v8, v13  }
0x181: {  	v4 =	vsel vm7, v2, v4;
	v5 =	vadd.f32 v5, v6;
	v6 =	vmul.f32 $5.000000000e-01, v0  }
0x182: {  	v3 =	vsel vm7, v9, v3;
	v1 =	vmul.f32 $6.250000000e-02, v4;
	v9 =	vmul.f32 v12, v8  }
0x183: {  	vm8 =	vgt.f32 v4, $1.600000000e+01;
	v12 =	vmul.f32 $5.421010860e-20, v7;
	v2 =	vmul.f32 $2.500000000e-01, v3;
	[tilespmem:$0x16840] =	vst v5  }
0x184: {  	vm9 =	vgt.f32 v7, $1.844674410e+19;
	v0 =	vsel vm12, v6, v0;
	[tilespmem:$0x16850] =	vst v5;
	v4 =	vsel vm8, v1, v4  }
0x185: {  	v7 =	vsel vm9, v12, v7;
	v9 =	vsub.f32 $1.500000000e+00, v9;
	v3 =	vsel vm8, v2, v3;
	v6 =	vld [tilespmem:$0x16842]  }
0x186: {  	v2 =	vmul.f32 $1.600000000e+01, v4;
	vm10 =	vlt.f32 v4, $6.250000000e-02;
	v12 =	vmul.f32 $1.844674410e+19, v7  }
0x187: {  	vm11 =	vlt.f32 v7, $5.421010860e-20;
	v1 =	vmul.f32 $4.000000000e+00, v3;
	v8 =	vmul.f32 v9, v8  }
0x188: {  	v4 =	vsel vm10, v2, v4;
	v7 =	vsel vm11, v12, v7;
	v2 =	vadd.f32 v0, v0  }
0x189: {  	v3 =	vsel vm10, v1, v3;
	v10 =	vmul.f32 v8, v13;
	v11 =	vmul.f32 $2.500000000e-01, v4  }
0x18a: {  	v12 =	vmul.f32 $2.328306440e-10, v7;
	v6 =	vadd.f32 v6, v5;
	v5 =	vsel vm14, v2, v0  }
0x18b: {  	v0 =	vmul.f32 $5.000000000e-01, v3;
	v10 =	vmul.f32 v10, v8;
	vm14 =	vgt.f32 v4, $2.000000000e+00  }
0x18c: {  	vm15 =	vgt.f32 v7, $4.294967300e+09;
	v4 =	vsel vm14, v11, v4  }
0x18d: {  	[tilespmem:$0x16840] =	vst v6;
	v0 =	vsel vm14, v0, v3;
	v3 =	vsel vm15, v12, v7;
	v7 =	vsub.f32 $1.500000000e+00, v10  }
0x18e: {  	[tilespmem:$0x16850] =	vst v6;
	v2 =	vmul.f32 $4.000000000e+00, v4;
	vm12 =	vlt.f32 v4, $5.000000000e-01;
	v1 =	vmul.f32 $4.294967300e+09, v3  }
0x18f: {  	v11 =	vld [tilespmem:$0x16841];
	vm0 =	vlt.f32 v3, $2.328306440e-10;
	v12 =	vadd.f32 v0, v0;
	v7 =	vmul.f32 v7, v8  }
0x190: {  	v4 =	vsel vm12, v2, v4;
	v8 =	vsel vm9, $0x2F800000, v24;
	v3 =	vsel vm0, v1, v3  }
0x191: {  	v0 =	vsel vm12, v12, v0;
	v10 =	vmul.f32 $2.500000000e-01, v4;
	v12 =	vmul.f32 $4.294967300e+09, v8  }
0x192: {  	vm13 =	vgt.f32 v4, $2.000000000e+00;
	v2 =	vmul.f32 $1.525878910e-05, v3  }
0x193: {  	vm2 =	vgt.f32 v3, $6.553600000e+04;
	v9 =	vsel vm13, v10, v4;
	v8 =	vsel vm11, v12, v8  }
0x194: {  	v10 =	vmul.f32 $5.000000000e-01, v0;
	v3 =	vsel vm2, v2, v3;
	v6 =	vadd.f32 v11, v6  }
0x195: {  	v12 =	vmul.f32 $1.525878910e-05, v8;
	vm12 =	vlt.f32 v9, $5.000000000e-01;
	v1 =	vmul.f32 $6.553600000e+04, v3  }
0x196: {  	vm14 =	vlt.f32 v3, $1.525878910e-05;
	v4 =	vsel vm13, v10, v0;
	v11 =	vmul.f32 $5.421010860e-20, v6  }
0x197: {  	vm11 =	vgt.f32 v6, $1.844674410e+19;
	v8 =	vsel vm15, v12, v8;
	v3 =	vsel vm14, v1, v3  }
0x198: {  	v0 =	vsel vm11, v11, v6;
	v2 =	vmul.f32 $3.906250000e-03, v3;
	v6 =	vmul.f32 $4.000000000e+00, v9  }
0x199: {  	vm15 =	vgt.f32 v3, $2.560000000e+02;
	v11 =	vimm.s32 $0x0;
	v12 =	vmul.f32 $1.844674410e+19, v0  }
0x19a: {  	vm10 =	vlt.f32 v0, $5.421010860e-20;
	v3 =	vsel vm15, v2, v3;
	v6 =	vsel vm12, v6, v9  }
0x19b: {  	v0 =	vsel vm10, v12, v0;
	v12 =	vimm.s32 $0x0;
	v2 =	vmul.f32 $2.560000000e+02, v3  }
0x19c: {  	vm8 =	vlt.f32 v3, $3.906250000e-03;
	v1 =	vsel vm12, $0xFFFFFFFF, v12;
	v12 =	vmul.f32 $2.328306440e-10, v0  }
0x19d: {  	vm1 =	vgt.f32 v6, $2.000000000e+00;
	vm6 =	vgt.f32 v0, $4.294967300e+09;
	[tilespmem:$0x1FF10] =	vst v1;
	v1 =	vmul.f32 $6.553600000e+04, v8  }
0x19e: {  	v3 =	vsel vm8, v2, v3;
	v0 =	vsel vm6, v12, v0;
	v12 =	vmul.f32 $2.500000000e-01, v6  }
0x19f: {  	v8 =	vsel vm0, v1, v8;
	v1 =	vsel vm1, $0xFFFFFFFF, v11;
	v11 =	vmul.f32 $4.294967300e+09, v0  }
0x1a0: {  	vm7 =	vgt.f32 v3, $1.600000000e+01;
	v6 =	vsel vm1, v12, v6;
	vm1 =	vlt.f32 v0, $2.328306440e-10  }
0x1a1: {  	v10 =	vmul.f32 $3.906250000e-03, v8;
	v12 =	vmul.f32 $6.250000000e-02, v3;
	v0 =	vsel vm1, v11, v0  }
0x1a2: {  	v9 =	vmul.f32 $4.000000000e+00, v6;
	vm13 =	vlt.f32 v6, $5.000000000e-01;
	v11 =	vimm.s32 $0x0  }
0x1a3: {  	v8 =	vsel vm2, v10, v8;
	v3 =	vsel vm7, v12, v3;
	v10 =	vmul.f32 $1.525878910e-05, v0  }
0x1a4: {  	[tilespmem:$0x1FF60] =	vst v1;
	v1 =	vsel vm13, $0xFFFFFFFF, v11;
	vm2 =	vgt.f32 v0, $6.553600000e+04;
	v12 =	vmul.f32 $2.560000000e+02, v8  }
0x1a5: {  	v6 =	vsel vm13, v9, v6;
	v2 =	vmul.f32 $1.600000000e+01, v3;
	v0 =	vsel vm2, v10, v0  }
0x1a6: {  	vm9 =	vlt.f32 v3, $6.250000000e-02;
	v8 =	vsel vm14, v12, v8;
	v10 =	vmul.f32 $6.553600000e+04, v0  }
0x1a7: {  	v3 =	vsel vm9, v2, v3;
	vm3 =	vlt.f32 v0, $1.525878910e-05;
	v12 =	vmul.f32 $6.250000000e-02, v8  }
0x1a8: {  	[tilespmem:$0x1FF80] =	vst v1;
	v2 =	vmul.f32 $5.000000000e-01, v6;
	v1 =	vmul.f32 $2.500000000e-01, v3;
	v10 =	vsel vm3, v10, v0  }
0x1a9: {  	vm12 =	vgt.f32 v3, $2.000000000e+00;
	v8 =	vsel vm15, v12, v8;
	v12 =	vmul.f32 $3.906250000e-03, v10  }
0x1aa: {  	v3 =	vsel vm12, v1, v3;
	vm4 =	vgt.f32 v10, $2.560000000e+02  }
0x1ab: {  	v6 =	vsub.f32 $1.500000000e+00, v2;
	v11 =	vmul.f32 $4.000000000e+00, v3;
	v9 =	vsel vm4, v12, v10  }
0x1ac: {  	vm13 =	vlt.f32 v3, $5.000000000e-01;
	v10 =	vmul.f32 v7, v13;
	v0 =	vmul.f32 $2.560000000e+02, v9  }
0x1ad: {  	v12 =	vmul.f32 v6, v2;
	v3 =	vsel vm13, v11, v3;
	vm5 =	vlt.f32 v9, $3.906250000e-03  }
0x1ae: {  	v10 =	vmul.f32 v10, v7;
	v11 =	vmul.f32 $2.500000000e-01, v3;
	v0 =	vsel vm5, v0, v9  }
0x1af: {  	v9 =	vmul.f32 v12, v6;
	v12 =	vsel vm11, $0x2F800000, v24;
	vm11 =	vgt.f32 v3, $2.000000000e+00  }
0x1b0: {  	v24 =	vmul.f32 $6.250000000e-02, v0;
	v3 =	vsel vm11, v11, v3;
	v10 =	vsub.f32 $1.500000000e+00, v10  }
0x1b1: {  	vm15 =	vgt.f32 v0, $1.600000000e+01;
	v1 =	vsub.f32 $1.500000000e+00, v9;
	v9 =	vmul.f32 $4.000000000e+00, v3  }
0x1b2: {  	vm14 =	vlt.f32 v3, $5.000000000e-01;
	v0 =	vsel vm15, v24, v0;
	v24 =	vimm.s32 $0x0  }
0x1b3: {  	v7 =	vmul.f32 v10, v7;
	v10 =	vmul.f32 $1.600000000e+01, v0;
	v11 =	vsel vm14, $0xFFFFFFFF, v24  }
0x1b4: {  	v1 =	vmul.f32 v1, v6;
	v3 =	vsel vm14, v9, v3;
	vm14 =	vlt.f32 v0, $6.250000000e-02  }
0x1b5: {  	v6 =	vmul.f32 v14, v15;
	v24 =	vimm.s32 $0x0;
	v9 =	vmul.f32 $2.500000000e-01, v3  }
0x1b6: {  	vm0 =	vgt.f32 v3, $2.000000000e+00;
	v0 =	vsel vm14, v10, v0;
	v10 =	vmul.f32 v7, v13  }
0x1b7: {  	[tilespmem:$0x1FF90] =	vst v11;
	v15 =	vsel vm0, $0xFFFFFFFF, v24;
	v24 =	vimm.s32 $0x0;
	v11 =	vmul.f32 $2.500000000e-01, v0  }
0x1b8: {  	v3 =	vsel vm0, v9, v3;
	v9 =	vmul.f32 $4.294967300e+09, v12;
	vm0 =	vgt.f32 v0, $2.000000000e+00  }
0x1b9: {  	v6 =	vmul.f32 v6, v14;
	[tilespmem:$0x1FFB0] =	vst v15;
	v15 =	vsel vm0, $0xFFFFFFFF, v24;
	v10 =	vmul.f32 v10, v7  }
0x1ba: {  	v24 =	vimm.s32 $0x0;
	v0 =	vsel vm0, v11, v0;
	v9 =	vsel vm10, v9, v12  }
0x1bb: {  	[tilespmem:$0x1FFA0] =	vst v15;
	v15 =	vmul.f32 v1, v2;
	vm0 =	vlt.f32 v3, $5.000000000e-01;
	v12 =	vmul.f32 $4.000000000e+00, v0  }
0x1bc: {  	v11 =	vmul.f32 $4.000000000e+00, v3;
	v24 =	vsel vm0, $0xFFFFFFFF, v24;
	vm10 =	vlt.f32 v0, $5.000000000e-01  }
0x1bd: {  	v6 =	vsub.f32 $1.500000000e+00, v6;
	[tilespmem:$0x1FFC0] =	vst v24;
	v24 =	vmul.f32 v15, v1;
	v0 =	vsel vm10, v12, v0  }
0x1be: {  	v10 =	vsub.f32 $1.500000000e+00, v10;
	v3 =	vsel vm0, v11, v3;
	v12 =	vmul.f32 $2.500000000e-01, v0  }
0x1bf: {  	v15 =	vimm.s32 $0x0;
	vm0 =	vgt.f32 v0, $2.000000000e+00;
	v24 =	vsub.f32 $1.500000000e+00, v24  }
0x1c0: {  	v7 =	vmul.f32 v10, v7;
	v10 =	vsel vm0, $0xFFFFFFFF, v15;
	v0 =	vsel vm0, v12, v0  }
0x1c1: {  	v1 =	vmul.f32 v24, v1;
	v24 =	vimm.s32 $0x0;
	vm0 =	vlt.f32 v0, $5.000000000e-01  }
0x1c2: {  	v6 =	vmul.f32 v6, v14;
	v14 =	vsel vm0, $0xFFFFFFFF, v24;
	v24 =	vld [tilespmem:$0x1FE40];
	_ =	sdelay $0x3  }
0x1c3: {  	v6 =	vmul.f32 v6, v16;
	v16 =	vld [tilespmem:$0x1FE90]  }
0x1c4: {  	[tilespmem:$0x16440] =	vst v24;
	v24 =	vld [tilespmem:$0x1FE60];
	_ =	sdelay $0x1  }
0x1c5: {  	v3 =	vmul.f32 $5.000000000e-01, v3;
	v11 =	vmul.f32 v7, v13  }
0x1c6: {  	[tilespmem:$0x1FFD0] =	vst v10;
	v10 =	vmul.f32 $1.525878910e-05, v9  }
0x1c7: {  	v12 =	vsub.f32 $1.500000000e+00, v3;
	v13 =	vmul.f32 $4.000000000e+00, v0;
	v11 =	vmul.f32 v11, v7;
	[tilespmem:$0x16490] =	vst v16  }
0x1c8: {  	v9 =	vsel vm6, v10, v9;
	v10 =	vmul.f32 v1, v2;
	v16 =	vmul.f32 $1.600000000e+01, v8;
	[tilespmem:$0x16460] =	vst v24;
	v24 =	vld [tilespmem:$0x1FE70]  }
0x1c9: {  	v0 =	vsel vm0, v13, v0;
	v13 =	vmul.f32 v12, v3;
	v11 =	vsub.f32 $1.500000000e+00, v11  }
0x1ca: {  	[tilespmem:$0x1FFE0] =	vst v14;
	v14 =	vmul.f32 $2.500000000e-01, v0;
	v10 =	vmul.f32 v10, v1  }
0x1cb: {  	vm6 =	vgt.f32 v0, $2.000000000e+00;
	v13 =	vmul.f32 v13, v12;
	v7 =	vmul.f32 v11, v7  }
0x1cc: {  	v0 =	vsel vm6, v14, v0;
	v10 =	vsub.f32 $1.500000000e+00, v10;
	v14 =	vmul.f32 $6.553600000e+04, v9  }
0x1cd: {  	v11 =	vsub.f32 $1.500000000e+00, v13;
	v13 =	vmul.f32 $4.000000000e+00, v0;
	vm0 =	vlt.f32 v0, $5.000000000e-01;
	[tilespmem:$0x16470] =	vst v24;
	v24 =	vld [tilespmem:$0x1FE80]  }
0x1ce: {  	[tilespmem:$0x16520] =	vst v55;
	v15 =	vld [tilespmem:$0x1FE50];
	v5 =	vmul.f32 v7, v5;
	v9 =	vsel vm1, v14, v9;
	v10 =	vmul.f32 v10, v1  }
0x1cf: {  	[tilespmem:$0x16500] =	vst v53;
	v11 =	vmul.f32 v11, v12;
	v0 =	vsel vm0, v13, v0;
	v12 =	vmul.f32 $3.906250000e-03, v9  }
0x1d0: {  	[tilespmem:$0x165A0] =	vst v63;
	v13 =	vmul.f32 v6, v43;
	v1 =	vmul.f32 $5.000000000e-01, v0;
	v0 =	vsel vm8, v16, v8  }
0x1d1: {  	[tilespmem:$0x16560] =	vst v60;
	v16 =	vld [tilespmem:$0x1FEC0];
	v8 =	vmul.f32 v11, v3;
	v43 =	vmul.f32 $2.500000000e-01, v0;
	v9 =	vsel vm2, v12, v9  }
0x1d2: {  	v60 =	vld [tilespmem:$0x1FF30];
	v12 =	vmul.f32 v6, v44;
	v14 =	vmul.f32 $2.560000000e+02, v9;
	[tilespmem:$0x16480] =	vst v24;
	v24 =	vimm.s32 $0x0  }
0x1d3: {  	[tilespmem:$0x16450] =	vst v15;
	v44 =	vld [tilespmem:$0x1FF00];
	v8 =	vmul.f32 v8, v11;
	v0 =	vsel vm7, v43, v0;
	v15 =	vsel vm0, $0xFFFFFFFF, v24  }
0x1d4: {  	v63 =	vmul.f32 v5, v39;
	v43 =	vld [tilespmem:$0x1FEF0];
	v53 =	vmul.f32 $4.000000000e+00, v0;
	[tilespmem:$0x1FFF0] =	vst v15;
	v15 =	vsub.f32 $1.500000000e+00, v1  }
0x1d5: {  	[tilespmem:$0x16510] =	vst v54;
	v54 =	vld [tilespmem:$0x1FF10];
	v9 =	vsel vm3, v14, v9;
	v14 =	vmul.f32 v6, v41;
	v8 =	vsub.f32 $1.500000000e+00, v8  }
0x1d6: {  	[tilespmem:$0x164C0] =	vst v16;
	v55 =	vmul.f32 $6.250000000e-02, v9;
	v24 =	vld [tilespmem:$0x1FEA0];
	v16 =	vmul.f32 v15, v1  }
0x1d7: {  	[tilespmem:$0x16530] =	vst v56;
	v0 =	vsel vm9, v53, v0;
	v53 =	vmul.f32 v6, v60;
	v8 =	vmul.f32 v8, v11  }
0x1d8: {  	[tilespmem:$0x16580] =	vst v61;
	v61 =	vld [tilespmem:$0x1FF40];
	v41 =	vadd.f32 v4, v4;
	v56 =	vmul.f32 $5.000000000e-01, v0;
	v16 =	vmul.f32 v16, v15  }
0x1d9: {  	v9 =	vsel vm4, v55, v9;
	[tilespmem:$0x164F0] =	vst v43;
	v43 =	vmul.f32 v6, v44;
	v44 =	vmul.f32 v10, v2  }
0x1da: {  	[tilespmem:$0x16540] =	vst v59;
	vm4 =	vnez.u8 v54;
	v0 =	vsel vm12, v56, v0;
	v56 =	vld [tilespmem:$0x1FF20];
	v16 =	vsub.f32 $1.500000000e+00, v16  }
0x1db: {  	v4 =	vsel vm4, v41, v4;
	v59 =	vmul.f32 v8, v3;
	v41 =	vmul.f32 v44, v10;
	[tilespmem:$0x164A0] =	vst v24;
	v24 =	vld [tilespmem:$0x1FEB0]  }
0x1dc: {  	[tilespmem:$0x16590] =	vst v62;
	v55 =	vmul.f32 $1.600000000e+01, v9;
	v15 =	vmul.f32 v16, v15  }
0x1dd: {  	v62 =	vld [tilespmem:$0x1FF50];
	[tilespmem:$0x16550] =	vst v58;
	v54 =	vmul.f32 v6, v61;
	v58 =	vmul.f32 v59, v8;
	v41 =	vsub.f32 $1.500000000e+00, v41  }
0x1de: {  	[tilespmem:$0x16610] =	vst v53;
	v53 =	vld [tilespmem:$0x1FF80];
	v9 =	vsel vm5, v55, v9;
	v55 =	vmul.f32 $5.000000000e-01, v4;
	v59 =	vmul.f32 v15, v1  }
0x1df: {  	[tilespmem:$0x165E0] =	vst v43;
	v43 =	vmul.f32 v5, v28;
	v7 =	vmul.f32 v41, v10;
	v16 =	vsub.f32 $1.500000000e+00, v58;
	v58 =	vld [tilespmem:$0x1FF60]  }
0x1e0: {  	v11 =	vmul.f32 v6, v56;
	[tilespmem:$0x164B0] =	vst v24;
	v24 =	vld [tilespmem:$0x1FED0];
	v44 =	vmul.f32 v59, v15  }
0x1e1: {  	v2 =	vmul.f32 v7, v2;
	v8 =	vmul.f32 v16, v8  }
0x1e2: {  	v6 =	vmul.f32 v6, v62;
	v41 =	vmul.f32 $2.500000000e-01, v9;
	v62 =	vld [tilespmem:$0x1FF70];
	v44 =	vsub.f32 $1.500000000e+00, v44  }
0x1e3: {  	[tilespmem:$0x165B0] =	vst v17;
	vm7 =	vnez.u8 v53;
	v2 =	vmul.f32 v2, v7;
	v59 =	vmul.f32 v8, v3  }
0x1e4: {  	[tilespmem:$0x16570] =	vst v57;
	v9 =	vsel vm15, v41, v9;
	vm5 =	vnez.u8 v58;
	v56 =	vmul.f32 v44, v15  }
0x1e5: {  	v2 =	vsub.f32 $1.500000000e+00, v2;
	[tilespmem:$0x164D0] =	vst v24;
	v24 =	vld [tilespmem:$0x1FEE0];
	v4 =	vsel vm5, v55, v4;
	v10 =	vmul.f32 v59, v8  }
0x1e6: {  	[tilespmem:$0x165C0] =	vst v13;
	v60 =	vmul.f32 $4.000000000e+00, v9;
	v39 =	vadd.f32 v4, v4;
	v61 =	vmul.f32 v56, v1  }
0x1e7: {  	[tilespmem:$0x16600] =	vst v11;
	v11 =	vmul.f32 v5, v62;
	v2 =	vmul.f32 v2, v7;
	v10 =	vsub.f32 $1.500000000e+00, v10  }
0x1e8: {  	[tilespmem:$0x16650] =	vst v63;
	v58 =	vmul.f32 v5, v20;
	v59 =	vld [tilespmem:$0x1FFA0];
	v4 =	vsel vm7, v39, v4;
	v13 =	vmul.f32 v61, v56  }
0x1e9: {  	[tilespmem:$0x165D0] =	vst v12;
	v9 =	vsel vm14, v60, v9;
	v8 =	vmul.f32 v10, v8;
	v2 =	vmul.f32 v2, v4  }
0x1ea: {  	v55 =	vmul.f32 $5.000000000e-01, v9;
	[tilespmem:$0x164E0] =	vst v24;
	v24 =	vadd.f32 v0, v0;
	v41 =	vsub.f32 $1.500000000e+00, v13  }
0x1eb: {  	[tilespmem:$0x165F0] =	vst v14;
	v3 =	vmul.f32 v8, v3;
	v15 =	vmul.f32 v2, v19  }
0x1ec: {  	[tilespmem:$0x16620] =	vst v54;
	v17 =	vmul.f32 v2, v18;
	v0 =	vsel vm13, v24, v0;
	v54 =	vmul.f32 v41, v56;
	v56 =	vld [tilespmem:$0x1FF90]  }
0x1ed: {  	[tilespmem:$0x16680] =	vst v43;
	vm9 =	vnez.u8 v59;
	v19 =	vmul.f32 v2, v21;
	v57 =	vmul.f32 $5.000000000e-01, v0  }
0x1ee: {  	v63 =	vld [tilespmem:$0x1FFB0];
	[tilespmem:$0x16630] =	vst v6;
	v7 =	vsel vm9, v55, v9;
	v22 =	vmul.f32 v2, v22;
	v24 =	vmul.f32 v5, v32  }
0x1ef: {  	[tilespmem:$0x16640] =	vst v11;
	v32 =	vmul.f32 v5, v27;
	v61 =	vadd.f32 v7, v7;
	v0 =	vsel vm11, v57, v0  }
0x1f0: {  	[tilespmem:$0x166A0] =	vst v58;
	v27 =	vmul.f32 v2, v25;
	v44 =	vadd.f32 v0, v0;
	v62 =	vmul.f32 v54, v1  }
0x1f1: {  	v3 =	vmul.f32 v3, v8;
	[tilespmem:$0x16660] =	vst v24;
	v4 =	vsel vm10, v61, v7;
	v24 =	vld [tilespmem:$0x1FFD0];
	vm8 =	vnez.u8 v56  }
0x1f2: {  	v21 =	vld [tilespmem:$0x1FFC0];
	[tilespmem:$0x166C0] =	vst v15;
	v57 =	vmul.f32 v5, v29;
	v16 =	vmul.f32 v62, v54;
	v0 =	vsel vm8, v44, v0  }
0x1f3: {  	[tilespmem:$0x166D0] =	vst v17;
	vm11 =	vnez.u8 v63;
	v5 =	vmul.f32 v5, v26;
	v60 =	vmul.f32 $5.000000000e-01, v0  }
0x1f4: {  	[tilespmem:$0x166E0] =	vst v19;
	v3 =	vsub.f32 $1.500000000e+00, v3;
	v29 =	vmul.f32 v2, v30;
	v30 =	vld [tilespmem:$0x1FFE0];
	v9 =	vsub.f32 $1.500000000e+00, v16  }
0x1f5: {  	[tilespmem:$0x166F0] =	vst v22;
	v20 =	vmul.f32 $5.000000000e-01, v4;
	v26 =	vmul.f32 v2, v23;
	v0 =	vsel vm11, v60, v0  }
0x1f6: {  	[tilespmem:$0x16670] =	vst v32;
	vm13 =	vnez.u8 v24;
	v6 =	vmul.f32 v9, v54;
	v18 =	vadd.f32 v0, v0  }
0x1f7: {  	[tilespmem:$0x16710] =	vst v27;
	vm12 =	vnez.u8 v21;
	v3 =	vmul.f32 v3, v8;
	v4 =	vsel vm13, v20, v4  }
0x1f8: {  	[tilespmem:$0x16690] =	vst v57;
	v28 =	vadd.f32 v4, v4;
	v1 =	vmul.f32 v6, v1;
	v0 =	vsel vm12, v18, v0  }
0x1f9: {  	[tilespmem:$0x166B0] =	vst v5;
	vm14 =	vnez.u8 v30;
	v0 =	vmul.f32 v3, v0  }
0x1fa: {  	v53 =	vld [tilespmem:$0x1FFF0];
	v2 =	vmul.f32 v2, v31;
	[tilespmem:$0x16700] =	vst v26;
	v1 =	vmul.f32 v1, v6;
	v3 =	vsel vm14, v28, v4  }
0x1fb: {  	[tilespmem:$0x16720] =	vst v29;
	v32 =	vmul.f32 v0, v33;
	v33 =	vmul.f32 $5.000000000e-01, v3  }
0x1fc: {  	[tilespmem:$0x16730] =	vst v2;
	v39 =	vmul.f32 v0, v34  }
0x1fd: {  	v1 =	vsub.f32 $1.500000000e+00, v1;
	v41 =	vmul.f32 v0, v35;
	v3 =	vsel vm6, v33, v3;
	[tilespmem:$0x16740] =	vst v32  }
0x1fe: {  	v43 =	vmul.f32 v0, v36;
	[tilespmem:$0x16750] =	vst v39;
	v5 =	vadd.f32 v3, v3  }
0x1ff: {  	vm15 =	vnez.u8 v53;
	v44 =	vmul.f32 v0, v37;
	v1 =	vmul.f32 v1, v6;
	[tilespmem:$0x16760] =	vst v41  }
0x200: {  	v54 =	vmul.f32 v0, v38;
	[tilespmem:$0x16770] =	vst v43;
	v2 =	vsel vm15, v5, v3  }
0x201: {  	v55 =	vmul.f32 v0, v40;
	[tilespmem:$0x16780] =	vst v44;
	v1 =	vmul.f32 v1, v2  }
0x202: {  	v0 =	vmul.f32 v0, v42;
	[tilespmem:$0x16790] =	vst v54  }
0x203: {  	[tilespmem:$0x167A0] =	vst v55;
	v56 =	vmul.f32 v1, v45  }
0x204: {  	[tilespmem:$0x167B0] =	vst v0;
	v57 =	vmul.f32 v1, v46  }
0x205: {  	v58 =	vmul.f32 v1, v47;
	[tilespmem:$0x167C0] =	vst v56  }
0x206: {  	v59 =	vmul.f32 v1, v48;
	[tilespmem:$0x167D0] =	vst v57  }
0x207: {  	v60 =	vmul.f32 v1, v49;
	[tilespmem:$0x167E0] =	vst v58  }
0x208: {  	v61 =	vmul.f32 v1, v50;
	[tilespmem:$0x167F0] =	vst v59  }
0x209: {  	v62 =	vmul.f32 v1, v51;
	[tilespmem:$0x16800] =	vst v60  }
0x20a: {  	v63 =	vmul.f32 v1, v52;
	[tilespmem:$0x16810] =	vst v61  }
0x20b: {  	[tilespmem:$0x16820] =	vst v62  }
0x20c: {  	s31 =	rddreg [dreg:$0x19];
	[tilespmem:$0x16830] =	vst v63  }
0x20d: {  	[spmem:s31] =	stream.linear.scatter [tilespmem:s22], [sflag:$0xD], $0x400, $0x38;
	[tilespmem:$0x168C0] =	vst v63  }
0x20e: {  	_ =	swait.ge [sflag:s20], $0x400  }
0x20f: {  	[sflag:s20] =	ssyncset.done $0x0  }
0x210: {  	[sflag:s20] =	ssyncadd.s32 $0xFFFFFC00  }
.LBB2_3:
0x211: {  	_ =	swait.ge [sflag:s8], $0x80  }
0x212: {  	[sflag:s8] =	ssyncset.done $0x0  }
0x213: {  	[sflag:s8] =	ssyncadd.s32 $0xFFFFFF80  }
0x214: {  	_ =	swait.ge [sflag:s8], $0x80  }
0x215: {  	[sflag:s8] =	ssyncset.done $0x0  }
0x216: {  	[sflag:s8] =	ssyncadd.s32 $0xFFFFFF80  }
0x217: {  	_ =	swait.ge [sflag:s8], $0x80  }
0x218: {  	[sflag:s8] =	ssyncset.done $0x0  }
0x219: {  	[sflag:s8] =	ssyncadd.s32 $0xFFFFFF80  }
0x21a: {  	_ =	swait.ge [sflag:s8], $0x80  }
0x21b: {  	[sflag:s8] =	ssyncset.done $0x0  }
0x21c: {  	[sflag:s8] =	ssyncadd.s32 $0xFFFFFF80  }
0x21d: {  	_ =	swait.ge [sflag:s8], $0x80  }
0x21e: {  	[sflag:s8] =	ssyncset.done $0x0  }
0x21f: {  	[sflag:s8] =	ssyncadd.s32 $0xFFFFFF80  }
0x220: {  	_ =	swait.ge [sflag:s8], $0x80  }
0x221: {  	[sflag:s8] =	ssyncset.done $0x0  }
0x222: {  	[sflag:s8] =	ssyncadd.s32 $0xFFFFFF80  }
0x223: {  	_ =	swait.ge [sflag:s8], $0x80  }
0x224: {  	[sflag:s8] =	ssyncset.done $0x0  }
0x225: {  	[sflag:s8] =	ssyncadd.s32 $0xFFFFFF80  }
0x226: {  	_ =	swait.ge [sflag:s8], $0x80  }
0x227: {  	[sflag:s8] =	ssyncset.done $0x0  }
0x228: {  	[sflag:s8] =	ssyncadd.s32 $0xFFFFFF80  }
0x229: {  	_ =	swait.ge [sflag:s8], $0x80  }
0x22a: {  	[sflag:s8] =	ssyncset.done $0x0  }
0x22b: {  	[sflag:s8] =	ssyncadd.s32 $0xFFFFFF80  }
0x22c: {  	_ =	swait.ge [sflag:s8], $0x80  }
0x22d: {  	[sflag:s8] =	ssyncset.done $0x0  }
0x22e: {  	[sflag:s8] =	ssyncadd.s32 $0xFFFFFF80  }
0x22f: {  	_ =	swait.ge [sflag:s8], $0x80  }
0x230: {  	[sflag:s8] =	ssyncset.done $0x0  }
0x231: {  	[sflag:s8] =	ssyncadd.s32 $0xFFFFFF80  }
0x232: {  	_ =	swait.ge [sflag:s8], $0x80  }
0x233: {  	[sflag:s8] =	ssyncset.done $0x0  }
0x234: {  	[sflag:s8] =	ssyncadd.s32 $0xFFFFFF80  }
0x235: {  	_ =	swait.ge [sflag:s8], $0x80  }
0x236: {  	[sflag:s8] =	ssyncset.done $0x0  }
0x237: {  	[sflag:s8] =	ssyncadd.s32 $0xFFFFFF80  }
0x238: {  	_ =	swait.ge [sflag:s8], $0x80  }
0x239: {  	[sflag:s8] =	ssyncset.done $0x0  }
0x23a: {  	[sflag:s8] =	ssyncadd.s32 $0xFFFFFF80  }
0x23b: {  	_ =	swait.ge [sflag:s8], $0x80  }
0x23c: {  	[sflag:s8] =	ssyncset.done $0x0  }
0x23d: {  	[sflag:s8] =	ssyncadd.s32 $0xFFFFFF80  }
0x23e: {  	_ =	swait.ge [sflag:s8], $0x80  }
0x23f: {  	[sflag:s8] =	ssyncset.done $0x0  }
0x240: {  	[sflag:s8] =	ssyncadd.s32 $0xFFFFFF80  }
0x241: {  	_ =	swait.ge [sflag:s8], $0x80  }
0x242: {  	[sflag:s8] =	ssyncset.done $0x0  }
0x243: {  	[sflag:s8] =	ssyncadd.s32 $0xFFFFFF80  }
0x244: {  	_ =	swait.ge [sflag:s8], $0x80  }
0x245: {  	[sflag:s8] =	ssyncset.done $0x0  }
0x246: {  	[sflag:s8] =	ssyncadd.s32 $0xFFFFFF80  }
0x247: {  	_ =	swait.ge [sflag:s8], $0x80  }
0x248: {  	[sflag:s8] =	ssyncset.done $0x0  }
0x249: {  	[sflag:s8] =	ssyncadd.s32 $0xFFFFFF80  }
0x24a: {  	_ =	swait.ge [sflag:s8], $0x80  }
0x24b: {  	[sflag:s8] =	ssyncset.done $0x0  }
0x24c: {  	[sflag:s8] =	ssyncadd.s32 $0xFFFFFF80  }
0x24d: {  	_ =	swait.ge [sflag:s8], $0x80  }
0x24e: {  	[sflag:s8] =	ssyncset.done $0x0  }
0x24f: {  	[sflag:s8] =	ssyncadd.s32 $0xFFFFFF80  }
0x250: {  	_ =	swait.ge [sflag:s8], $0x80  }
0x251: {  	[sflag:s8] =	ssyncset.done $0x0  }
0x252: {  	[sflag:s8] =	ssyncadd.s32 $0xFFFFFF80  }
0x253: {  	_ =	swait.ge [sflag:s8], $0x80  }
0x254: {  	[sflag:s8] =	ssyncset.done $0x0  }
0x255: {  	[sflag:s8] =	ssyncadd.s32 $0xFFFFFF80  }
0x256: {  	_ =	swait.ge [sflag:s8], $0x80  }
0x257: {  	[sflag:s8] =	ssyncset.done $0x0  }
0x258: {  	s22 =	simm.s32 @!p0 $0xB;
	[sflag:s8] =	ssyncadd.s32 $0xFFFFFF80  }
0x259: {  	_ =	swait.ge @!p0 [sflag:s22], $0x80  }
0x25a: {  	s0 =	sld [smem:$0x7FA];
	_ =	sdelay $0x1  }
0x25b: {  	p2 =	por @p0 $0x0, $0x0  }
0x25c: {  	p4 =	por @!p1 $0x1, $0x1;
	[sflag:s22] =	ssyncset.done @!p0 $0x0;
	p3 =	seq.s32 s0, $0x1  }
0x25d: {  	[sflag:s22] =	ssyncadd.s32 @!p0 $0xFFFFFF80;
	p4 =	por @!p3 p2, p2;
	p2 =	por @!p0 $0x0, $0x0  }
0x25e: {  	[bflag:$0x0] =	sbarrier.arrive $0xFFFF;
	p4 =	por @!p0 p2, p2  }
0x25f: {  	s22 =	simm.s32 @!p4 $0x80;
	s24 =	simm.s32 @!p4 $0x0;
	s25 =	simm.s32 @!p4 $0x1000  }
0x260: {  	[tilespmem:s25], [sflag:$0x1] =	stream.indirect.gather @!p4 [spmem:s2], $0x80, s24, s22, $0xb8;
	[tilespmem:$0x168C0] =	vst v63  }
0x261: {  	s24 =	simm.s32 @!p4 $0x5000  }
0x262: {  	[tilespmem:s24], [sflag:$0x2] =	stream.indirect.gather @!p4 [spmem:s2], $0x80, s22, s22, $0xb8;
	[tilespmem:$0x168C0] =	vst v63  }
0x263: {  	s25 =	simm.s32 @!p4 $0x9000;
	s24 =	simm.s32 @!p4 $0x100  }
0x264: {  	[tilespmem:s25], [sflag:$0x3] =	stream.indirect.gather @!p4 [spmem:s2], $0x80, s24, s22, $0xb8;
	[tilespmem:$0x168C0] =	vst v63  }
0x265: {  	s24 =	simm.s32 @!p4 $0x180;
	s25 =	simm.s32 @!p4 $0xD000  }
0x266: {  	[tilespmem:s25], [sflag:$0x4] =	stream.indirect.gather @!p4 [spmem:s2], $0x80, s24, s22, $0xb8;
	[tilespmem:$0x168C0] =	vst v63  }
0x267: {  	s24 =	simm.s32 @!p4 $0x200;
	s25 =	simm.s32 @!p4 $0x11000  }
0x268: {  	[tilespmem:s25], [sflag:$0x5] =	stream.indirect.gather @!p4 [spmem:s2], $0x80, s24, s22, $0xb8;
	[tilespmem:$0x168C0] =	vst v63  }
0x269: {  	s22 =	simm.s32 @p4 $0xC  }
0x26a: {  	_ =	swait.ge @p4 [sflag:s22], $0x20  }
0x26b: {  	s26 =	simm.s32 @p4 $0x15080;
	[sflag:s22] =	ssyncset.done @p4 $0x0  }
0x26c: {  	s24 =	simm.s32 @p4 $0x20;
	s25 =	simm.s32 @p4 $0x15000;
	[sflag:s22] =	ssyncadd.s32 @p4 $0xFFFFFFE0  }
0x26d: {  	[tilespmem:s26], [sflag:$0xC] =	stream.indirect.gather @p4 [spmem:s2], $0x80, s25, s24, $0xb8;
	[tilespmem:$0x168C0] =	vst v63  }
0x26e: {  	s28 =	simm.s32 @p4 $0x1000;
	s24 =	simm.s32 @p4 $0x80;
	s25 =	simm.s32 @p4 $0x0  }
0x26f: {  	[tilespmem:s28], [sflag:$0x1] =	stream.indirect.gather @p4 [spmem:s2], $0x80, s25, s24, $0xb8;
	[tilespmem:$0x168C0] =	vst v63  }
0x270: {  	s28 =	simm.s32 @p4 $0x5000  }
0x271: {  	[tilespmem:s28], [sflag:$0x2] =	stream.indirect.gather @p4 [spmem:s2], $0x80, s24, s24, $0xb8;
	[tilespmem:$0x168C0] =	vst v63  }
0x272: {  	s29 =	simm.s32 @p4 $0x9000;
	s28 =	simm.s32 @p4 $0x100  }
0x273: {  	[tilespmem:s29], [sflag:$0x3] =	stream.indirect.gather @p4 [spmem:s2], $0x80, s28, s24, $0xb8;
	[tilespmem:$0x168C0] =	vst v63  }
0x274: {  	s28 =	simm.s32 @p4 $0x180;
	s29 =	simm.s32 @p4 $0xD000  }
0x275: {  	[tilespmem:s29], [sflag:$0x4] =	stream.indirect.gather @p4 [spmem:s2], $0x80, s28, s24, $0xb8;
	[tilespmem:$0x168C0] =	vst v63  }
0x276: {  	s28 =	simm.s32 @p4 $0x200;
	s29 =	simm.s32 @p4 $0x11000  }
0x277: {  	[tilespmem:s29], [sflag:$0x5] =	stream.indirect.gather @p4 [spmem:s2], $0x80, s28, s24, $0xb8;
	[tilespmem:$0x168C0] =	vst v63  }
0x278: {  	_ =	swait.ge @p4 [sflag:s22], $0x1000  }
0x279: {  	[sflag:s22] =	ssyncset.done @p4 $0x0  }
0x27a: {  	s0 =	rddreg [dreg:$0x1a];
	[sflag:s22] =	ssyncadd.s32 @p4 $0xFFFFF000  }
0x27b: {  	[hbm4b:s0+s25] =	stream.linear.scatter @p4 [tilespmem:s26], [sflag:$0xC], $0x1000, $0x38;
	[tilespmem:$0x168C0] =	vst v63  }
0x27c: {  	_ =	swait.ge [sflag:s9], $0x4000  }
0x27d: {  	p2 =	sle.u32 s7, $0x0;
	[sflag:s9] =	ssyncset.done $0x0  }
0x27e: {  	s24 =	simm.s32 @!p2 $0x6;
	s0 =	rddreg [dreg:$0x5];
	[sflag:s9] =	ssyncadd.s32 $0xFFFFC000  }
0x27f: {  	[hbm4b:s19+s3] =	stream.linear.scatter [tilespmem:s0], [sflag:$0x6], $0x4000, $0x38;
	[tilespmem:$0x168C0] =	vst v63  }
0x280: {  	_ =	swait.ge @!p2 [sflag:s24], $0x4000  }
0x281: {  	s22 =	simm.s32 @!p2 $0x1000;
	[sflag:s24] =	ssyncset.done @!p2 $0x0  }
0x282: {  	s25 =	simm.s32 @!p2 $0x280;
	s26 =	simm.s32 @!p2 $0x80;
	[sflag:s24] =	ssyncadd.s32 @!p2 $0xFFFFC000  }
0x283: {  	[tilespmem:s22], [sflag:$0x1] =	stream.indirect.gather @!p2 [spmem:s2], $0x80, s25, s26, $0xb8;
	[tilespmem:$0x168C0] =	vst v63  }
0x284: {  	_ =	swait.ge [sflag:s10], $0x4000  }
0x285: {  	p2 =	sle.u32 s7, $0x1;
	s26 =	sadd.s32 $0x10000, s19;
	[sflag:s10] =	ssyncset.done $0x0  }
0x286: {  	s25 =	simm.s32 @!p2 $0x7;
	s24 =	rddreg [dreg:$0x6];
	[sflag:s10] =	ssyncadd.s32 $0xFFFFC000  }
0x287: {  	[hbm4b:s26+s3] =	stream.linear.scatter [tilespmem:s24], [sflag:$0x7], $0x4000, $0x38;
	[tilespmem:$0x168C0] =	vst v63  }
0x288: {  	_ =	swait.ge @!p2 [sflag:s25], $0x4000  }
0x289: {  	s22 =	simm.s32 @!p2 $0x5000;
	[sflag:s25] =	ssyncset.done @!p2 $0x0  }
0x28a: {  	s24 =	simm.s32 @!p2 $0x300;
	s26 =	simm.s32 @!p2 $0x80;
	[sflag:s25] =	ssyncadd.s32 @!p2 $0xFFFFC000  }
0x28b: {  	[tilespmem:s22], [sflag:$0x2] =	stream.indirect.gather @!p2 [spmem:s2], $0x80, s24, s26, $0xb8;
	[tilespmem:$0x168C0] =	vst v63  }
0x28c: {  	_ =	swait.ge [sflag:s11], $0x4000  }
0x28d: {  	s0 =	sadd.s32 $0x20000, s19;
	p2 =	sle.u32 s7, $0x2;
	[sflag:s11] =	ssyncset.done $0x0  }
0x28e: {  	s25 =	simm.s32 @!p2 $0x8;
	s31 =	rddreg [dreg:$0x7];
	[sflag:s11] =	ssyncadd.s32 $0xFFFFC000  }
0x28f: {  	[hbm4b:s0+s3] =	stream.linear.scatter [tilespmem:s31], [sflag:$0x8], $0x4000, $0x38;
	[tilespmem:$0x168C0] =	vst v63  }
0x290: {  	_ =	swait.ge @!p2 [sflag:s25], $0x4000  }
0x291: {  	s22 =	simm.s32 @!p2 $0x9000;
	[sflag:s25] =	ssyncset.done @!p2 $0x0  }
0x292: {  	s24 =	simm.s32 @!p2 $0x380;
	s26 =	simm.s32 @!p2 $0x80;
	[sflag:s25] =	ssyncadd.s32 @!p2 $0xFFFFC000  }
0x293: {  	[tilespmem:s22], [sflag:$0x3] =	stream.indirect.gather @!p2 [spmem:s2], $0x80, s24, s26, $0xb8;
	[tilespmem:$0x168C0] =	vst v63  }
0x294: {  	_ =	swait.ge [sflag:s12], $0x4000  }
0x295: {  	p3 =	sle.u32 s7, $0x3;
	s31 =	sadd.s32 $0x30000, s19;
	[sflag:s12] =	ssyncset.done $0x0  }
0x296: {  	s25 =	simm.s32 @!p3 $0x9;
	s26 =	rddreg [dreg:$0x8];
	[sflag:s12] =	ssyncadd.s32 $0xFFFFC000  }
0x297: {  	[hbm4b:s31+s3] =	stream.linear.scatter [tilespmem:s26], [sflag:$0x9], $0x4000, $0x38;
	[tilespmem:$0x168C0] =	vst v63  }
0x298: {  	p6 =	sle.u32 s7, $0x4;
	s22 =	simm.s32 @!p3 $0xD000;
	_ =	swait.ge @!p3 [sflag:s25], $0x4000  }
0x299: {  	p2 =	sle.u32 s4, $0x4;
	s24 =	simm.s32 @!p3 $0x400;
	[sflag:s25] =	ssyncset.done @!p3 $0x0  }
0x29a: {  	s26 =	simm.s32 @!p3 $0x80;
	[sflag:s25] =	ssyncadd.s32 @!p3 $0xFFFFC000;
	s25 =	simm.s32 @!p2 $0x5  }
0x29b: {  	[tilespmem:s22], [sflag:$0x4] =	stream.indirect.gather @!p3 [spmem:s2], $0x80, s24, s26, $0xb8;
	[tilespmem:$0x168C0] =	vst v63  }
0x29c: {  	s30 =	simm.s32 @!p6 $0x11000;
	s28 =	simm.s32 @!p6 $0xA;
	_ =	swait.ge @!p2 [sflag:s25], $0x4000  }
0x29d: {  	s29 =	simm.s32 @!p6 $0x80;
	s22 =	simm.s32 @!p2 $0x0;
	[sflag:s25] =	ssyncset.done @!p2 $0x0  }
0x29e: {  	s24 =	simm.s32 @!p2 $0x11000;
	s26 =	sadd.s32 @!p2 $0x40000, s19;
	[sflag:s25] =	ssyncadd.s32 @!p2 $0xFFFFC000  }
0x29f: {  	[hbm4b:s26+s22] =	stream.linear.scatter @!p2 [tilespmem:s24], [sflag:$0xA], $0x4000, $0x38;
	[tilespmem:$0x168C0] =	vst v63  }
0x2a0: {  	s25 =	sadd.s32 $0x50000, s19;
	s22 =	simm.s32 $0x480;
	_ =	swait.ge @!p6 [sflag:s28], $0x4000  }
0x2a1: {  	s24 =	simm.s32 $0x9;
	s26 =	simm.s32 $0x480;
	[sflag:s28] =	ssyncset.done @!p6 $0x0  }
.LBB2_4:
0x2a2: {  	[sflag:s28] =	ssyncadd.s32 @!p6 $0xFFFFC000;
	s28 =	smov.u32 s24  }
0x2a3: {  	[tilespmem:s30], [sflag:$0x5] =	stream.indirect.gather @!p6 [spmem:s2], $0x80, s26, s29, $0xb8;
	[tilespmem:$0x168C0] =	vst v63  }
0x2a4: {  	s29 =	sadd.s32 $0xFFFFFFFC, s28;
	_ =	swait.ge [sflag:s9], $0x4000  }
0x2a5: {  	p2 =	sge.u32 s29, s7;
	[sflag:s9] =	ssyncset.done $0x0  }
0x2a6: {  	s30 =	rddreg [dreg:$0x5];
	s29 =	simm.s32 @!p2 $0x6;
	[sflag:s9] =	ssyncadd.s32 $0xFFFFC000  }
0x2a7: {  	[hbm4b:s25+s3] =	stream.linear.scatter [tilespmem:s30], [sflag:$0x6], $0x4000, $0x38;
	[tilespmem:$0x168C0] =	vst v63  }
0x2a8: {  	s22 =	sadd.s32 $0x280, s22;
	_ =	swait.ge @!p2 [sflag:s29], $0x4000  }
0x2a9: {  	s31 =	sadd.s32 @!p2 $0xFFFFFE00, s22;
	[sflag:s29] =	ssyncset.done @!p2 $0x0  }
0x2aa: {  	s0 =	simm.s32 @!p2 $0x80;
	s30 =	simm.s32 @!p2 $0x1000;
	[sflag:s29] =	ssyncadd.s32 @!p2 $0xFFFFC000  }
0x2ab: {  	[tilespmem:s30], [sflag:$0x1] =	stream.indirect.gather @!p2 [spmem:s2], $0x80, s31, s0, $0xb8;
	[tilespmem:$0x168C0] =	vst v63  }
0x2ac: {  	s31 =	sadd.s32 $0xFFFFFFFD, s28;
	_ =	swait.ge [sflag:s10], $0x4000  }
0x2ad: {  	s30 =	sadd.s32 $0x10000, s25;
	p2 =	sge.u32 s31, s7;
	[sflag:s10] =	ssyncset.done $0x0  }
0x2ae: {  	s29 =	rddreg [dreg:$0x6];
	s0 =	simm.s32 @!p2 $0x7;
	[sflag:s10] =	ssyncadd.s32 $0xFFFFC000  }
0x2af: {  	[hbm4b:s30+s3] =	stream.linear.scatter [tilespmem:s29], [sflag:$0x7], $0x4000, $0x38;
	[tilespmem:$0x168C0] =	vst v63  }
0x2b0: {  	_ =	swait.ge @!p2 [sflag:s0], $0x4000  }
0x2b1: {  	s31 =	simm.s32 @!p2 $0x80;
	[sflag:s0] =	ssyncset.done @!p2 $0x0  }
0x2b2: {  	s29 =	simm.s32 @!p2 $0x5000;
	s30 =	sadd.s32 @!p2 $0xFFFFFE80, s22;
	[sflag:s0] =	ssyncadd.s32 @!p2 $0xFFFFC000  }
0x2b3: {  	[tilespmem:s29], [sflag:$0x2] =	stream.indirect.gather @!p2 [spmem:s2], $0x80, s30, s31, $0xb8;
	[tilespmem:$0x168C0] =	vst v63  }
0x2b4: {  	s31 =	sadd.s32 $0xFFFFFFFE, s28;
	_ =	swait.ge [sflag:s11], $0x4000  }
0x2b5: {  	s30 =	sadd.s32 $0x20000, s25;
	p2 =	sge.u32 s31, s7;
	[sflag:s11] =	ssyncset.done $0x0  }
0x2b6: {  	s29 =	rddreg [dreg:$0x7];
	s0 =	simm.s32 @!p2 $0x8;
	[sflag:s11] =	ssyncadd.s32 $0xFFFFC000  }
0x2b7: {  	[hbm4b:s30+s3] =	stream.linear.scatter [tilespmem:s29], [sflag:$0x8], $0x4000, $0x38;
	[tilespmem:$0x168C0] =	vst v63  }
0x2b8: {  	_ =	swait.ge @!p2 [sflag:s0], $0x4000  }
0x2b9: {  	s31 =	simm.s32 @!p2 $0x80;
	[sflag:s0] =	ssyncset.done @!p2 $0x0  }
0x2ba: {  	s29 =	simm.s32 @!p2 $0x9000;
	s30 =	sadd.s32 @!p2 $0xFFFFFF00, s22;
	[sflag:s0] =	ssyncadd.s32 @!p2 $0xFFFFC000  }
0x2bb: {  	[tilespmem:s29], [sflag:$0x3] =	stream.indirect.gather @!p2 [spmem:s2], $0x80, s30, s31, $0xb8;
	[tilespmem:$0x168C0] =	vst v63  }
0x2bc: {  	s24 =	sadd.s32 $0x5, s24;
	s31 =	sadd.s32 $0xFFFFFFFF, s28;
	_ =	swait.ge [sflag:s12], $0x4000  }
0x2bd: {  	s30 =	sadd.s32 $0x30000, s25;
	p3 =	sge.u32 s31, s7;
	[sflag:s12] =	ssyncset.done $0x0  }
0x2be: {  	s29 =	rddreg [dreg:$0x8];
	s0 =	simm.s32 @!p3 $0x9;
	[sflag:s12] =	ssyncadd.s32 $0xFFFFC000  }
0x2bf: {  	[hbm4b:s30+s3] =	stream.linear.scatter [tilespmem:s29], [sflag:$0x9], $0x4000, $0x38;
	[tilespmem:$0x168C0] =	vst v63  }
0x2c0: {  	p6 =	sge.u32 s28, s7;
	p2 =	sge.u32 s28, s4;
	_ =	swait.ge @!p3 [sflag:s0], $0x4000  }
0x2c1: {  	s31 =	simm.s32 @!p3 $0x80;
	s29 =	simm.s32 @!p3 $0xD000;
	[sflag:s0] =	ssyncset.done @!p3 $0x0  }
0x2c2: {  	s30 =	sadd.s32 @!p3 $0xFFFFFF80, s22;
	[sflag:s0] =	ssyncadd.s32 @!p3 $0xFFFFC000;
	s0 =	simm.s32 @!p2 $0x5  }
0x2c3: {  	[tilespmem:s29], [sflag:$0x4] =	stream.indirect.gather @!p3 [spmem:s2], $0x80, s30, s31, $0xb8;
	[tilespmem:$0x168C0] =	vst v63  }
0x2c4: {  	p5 =	sne.s32 s24, $0x1D;
	s28 =	simm.s32 @!p6 $0xA;
	_ =	swait.ge @!p2 [sflag:s0], $0x4000  }
.Ltmp1:
0x2c5: {  	s29 =	simm.s32 @!p2 $0x0;
	[sflag:s0] =	ssyncset.done @!p2 $0x0;
	(pc) =	sbr.rel @p5 .LBB2_4-.Ltmp1, $4  }
0x2c6: {  	s30 =	simm.s32 @!p2 $0x11000;
	s31 =	sadd.s32 @!p2 $0x40000, s25;
	[sflag:s0] =	ssyncadd.s32 @!p2 $0xFFFFC000  }
0x2c7: {  	[hbm4b:s31+s29] =	stream.linear.scatter @!p2 [tilespmem:s30], [sflag:$0xA], $0x4000, $0x38;
	[tilespmem:$0x168C0] =	vst v63  }
0x2c8: {  	s26 =	smov.u32 s22;
	s25 =	sadd.s32 $0x50000, s25;
	_ =	swait.ge @!p6 [sflag:s28], $0x4000  }
0x2c9: {  	s29 =	simm.s32 @!p6 $0x80;
	s30 =	simm.s32 @!p6 $0x11000;
	[sflag:s28] =	ssyncset.done @!p6 $0x0  }
0x2ca: {  	[sflag:s28] =	ssyncadd.s32 @!p6 $0xFFFFC000  }
0x2cb: {  	[tilespmem:s30], [sflag:$0x5] =	stream.indirect.gather @!p6 [spmem:s2], $0x80, s26, s29, $0xb8;
	[tilespmem:$0x168C0] =	vst v63  }
0x2cc: {  	_ =	swait.ge [sflag:s13], $0x4000  }
0x2cd: {  	[sflag:s13] =	ssyncset.done $0x0  }
0x2ce: {  	[sflag:s13] =	ssyncadd.s32 $0xFFFFC000  }
0x2cf: {  	_ =	swait.ge [sflag:s14], $0x4000  }
0x2d0: {  	[sflag:s14] =	ssyncset.done $0x0  }
0x2d1: {  	[sflag:s14] =	ssyncadd.s32 $0xFFFFC000  }
0x2d2: {  	_ =	swait.ge [sflag:s15], $0x4000  }
0x2d3: {  	[sflag:s15] =	ssyncset.done $0x0  }
0x2d4: {  	[sflag:s15] =	ssyncadd.s32 $0xFFFFC000  }
0x2d5: {  	_ =	swait.ge [sflag:s16], $0x4000  }
0x2d6: {  	[sflag:s16] =	ssyncset.done $0x0  }
0x2d7: {  	[sflag:s16] =	ssyncadd.s32 $0xFFFFC000  }
0x2d8: {  	_ =	swait.ge [sflag:s18], $0x4000  }
0x2d9: {  	[sflag:s18] =	ssyncset.done $0x0  }
0x2da: {  	s0 =	simm.s32 @p4 $0xC;
	[sflag:s18] =	ssyncadd.s32 $0xFFFFC000  }
0x2db: {  	_ =	swait.ge @p4 [sflag:s0], $0x1000  }
0x2dc: {  	s21 =	sadd.s32 $0x1, s21;
	s22 =	rddreg [dreg:$0x1b]  }
0x2dd: {  	p2 =	sne.s32 s21, s22  }
.Ltmp2:
0x2de: {  	_ = 	snop;
	(pc) =	sbr.rel @p2 .LBB2_1-.Ltmp2, $3  }
0x2df: {  	_ =	sdelay $0x1  }
0x2e0: {  	[sflag:s0] =	ssyncset.done @p4 $0x0  }
0x2e1: {  	[sflag:s0] =	ssyncadd.s32 @p4 $0xFFFFF000  }
0x2e2: {  	_ =	sfence.sel $0x180000  }
0x2e3: {  	[bflag:$0x0] =	sbarrier.arrive $0xFFFF  }
0x2e4: {  	_ =	strace $0x90000047  }
0x2e5: {  	s0 =	stileid.u32;
	[bflag:$0x2] =	sbarrier.arrive $0xFFFF  }
0x2e6: {  	p0 =	sne.s32 s0, $0x0;
	s0 =	rddreg [dreg:$0x4]  }
0x2e7: {  	s0 =	sadd.s32 @!p0 $0x100000, s0  }
0x2e8: {  	[sflag:s0] =	ssyncadd.tile.s32 @!p0 $0x1;
	_ =	shalt  }
.Lfunc_end2:
_tile_overlayer_lowered:
.L_overlay_start_2:
0x2e9: {  	(tag) =	ssettag $0x2  }
0x2ea: {  	s0 =	rddreg [dreg:$0x0];
	s2 =	stileid.u32  }
0x2eb: {  	s1 =	rddreg [dreg:$0x1];
	p0 =	sne.s32 s2, $0x0  }
0x2ec: {  	s3 =	rddreg [dreg:$0x2];
	[bflag:$0x3] =	sbarrier.arrive $0xFFFF;
	s2 =	simm.s32 @!p0 $0x1C0D  }
0x2ed: {  	[timem:s3], [sflag:s2] =	dma.local @!p0 [hbm:s0], s1  }
0x2ee: {  	s0 =	simm.s32 @!p0 $0xD  }
0x2ef: {  	_ =	swait.ge @!p0 [sflag:s0], s1  }
0x2f0: {  	s1 =	ssub.s32 @!p0 $0x0, s1;
	[sflag:s0] =	ssyncset.done @!p0 $0x0  }
0x2f1: {  	[sflag:s0] =	ssyncadd.s32 @!p0 s1  }
0x2f2: {  	[bflag:$0x3] =	sbarrier.arrive $0xFFFF  }
0x2f3: {  	_ =	shalt  }

</sc_bundles>
